<compile_context>
chip_gen: v7x
topology: tpu7x:2x2x1
jax: 0.10.2.dev20260603
libtpu: 0.0.44.dev20260713+nightly
codegen_flags: <defaults>
</compile_context>

<pallas_src>
import functools

import jax
import jax.numpy as jnp
from jax import lax
from jax.experimental import pallas as pl
from jax.experimental.pallas import tpu as pltpu
from jax.experimental.pallas import tpu_sc as plsc

_B, _C, _N, _K = 4, 384, 1024, 20
_EPS = 1e-5
_NC, _NS, _L = 2, 16, 16
_NCG, _NPG = 8, 4
_CG = _C // _NCG
_PG = _N // _NPG
_GPW = _PG // _L


def _tc1_body(x_ref, we_ref, at_ref, bft_ref, idx_ref, mask_ref):
    xb = x_ref[0]
    w1 = we_ref[:, :_C]
    wd = we_ref[:, _C:] - w1
    wcat = jnp.concatenate([w1, wd], axis=0)
    ab = jnp.dot(wcat, xb, preferred_element_type=jnp.float32)
    at_ref[...] = ab[:_C]
    bft_ref[...] = ab[_C:]
    gram = lax.dot_general(xb, xb, (((0,), (0,)), ((), ())),
                           preferred_element_type=jnp.float32)
    xx = jnp.sum(xb * xb, axis=0)
    val = 2.0 * gram - xx[:, None] - xx[None, :]
    iota = lax.broadcasted_iota(jnp.int32, (_N, _N), 1)
    neg = jnp.float32(-jnp.inf)

    rm = jnp.max(val, axis=1, keepdims=True)
    for t in range(_K):
        eq = val == rm
        am = jnp.min(jnp.where(eq, iota, _N), axis=1, keepdims=True)
        idx_ref[:, t:t + 1] = am
        val = jnp.where(eq, neg, val)
        rm = jnp.max(val, axis=1, keepdims=True)
    mask_ref[...] = jnp.where(val == neg, 1.0, 0.0)


def _make_tc1(b):
    return pl.pallas_call(
        _tc1_body,
        grid=(1,),
        in_specs=[
            pl.BlockSpec((1, _C, _N), lambda i, _b=b: (_b, 0, 0)),
            pl.BlockSpec((_C, 2 * _C), lambda i: (0, 0)),
        ],
        out_specs=[
            pl.BlockSpec((_C, _N), lambda i: (0, 0)),
            pl.BlockSpec((_C, _N), lambda i: (0, 0)),
            pl.BlockSpec((_N, _K), lambda i: (0, 0)),
            pl.BlockSpec((_N, _N), lambda i: (0, 0)),
        ],
        out_shape=[
            jax.ShapeDtypeStruct((_C, _N), jnp.float32),
            jax.ShapeDtypeStruct((_C, _N), jnp.float32),
            jax.ShapeDtypeStruct((_N, _K), jnp.int32),
            jax.ShapeDtypeStruct((_N, _N), jnp.float32),
        ],
    )


_tc1s = [_make_tc1(b) for b in range(_B)]


def _sc_gather_body(at_hbm, idx_hbm, m_hbm, at_v, idx_v, m_v):
    wid = lax.axis_index("s") * _NC + lax.axis_index("c")
    cg = wid // _NPG
    pg = wid - cg * _NPG
    c_off = pl.multiple_of(cg * _CG, 8)
    p_off = pl.multiple_of(pg * _PG, 256)
    pltpu.sync_copy(at_hbm.at[pl.ds(c_off, _CG)], at_v)
    pltpu.sync_copy(idx_hbm.at[pl.ds(p_off, _PG)], idx_v)
    lanes = lax.iota(jnp.int32, _L)

    def group(g, carry):
        base = g * _L
        rows = base + lanes
        idxs = [plsc.load_gather(idx_v, [rows, jnp.full((_L,), k, jnp.int32)])
                for k in range(_K)]

        def chan(ci, carry2):
            row = jnp.full((_L,), ci, jnp.int32)
            m = plsc.load_gather(at_v, [row, idxs[0]])
            for k in range(1, _K):
                m = jnp.maximum(m, plsc.load_gather(at_v, [row, idxs[k]]))
            m_v[ci, pl.ds(base, _L)] = m
            return carry2

        lax.fori_loop(0, _CG, chan, 0)
        return carry

    lax.fori_loop(0, _GPW, group, 0)
    pltpu.sync_copy(m_v, m_hbm.at[pl.ds(c_off, _CG), pl.ds(p_off, _PG)])


@functools.lru_cache(maxsize=1)
def _get_sc_gather():
    mesh = plsc.VectorSubcoreMesh(core_axis_name="c", subcore_axis_name="s")
    return pl.kernel(
        _sc_gather_body,
        out_type=jax.ShapeDtypeStruct((_C, _N), jnp.float32),
        mesh=mesh,
        compiler_params=pltpu.CompilerParams(needs_layout_passes=False,
                                             use_tc_tiling_on_sc=True),
        scratch_types=[
            pltpu.VMEM((_CG, _N), jnp.float32),
            pltpu.VMEM((_PG, _K), jnp.int32),
            pltpu.VMEM((_CG, _PG), jnp.float32),
        ],
    )


def _tc1b_body(*refs):
    at_refs = refs[0:_B]
    bft_refs = refs[_B:2 * _B]
    mask_refs = refs[2 * _B:3 * _B]
    sat_refs = refs[3 * _B:4 * _B]
    sqat_refs = refs[4 * _B:5 * _B]
    cross_refs = refs[5 * _B:6 * _B]
    for b in range(_B):
        at = at_refs[b][...]
        mask = mask_refs[b][...]
        bm = lax.dot_general(bft_refs[b][...], mask, (((1,), (0,)), ((), ())),
                             preferred_element_type=jnp.float32)
        cnt = jnp.sum(mask, axis=0, keepdims=True)
        sat_refs[b][...] = jnp.sum(at * cnt, axis=1, keepdims=True)
        sqat_refs[b][...] = jnp.sum(at * at * cnt, axis=1, keepdims=True)
        cross_refs[b][...] = jnp.sum(at * bm, axis=1, keepdims=True)


_tc1b = pl.pallas_call(
    _tc1b_body,
    out_shape=[jax.ShapeDtypeStruct((_C, 1), jnp.float32)] * (3 * _B),
)


def _tc2_body(*refs):
    m_refs = refs[0:_B]
    bft_refs = refs[_B:2 * _B]
    sat_refs = refs[2 * _B:3 * _B]
    sqat_refs = refs[3 * _B:4 * _B]
    cross_refs = refs[4 * _B:5 * _B]
    wp_ref, ge_ref, be_ref, gp_ref, bp_ref, out_ref = refs[5 * _B:]

    cnt1 = float(_B * _N * _K)
    tsum = jnp.zeros((_C, 1), jnp.float32)
    tsq = jnp.zeros((_C, 1), jnp.float32)
    for b in range(_B):
        bf = bft_refs[b][...]
        tsum = tsum + sat_refs[b][...] + _K * jnp.sum(bf, axis=1,
                                                      keepdims=True)
        tsq = tsq + (sqat_refs[b][...] + 2.0 * cross_refs[b][...]
                     + _K * jnp.sum(bf * bf, axis=1, keepdims=True))
    mean1 = tsum / cnt1
    var1 = tsq / cnt1 - mean1 * mean1
    sc1 = ge_ref[...] * lax.rsqrt(var1 + _EPS)
    sh1 = be_ref[...] - mean1 * sc1

    ysum = jnp.zeros((_C, 1), jnp.float32)
    ysq = jnp.zeros((_C, 1), jnp.float32)
    ymaxes = []
    for b in range(_B):
        h = (m_refs[b][...] + bft_refs[b][...]) * sc1 + sh1
        h = jnp.where(h >= 0, h, 0.2 * h)
        y = jnp.dot(wp_ref[...], h, preferred_element_type=jnp.float32)
        ysum = ysum + jnp.sum(y, axis=1, keepdims=True)
        ysq = ysq + jnp.sum(y * y, axis=1, keepdims=True)
        ymaxes.append(jnp.max(y, axis=1, keepdims=True))
    cnt2 = float(_B * _N)
    mean2 = ysum / cnt2
    var2 = ysq / cnt2 - mean2 * mean2
    sc2 = gp_ref[...] * lax.rsqrt(var2 + _EPS)
    sh2 = bp_ref[...] - mean2 * sc2
    for b in range(_B):
        o = ymaxes[b] * sc2 + sh2
        out_ref[b] = jnp.where(o >= 0, o, 0.2 * o)


_tc2 = pl.pallas_call(
    _tc2_body,
    out_shape=jax.ShapeDtypeStruct((_B, _C, 1), jnp.float32),
)


def kernel(x, pos, W_e, g_e, b_e, W_p, g_p, b_p):
    sc_gather = _get_sc_gather()
    ms, ats, bfts, masks = [], [], [], []
    for b in range(_B):
        at_b, bft_b, idx_b, mask_b = _tc1s[b](x, W_e)
        ms.append(sc_gather(at_b, idx_b))
        ats.append(at_b)
        bfts.append(bft_b)
        masks.append(mask_b)
    stats = _tc1b(*ats, *bfts, *masks)
    sats, sqats, crosses = stats[:_B], stats[_B:2 * _B], stats[2 * _B:]
    out = _tc2(*ms, *bfts, *sats, *sqats, *crosses, W_p,
               g_e.reshape(_C, 1), b_e.reshape(_C, 1),
               g_p.reshape(_C, 1), b_p.reshape(_C, 1))
    return jnp.swapaxes(out, 1, 2)

# --- scband reference (transcript-rebuilt; emitter-appended) ---
"""Pipeline reference for scband-prompt-generator-shallow-81870666596642 (READ-ONLY COPY).

The authoritative reference and input builder live on the scoring server;
editing this copy changes nothing except your own understanding.
"""

import jax, jax.numpy as jnp
import numpy as np

B, C, N, K = 4, 384, 1024, 20
EPS = 1e-5

def setup_inputs(seed: int = 0):
    key = jax.random.key(seed)
    ks = jax.random.split(key, 6)
    x = jax.random.normal(ks[0], (B, C, N), dtype=jnp.float32)
    pos = jax.random.normal(ks[1], (B, 3, N), dtype=jnp.float32)
    W_e = jax.random.normal(ks[2], (C, 2 * C), dtype=jnp.float32) * (1.0 / np.sqrt(2 * C))
    g_e = jnp.ones((C,), jnp.float32)
    b_e = jnp.zeros((C,), jnp.float32)
    W_p = jax.random.normal(ks[3], (C, C), dtype=jnp.float32) * (1.0 / np.sqrt(C))
    g_p = jnp.ones((C,), jnp.float32)
    b_p = jnp.zeros((C,), jnp.float32)
    return {"x": x, "pos": pos, "W_e": W_e, "g_e": g_e, "b_e": b_e, "W_p": W_p, "g_p": g_p, "b_p": b_p}

def _knn_idx(x, k):
    # x: (B, C, N) -> idx (B, N, k) of nearest neighbors in feature space
    xt = jnp.swapaxes(x, 1, 2)  # (B, N, C)
    inner = -2.0 * jnp.einsum('bnc,bmc->bnm', xt, xt)
    xx = jnp.sum(x * x, axis=1)  # (B, N)
    pairwise = -xx[:, :, None] - inner - xx[:, None, :]  # negative sq dist
    _, idx = jax.lax.top_k(pairwise, k)
    return idx

def _leaky(v):
    return jnp.where(v >= 0, v, 0.2 * v)

def reference(x, pos, W_e, g_e, b_e, W_p, g_p, b_p):
    # EdgeConv: knn graph on features, edge feature [x_j - x_i, x_i], 1x1 conv + BN2d + LeakyReLU, max over k
    idx = _knn_idx(x, K)  # (B, N, K)
    xt = jnp.swapaxes(x, 1, 2)  # (B, N, C)
    x_j = jax.vmap(lambda xb, ib: xb[ib])(xt, idx)  # (B, N, K, C)
    x_i = jnp.broadcast_to(xt[:, :, None, :], x_j.shape)
    feat = jnp.concatenate([x_j - x_i, x_i], axis=-1)  # (B, N, K, 2C)
    h = jnp.einsum('bnkf,cf->bnkc', feat, W_e)  # (B, N, K, C)
    mean = jnp.mean(h, axis=(0, 1, 2), keepdims=True)
    var = jnp.var(h, axis=(0, 1, 2), keepdims=True)
    h = (h - mean) / jnp.sqrt(var + EPS) * g_e + b_e
    h = _leaky(h)
    h = jnp.max(h, axis=2)  # (B, N, C)
    h = jnp.swapaxes(h, 1, 2)  # (B, C, N)
    # proj: Conv1d(C, C, 1, bias=False) + BN1d + LeakyReLU
    y = jnp.einsum('oc,bcn->bon', W_p, h)
    m = jnp.mean(y, axis=(0, 2), keepdims=True)
    v = jnp.var(y, axis=(0, 2), keepdims=True)
    y = (y - m) / jnp.sqrt(v + EPS) * g_p[None, :, None] + b_p[None, :, None]
    y = _leaky(y)
    out = jnp.max(y, axis=2, keepdims=True)  # adaptive_max_pool1d -> (B, C, 1)
    return jnp.swapaxes(out, 1, 2)  # (B, 1, C)

if __name__ == "__main__":
    import jax
    _d = setup_inputs()
    print(jax.jit(kernel)(*tuple(_d.values())))

</pallas_src>

<mosaic_0001>
#map = affine_map<(d0, d1) -> (0, 0)>
module attributes {stable_mosaic.version = 14 : i64} {
  func.func @_sc_gather_body(%arg0: i32, %arg1: i32, %arg2: memref<384x1024xf32, #tpu.memory_space<hbm>>, %arg3: memref<1024x20xi32, #tpu.memory_space<hbm>>, %arg4: memref<384x1024xf32, #tpu.memory_space<hbm>>, %arg5: memref<48x1024xf32, #tpu.memory_space<vmem>>, %arg6: memref<256x20xi32, #tpu.memory_space<vmem>>, %arg7: memref<48x256xf32, #tpu.memory_space<vmem>>) attributes {dimension_semantics = [#tpu.dimension_semantics<core_parallel>, #tpu.dimension_semantics<subcore_parallel>], iteration_bounds = array<i64: 2, 16>, scalar_prefetch = 0 : i64, scratch_operands = 3 : i64, tpu.core_type = #tpu.core_type<sc_vector_subcore>, window_params = [{transform_indices = #map}, {transform_indices = #map}, {transform_indices = #map}]} {
    %mul3A = arith.constant 2 : i32
    %mul3A_0 = arith.muli %arg1, %mul3A : i32
    %add3A = arith.addi %mul3A_0, %arg0 : i32
    %jit3A = arith.constant 4 : i32
    %div3A = arith.divsi %add3A, %jit3A : i32
    %sign3A = arith.constant 0 : i32
    %sign3A_1 = arith.cmpi sgt, %add3A, %sign3A : i32
    %sign3A_2 = arith.extui %sign3A_1 : i1 to i32
    %sign3A_3 = arith.constant 0 : i32
    %sign3A_4 = arith.cmpi slt, %add3A, %sign3A_3 : i32
    %sign3A_5 = arith.extui %sign3A_4 : i1 to i32
    %sign3A_6 = arith.subi %sign3A_2, %sign3A_5 : i32
    %sign3A_7 = arith.constant 0 : i32
    %sign3A_8 = arith.cmpi sgt, %jit3A, %sign3A_7 : i32
    %sign3A_9 = arith.extui %sign3A_8 : i1 to i32
    %sign3A_10 = arith.constant 0 : i32
    %sign3A_11 = arith.cmpi slt, %jit3A, %sign3A_10 : i32
    %sign3A_12 = arith.extui %sign3A_11 : i1 to i32
    %sign3A_13 = arith.subi %sign3A_9, %sign3A_12 : i32
    %ne3A = arith.cmpi ne, %sign3A_6, %sign3A_13 : i32
    %rem3A = arith.remsi %add3A, %jit3A : i32
    %ne3A_14 = arith.constant 0 : i32
    %ne3A_15 = arith.cmpi ne, %rem3A, %ne3A_14 : i32
    %and3A = arith.andi %ne3A, %ne3A_15 : i1
    %sub3A = arith.constant 1 : i32
    %sub3A_16 = arith.subi %div3A, %sub3A : i32
    %select_n3A = arith.select %and3A, %sub3A_16, %div3A : i32
    %mul3A_17 = arith.constant 4 : i32
    %mul3A_18 = arith.muli %select_n3A, %mul3A_17 : i32
    %sub3A_19 = arith.subi %add3A, %mul3A_18 : i32
    %mul3A_20 = arith.constant 48 : i32
    %mul3A_21 = arith.muli %select_n3A, %mul3A_20 : i32
    %multiple_of3A = tpu.assume_multiple %mul3A_21, 8 : i32
    %mul3A_22 = arith.constant 256 : i32
    %mul3A_23 = arith.muli %sub3A_19, %mul3A_22 : i32
    %multiple_of3A_24 = tpu.assume_multiple %mul3A_23, 256 : i32
    "tpu.region"() ({
      %run_scoped3A = tpu.sem_alloc : memref<!tpu.dma_semaphore, #tpu.memory_space<semaphore_mem>>
      %dma_start3A = arith.constant 0 : i32
      %dma_start3A_30 = tpu.memref_slice %arg2[%multiple_of3A, %dma_start3A] : memref<384x1024xf32, #tpu.memory_space<hbm>> -> memref<48x1024xf32, #tpu.memory_space<hbm>>
      %dma_start3A_31 = arith.constant 0 : i32
      %dma_start3A_32 = tpu.memref_slice %arg2[%multiple_of3A, %dma_start3A_31] : memref<384x1024xf32, #tpu.memory_space<hbm>> -> memref<48x1024xf32, #tpu.memory_space<hbm>>
      tpu.enqueue_dma source(%dma_start3A_32 : memref<48x1024xf32, #tpu.memory_space<hbm>>) target(%arg5 : memref<48x1024xf32, #tpu.memory_space<vmem>>) target_semaphore(%run_scoped3A : memref<!tpu.dma_semaphore, #tpu.memory_space<semaphore_mem>>)
      %dma_wait3A = arith.constant 0 : i32
      %dma_wait3A_33 = tpu.memref_slice %arg2[%multiple_of3A, %dma_wait3A] : memref<384x1024xf32, #tpu.memory_space<hbm>> -> memref<48x1024xf32, #tpu.memory_space<hbm>>
      %dma_wait3A_34 = arith.constant 0 : i32
      %dma_wait3A_35 = tpu.memref_slice %arg2[%multiple_of3A, %dma_wait3A_34] : memref<384x1024xf32, #tpu.memory_space<hbm>> -> memref<48x1024xf32, #tpu.memory_space<hbm>>
      tpu.wait_dma2 semaphore(%run_scoped3A : memref<!tpu.dma_semaphore, #tpu.memory_space<semaphore_mem>>) src(%dma_wait3A_35 : memref<48x1024xf32, #tpu.memory_space<hbm>>) dst(%arg5 : memref<48x1024xf32, #tpu.memory_space<vmem>>)
      tpu.yield
    }) : () -> ()
    "tpu.region"() ({
      %run_scoped3A = tpu.sem_alloc : memref<!tpu.dma_semaphore, #tpu.memory_space<semaphore_mem>>
      %dma_start3A = arith.constant 0 : i32
      %dma_start3A_30 = tpu.memref_slice %arg3[%multiple_of3A_24, %dma_start3A] : memref<1024x20xi32, #tpu.memory_space<hbm>> -> memref<256x20xi32, #tpu.memory_space<hbm>>
      %dma_start3A_31 = arith.constant 0 : i32
      %dma_start3A_32 = tpu.memref_slice %arg3[%multiple_of3A_24, %dma_start3A_31] : memref<1024x20xi32, #tpu.memory_space<hbm>> -> memref<256x20xi32, #tpu.memory_space<hbm>>
      tpu.enqueue_dma source(%dma_start3A_32 : memref<256x20xi32, #tpu.memory_space<hbm>>) target(%arg6 : memref<256x20xi32, #tpu.memory_space<vmem>>) target_semaphore(%run_scoped3A : memref<!tpu.dma_semaphore, #tpu.memory_space<semaphore_mem>>)
      %dma_wait3A = arith.constant 0 : i32
      %dma_wait3A_33 = tpu.memref_slice %arg3[%multiple_of3A_24, %dma_wait3A] : memref<1024x20xi32, #tpu.memory_space<hbm>> -> memref<256x20xi32, #tpu.memory_space<hbm>>
      %dma_wait3A_34 = arith.constant 0 : i32
      %dma_wait3A_35 = tpu.memref_slice %arg3[%multiple_of3A_24, %dma_wait3A_34] : memref<1024x20xi32, #tpu.memory_space<hbm>> -> memref<256x20xi32, #tpu.memory_space<hbm>>
      tpu.wait_dma2 semaphore(%run_scoped3A : memref<!tpu.dma_semaphore, #tpu.memory_space<semaphore_mem>>) src(%dma_wait3A_35 : memref<256x20xi32, #tpu.memory_space<hbm>>) dst(%arg6 : memref<256x20xi32, #tpu.memory_space<vmem>>)
      tpu.yield
    }) : () -> ()
    %iota3A = tpu.iota {dimensions = array<i32: 0>} : vector<16xi32>
    %scan3A = arith.constant 0 : i32
    %scan3A_25 = arith.constant 0 : i32
    %scan3A_26 = arith.constant 16 : i32
    %scan3A_27 = arith.addi %scan3A_25, %scan3A_26 : i32
    %scan3A_28 = arith.constant 1 : i32
    scf.for %scan3A_30 = %scan3A_25 to %scan3A_27 step %scan3A_28  : i32 {
      %mul3A_31 = arith.constant 16 : i32
      %mul3A_32 = arith.muli %scan3A_30, %mul3A_31 : i32
      %add3A_33 = vector.broadcast %mul3A_32 : i32 to vector<16xi32>
      %add3A_34 = arith.addi %add3A_33, %iota3A : vector<16xi32>
      %broadcast_in_dim3A = arith.constant 0 : i32
      %broadcast_in_dim3A_35 = vector.broadcast %broadcast_in_dim3A : i32 to vector<16xi32>
      %gather3A = tpu.vector_load_idx %arg6[%add3A_34, %broadcast_in_dim3A_35] : memref<256x20xi32, #tpu.memory_space<vmem>>[vector<16xi32>, vector<16xi32>], vector<16xi32>,
      %broadcast_in_dim3A_36 = arith.constant 1 : i32
      %broadcast_in_dim3A_37 = vector.broadcast %broadcast_in_dim3A_36 : i32 to vector<16xi32>
      %gather3A_38 = tpu.vector_load_idx %arg6[%add3A_34, %broadcast_in_dim3A_37] : memref<256x20xi32, #tpu.memory_space<vmem>>[vector<16xi32>, vector<16xi32>], vector<16xi32>,
      %broadcast_in_dim3A_39 = arith.constant 2 : i32
      %broadcast_in_dim3A_40 = vector.broadcast %broadcast_in_dim3A_39 : i32 to vector<16xi32>
      %gather3A_41 = tpu.vector_load_idx %arg6[%add3A_34, %broadcast_in_dim3A_40] : memref<256x20xi32, #tpu.memory_space<vmem>>[vector<16xi32>, vector<16xi32>], vector<16xi32>,
      %broadcast_in_dim3A_42 = arith.constant 3 : i32
      %broadcast_in_dim3A_43 = vector.broadcast %broadcast_in_dim3A_42 : i32 to vector<16xi32>
      %gather3A_44 = tpu.vector_load_idx %arg6[%add3A_34, %broadcast_in_dim3A_43] : memref<256x20xi32, #tpu.memory_space<vmem>>[vector<16xi32>, vector<16xi32>], vector<16xi32>,
      %broadcast_in_dim3A_45 = arith.constant 4 : i32
      %broadcast_in_dim3A_46 = vector.broadcast %broadcast_in_dim3A_45 : i32 to vector<16xi32>
      %gather3A_47 = tpu.vector_load_idx %arg6[%add3A_34, %broadcast_in_dim3A_46] : memref<256x20xi32, #tpu.memory_space<vmem>>[vector<16xi32>, vector<16xi32>], vector<16xi32>,
      %broadcast_in_dim3A_48 = arith.constant 5 : i32
      %broadcast_in_dim3A_49 = vector.broadcast %broadcast_in_dim3A_48 : i32 to vector<16xi32>
      %gather3A_50 = tpu.vector_load_idx %arg6[%add3A_34, %broadcast_in_dim3A_49] : memref<256x20xi32, #tpu.memory_space<vmem>>[vector<16xi32>, vector<16xi32>], vector<16xi32>,
      %broadcast_in_dim3A_51 = arith.constant 6 : i32
      %broadcast_in_dim3A_52 = vector.broadcast %broadcast_in_dim3A_51 : i32 to vector<16xi32>
      %gather3A_53 = tpu.vector_load_idx %arg6[%add3A_34, %broadcast_in_dim3A_52] : memref<256x20xi32, #tpu.memory_space<vmem>>[vector<16xi32>, vector<16xi32>], vector<16xi32>,
      %broadcast_in_dim3A_54 = arith.constant 7 : i32
      %broadcast_in_dim3A_55 = vector.broadcast %broadcast_in_dim3A_54 : i32 to vector<16xi32>
      %gather3A_56 = tpu.vector_load_idx %arg6[%add3A_34, %broadcast_in_dim3A_55] : memref<256x20xi32, #tpu.memory_space<vmem>>[vector<16xi32>, vector<16xi32>], vector<16xi32>,
      %broadcast_in_dim3A_57 = arith.constant 8 : i32
      %broadcast_in_dim3A_58 = vector.broadcast %broadcast_in_dim3A_57 : i32 to vector<16xi32>
      %gather3A_59 = tpu.vector_load_idx %arg6[%add3A_34, %broadcast_in_dim3A_58] : memref<256x20xi32, #tpu.memory_space<vmem>>[vector<16xi32>, vector<16xi32>], vector<16xi32>,
      %broadcast_in_dim3A_60 = arith.constant 9 : i32
      %broadcast_in_dim3A_61 = vector.broadcast %broadcast_in_dim3A_60 : i32 to vector<16xi32>
      %gather3A_62 = tpu.vector_load_idx %arg6[%add3A_34, %broadcast_in_dim3A_61] : memref<256x20xi32, #tpu.memory_space<vmem>>[vector<16xi32>, vector<16xi32>], vector<16xi32>,
      %broadcast_in_dim3A_63 = arith.constant 10 : i32
      %broadcast_in_dim3A_64 = vector.broadcast %broadcast_in_dim3A_63 : i32 to vector<16xi32>
      %gather3A_65 = tpu.vector_load_idx %arg6[%add3A_34, %broadcast_in_dim3A_64] : memref<256x20xi32, #tpu.memory_space<vmem>>[vector<16xi32>, vector<16xi32>], vector<16xi32>,
      %broadcast_in_dim3A_66 = arith.constant 11 : i32
      %broadcast_in_dim3A_67 = vector.broadcast %broadcast_in_dim3A_66 : i32 to vector<16xi32>
      %gather3A_68 = tpu.vector_load_idx %arg6[%add3A_34, %broadcast_in_dim3A_67] : memref<256x20xi32, #tpu.memory_space<vmem>>[vector<16xi32>, vector<16xi32>], vector<16xi32>,
      %broadcast_in_dim3A_69 = arith.constant 12 : i32
      %broadcast_in_dim3A_70 = vector.broadcast %broadcast_in_dim3A_69 : i32 to vector<16xi32>
      %gather3A_71 = tpu.vector_load_idx %arg6[%add3A_34, %broadcast_in_dim3A_70] : memref<256x20xi32, #tpu.memory_space<vmem>>[vector<16xi32>, vector<16xi32>], vector<16xi32>,
      %broadcast_in_dim3A_72 = arith.constant 13 : i32
      %broadcast_in_dim3A_73 = vector.broadcast %broadcast_in_dim3A_72 : i32 to vector<16xi32>
      %gather3A_74 = tpu.vector_load_idx %arg6[%add3A_34, %broadcast_in_dim3A_73] : memref<256x20xi32, #tpu.memory_space<vmem>>[vector<16xi32>, vector<16xi32>], vector<16xi32>,
      %broadcast_in_dim3A_75 = arith.constant 14 : i32
      %broadcast_in_dim3A_76 = vector.broadcast %broadcast_in_dim3A_75 : i32 to vector<16xi32>
      %gather3A_77 = tpu.vector_load_idx %arg6[%add3A_34, %broadcast_in_dim3A_76] : memref<256x20xi32, #tpu.memory_space<vmem>>[vector<16xi32>, vector<16xi32>], vector<16xi32>,
      %broadcast_in_dim3A_78 = arith.constant 15 : i32
      %broadcast_in_dim3A_79 = vector.broadcast %broadcast_in_dim3A_78 : i32 to vector<16xi32>
      %gather3A_80 = tpu.vector_load_idx %arg6[%add3A_34, %broadcast_in_dim3A_79] : memref<256x20xi32, #tpu.memory_space<vmem>>[vector<16xi32>, vector<16xi32>], vector<16xi32>,
      %broadcast_in_dim3A_81 = arith.constant 16 : i32
      %broadcast_in_dim3A_82 = vector.broadcast %broadcast_in_dim3A_81 : i32 to vector<16xi32>
      %gather3A_83 = tpu.vector_load_idx %arg6[%add3A_34, %broadcast_in_dim3A_82] : memref<256x20xi32, #tpu.memory_space<vmem>>[vector<16xi32>, vector<16xi32>], vector<16xi32>,
      %broadcast_in_dim3A_84 = arith.constant 17 : i32
      %broadcast_in_dim3A_85 = vector.broadcast %broadcast_in_dim3A_84 : i32 to vector<16xi32>
      %gather3A_86 = tpu.vector_load_idx %arg6[%add3A_34, %broadcast_in_dim3A_85] : memref<256x20xi32, #tpu.memory_space<vmem>>[vector<16xi32>, vector<16xi32>], vector<16xi32>,
      %broadcast_in_dim3A_87 = arith.constant 18 : i32
      %broadcast_in_dim3A_88 = vector.broadcast %broadcast_in_dim3A_87 : i32 to vector<16xi32>
      %gather3A_89 = tpu.vector_load_idx %arg6[%add3A_34, %broadcast_in_dim3A_88] : memref<256x20xi32, #tpu.memory_space<vmem>>[vector<16xi32>, vector<16xi32>], vector<16xi32>,
      %broadcast_in_dim3A_90 = arith.constant 19 : i32
      %broadcast_in_dim3A_91 = vector.broadcast %broadcast_in_dim3A_90 : i32 to vector<16xi32>
      %gather3A_92 = tpu.vector_load_idx %arg6[%add3A_34, %broadcast_in_dim3A_91] : memref<256x20xi32, #tpu.memory_space<vmem>>[vector<16xi32>, vector<16xi32>], vector<16xi32>,
      %scan3A_93 = arith.constant 0 : i32
      %scan3A_94 = arith.constant 0 : i32
      %scan3A_95 = arith.constant 48 : i32
      %scan3A_96 = arith.addi %scan3A_94, %scan3A_95 : i32
      %scan3A_97 = arith.constant 1 : i32
      scf.for %scan3A_99 = %scan3A_94 to %scan3A_96 step %scan3A_97  : i32 {
        %broadcast_in_dim3A_100 = vector.broadcast %scan3A_99 : i32 to vector<16xi32>
        %gather3A_101 = tpu.vector_load_idx %arg5[%broadcast_in_dim3A_100, %gather3A] : memref<48x1024xf32, #tpu.memory_space<vmem>>[vector<16xi32>, vector<16xi32>], vector<16xf32>,
        %gather3A_102 = tpu.vector_load_idx %arg5[%broadcast_in_dim3A_100, %gather3A_38] : memref<48x1024xf32, #tpu.memory_space<vmem>>[vector<16xi32>, vector<16xi32>], vector<16xf32>,
        %max3A = arith.maximumf %gather3A_101, %gather3A_102 : vector<16xf32>
        %gather3A_103 = tpu.vector_load_idx %arg5[%broadcast_in_dim3A_100, %gather3A_41] : memref<48x1024xf32, #tpu.memory_space<vmem>>[vector<16xi32>, vector<16xi32>], vector<16xf32>,
        %max3A_104 = arith.maximumf %max3A, %gather3A_103 : vector<16xf32>
        %gather3A_105 = tpu.vector_load_idx %arg5[%broadcast_in_dim3A_100, %gather3A_44] : memref<48x1024xf32, #tpu.memory_space<vmem>>[vector<16xi32>, vector<16xi32>], vector<16xf32>,
        %max3A_106 = arith.maximumf %max3A_104, %gather3A_105 : vector<16xf32>
        %gather3A_107 = tpu.vector_load_idx %arg5[%broadcast_in_dim3A_100, %gather3A_47] : memref<48x1024xf32, #tpu.memory_space<vmem>>[vector<16xi32>, vector<16xi32>], vector<16xf32>,
        %max3A_108 = arith.maximumf %max3A_106, %gather3A_107 : vector<16xf32>
        %gather3A_109 = tpu.vector_load_idx %arg5[%broadcast_in_dim3A_100, %gather3A_50] : memref<48x1024xf32, #tpu.memory_space<vmem>>[vector<16xi32>, vector<16xi32>], vector<16xf32>,
        %max3A_110 = arith.maximumf %max3A_108, %gather3A_109 : vector<16xf32>
        %gather3A_111 = tpu.vector_load_idx %arg5[%broadcast_in_dim3A_100, %gather3A_53] : memref<48x1024xf32, #tpu.memory_space<vmem>>[vector<16xi32>, vector<16xi32>], vector<16xf32>,
        %max3A_112 = arith.maximumf %max3A_110, %gather3A_111 : vector<16xf32>
        %gather3A_113 = tpu.vector_load_idx %arg5[%broadcast_in_dim3A_100, %gather3A_56] : memref<48x1024xf32, #tpu.memory_space<vmem>>[vector<16xi32>, vector<16xi32>], vector<16xf32>,
        %max3A_114 = arith.maximumf %max3A_112, %gather3A_113 : vector<16xf32>
        %gather3A_115 = tpu.vector_load_idx %arg5[%broadcast_in_dim3A_100, %gather3A_59] : memref<48x1024xf32, #tpu.memory_space<vmem>>[vector<16xi32>, vector<16xi32>], vector<16xf32>,
        %max3A_116 = arith.maximumf %max3A_114, %gather3A_115 : vector<16xf32>
        %gather3A_117 = tpu.vector_load_idx %arg5[%broadcast_in_dim3A_100, %gather3A_62] : memref<48x1024xf32, #tpu.memory_space<vmem>>[vector<16xi32>, vector<16xi32>], vector<16xf32>,
        %max3A_118 = arith.maximumf %max3A_116, %gather3A_117 : vector<16xf32>
        %gather3A_119 = tpu.vector_load_idx %arg5[%broadcast_in_dim3A_100, %gather3A_65] : memref<48x1024xf32, #tpu.memory_space<vmem>>[vector<16xi32>, vector<16xi32>], vector<16xf32>,
        %max3A_120 = arith.maximumf %max3A_118, %gather3A_119 : vector<16xf32>
        %gather3A_121 = tpu.vector_load_idx %arg5[%broadcast_in_dim3A_100, %gather3A_68] : memref<48x1024xf32, #tpu.memory_space<vmem>>[vector<16xi32>, vector<16xi32>], vector<16xf32>,
        %max3A_122 = arith.maximumf %max3A_120, %gather3A_121 : vector<16xf32>
        %gather3A_123 = tpu.vector_load_idx %arg5[%broadcast_in_dim3A_100, %gather3A_71] : memref<48x1024xf32, #tpu.memory_space<vmem>>[vector<16xi32>, vector<16xi32>], vector<16xf32>,
        %max3A_124 = arith.maximumf %max3A_122, %gather3A_123 : vector<16xf32>
        %gather3A_125 = tpu.vector_load_idx %arg5[%broadcast_in_dim3A_100, %gather3A_74] : memref<48x1024xf32, #tpu.memory_space<vmem>>[vector<16xi32>, vector<16xi32>], vector<16xf32>,
        %max3A_126 = arith.maximumf %max3A_124, %gather3A_125 : vector<16xf32>
        %gather3A_127 = tpu.vector_load_idx %arg5[%broadcast_in_dim3A_100, %gather3A_77] : memref<48x1024xf32, #tpu.memory_space<vmem>>[vector<16xi32>, vector<16xi32>], vector<16xf32>,
        %max3A_128 = arith.maximumf %max3A_126, %gather3A_127 : vector<16xf32>
        %gather3A_129 = tpu.vector_load_idx %arg5[%broadcast_in_dim3A_100, %gather3A_80] : memref<48x1024xf32, #tpu.memory_space<vmem>>[vector<16xi32>, vector<16xi32>], vector<16xf32>,
        %max3A_130 = arith.maximumf %max3A_128, %gather3A_129 : vector<16xf32>
        %gather3A_131 = tpu.vector_load_idx %arg5[%broadcast_in_dim3A_100, %gather3A_83] : memref<48x1024xf32, #tpu.memory_space<vmem>>[vector<16xi32>, vector<16xi32>], vector<16xf32>,
        %max3A_132 = arith.maximumf %max3A_130, %gather3A_131 : vector<16xf32>
        %gather3A_133 = tpu.vector_load_idx %arg5[%broadcast_in_dim3A_100, %gather3A_86] : memref<48x1024xf32, #tpu.memory_space<vmem>>[vector<16xi32>, vector<16xi32>], vector<16xf32>,
        %max3A_134 = arith.maximumf %max3A_132, %gather3A_133 : vector<16xf32>
        %gather3A_135 = tpu.vector_load_idx %arg5[%broadcast_in_dim3A_100, %gather3A_89] : memref<48x1024xf32, #tpu.memory_space<vmem>>[vector<16xi32>, vector<16xi32>], vector<16xf32>,
        %max3A_136 = arith.maximumf %max3A_134, %gather3A_135 : vector<16xf32>
        %gather3A_137 = tpu.vector_load_idx %arg5[%broadcast_in_dim3A_100, %gather3A_92] : memref<48x1024xf32, #tpu.memory_space<vmem>>[vector<16xi32>, vector<16xi32>], vector<16xf32>,
        %max3A_138 = arith.maximumf %max3A_136, %gather3A_137 : vector<16xf32>
        %swap3A = arith.index_cast %scan3A_99 : i32 to index
        %swap3A_139 = arith.index_cast %mul3A_32 : i32 to index
        %swap3A_140 = tpu.vector_load %arg7[%swap3A, %swap3A_139] {strides = array<i32>} : memref<48x256xf32, #tpu.memory_space<vmem>>, vector<16xf32>,
        tpu.vector_store %arg7[%swap3A, %swap3A_139], %max3A_138 {strides = array<i32>} : memref<48x256xf32, #tpu.memory_space<vmem>>, vector<16xf32>,
      }
      %scan3A_98 = arith.constant 48 : i32
    }
    %scan3A_29 = arith.constant 16 : i32
    "tpu.region"() ({
      %run_scoped3A = tpu.sem_alloc : memref<!tpu.dma_semaphore, #tpu.memory_space<semaphore_mem>>
      %dma_start3A = tpu.memref_slice %arg4[%multiple_of3A, %multiple_of3A_24] : memref<384x1024xf32, #tpu.memory_space<hbm>> -> memref<48x256xf32, #tpu.memory_space<hbm>>
      %dma_start3A_30 = tpu.memref_slice %arg4[%multiple_of3A, %multiple_of3A_24] : memref<384x1024xf32, #tpu.memory_space<hbm>> -> memref<48x256xf32, #tpu.memory_space<hbm>>
      tpu.enqueue_dma source(%arg7 : memref<48x256xf32, #tpu.memory_space<vmem>>) target(%dma_start3A_30 : memref<48x256xf32, #tpu.memory_space<hbm>>) target_semaphore(%run_scoped3A : memref<!tpu.dma_semaphore, #tpu.memory_space<semaphore_mem>>)
      %dma_wait3A = tpu.memref_slice %arg4[%multiple_of3A, %multiple_of3A_24] : memref<384x1024xf32, #tpu.memory_space<hbm>> -> memref<48x256xf32, #tpu.memory_space<hbm>>
      %dma_wait3A_31 = tpu.memref_slice %arg4[%multiple_of3A, %multiple_of3A_24] : memref<384x1024xf32, #tpu.memory_space<hbm>> -> memref<48x256xf32, #tpu.memory_space<hbm>>
      tpu.wait_dma2 semaphore(%run_scoped3A : memref<!tpu.dma_semaphore, #tpu.memory_space<semaphore_mem>>) src(%arg7 : memref<48x256xf32, #tpu.memory_space<vmem>>) dst(%dma_wait3A_31 : memref<48x256xf32, #tpu.memory_space<hbm>>)
      tpu.yield
    }) : () -> ()
    return
  }
}

#map = affine_map<(d0, d1) -> (0, 0)>
module attributes {stable_mosaic.version = 14 : i64} {
  func.func @_sc_gather_body(%arg0: i32, %arg1: i32, %arg2: memref<384x1024xf32, #tpu.memory_space<hbm>>, %arg3: memref<1024x20xi32, #tpu.memory_space<hbm>>, %arg4: memref<384x1024xf32, #tpu.memory_space<hbm>>, %arg5: memref<48x1024xf32, #tpu.memory_space<vmem>>, %arg6: memref<256x20xi32, #tpu.memory_space<vmem>>, %arg7: memref<48x256xf32, #tpu.memory_space<vmem>>) attributes {dimension_semantics = [#tpu.dimension_semantics<core_parallel>, #tpu.dimension_semantics<subcore_parallel>], iteration_bounds = array<i64: 2, 16>, scalar_prefetch = 0 : i64, scratch_operands = 3 : i64, tpu.core_type = #tpu.core_type<sc_vector_subcore>, window_params = [{transform_indices = #map}, {transform_indices = #map}, {transform_indices = #map}]} {
    %mul3A = arith.constant 2 : i32
    %mul3A_0 = arith.muli %arg1, %mul3A : i32
    %add3A = arith.addi %mul3A_0, %arg0 : i32
    %jit3A = arith.constant 4 : i32
    %div3A = arith.divsi %add3A, %jit3A : i32
    %sign3A = arith.constant 0 : i32
    %sign3A_1 = arith.cmpi sgt, %add3A, %sign3A : i32
    %sign3A_2 = arith.extui %sign3A_1 : i1 to i32
    %sign3A_3 = arith.constant 0 : i32
    %sign3A_4 = arith.cmpi slt, %add3A, %sign3A_3 : i32
    %sign3A_5 = arith.extui %sign3A_4 : i1 to i32
    %sign3A_6 = arith.subi %sign3A_2, %sign3A_5 : i32
    %sign3A_7 = arith.constant 0 : i32
    %sign3A_8 = arith.cmpi sgt, %jit3A, %sign3A_7 : i32
    %sign3A_9 = arith.extui %sign3A_8 : i1 to i32
    %sign3A_10 = arith.constant 0 : i32
    %sign3A_11 = arith.cmpi slt, %jit3A, %sign3A_10 : i32
    %sign3A_12 = arith.extui %sign3A_11 : i1 to i32
    %sign3A_13 = arith.subi %sign3A_9, %sign3A_12 : i32
    %ne3A = arith.cmpi ne, %sign3A_6, %sign3A_13 : i32
    %rem3A = arith.remsi %add3A, %jit3A : i32
    %ne3A_14 = arith.constant 0 : i32
    %ne3A_15 = arith.cmpi ne, %rem3A, %ne3A_14 : i32
    %and3A = arith.andi %ne3A, %ne3A_15 : i1
    %sub3A = arith.constant 1 : i32
    %sub3A_16 = arith.subi %div3A, %sub3A : i32
    %select_n3A = arith.select %and3A, %sub3A_16, %div3A : i32
    %mul3A_17 = arith.constant 4 : i32
    %mul3A_18 = arith.muli %select_n3A, %mul3A_17 : i32
    %sub3A_19 = arith.subi %add3A, %mul3A_18 : i32
    %mul3A_20 = arith.constant 48 : i32
    %mul3A_21 = arith.muli %select_n3A, %mul3A_20 : i32
    %multiple_of3A = tpu.assume_multiple %mul3A_21, 8 : i32
    %mul3A_22 = arith.constant 256 : i32
    %mul3A_23 = arith.muli %sub3A_19, %mul3A_22 : i32
    %multiple_of3A_24 = tpu.assume_multiple %mul3A_23, 256 : i32
    "tpu.region"() ({
      %run_scoped3A = tpu.sem_alloc : memref<!tpu.dma_semaphore, #tpu.memory_space<semaphore_mem>>
      %dma_start3A = arith.constant 0 : i32
      %dma_start3A_30 = tpu.memref_slice %arg2[%multiple_of3A, %dma_start3A] : memref<384x1024xf32, #tpu.memory_space<hbm>> -> memref<48x1024xf32, #tpu.memory_space<hbm>>
      %dma_start3A_31 = arith.constant 0 : i32
      %dma_start3A_32 = tpu.memref_slice %arg2[%multiple_of3A, %dma_start3A_31] : memref<384x1024xf32, #tpu.memory_space<hbm>> -> memref<48x1024xf32, #tpu.memory_space<hbm>>
      tpu.enqueue_dma source(%dma_start3A_32 : memref<48x1024xf32, #tpu.memory_space<hbm>>) target(%arg5 : memref<48x1024xf32, #tpu.memory_space<vmem>>) target_semaphore(%run_scoped3A : memref<!tpu.dma_semaphore, #tpu.memory_space<semaphore_mem>>)
      %dma_wait3A = arith.constant 0 : i32
      %dma_wait3A_33 = tpu.memref_slice %arg2[%multiple_of3A, %dma_wait3A] : memref<384x1024xf32, #tpu.memory_space<hbm>> -> memref<48x1024xf32, #tpu.memory_space<hbm>>
      %dma_wait3A_34 = arith.constant 0 : i32
      %dma_wait3A_35 = tpu.memref_slice %arg2[%multiple_of3A, %dma_wait3A_34] : memref<384x1024xf32, #tpu.memory_space<hbm>> -> memref<48x1024xf32, #tpu.memory_space<hbm>>
      tpu.wait_dma2 semaphore(%run_scoped3A : memref<!tpu.dma_semaphore, #tpu.memory_space<semaphore_mem>>) src(%dma_wait3A_35 : memref<48x1024xf32, #tpu.memory_space<hbm>>) dst(%arg5 : memref<48x1024xf32, #tpu.memory_space<vmem>>)
      tpu.yield
    }) : () -> ()
    "tpu.region"() ({
      %run_scoped3A = tpu.sem_alloc : memref<!tpu.dma_semaphore, #tpu.memory_space<semaphore_mem>>
      %dma_start3A = arith.constant 0 : i32
      %dma_start3A_30 = tpu.memref_slice %arg3[%multiple_of3A_24, %dma_start3A] : memref<1024x20xi32, #tpu.memory_space<hbm>> -> memref<256x20xi32, #tpu.memory_space<hbm>>
      %dma_start3A_31 = arith.constant 0 : i32
      %dma_start3A_32 = tpu.memref_slice %arg3[%multiple_of3A_24, %dma_start3A_31] : memref<1024x20xi32, #tpu.memory_space<hbm>> -> memref<256x20xi32, #tpu.memory_space<hbm>>
      tpu.enqueue_dma source(%dma_start3A_32 : memref<256x20xi32, #tpu.memory_space<hbm>>) target(%arg6 : memref<256x20xi32, #tpu.memory_space<vmem>>) target_semaphore(%run_scoped3A : memref<!tpu.dma_semaphore, #tpu.memory_space<semaphore_mem>>)
      %dma_wait3A = arith.constant 0 : i32
      %dma_wait3A_33 = tpu.memref_slice %arg3[%multiple_of3A_24, %dma_wait3A] : memref<1024x20xi32, #tpu.memory_space<hbm>> -> memref<256x20xi32, #tpu.memory_space<hbm>>
      %dma_wait3A_34 = arith.constant 0 : i32
      %dma_wait3A_35 = tpu.memref_slice %arg3[%multiple_of3A_24, %dma_wait3A_34] : memref<1024x20xi32, #tpu.memory_space<hbm>> -> memref<256x20xi32, #tpu.memory_space<hbm>>
      tpu.wait_dma2 semaphore(%run_scoped3A : memref<!tpu.dma_semaphore, #tpu.memory_space<semaphore_mem>>) src(%dma_wait3A_35 : memref<256x20xi32, #tpu.memory_space<hbm>>) dst(%arg6 : memref<256x20xi32, #tpu.memory_space<vmem>>)
      tpu.yield
    }) : () -> ()
    %iota3A = tpu.iota {dimensions = array<i32: 0>} : vector<16xi32>
    %scan3A = arith.constant 0 : i32
    %scan3A_25 = arith.constant 0 : i32
    %scan3A_26 = arith.constant 16 : i32
    %scan3A_27 = arith.addi %scan3A_25, %scan3A_26 : i32
    %scan3A_28 = arith.constant 1 : i32
    scf.for %scan3A_30 = %scan3A_25 to %scan3A_27 step %scan3A_28  : i32 {
      %mul3A_31 = arith.constant 16 : i32
      %mul3A_32 = arith.muli %scan3A_30, %mul3A_31 : i32
      %add3A_33 = vector.broadcast %mul3A_32 : i32 to vector<16xi32>
      %add3A_34 = arith.addi %add3A_33, %iota3A : vector<16xi32>
      %broadcast_in_dim3A = arith.constant 0 : i32
      %broadcast_in_dim3A_35 = vector.broadcast %broadcast_in_dim3A : i32 to vector<16xi32>
      %gather3A = tpu.vector_load_idx %arg6[%add3A_34, %broadcast_in_dim3A_35] : memref<256x20xi32, #tpu.memory_space<vmem>>[vector<16xi32>, vector<16xi32>], vector<16xi32>,
      %broadcast_in_dim3A_36 = arith.constant 1 : i32
      %broadcast_in_dim3A_37 = vector.broadcast %broadcast_in_dim3A_36 : i32 to vector<16xi32>
      %gather3A_38 = tpu.vector_load_idx %arg6[%add3A_34, %broadcast_in_dim3A_37] : memref<256x20xi32, #tpu.memory_space<vmem>>[vector<16xi32>, vector<16xi32>], vector<16xi32>,
      %broadcast_in_dim3A_39 = arith.constant 2 : i32
      %broadcast_in_dim3A_40 = vector.broadcast %broadcast_in_dim3A_39 : i32 to vector<16xi32>
      %gather3A_41 = tpu.vector_load_idx %arg6[%add3A_34, %broadcast_in_dim3A_40] : memref<256x20xi32, #tpu.memory_space<vmem>>[vector<16xi32>, vector<16xi32>], vector<16xi32>,
      %broadcast_in_dim3A_42 = arith.constant 3 : i32
      %broadcast_in_dim3A_43 = vector.broadcast %broadcast_in_dim3A_42 : i32 to vector<16xi32>
      %gather3A_44 = tpu.vector_load_idx %arg6[%add3A_34, %broadcast_in_dim3A_43] : memref<256x20xi32, #tpu.memory_space<vmem>>[vector<16xi32>, vector<16xi32>], vector<16xi32>,
      %broadcast_in_dim3A_45 = arith.constant 4 : i32
      %broadcast_in_dim3A_46 = vector.broadcast %broadcast_in_dim3A_45 : i32 to vector<16xi32>
      %gather3A_47 = tpu.vector_load_idx %arg6[%add3A_34, %broadcast_in_dim3A_46] : memref<256x20xi32, #tpu.memory_space<vmem>>[vector<16xi32>, vector<16xi32>], vector<16xi32>,
      %broadcast_in_dim3A_48 = arith.constant 5 : i32
      %broadcast_in_dim3A_49 = vector.broadcast %broadcast_in_dim3A_48 : i32 to vector<16xi32>
      %gather3A_50 = tpu.vector_load_idx %arg6[%add3A_34, %broadcast_in_dim3A_49] : memref<256x20xi32, #tpu.memory_space<vmem>>[vector<16xi32>, vector<16xi32>], vector<16xi32>,
      %broadcast_in_dim3A_51 = arith.constant 6 : i32
      %broadcast_in_dim3A_52 = vector.broadcast %broadcast_in_dim3A_51 : i32 to vector<16xi32>
      %gather3A_53 = tpu.vector_load_idx %arg6[%add3A_34, %broadcast_in_dim3A_52] : memref<256x20xi32, #tpu.memory_space<vmem>>[vector<16xi32>, vector<16xi32>], vector<16xi32>,
      %broadcast_in_dim3A_54 = arith.constant 7 : i32
      %broadcast_in_dim3A_55 = vector.broadcast %broadcast_in_dim3A_54 : i32 to vector<16xi32>
      %gather3A_56 = tpu.vector_load_idx %arg6[%add3A_34, %broadcast_in_dim3A_55] : memref<256x20xi32, #tpu.memory_space<vmem>>[vector<16xi32>, vector<16xi32>], vector<16xi32>,
      %broadcast_in_dim3A_57 = arith.constant 8 : i32
      %broadcast_in_dim3A_58 = vector.broadcast %broadcast_in_dim3A_57 : i32 to vector<16xi32>
      %gather3A_59 = tpu.vector_load_idx %arg6[%add3A_34, %broadcast_in_dim3A_58] : memref<256x20xi32, #tpu.memory_space<vmem>>[vector<16xi32>, vector<16xi32>], vector<16xi32>,
      %broadcast_in_dim3A_60 = arith.constant 9 : i32
      %broadcast_in_dim3A_61 = vector.broadcast %broadcast_in_dim3A_60 : i32 to vector<16xi32>
      %gather3A_62 = tpu.vector_load_idx %arg6[%add3A_34, %broadcast_in_dim3A_61] : memref<256x20xi32, #tpu.memory_space<vmem>>[vector<16xi32>, vector<16xi32>], vector<16xi32>,
      %broadcast_in_dim3A_63 = arith.constant 10 : i32
      %broadcast_in_dim3A_64 = vector.broadcast %broadcast_in_dim3A_63 : i32 to vector<16xi32>
      %gather3A_65 = tpu.vector_load_idx %arg6[%add3A_34, %broadcast_in_dim3A_64] : memref<256x20xi32, #tpu.memory_space<vmem>>[vector<16xi32>, vector<16xi32>], vector<16xi32>,
      %broadcast_in_dim3A_66 = arith.constant 11 : i32
      %broadcast_in_dim3A_67 = vector.broadcast %broadcast_in_dim3A_66 : i32 to vector<16xi32>
      %gather3A_68 = tpu.vector_load_idx %arg6[%add3A_34, %broadcast_in_dim3A_67] : memref<256x20xi32, #tpu.memory_space<vmem>>[vector<16xi32>, vector<16xi32>], vector<16xi32>,
      %broadcast_in_dim3A_69 = arith.constant 12 : i32
      %broadcast_in_dim3A_70 = vector.broadcast %broadcast_in_dim3A_69 : i32 to vector<16xi32>
      %gather3A_71 = tpu.vector_load_idx %arg6[%add3A_34, %broadcast_in_dim3A_70] : memref<256x20xi32, #tpu.memory_space<vmem>>[vector<16xi32>, vector<16xi32>], vector<16xi32>,
      %broadcast_in_dim3A_72 = arith.constant 13 : i32
      %broadcast_in_dim3A_73 = vector.broadcast %broadcast_in_dim3A_72 : i32 to vector<16xi32>
      %gather3A_74 = tpu.vector_load_idx %arg6[%add3A_34, %broadcast_in_dim3A_73] : memref<256x20xi32, #tpu.memory_space<vmem>>[vector<16xi32>, vector<16xi32>], vector<16xi32>,
      %broadcast_in_dim3A_75 = arith.constant 14 : i32
      %broadcast_in_dim3A_76 = vector.broadcast %broadcast_in_dim3A_75 : i32 to vector<16xi32>
      %gather3A_77 = tpu.vector_load_idx %arg6[%add3A_34, %broadcast_in_dim3A_76] : memref<256x20xi32, #tpu.memory_space<vmem>>[vector<16xi32>, vector<16xi32>], vector<16xi32>,
      %broadcast_in_dim3A_78 = arith.constant 15 : i32
      %broadcast_in_dim3A_79 = vector.broadcast %broadcast_in_dim3A_78 : i32 to vector<16xi32>
      %gather3A_80 = tpu.vector_load_idx %arg6[%add3A_34, %broadcast_in_dim3A_79] : memref<256x20xi32, #tpu.memory_space<vmem>>[vector<16xi32>, vector<16xi32>], vector<16xi32>,
      %broadcast_in_dim3A_81 = arith.constant 16 : i32
      %broadcast_in_dim3A_82 = vector.broadcast %broadcast_in_dim3A_81 : i32 to vector<16xi32>
      %gather3A_83 = tpu.vector_load_idx %arg6[%add3A_34, %broadcast_in_dim3A_82] : memref<256x20xi32, #tpu.memory_space<vmem>>[vector<16xi32>, vector<16xi32>], vector<16xi32>,
      %broadcast_in_dim3A_84 = arith.constant 17 : i32
      %broadcast_in_dim3A_85 = vector.broadcast %broadcast_in_dim3A_84 : i32 to vector<16xi32>
      %gather3A_86 = tpu.vector_load_idx %arg6[%add3A_34, %broadcast_in_dim3A_85] : memref<256x20xi32, #tpu.memory_space<vmem>>[vector<16xi32>, vector<16xi32>], vector<16xi32>,
      %broadcast_in_dim3A_87 = arith.constant 18 : i32
      %broadcast_in_dim3A_88 = vector.broadcast %broadcast_in_dim3A_87 : i32 to vector<16xi32>
      %gather3A_89 = tpu.vector_load_idx %arg6[%add3A_34, %broadcast_in_dim3A_88] : memref<256x20xi32, #tpu.memory_space<vmem>>[vector<16xi32>, vector<16xi32>], vector<16xi32>,
      %broadcast_in_dim3A_90 = arith.constant 19 : i32
      %broadcast_in_dim3A_91 = vector.broadcast %broadcast_in_dim3A_90 : i32 to vector<16xi32>
      %gather3A_92 = tpu.vector_load_idx %arg6[%add3A_34, %broadcast_in_dim3A_91] : memref<256x20xi32, #tpu.memory_space<vmem>>[vector<16xi32>, vector<16xi32>], vector<16xi32>,
      %scan3A_93 = arith.constant 0 : i32
      %scan3A_94 = arith.constant 0 : i32
      %scan3A_95 = arith.constant 48 : i32
      %scan3A_96 = arith.addi %scan3A_94, %scan3A_95 : i32
      %scan3A_97 = arith.constant 1 : i32
      scf.for %scan3A_99 = %scan3A_94 to %scan3A_96 step %scan3A_97  : i32 {
        %broadcast_in_dim3A_100 = vector.broadcast %scan3A_99 : i32 to vector<16xi32>
        %gather3A_101 = tpu.vector_load_idx %arg5[%broadcast_in_dim3A_100, %gather3A] : memref<48x1024xf32, #tpu.memory_space<vmem>>[vector<16xi32>, vector<16xi32>], vector<16xf32>,
        %gather3A_102 = tpu.vector_load_idx %arg5[%broadcast_in_dim3A_100, %gather3A_38] : memref<48x1024xf32, #tpu.memory_space<vmem>>[vector<16xi32>, vector<16xi32>], vector<16xf32>,
        %max3A = arith.maximumf %gather3A_101, %gather3A_102 : vector<16xf32>
        %gather3A_103 = tpu.vector_load_idx %arg5[%broadcast_in_dim3A_100, %gather3A_41] : memref<48x1024xf32, #tpu.memory_space<vmem>>[vector<16xi32>, vector<16xi32>], vector<16xf32>,
        %max3A_104 = arith.maximumf %max3A, %gather3A_103 : vector<16xf32>
        %gather3A_105 = tpu.vector_load_idx %arg5[%broadcast_in_dim3A_100, %gather3A_44] : memref<48x1024xf32, #tpu.memory_space<vmem>>[vector<16xi32>, vector<16xi32>], vector<16xf32>,
        %max3A_106 = arith.maximumf %max3A_104, %gather3A_105 : vector<16xf32>
        %gather3A_107 = tpu.vector_load_idx %arg5[%broadcast_in_dim3A_100, %gather3A_47] : memref<48x1024xf32, #tpu.memory_space<vmem>>[vector<16xi32>, vector<16xi32>], vector<16xf32>,
        %max3A_108 = arith.maximumf %max3A_106, %gather3A_107 : vector<16xf32>
        %gather3A_109 = tpu.vector_load_idx %arg5[%broadcast_in_dim3A_100, %gather3A_50] : memref<48x1024xf32, #tpu.memory_space<vmem>>[vector<16xi32>, vector<16xi32>], vector<16xf32>,
        %max3A_110 = arith.maximumf %max3A_108, %gather3A_109 : vector<16xf32>
        %gather3A_111 = tpu.vector_load_idx %arg5[%broadcast_in_dim3A_100, %gather3A_53] : memref<48x1024xf32, #tpu.memory_space<vmem>>[vector<16xi32>, vector<16xi32>], vector<16xf32>,
        %max3A_112 = arith.maximumf %max3A_110, %gather3A_111 : vector<16xf32>
        %gather3A_113 = tpu.vector_load_idx %arg5[%broadcast_in_dim3A_100, %gather3A_56] : memref<48x1024xf32, #tpu.memory_space<vmem>>[vector<16xi32>, vector<16xi32>], vector<16xf32>,
        %max3A_114 = arith.maximumf %max3A_112, %gather3A_113 : vector<16xf32>
        %gather3A_115 = tpu.vector_load_idx %arg5[%broadcast_in_dim3A_100, %gather3A_59] : memref<48x1024xf32, #tpu.memory_space<vmem>>[vector<16xi32>, vector<16xi32>], vector<16xf32>,
        %max3A_116 = arith.maximumf %max3A_114, %gather3A_115 : vector<16xf32>
        %gather3A_117 = tpu.vector_load_idx %arg5[%broadcast_in_dim3A_100, %gather3A_62] : memref<48x1024xf32, #tpu.memory_space<vmem>>[vector<16xi32>, vector<16xi32>], vector<16xf32>,
        %max3A_118 = arith.maximumf %max3A_116, %gather3A_117 : vector<16xf32>
        %gather3A_119 = tpu.vector_load_idx %arg5[%broadcast_in_dim3A_100, %gather3A_65] : memref<48x1024xf32, #tpu.memory_space<vmem>>[vector<16xi32>, vector<16xi32>], vector<16xf32>,
        %max3A_120 = arith.maximumf %max3A_118, %gather3A_119 : vector<16xf32>
        %gather3A_121 = tpu.vector_load_idx %arg5[%broadcast_in_dim3A_100, %gather3A_68] : memref<48x1024xf32, #tpu.memory_space<vmem>>[vector<16xi32>, vector<16xi32>], vector<16xf32>,
        %max3A_122 = arith.maximumf %max3A_120, %gather3A_121 : vector<16xf32>
        %gather3A_123 = tpu.vector_load_idx %arg5[%broadcast_in_dim3A_100, %gather3A_71] : memref<48x1024xf32, #tpu.memory_space<vmem>>[vector<16xi32>, vector<16xi32>], vector<16xf32>,
        %max3A_124 = arith.maximumf %max3A_122, %gather3A_123 : vector<16xf32>
        %gather3A_125 = tpu.vector_load_idx %arg5[%broadcast_in_dim3A_100, %gather3A_74] : memref<48x1024xf32, #tpu.memory_space<vmem>>[vector<16xi32>, vector<16xi32>], vector<16xf32>,
        %max3A_126 = arith.maximumf %max3A_124, %gather3A_125 : vector<16xf32>
        %gather3A_127 = tpu.vector_load_idx %arg5[%broadcast_in_dim3A_100, %gather3A_77] : memref<48x1024xf32, #tpu.memory_space<vmem>>[vector<16xi32>, vector<16xi32>], vector<16xf32>,
        %max3A_128 = arith.maximumf %max3A_126, %gather3A_127 : vector<16xf32>
        %gather3A_129 = tpu.vector_load_idx %arg5[%broadcast_in_dim3A_100, %gather3A_80] : memref<48x1024xf32, #tpu.memory_space<vmem>>[vector<16xi32>, vector<16xi32>], vector<16xf32>,
        %max3A_130 = arith.maximumf %max3A_128, %gather3A_129 : vector<16xf32>
        %gather3A_131 = tpu.vector_load_idx %arg5[%broadcast_in_dim3A_100, %gather3A_83] : memref<48x1024xf32, #tpu.memory_space<vmem>>[vector<16xi32>, vector<16xi32>], vector<16xf32>,
        %max3A_132 = arith.maximumf %max3A_130, %gather3A_131 : vector<16xf32>
        %gather3A_133 = tpu.vector_load_idx %arg5[%broadcast_in_dim3A_100, %gather3A_86] : memref<48x1024xf32, #tpu.memory_space<vmem>>[vector<16xi32>, vector<16xi32>], vector<16xf32>,
        %max3A_134 = arith.maximumf %max3A_132, %gather3A_133 : vector<16xf32>
        %gather3A_135 = tpu.vector_load_idx %arg5[%broadcast_in_dim3A_100, %gather3A_89] : memref<48x1024xf32, #tpu.memory_space<vmem>>[vector<16xi32>, vector<16xi32>], vector<16xf32>,
        %max3A_136 = arith.maximumf %max3A_134, %gather3A_135 : vector<16xf32>
        %gather3A_137 = tpu.vector_load_idx %arg5[%broadcast_in_dim3A_100, %gather3A_92] : memref<48x1024xf32, #tpu.memory_space<vmem>>[vector<16xi32>, vector<16xi32>], vector<16xf32>,
        %max3A_138 = arith.maximumf %max3A_136, %gather3A_137 : vector<16xf32>
        %swap3A = arith.index_cast %scan3A_99 : i32 to index
        %swap3A_139 = arith.index_cast %mul3A_32 : i32 to index
        %swap3A_140 = tpu.vector_load %arg7[%swap3A, %swap3A_139] {strides = array<i32>} : memref<48x256xf32, #tpu.memory_space<vmem>>, vector<16xf32>,
        tpu.vector_store %arg7[%swap3A, %swap3A_139], %max3A_138 {strides = array<i32>} : memref<48x256xf32, #tpu.memory_space<vmem>>, vector<16xf32>,
      }
      %scan3A_98 = arith.constant 48 : i32
    }
    %scan3A_29 = arith.constant 16 : i32
    "tpu.region"() ({
      %run_scoped3A = tpu.sem_alloc : memref<!tpu.dma_semaphore, #tpu.memory_space<semaphore_mem>>
      %dma_start3A = tpu.memref_slice %arg4[%multiple_of3A, %multiple_of3A_24] : memref<384x1024xf32, #tpu.memory_space<hbm>> -> memref<48x256xf32, #tpu.memory_space<hbm>>
      %dma_start3A_30 = tpu.memref_slice %arg4[%multiple_of3A, %multiple_of3A_24] : memref<384x1024xf32, #tpu.memory_space<hbm>> -> memref<48x256xf32, #tpu.memory_space<hbm>>
      tpu.enqueue_dma source(%arg7 : memref<48x256xf32, #tpu.memory_space<vmem>>) target(%dma_start3A_30 : memref<48x256xf32, #tpu.memory_space<hbm>>) target_semaphore(%run_scoped3A : memref<!tpu.dma_semaphore, #tpu.memory_space<semaphore_mem>>)
      %dma_wait3A = tpu.memref_slice %arg4[%multiple_of3A, %multiple_of3A_24] : memref<384x1024xf32, #tpu.memory_space<hbm>> -> memref<48x256xf32, #tpu.memory_space<hbm>>
      %dma_wait3A_31 = tpu.memref_slice %arg4[%multiple_of3A, %multiple_of3A_24] : memref<384x1024xf32, #tpu.memory_space<hbm>> -> memref<48x256xf32, #tpu.memory_space<hbm>>
      tpu.wait_dma2 semaphore(%run_scoped3A : memref<!tpu.dma_semaphore, #tpu.memory_space<semaphore_mem>>) src(%arg7 : memref<48x256xf32, #tpu.memory_space<vmem>>) dst(%dma_wait3A_31 : memref<48x256xf32, #tpu.memory_space<hbm>>)
      tpu.yield
    }) : () -> ()
    return
  }
}

#map = affine_map<(d0, d1) -> (0, 0)>
module attributes {stable_mosaic.version = 14 : i64} {
  func.func @_sc_gather_body(%arg0: i32, %arg1: i32, %arg2: memref<384x1024xf32, #tpu.memory_space<hbm>>, %arg3: memref<1024x20xi32, #tpu.memory_space<hbm>>, %arg4: memref<384x1024xf32, #tpu.memory_space<hbm>>, %arg5: memref<48x1024xf32, #tpu.memory_space<vmem>>, %arg6: memref<256x20xi32, #tpu.memory_space<vmem>>, %arg7: memref<48x256xf32, #tpu.memory_space<vmem>>) attributes {dimension_semantics = [#tpu.dimension_semantics<core_parallel>, #tpu.dimension_semantics<subcore_parallel>], iteration_bounds = array<i64: 2, 16>, scalar_prefetch = 0 : i64, scratch_operands = 3 : i64, tpu.core_type = #tpu.core_type<sc_vector_subcore>, window_params = [{transform_indices = #map}, {transform_indices = #map}, {transform_indices = #map}]} {
    %mul3A = arith.constant 2 : i32
    %mul3A_0 = arith.muli %arg1, %mul3A : i32
    %add3A = arith.addi %mul3A_0, %arg0 : i32
    %jit3A = arith.constant 4 : i32
    %div3A = arith.divsi %add3A, %jit3A : i32
    %sign3A = arith.constant 0 : i32
    %sign3A_1 = arith.cmpi sgt, %add3A, %sign3A : i32
    %sign3A_2 = arith.extui %sign3A_1 : i1 to i32
    %sign3A_3 = arith.constant 0 : i32
    %sign3A_4 = arith.cmpi slt, %add3A, %sign3A_3 : i32
    %sign3A_5 = arith.extui %sign3A_4 : i1 to i32
    %sign3A_6 = arith.subi %sign3A_2, %sign3A_5 : i32
    %sign3A_7 = arith.constant 0 : i32
    %sign3A_8 = arith.cmpi sgt, %jit3A, %sign3A_7 : i32
    %sign3A_9 = arith.extui %sign3A_8 : i1 to i32
    %sign3A_10 = arith.constant 0 : i32
    %sign3A_11 = arith.cmpi slt, %jit3A, %sign3A_10 : i32
    %sign3A_12 = arith.extui %sign3A_11 : i1 to i32
    %sign3A_13 = arith.subi %sign3A_9, %sign3A_12 : i32
    %ne3A = arith.cmpi ne, %sign3A_6, %sign3A_13 : i32
    %rem3A = arith.remsi %add3A, %jit3A : i32
    %ne3A_14 = arith.constant 0 : i32
    %ne3A_15 = arith.cmpi ne, %rem3A, %ne3A_14 : i32
    %and3A = arith.andi %ne3A, %ne3A_15 : i1
    %sub3A = arith.constant 1 : i32
    %sub3A_16 = arith.subi %div3A, %sub3A : i32
    %select_n3A = arith.select %and3A, %sub3A_16, %div3A : i32
    %mul3A_17 = arith.constant 4 : i32
    %mul3A_18 = arith.muli %select_n3A, %mul3A_17 : i32
    %sub3A_19 = arith.subi %add3A, %mul3A_18 : i32
    %mul3A_20 = arith.constant 48 : i32
    %mul3A_21 = arith.muli %select_n3A, %mul3A_20 : i32
    %multiple_of3A = tpu.assume_multiple %mul3A_21, 8 : i32
    %mul3A_22 = arith.constant 256 : i32
    %mul3A_23 = arith.muli %sub3A_19, %mul3A_22 : i32
    %multiple_of3A_24 = tpu.assume_multiple %mul3A_23, 256 : i32
    "tpu.region"() ({
      %run_scoped3A = tpu.sem_alloc : memref<!tpu.dma_semaphore, #tpu.memory_space<semaphore_mem>>
      %dma_start3A = arith.constant 0 : i32
      %dma_start3A_30 = tpu.memref_slice %arg2[%multiple_of3A, %dma_start3A] : memref<384x1024xf32, #tpu.memory_space<hbm>> -> memref<48x1024xf32, #tpu.memory_space<hbm>>
      %dma_start3A_31 = arith.constant 0 : i32
      %dma_start3A_32 = tpu.memref_slice %arg2[%multiple_of3A, %dma_start3A_31] : memref<384x1024xf32, #tpu.memory_space<hbm>> -> memref<48x1024xf32, #tpu.memory_space<hbm>>
      tpu.enqueue_dma source(%dma_start3A_32 : memref<48x1024xf32, #tpu.memory_space<hbm>>) target(%arg5 : memref<48x1024xf32, #tpu.memory_space<vmem>>) target_semaphore(%run_scoped3A : memref<!tpu.dma_semaphore, #tpu.memory_space<semaphore_mem>>)
      %dma_wait3A = arith.constant 0 : i32
      %dma_wait3A_33 = tpu.memref_slice %arg2[%multiple_of3A, %dma_wait3A] : memref<384x1024xf32, #tpu.memory_space<hbm>> -> memref<48x1024xf32, #tpu.memory_space<hbm>>
      %dma_wait3A_34 = arith.constant 0 : i32
      %dma_wait3A_35 = tpu.memref_slice %arg2[%multiple_of3A, %dma_wait3A_34] : memref<384x1024xf32, #tpu.memory_space<hbm>> -> memref<48x1024xf32, #tpu.memory_space<hbm>>
      tpu.wait_dma2 semaphore(%run_scoped3A : memref<!tpu.dma_semaphore, #tpu.memory_space<semaphore_mem>>) src(%dma_wait3A_35 : memref<48x1024xf32, #tpu.memory_space<hbm>>) dst(%arg5 : memref<48x1024xf32, #tpu.memory_space<vmem>>)
      tpu.yield
    }) : () -> ()
    "tpu.region"() ({
      %run_scoped3A = tpu.sem_alloc : memref<!tpu.dma_semaphore, #tpu.memory_space<semaphore_mem>>
      %dma_start3A = arith.constant 0 : i32
      %dma_start3A_30 = tpu.memref_slice %arg3[%multiple_of3A_24, %dma_start3A] : memref<1024x20xi32, #tpu.memory_space<hbm>> -> memref<256x20xi32, #tpu.memory_space<hbm>>
      %dma_start3A_31 = arith.constant 0 : i32
      %dma_start3A_32 = tpu.memref_slice %arg3[%multiple_of3A_24, %dma_start3A_31] : memref<1024x20xi32, #tpu.memory_space<hbm>> -> memref<256x20xi32, #tpu.memory_space<hbm>>
      tpu.enqueue_dma source(%dma_start3A_32 : memref<256x20xi32, #tpu.memory_space<hbm>>) target(%arg6 : memref<256x20xi32, #tpu.memory_space<vmem>>) target_semaphore(%run_scoped3A : memref<!tpu.dma_semaphore, #tpu.memory_space<semaphore_mem>>)
      %dma_wait3A = arith.constant 0 : i32
      %dma_wait3A_33 = tpu.memref_slice %arg3[%multiple_of3A_24, %dma_wait3A] : memref<1024x20xi32, #tpu.memory_space<hbm>> -> memref<256x20xi32, #tpu.memory_space<hbm>>
      %dma_wait3A_34 = arith.constant 0 : i32
      %dma_wait3A_35 = tpu.memref_slice %arg3[%multiple_of3A_24, %dma_wait3A_34] : memref<1024x20xi32, #tpu.memory_space<hbm>> -> memref<256x20xi32, #tpu.memory_space<hbm>>
      tpu.wait_dma2 semaphore(%run_scoped3A : memref<!tpu.dma_semaphore, #tpu.memory_space<semaphore_mem>>) src(%dma_wait3A_35 : memref<256x20xi32, #tpu.memory_space<hbm>>) dst(%arg6 : memref<256x20xi32, #tpu.memory_space<vmem>>)
      tpu.yield
    }) : () -> ()
    %iota3A = tpu.iota {dimensions = array<i32: 0>} : vector<16xi32>
    %scan3A = arith.constant 0 : i32
    %scan3A_25 = arith.constant 0 : i32
    %scan3A_26 = arith.constant 16 : i32
    %scan3A_27 = arith.addi %scan3A_25, %scan3A_26 : i32
    %scan3A_28 = arith.constant 1 : i32
    scf.for %scan3A_30 = %scan3A_25 to %scan3A_27 step %scan3A_28  : i32 {
      %mul3A_31 = arith.constant 16 : i32
      %mul3A_32 = arith.muli %scan3A_30, %mul3A_31 : i32
      %add3A_33 = vector.broadcast %mul3A_32 : i32 to vector<16xi32>
      %add3A_34 = arith.addi %add3A_33, %iota3A : vector<16xi32>
      %broadcast_in_dim3A = arith.constant 0 : i32
      %broadcast_in_dim3A_35 = vector.broadcast %broadcast_in_dim3A : i32 to vector<16xi32>
      %gather3A = tpu.vector_load_idx %arg6[%add3A_34, %broadcast_in_dim3A_35] : memref<256x20xi32, #tpu.memory_space<vmem>>[vector<16xi32>, vector<16xi32>], vector<16xi32>,
      %broadcast_in_dim3A_36 = arith.constant 1 : i32
      %broadcast_in_dim3A_37 = vector.broadcast %broadcast_in_dim3A_36 : i32 to vector<16xi32>
      %gather3A_38 = tpu.vector_load_idx %arg6[%add3A_34, %broadcast_in_dim3A_37] : memref<256x20xi32, #tpu.memory_space<vmem>>[vector<16xi32>, vector<16xi32>], vector<16xi32>,
      %broadcast_in_dim3A_39 = arith.constant 2 : i32
      %broadcast_in_dim3A_40 = vector.broadcast %broadcast_in_dim3A_39 : i32 to vector<16xi32>
      %gather3A_41 = tpu.vector_load_idx %arg6[%add3A_34, %broadcast_in_dim3A_40] : memref<256x20xi32, #tpu.memory_space<vmem>>[vector<16xi32>, vector<16xi32>], vector<16xi32>,
      %broadcast_in_dim3A_42 = arith.constant 3 : i32
      %broadcast_in_dim3A_43 = vector.broadcast %broadcast_in_dim3A_42 : i32 to vector<16xi32>
      %gather3A_44 = tpu.vector_load_idx %arg6[%add3A_34, %broadcast_in_dim3A_43] : memref<256x20xi32, #tpu.memory_space<vmem>>[vector<16xi32>, vector<16xi32>], vector<16xi32>,
      %broadcast_in_dim3A_45 = arith.constant 4 : i32
      %broadcast_in_dim3A_46 = vector.broadcast %broadcast_in_dim3A_45 : i32 to vector<16xi32>
      %gather3A_47 = tpu.vector_load_idx %arg6[%add3A_34, %broadcast_in_dim3A_46] : memref<256x20xi32, #tpu.memory_space<vmem>>[vector<16xi32>, vector<16xi32>], vector<16xi32>,
      %broadcast_in_dim3A_48 = arith.constant 5 : i32
      %broadcast_in_dim3A_49 = vector.broadcast %broadcast_in_dim3A_48 : i32 to vector<16xi32>
      %gather3A_50 = tpu.vector_load_idx %arg6[%add3A_34, %broadcast_in_dim3A_49] : memref<256x20xi32, #tpu.memory_space<vmem>>[vector<16xi32>, vector<16xi32>], vector<16xi32>,
      %broadcast_in_dim3A_51 = arith.constant 6 : i32
      %broadcast_in_dim3A_52 = vector.broadcast %broadcast_in_dim3A_51 : i32 to vector<16xi32>
      %gather3A_53 = tpu.vector_load_idx %arg6[%add3A_34, %broadcast_in_dim3A_52] : memref<256x20xi32, #tpu.memory_space<vmem>>[vector<16xi32>, vector<16xi32>], vector<16xi32>,
      %broadcast_in_dim3A_54 = arith.constant 7 : i32
      %broadcast_in_dim3A_55 = vector.broadcast %broadcast_in_dim3A_54 : i32 to vector<16xi32>
      %gather3A_56 = tpu.vector_load_idx %arg6[%add3A_34, %broadcast_in_dim3A_55] : memref<256x20xi32, #tpu.memory_space<vmem>>[vector<16xi32>, vector<16xi32>], vector<16xi32>,
      %broadcast_in_dim3A_57 = arith.constant 8 : i32
      %broadcast_in_dim3A_58 = vector.broadcast %broadcast_in_dim3A_57 : i32 to vector<16xi32>
      %gather3A_59 = tpu.vector_load_idx %arg6[%add3A_34, %broadcast_in_dim3A_58] : memref<256x20xi32, #tpu.memory_space<vmem>>[vector<16xi32>, vector<16xi32>], vector<16xi32>,
      %broadcast_in_dim3A_60 = arith.constant 9 : i32
      %broadcast_in_dim3A_61 = vector.broadcast %broadcast_in_dim3A_60 : i32 to vector<16xi32>
      %gather3A_62 = tpu.vector_load_idx %arg6[%add3A_34, %broadcast_in_dim3A_61] : memref<256x20xi32, #tpu.memory_space<vmem>>[vector<16xi32>, vector<16xi32>], vector<16xi32>,
      %broadcast_in_dim3A_63 = arith.constant 10 : i32
      %broadcast_in_dim3A_64 = vector.broadcast %broadcast_in_dim3A_63 : i32 to vector<16xi32>
      %gather3A_65 = tpu.vector_load_idx %arg6[%add3A_34, %broadcast_in_dim3A_64] : memref<256x20xi32, #tpu.memory_space<vmem>>[vector<16xi32>, vector<16xi32>], vector<16xi32>,
      %broadcast_in_dim3A_66 = arith.constant 11 : i32
      %broadcast_in_dim3A_67 = vector.broadcast %broadcast_in_dim3A_66 : i32 to vector<16xi32>
      %gather3A_68 = tpu.vector_load_idx %arg6[%add3A_34, %broadcast_in_dim3A_67] : memref<256x20xi32, #tpu.memory_space<vmem>>[vector<16xi32>, vector<16xi32>], vector<16xi32>,
      %broadcast_in_dim3A_69 = arith.constant 12 : i32
      %broadcast_in_dim3A_70 = vector.broadcast %broadcast_in_dim3A_69 : i32 to vector<16xi32>
      %gather3A_71 = tpu.vector_load_idx %arg6[%add3A_34, %broadcast_in_dim3A_70] : memref<256x20xi32, #tpu.memory_space<vmem>>[vector<16xi32>, vector<16xi32>], vector<16xi32>,
      %broadcast_in_dim3A_72 = arith.constant 13 : i32
      %broadcast_in_dim3A_73 = vector.broadcast %broadcast_in_dim3A_72 : i32 to vector<16xi32>
      %gather3A_74 = tpu.vector_load_idx %arg6[%add3A_34, %broadcast_in_dim3A_73] : memref<256x20xi32, #tpu.memory_space<vmem>>[vector<16xi32>, vector<16xi32>], vector<16xi32>,
      %broadcast_in_dim3A_75 = arith.constant 14 : i32
      %broadcast_in_dim3A_76 = vector.broadcast %broadcast_in_dim3A_75 : i32 to vector<16xi32>
      %gather3A_77 = tpu.vector_load_idx %arg6[%add3A_34, %broadcast_in_dim3A_76] : memref<256x20xi32, #tpu.memory_space<vmem>>[vector<16xi32>, vector<16xi32>], vector<16xi32>,
      %broadcast_in_dim3A_78 = arith.constant 15 : i32
      %broadcast_in_dim3A_79 = vector.broadcast %broadcast_in_dim3A_78 : i32 to vector<16xi32>
      %gather3A_80 = tpu.vector_load_idx %arg6[%add3A_34, %broadcast_in_dim3A_79] : memref<256x20xi32, #tpu.memory_space<vmem>>[vector<16xi32>, vector<16xi32>], vector<16xi32>,
      %broadcast_in_dim3A_81 = arith.constant 16 : i32
      %broadcast_in_dim3A_82 = vector.broadcast %broadcast_in_dim3A_81 : i32 to vector<16xi32>
      %gather3A_83 = tpu.vector_load_idx %arg6[%add3A_34, %broadcast_in_dim3A_82] : memref<256x20xi32, #tpu.memory_space<vmem>>[vector<16xi32>, vector<16xi32>], vector<16xi32>,
      %broadcast_in_dim3A_84 = arith.constant 17 : i32
      %broadcast_in_dim3A_85 = vector.broadcast %broadcast_in_dim3A_84 : i32 to vector<16xi32>
      %gather3A_86 = tpu.vector_load_idx %arg6[%add3A_34, %broadcast_in_dim3A_85] : memref<256x20xi32, #tpu.memory_space<vmem>>[vector<16xi32>, vector<16xi32>], vector<16xi32>,
      %broadcast_in_dim3A_87 = arith.constant 18 : i32
      %broadcast_in_dim3A_88 = vector.broadcast %broadcast_in_dim3A_87 : i32 to vector<16xi32>
      %gather3A_89 = tpu.vector_load_idx %arg6[%add3A_34, %broadcast_in_dim3A_88] : memref<256x20xi32, #tpu.memory_space<vmem>>[vector<16xi32>, vector<16xi32>], vector<16xi32>,
      %broadcast_in_dim3A_90 = arith.constant 19 : i32
      %broadcast_in_dim3A_91 = vector.broadcast %broadcast_in_dim3A_90 : i32 to vector<16xi32>
      %gather3A_92 = tpu.vector_load_idx %arg6[%add3A_34, %broadcast_in_dim3A_91] : memref<256x20xi32, #tpu.memory_space<vmem>>[vector<16xi32>, vector<16xi32>], vector<16xi32>,
      %scan3A_93 = arith.constant 0 : i32
      %scan3A_94 = arith.constant 0 : i32
      %scan3A_95 = arith.constant 48 : i32
      %scan3A_96 = arith.addi %scan3A_94, %scan3A_95 : i32
      %scan3A_97 = arith.constant 1 : i32
      scf.for %scan3A_99 = %scan3A_94 to %scan3A_96 step %scan3A_97  : i32 {
        %broadcast_in_dim3A_100 = vector.broadcast %scan3A_99 : i32 to vector<16xi32>
        %gather3A_101 = tpu.vector_load_idx %arg5[%broadcast_in_dim3A_100, %gather3A] : memref<48x1024xf32, #tpu.memory_space<vmem>>[vector<16xi32>, vector<16xi32>], vector<16xf32>,
        %gather3A_102 = tpu.vector_load_idx %arg5[%broadcast_in_dim3A_100, %gather3A_38] : memref<48x1024xf32, #tpu.memory_space<vmem>>[vector<16xi32>, vector<16xi32>], vector<16xf32>,
        %max3A = arith.maximumf %gather3A_101, %gather3A_102 : vector<16xf32>
        %gather3A_103 = tpu.vector_load_idx %arg5[%broadcast_in_dim3A_100, %gather3A_41] : memref<48x1024xf32, #tpu.memory_space<vmem>>[vector<16xi32>, vector<16xi32>], vector<16xf32>,
        %max3A_104 = arith.maximumf %max3A, %gather3A_103 : vector<16xf32>
        %gather3A_105 = tpu.vector_load_idx %arg5[%broadcast_in_dim3A_100, %gather3A_44] : memref<48x1024xf32, #tpu.memory_space<vmem>>[vector<16xi32>, vector<16xi32>], vector<16xf32>,
        %max3A_106 = arith.maximumf %max3A_104, %gather3A_105 : vector<16xf32>
        %gather3A_107 = tpu.vector_load_idx %arg5[%broadcast_in_dim3A_100, %gather3A_47] : memref<48x1024xf32, #tpu.memory_space<vmem>>[vector<16xi32>, vector<16xi32>], vector<16xf32>,
        %max3A_108 = arith.maximumf %max3A_106, %gather3A_107 : vector<16xf32>
        %gather3A_109 = tpu.vector_load_idx %arg5[%broadcast_in_dim3A_100, %gather3A_50] : memref<48x1024xf32, #tpu.memory_space<vmem>>[vector<16xi32>, vector<16xi32>], vector<16xf32>,
        %max3A_110 = arith.maximumf %max3A_108, %gather3A_109 : vector<16xf32>
        %gather3A_111 = tpu.vector_load_idx %arg5[%broadcast_in_dim3A_100, %gather3A_53] : memref<48x1024xf32, #tpu.memory_space<vmem>>[vector<16xi32>, vector<16xi32>], vector<16xf32>,
        %max3A_112 = arith.maximumf %max3A_110, %gather3A_111 : vector<16xf32>
        %gather3A_113 = tpu.vector_load_idx %arg5[%broadcast_in_dim3A_100, %gather3A_56] : memref<48x1024xf32, #tpu.memory_space<vmem>>[vector<16xi32>, vector<16xi32>], vector<16xf32>,
        %max3A_114 = arith.maximumf %max3A_112, %gather3A_113 : vector<16xf32>
        %gather3A_115 = tpu.vector_load_idx %arg5[%broadcast_in_dim3A_100, %gather3A_59] : memref<48x1024xf32, #tpu.memory_space<vmem>>[vector<16xi32>, vector<16xi32>], vector<16xf32>,
        %max3A_116 = arith.maximumf %max3A_114, %gather3A_115 : vector<16xf32>
        %gather3A_117 = tpu.vector_load_idx %arg5[%broadcast_in_dim3A_100, %gather3A_62] : memref<48x1024xf32, #tpu.memory_space<vmem>>[vector<16xi32>, vector<16xi32>], vector<16xf32>,
        %max3A_118 = arith.maximumf %max3A_116, %gather3A_117 : vector<16xf32>
        %gather3A_119 = tpu.vector_load_idx %arg5[%broadcast_in_dim3A_100, %gather3A_65] : memref<48x1024xf32, #tpu.memory_space<vmem>>[vector<16xi32>, vector<16xi32>], vector<16xf32>,
        %max3A_120 = arith.maximumf %max3A_118, %gather3A_119 : vector<16xf32>
        %gather3A_121 = tpu.vector_load_idx %arg5[%broadcast_in_dim3A_100, %gather3A_68] : memref<48x1024xf32, #tpu.memory_space<vmem>>[vector<16xi32>, vector<16xi32>], vector<16xf32>,
        %max3A_122 = arith.maximumf %max3A_120, %gather3A_121 : vector<16xf32>
        %gather3A_123 = tpu.vector_load_idx %arg5[%broadcast_in_dim3A_100, %gather3A_71] : memref<48x1024xf32, #tpu.memory_space<vmem>>[vector<16xi32>, vector<16xi32>], vector<16xf32>,
        %max3A_124 = arith.maximumf %max3A_122, %gather3A_123 : vector<16xf32>
        %gather3A_125 = tpu.vector_load_idx %arg5[%broadcast_in_dim3A_100, %gather3A_74] : memref<48x1024xf32, #tpu.memory_space<vmem>>[vector<16xi32>, vector<16xi32>], vector<16xf32>,
        %max3A_126 = arith.maximumf %max3A_124, %gather3A_125 : vector<16xf32>
        %gather3A_127 = tpu.vector_load_idx %arg5[%broadcast_in_dim3A_100, %gather3A_77] : memref<48x1024xf32, #tpu.memory_space<vmem>>[vector<16xi32>, vector<16xi32>], vector<16xf32>,
        %max3A_128 = arith.maximumf %max3A_126, %gather3A_127 : vector<16xf32>
        %gather3A_129 = tpu.vector_load_idx %arg5[%broadcast_in_dim3A_100, %gather3A_80] : memref<48x1024xf32, #tpu.memory_space<vmem>>[vector<16xi32>, vector<16xi32>], vector<16xf32>,
        %max3A_130 = arith.maximumf %max3A_128, %gather3A_129 : vector<16xf32>
        %gather3A_131 = tpu.vector_load_idx %arg5[%broadcast_in_dim3A_100, %gather3A_83] : memref<48x1024xf32, #tpu.memory_space<vmem>>[vector<16xi32>, vector<16xi32>], vector<16xf32>,
        %max3A_132 = arith.maximumf %max3A_130, %gather3A_131 : vector<16xf32>
        %gather3A_133 = tpu.vector_load_idx %arg5[%broadcast_in_dim3A_100, %gather3A_86] : memref<48x1024xf32, #tpu.memory_space<vmem>>[vector<16xi32>, vector<16xi32>], vector<16xf32>,
        %max3A_134 = arith.maximumf %max3A_132, %gather3A_133 : vector<16xf32>
        %gather3A_135 = tpu.vector_load_idx %arg5[%broadcast_in_dim3A_100, %gather3A_89] : memref<48x1024xf32, #tpu.memory_space<vmem>>[vector<16xi32>, vector<16xi32>], vector<16xf32>,
        %max3A_136 = arith.maximumf %max3A_134, %gather3A_135 : vector<16xf32>
        %gather3A_137 = tpu.vector_load_idx %arg5[%broadcast_in_dim3A_100, %gather3A_92] : memref<48x1024xf32, #tpu.memory_space<vmem>>[vector<16xi32>, vector<16xi32>], vector<16xf32>,
        %max3A_138 = arith.maximumf %max3A_136, %gather3A_137 : vector<16xf32>
        %swap3A = arith.index_cast %scan3A_99 : i32 to index
        %swap3A_139 = arith.index_cast %mul3A_32 : i32 to index
        %swap3A_140 = tpu.vector_load %arg7[%swap3A, %swap3A_139] {strides = array<i32>} : memref<48x256xf32, #tpu.memory_space<vmem>>, vector<16xf32>,
        tpu.vector_store %arg7[%swap3A, %swap3A_139], %max3A_138 {strides = array<i32>} : memref<48x256xf32, #tpu.memory_space<vmem>>, vector<16xf32>,
      }
      %scan3A_98 = arith.constant 48 : i32
    }
    %scan3A_29 = arith.constant 16 : i32
    "tpu.region"() ({
      %run_scoped3A = tpu.sem_alloc : memref<!tpu.dma_semaphore, #tpu.memory_space<semaphore_mem>>
      %dma_start3A = tpu.memref_slice %arg4[%multiple_of3A, %multiple_of3A_24] : memref<384x1024xf32, #tpu.memory_space<hbm>> -> memref<48x256xf32, #tpu.memory_space<hbm>>
      %dma_start3A_30 = tpu.memref_slice %arg4[%multiple_of3A, %multiple_of3A_24] : memref<384x1024xf32, #tpu.memory_space<hbm>> -> memref<48x256xf32, #tpu.memory_space<hbm>>
      tpu.enqueue_dma source(%arg7 : memref<48x256xf32, #tpu.memory_space<vmem>>) target(%dma_start3A_30 : memref<48x256xf32, #tpu.memory_space<hbm>>) target_semaphore(%run_scoped3A : memref<!tpu.dma_semaphore, #tpu.memory_space<semaphore_mem>>)
      %dma_wait3A = tpu.memref_slice %arg4[%multiple_of3A, %multiple_of3A_24] : memref<384x1024xf32, #tpu.memory_space<hbm>> -> memref<48x256xf32, #tpu.memory_space<hbm>>
      %dma_wait3A_31 = tpu.memref_slice %arg4[%multiple_of3A, %multiple_of3A_24] : memref<384x1024xf32, #tpu.memory_space<hbm>> -> memref<48x256xf32, #tpu.memory_space<hbm>>
      tpu.wait_dma2 semaphore(%run_scoped3A : memref<!tpu.dma_semaphore, #tpu.memory_space<semaphore_mem>>) src(%arg7 : memref<48x256xf32, #tpu.memory_space<vmem>>) dst(%dma_wait3A_31 : memref<48x256xf32, #tpu.memory_space<hbm>>)
      tpu.yield
    }) : () -> ()
    return
  }
}

#map = affine_map<(d0, d1) -> (0, 0)>
module attributes {stable_mosaic.version = 14 : i64} {
  func.func @_sc_gather_body(%arg0: i32, %arg1: i32, %arg2: memref<384x1024xf32, #tpu.memory_space<hbm>>, %arg3: memref<1024x20xi32, #tpu.memory_space<hbm>>, %arg4: memref<384x1024xf32, #tpu.memory_space<hbm>>, %arg5: memref<48x1024xf32, #tpu.memory_space<vmem>>, %arg6: memref<256x20xi32, #tpu.memory_space<vmem>>, %arg7: memref<48x256xf32, #tpu.memory_space<vmem>>) attributes {dimension_semantics = [#tpu.dimension_semantics<core_parallel>, #tpu.dimension_semantics<subcore_parallel>], iteration_bounds = array<i64: 2, 16>, scalar_prefetch = 0 : i64, scratch_operands = 3 : i64, tpu.core_type = #tpu.core_type<sc_vector_subcore>, window_params = [{transform_indices = #map}, {transform_indices = #map}, {transform_indices = #map}]} {
    %mul3A = arith.constant 2 : i32
    %mul3A_0 = arith.muli %arg1, %mul3A : i32
    %add3A = arith.addi %mul3A_0, %arg0 : i32
    %jit3A = arith.constant 4 : i32
    %div3A = arith.divsi %add3A, %jit3A : i32
    %sign3A = arith.constant 0 : i32
    %sign3A_1 = arith.cmpi sgt, %add3A, %sign3A : i32
    %sign3A_2 = arith.extui %sign3A_1 : i1 to i32
    %sign3A_3 = arith.constant 0 : i32
    %sign3A_4 = arith.cmpi slt, %add3A, %sign3A_3 : i32
    %sign3A_5 = arith.extui %sign3A_4 : i1 to i32
    %sign3A_6 = arith.subi %sign3A_2, %sign3A_5 : i32
    %sign3A_7 = arith.constant 0 : i32
    %sign3A_8 = arith.cmpi sgt, %jit3A, %sign3A_7 : i32
    %sign3A_9 = arith.extui %sign3A_8 : i1 to i32
    %sign3A_10 = arith.constant 0 : i32
    %sign3A_11 = arith.cmpi slt, %jit3A, %sign3A_10 : i32
    %sign3A_12 = arith.extui %sign3A_11 : i1 to i32
    %sign3A_13 = arith.subi %sign3A_9, %sign3A_12 : i32
    %ne3A = arith.cmpi ne, %sign3A_6, %sign3A_13 : i32
    %rem3A = arith.remsi %add3A, %jit3A : i32
    %ne3A_14 = arith.constant 0 : i32
    %ne3A_15 = arith.cmpi ne, %rem3A, %ne3A_14 : i32
    %and3A = arith.andi %ne3A, %ne3A_15 : i1
    %sub3A = arith.constant 1 : i32
    %sub3A_16 = arith.subi %div3A, %sub3A : i32
    %select_n3A = arith.select %and3A, %sub3A_16, %div3A : i32
    %mul3A_17 = arith.constant 4 : i32
    %mul3A_18 = arith.muli %select_n3A, %mul3A_17 : i32
    %sub3A_19 = arith.subi %add3A, %mul3A_18 : i32
    %mul3A_20 = arith.constant 48 : i32
    %mul3A_21 = arith.muli %select_n3A, %mul3A_20 : i32
    %multiple_of3A = tpu.assume_multiple %mul3A_21, 8 : i32
    %mul3A_22 = arith.constant 256 : i32
    %mul3A_23 = arith.muli %sub3A_19, %mul3A_22 : i32
    %multiple_of3A_24 = tpu.assume_multiple %mul3A_23, 256 : i32
    "tpu.region"() ({
      %run_scoped3A = tpu.sem_alloc : memref<!tpu.dma_semaphore, #tpu.memory_space<semaphore_mem>>
      %dma_start3A = arith.constant 0 : i32
      %dma_start3A_30 = tpu.memref_slice %arg2[%multiple_of3A, %dma_start3A] : memref<384x1024xf32, #tpu.memory_space<hbm>> -> memref<48x1024xf32, #tpu.memory_space<hbm>>
      %dma_start3A_31 = arith.constant 0 : i32
      %dma_start3A_32 = tpu.memref_slice %arg2[%multiple_of3A, %dma_start3A_31] : memref<384x1024xf32, #tpu.memory_space<hbm>> -> memref<48x1024xf32, #tpu.memory_space<hbm>>
      tpu.enqueue_dma source(%dma_start3A_32 : memref<48x1024xf32, #tpu.memory_space<hbm>>) target(%arg5 : memref<48x1024xf32, #tpu.memory_space<vmem>>) target_semaphore(%run_scoped3A : memref<!tpu.dma_semaphore, #tpu.memory_space<semaphore_mem>>)
      %dma_wait3A = arith.constant 0 : i32
      %dma_wait3A_33 = tpu.memref_slice %arg2[%multiple_of3A, %dma_wait3A] : memref<384x1024xf32, #tpu.memory_space<hbm>> -> memref<48x1024xf32, #tpu.memory_space<hbm>>
      %dma_wait3A_34 = arith.constant 0 : i32
      %dma_wait3A_35 = tpu.memref_slice %arg2[%multiple_of3A, %dma_wait3A_34] : memref<384x1024xf32, #tpu.memory_space<hbm>> -> memref<48x1024xf32, #tpu.memory_space<hbm>>
      tpu.wait_dma2 semaphore(%run_scoped3A : memref<!tpu.dma_semaphore, #tpu.memory_space<semaphore_mem>>) src(%dma_wait3A_35 : memref<48x1024xf32, #tpu.memory_space<hbm>>) dst(%arg5 : memref<48x1024xf32, #tpu.memory_space<vmem>>)
      tpu.yield
    }) : () -> ()
    "tpu.region"() ({
      %run_scoped3A = tpu.sem_alloc : memref<!tpu.dma_semaphore, #tpu.memory_space<semaphore_mem>>
      %dma_start3A = arith.constant 0 : i32
      %dma_start3A_30 = tpu.memref_slice %arg3[%multiple_of3A_24, %dma_start3A] : memref<1024x20xi32, #tpu.memory_space<hbm>> -> memref<256x20xi32, #tpu.memory_space<hbm>>
      %dma_start3A_31 = arith.constant 0 : i32
      %dma_start3A_32 = tpu.memref_slice %arg3[%multiple_of3A_24, %dma_start3A_31] : memref<1024x20xi32, #tpu.memory_space<hbm>> -> memref<256x20xi32, #tpu.memory_space<hbm>>
      tpu.enqueue_dma source(%dma_start3A_32 : memref<256x20xi32, #tpu.memory_space<hbm>>) target(%arg6 : memref<256x20xi32, #tpu.memory_space<vmem>>) target_semaphore(%run_scoped3A : memref<!tpu.dma_semaphore, #tpu.memory_space<semaphore_mem>>)
      %dma_wait3A = arith.constant 0 : i32
      %dma_wait3A_33 = tpu.memref_slice %arg3[%multiple_of3A_24, %dma_wait3A] : memref<1024x20xi32, #tpu.memory_space<hbm>> -> memref<256x20xi32, #tpu.memory_space<hbm>>
      %dma_wait3A_34 = arith.constant 0 : i32
      %dma_wait3A_35 = tpu.memref_slice %arg3[%multiple_of3A_24, %dma_wait3A_34] : memref<1024x20xi32, #tpu.memory_space<hbm>> -> memref<256x20xi32, #tpu.memory_space<hbm>>
      tpu.wait_dma2 semaphore(%run_scoped3A : memref<!tpu.dma_semaphore, #tpu.memory_space<semaphore_mem>>) src(%dma_wait3A_35 : memref<256x20xi32, #tpu.memory_space<hbm>>) dst(%arg6 : memref<256x20xi32, #tpu.memory_space<vmem>>)
      tpu.yield
    }) : () -> ()
    %iota3A = tpu.iota {dimensions = array<i32: 0>} : vector<16xi32>
    %scan3A = arith.constant 0 : i32
    %scan3A_25 = arith.constant 0 : i32
    %scan3A_26 = arith.constant 16 : i32
    %scan3A_27 = arith.addi %scan3A_25, %scan3A_26 : i32
    %scan3A_28 = arith.constant 1 : i32
    scf.for %scan3A_30 = %scan3A_25 to %scan3A_27 step %scan3A_28  : i32 {
      %mul3A_31 = arith.constant 16 : i32
      %mul3A_32 = arith.muli %scan3A_30, %mul3A_31 : i32
      %add3A_33 = vector.broadcast %mul3A_32 : i32 to vector<16xi32>
      %add3A_34 = arith.addi %add3A_33, %iota3A : vector<16xi32>
      %broadcast_in_dim3A = arith.constant 0 : i32
      %broadcast_in_dim3A_35 = vector.broadcast %broadcast_in_dim3A : i32 to vector<16xi32>
      %gather3A = tpu.vector_load_idx %arg6[%add3A_34, %broadcast_in_dim3A_35] : memref<256x20xi32, #tpu.memory_space<vmem>>[vector<16xi32>, vector<16xi32>], vector<16xi32>,
      %broadcast_in_dim3A_36 = arith.constant 1 : i32
      %broadcast_in_dim3A_37 = vector.broadcast %broadcast_in_dim3A_36 : i32 to vector<16xi32>
      %gather3A_38 = tpu.vector_load_idx %arg6[%add3A_34, %broadcast_in_dim3A_37] : memref<256x20xi32, #tpu.memory_space<vmem>>[vector<16xi32>, vector<16xi32>], vector<16xi32>,
      %broadcast_in_dim3A_39 = arith.constant 2 : i32
      %broadcast_in_dim3A_40 = vector.broadcast %broadcast_in_dim3A_39 : i32 to vector<16xi32>
      %gather3A_41 = tpu.vector_load_idx %arg6[%add3A_34, %broadcast_in_dim3A_40] : memref<256x20xi32, #tpu.memory_space<vmem>>[vector<16xi32>, vector<16xi32>], vector<16xi32>,
      %broadcast_in_dim3A_42 = arith.constant 3 : i32
      %broadcast_in_dim3A_43 = vector.broadcast %broadcast_in_dim3A_42 : i32 to vector<16xi32>
      %gather3A_44 = tpu.vector_load_idx %arg6[%add3A_34, %broadcast_in_dim3A_43] : memref<256x20xi32, #tpu.memory_space<vmem>>[vector<16xi32>, vector<16xi32>], vector<16xi32>,
      %broadcast_in_dim3A_45 = arith.constant 4 : i32
      %broadcast_in_dim3A_46 = vector.broadcast %broadcast_in_dim3A_45 : i32 to vector<16xi32>
      %gather3A_47 = tpu.vector_load_idx %arg6[%add3A_34, %broadcast_in_dim3A_46] : memref<256x20xi32, #tpu.memory_space<vmem>>[vector<16xi32>, vector<16xi32>], vector<16xi32>,
      %broadcast_in_dim3A_48 = arith.constant 5 : i32
      %broadcast_in_dim3A_49 = vector.broadcast %broadcast_in_dim3A_48 : i32 to vector<16xi32>
      %gather3A_50 = tpu.vector_load_idx %arg6[%add3A_34, %broadcast_in_dim3A_49] : memref<256x20xi32, #tpu.memory_space<vmem>>[vector<16xi32>, vector<16xi32>], vector<16xi32>,
      %broadcast_in_dim3A_51 = arith.constant 6 : i32
      %broadcast_in_dim3A_52 = vector.broadcast %broadcast_in_dim3A_51 : i32 to vector<16xi32>
      %gather3A_53 = tpu.vector_load_idx %arg6[%add3A_34, %broadcast_in_dim3A_52] : memref<256x20xi32, #tpu.memory_space<vmem>>[vector<16xi32>, vector<16xi32>], vector<16xi32>,
      %broadcast_in_dim3A_54 = arith.constant 7 : i32
      %broadcast_in_dim3A_55 = vector.broadcast %broadcast_in_dim3A_54 : i32 to vector<16xi32>
      %gather3A_56 = tpu.vector_load_idx %arg6[%add3A_34, %broadcast_in_dim3A_55] : memref<256x20xi32, #tpu.memory_space<vmem>>[vector<16xi32>, vector<16xi32>], vector<16xi32>,
      %broadcast_in_dim3A_57 = arith.constant 8 : i32
      %broadcast_in_dim3A_58 = vector.broadcast %broadcast_in_dim3A_57 : i32 to vector<16xi32>
      %gather3A_59 = tpu.vector_load_idx %arg6[%add3A_34, %broadcast_in_dim3A_58] : memref<256x20xi32, #tpu.memory_space<vmem>>[vector<16xi32>, vector<16xi32>], vector<16xi32>,
      %broadcast_in_dim3A_60 = arith.constant 9 : i32
      %broadcast_in_dim3A_61 = vector.broadcast %broadcast_in_dim3A_60 : i32 to vector<16xi32>
      %gather3A_62 = tpu.vector_load_idx %arg6[%add3A_34, %broadcast_in_dim3A_61] : memref<256x20xi32, #tpu.memory_space<vmem>>[vector<16xi32>, vector<16xi32>], vector<16xi32>,
      %broadcast_in_dim3A_63 = arith.constant 10 : i32
      %broadcast_in_dim3A_64 = vector.broadcast %broadcast_in_dim3A_63 : i32 to vector<16xi32>
      %gather3A_65 = tpu.vector_load_idx %arg6[%add3A_34, %broadcast_in_dim3A_64] : memref<256x20xi32, #tpu.memory_space<vmem>>[vector<16xi32>, vector<16xi32>], vector<16xi32>,
      %broadcast_in_dim3A_66 = arith.constant 11 : i32
      %broadcast_in_dim3A_67 = vector.broadcast %broadcast_in_dim3A_66 : i32 to vector<16xi32>
      %gather3A_68 = tpu.vector_load_idx %arg6[%add3A_34, %broadcast_in_dim3A_67] : memref<256x20xi32, #tpu.memory_space<vmem>>[vector<16xi32>, vector<16xi32>], vector<16xi32>,
      %broadcast_in_dim3A_69 = arith.constant 12 : i32
      %broadcast_in_dim3A_70 = vector.broadcast %broadcast_in_dim3A_69 : i32 to vector<16xi32>
      %gather3A_71 = tpu.vector_load_idx %arg6[%add3A_34, %broadcast_in_dim3A_70] : memref<256x20xi32, #tpu.memory_space<vmem>>[vector<16xi32>, vector<16xi32>], vector<16xi32>,
      %broadcast_in_dim3A_72 = arith.constant 13 : i32
      %broadcast_in_dim3A_73 = vector.broadcast %broadcast_in_dim3A_72 : i32 to vector<16xi32>
      %gather3A_74 = tpu.vector_load_idx %arg6[%add3A_34, %broadcast_in_dim3A_73] : memref<256x20xi32, #tpu.memory_space<vmem>>[vector<16xi32>, vector<16xi32>], vector<16xi32>,
      %broadcast_in_dim3A_75 = arith.constant 14 : i32
      %broadcast_in_dim3A_76 = vector.broadcast %broadcast_in_dim3A_75 : i32 to vector<16xi32>
      %gather3A_77 = tpu.vector_load_idx %arg6[%add3A_34, %broadcast_in_dim3A_76] : memref<256x20xi32, #tpu.memory_space<vmem>>[vector<16xi32>, vector<16xi32>], vector<16xi32>,
      %broadcast_in_dim3A_78 = arith.constant 15 : i32
      %broadcast_in_dim3A_79 = vector.broadcast %broadcast_in_dim3A_78 : i32 to vector<16xi32>
      %gather3A_80 = tpu.vector_load_idx %arg6[%add3A_34, %broadcast_in_dim3A_79] : memref<256x20xi32, #tpu.memory_space<vmem>>[vector<16xi32>, vector<16xi32>], vector<16xi32>,
      %broadcast_in_dim3A_81 = arith.constant 16 : i32
      %broadcast_in_dim3A_82 = vector.broadcast %broadcast_in_dim3A_81 : i32 to vector<16xi32>
      %gather3A_83 = tpu.vector_load_idx %arg6[%add3A_34, %broadcast_in_dim3A_82] : memref<256x20xi32, #tpu.memory_space<vmem>>[vector<16xi32>, vector<16xi32>], vector<16xi32>,
      %broadcast_in_dim3A_84 = arith.constant 17 : i32
      %broadcast_in_dim3A_85 = vector.broadcast %broadcast_in_dim3A_84 : i32 to vector<16xi32>
      %gather3A_86 = tpu.vector_load_idx %arg6[%add3A_34, %broadcast_in_dim3A_85] : memref<256x20xi32, #tpu.memory_space<vmem>>[vector<16xi32>, vector<16xi32>], vector<16xi32>,
      %broadcast_in_dim3A_87 = arith.constant 18 : i32
      %broadcast_in_dim3A_88 = vector.broadcast %broadcast_in_dim3A_87 : i32 to vector<16xi32>
      %gather3A_89 = tpu.vector_load_idx %arg6[%add3A_34, %broadcast_in_dim3A_88] : memref<256x20xi32, #tpu.memory_space<vmem>>[vector<16xi32>, vector<16xi32>], vector<16xi32>,
      %broadcast_in_dim3A_90 = arith.constant 19 : i32
      %broadcast_in_dim3A_91 = vector.broadcast %broadcast_in_dim3A_90 : i32 to vector<16xi32>
      %gather3A_92 = tpu.vector_load_idx %arg6[%add3A_34, %broadcast_in_dim3A_91] : memref<256x20xi32, #tpu.memory_space<vmem>>[vector<16xi32>, vector<16xi32>], vector<16xi32>,
      %scan3A_93 = arith.constant 0 : i32
      %scan3A_94 = arith.constant 0 : i32
      %scan3A_95 = arith.constant 48 : i32
      %scan3A_96 = arith.addi %scan3A_94, %scan3A_95 : i32
      %scan3A_97 = arith.constant 1 : i32
      scf.for %scan3A_99 = %scan3A_94 to %scan3A_96 step %scan3A_97  : i32 {
        %broadcast_in_dim3A_100 = vector.broadcast %scan3A_99 : i32 to vector<16xi32>
        %gather3A_101 = tpu.vector_load_idx %arg5[%broadcast_in_dim3A_100, %gather3A] : memref<48x1024xf32, #tpu.memory_space<vmem>>[vector<16xi32>, vector<16xi32>], vector<16xf32>,
        %gather3A_102 = tpu.vector_load_idx %arg5[%broadcast_in_dim3A_100, %gather3A_38] : memref<48x1024xf32, #tpu.memory_space<vmem>>[vector<16xi32>, vector<16xi32>], vector<16xf32>,
        %max3A = arith.maximumf %gather3A_101, %gather3A_102 : vector<16xf32>
        %gather3A_103 = tpu.vector_load_idx %arg5[%broadcast_in_dim3A_100, %gather3A_41] : memref<48x1024xf32, #tpu.memory_space<vmem>>[vector<16xi32>, vector<16xi32>], vector<16xf32>,
        %max3A_104 = arith.maximumf %max3A, %gather3A_103 : vector<16xf32>
        %gather3A_105 = tpu.vector_load_idx %arg5[%broadcast_in_dim3A_100, %gather3A_44] : memref<48x1024xf32, #tpu.memory_space<vmem>>[vector<16xi32>, vector<16xi32>], vector<16xf32>,
        %max3A_106 = arith.maximumf %max3A_104, %gather3A_105 : vector<16xf32>
        %gather3A_107 = tpu.vector_load_idx %arg5[%broadcast_in_dim3A_100, %gather3A_47] : memref<48x1024xf32, #tpu.memory_space<vmem>>[vector<16xi32>, vector<16xi32>], vector<16xf32>,
        %max3A_108 = arith.maximumf %max3A_106, %gather3A_107 : vector<16xf32>
        %gather3A_109 = tpu.vector_load_idx %arg5[%broadcast_in_dim3A_100, %gather3A_50] : memref<48x1024xf32, #tpu.memory_space<vmem>>[vector<16xi32>, vector<16xi32>], vector<16xf32>,
        %max3A_110 = arith.maximumf %max3A_108, %gather3A_109 : vector<16xf32>
        %gather3A_111 = tpu.vector_load_idx %arg5[%broadcast_in_dim3A_100, %gather3A_53] : memref<48x1024xf32, #tpu.memory_space<vmem>>[vector<16xi32>, vector<16xi32>], vector<16xf32>,
        %max3A_112 = arith.maximumf %max3A_110, %gather3A_111 : vector<16xf32>
        %gather3A_113 = tpu.vector_load_idx %arg5[%broadcast_in_dim3A_100, %gather3A_56] : memref<48x1024xf32, #tpu.memory_space<vmem>>[vector<16xi32>, vector<16xi32>], vector<16xf32>,
        %max3A_114 = arith.maximumf %max3A_112, %gather3A_113 : vector<16xf32>
        %gather3A_115 = tpu.vector_load_idx %arg5[%broadcast_in_dim3A_100, %gather3A_59] : memref<48x1024xf32, #tpu.memory_space<vmem>>[vector<16xi32>, vector<16xi32>], vector<16xf32>,
        %max3A_116 = arith.maximumf %max3A_114, %gather3A_115 : vector<16xf32>
        %gather3A_117 = tpu.vector_load_idx %arg5[%broadcast_in_dim3A_100, %gather3A_62] : memref<48x1024xf32, #tpu.memory_space<vmem>>[vector<16xi32>, vector<16xi32>], vector<16xf32>,
        %max3A_118 = arith.maximumf %max3A_116, %gather3A_117 : vector<16xf32>
        %gather3A_119 = tpu.vector_load_idx %arg5[%broadcast_in_dim3A_100, %gather3A_65] : memref<48x1024xf32, #tpu.memory_space<vmem>>[vector<16xi32>, vector<16xi32>], vector<16xf32>,
        %max3A_120 = arith.maximumf %max3A_118, %gather3A_119 : vector<16xf32>
        %gather3A_121 = tpu.vector_load_idx %arg5[%broadcast_in_dim3A_100, %gather3A_68] : memref<48x1024xf32, #tpu.memory_space<vmem>>[vector<16xi32>, vector<16xi32>], vector<16xf32>,
        %max3A_122 = arith.maximumf %max3A_120, %gather3A_121 : vector<16xf32>
        %gather3A_123 = tpu.vector_load_idx %arg5[%broadcast_in_dim3A_100, %gather3A_71] : memref<48x1024xf32, #tpu.memory_space<vmem>>[vector<16xi32>, vector<16xi32>], vector<16xf32>,
        %max3A_124 = arith.maximumf %max3A_122, %gather3A_123 : vector<16xf32>
        %gather3A_125 = tpu.vector_load_idx %arg5[%broadcast_in_dim3A_100, %gather3A_74] : memref<48x1024xf32, #tpu.memory_space<vmem>>[vector<16xi32>, vector<16xi32>], vector<16xf32>,
        %max3A_126 = arith.maximumf %max3A_124, %gather3A_125 : vector<16xf32>
        %gather3A_127 = tpu.vector_load_idx %arg5[%broadcast_in_dim3A_100, %gather3A_77] : memref<48x1024xf32, #tpu.memory_space<vmem>>[vector<16xi32>, vector<16xi32>], vector<16xf32>,
        %max3A_128 = arith.maximumf %max3A_126, %gather3A_127 : vector<16xf32>
        %gather3A_129 = tpu.vector_load_idx %arg5[%broadcast_in_dim3A_100, %gather3A_80] : memref<48x1024xf32, #tpu.memory_space<vmem>>[vector<16xi32>, vector<16xi32>], vector<16xf32>,
        %max3A_130 = arith.maximumf %max3A_128, %gather3A_129 : vector<16xf32>
        %gather3A_131 = tpu.vector_load_idx %arg5[%broadcast_in_dim3A_100, %gather3A_83] : memref<48x1024xf32, #tpu.memory_space<vmem>>[vector<16xi32>, vector<16xi32>], vector<16xf32>,
        %max3A_132 = arith.maximumf %max3A_130, %gather3A_131 : vector<16xf32>
        %gather3A_133 = tpu.vector_load_idx %arg5[%broadcast_in_dim3A_100, %gather3A_86] : memref<48x1024xf32, #tpu.memory_space<vmem>>[vector<16xi32>, vector<16xi32>], vector<16xf32>,
        %max3A_134 = arith.maximumf %max3A_132, %gather3A_133 : vector<16xf32>
        %gather3A_135 = tpu.vector_load_idx %arg5[%broadcast_in_dim3A_100, %gather3A_89] : memref<48x1024xf32, #tpu.memory_space<vmem>>[vector<16xi32>, vector<16xi32>], vector<16xf32>,
        %max3A_136 = arith.maximumf %max3A_134, %gather3A_135 : vector<16xf32>
        %gather3A_137 = tpu.vector_load_idx %arg5[%broadcast_in_dim3A_100, %gather3A_92] : memref<48x1024xf32, #tpu.memory_space<vmem>>[vector<16xi32>, vector<16xi32>], vector<16xf32>,
        %max3A_138 = arith.maximumf %max3A_136, %gather3A_137 : vector<16xf32>
        %swap3A = arith.index_cast %scan3A_99 : i32 to index
        %swap3A_139 = arith.index_cast %mul3A_32 : i32 to index
        %swap3A_140 = tpu.vector_load %arg7[%swap3A, %swap3A_139] {strides = array<i32>} : memref<48x256xf32, #tpu.memory_space<vmem>>, vector<16xf32>,
        tpu.vector_store %arg7[%swap3A, %swap3A_139], %max3A_138 {strides = array<i32>} : memref<48x256xf32, #tpu.memory_space<vmem>>, vector<16xf32>,
      }
      %scan3A_98 = arith.constant 48 : i32
    }
    %scan3A_29 = arith.constant 16 : i32
    "tpu.region"() ({
      %run_scoped3A = tpu.sem_alloc : memref<!tpu.dma_semaphore, #tpu.memory_space<semaphore_mem>>
      %dma_start3A = tpu.memref_slice %arg4[%multiple_of3A, %multiple_of3A_24] : memref<384x1024xf32, #tpu.memory_space<hbm>> -> memref<48x256xf32, #tpu.memory_space<hbm>>
      %dma_start3A_30 = tpu.memref_slice %arg4[%multiple_of3A, %multiple_of3A_24] : memref<384x1024xf32, #tpu.memory_space<hbm>> -> memref<48x256xf32, #tpu.memory_space<hbm>>
      tpu.enqueue_dma source(%arg7 : memref<48x256xf32, #tpu.memory_space<vmem>>) target(%dma_start3A_30 : memref<48x256xf32, #tpu.memory_space<hbm>>) target_semaphore(%run_scoped3A : memref<!tpu.dma_semaphore, #tpu.memory_space<semaphore_mem>>)
      %dma_wait3A = tpu.memref_slice %arg4[%multiple_of3A, %multiple_of3A_24] : memref<384x1024xf32, #tpu.memory_space<hbm>> -> memref<48x256xf32, #tpu.memory_space<hbm>>
      %dma_wait3A_31 = tpu.memref_slice %arg4[%multiple_of3A, %multiple_of3A_24] : memref<384x1024xf32, #tpu.memory_space<hbm>> -> memref<48x256xf32, #tpu.memory_space<hbm>>
      tpu.wait_dma2 semaphore(%run_scoped3A : memref<!tpu.dma_semaphore, #tpu.memory_space<semaphore_mem>>) src(%arg7 : memref<48x256xf32, #tpu.memory_space<vmem>>) dst(%dma_wait3A_31 : memref<48x256xf32, #tpu.memory_space<hbm>>)
      tpu.yield
    }) : () -> ()
    return
  }
}

module attributes {stable_mosaic.version = 14 : i64} {
  func.func @_tc1_body(%arg0: i32, %arg1: memref<1x384x1024xf32, #tpu.memory_space<vmem>>, %arg2: memref<384x768xf32, #tpu.memory_space<vmem>>, %arg3: memref<384x1024xf32, #tpu.memory_space<vmem>>, %arg4: memref<384x1024xf32, #tpu.memory_space<vmem>>, %arg5: memref<1024x20xi32, #tpu.memory_space<vmem>>, %arg6: memref<1024x1024xf32, #tpu.memory_space<vmem>>) attributes {dimension_semantics = [#tpu.dimension_semantics<arbitrary>], iteration_bounds = array<i64: 1>, scalar_prefetch = 0 : i64, scratch_operands = 0 : i64, tpu.core_type = #tpu.core_type<tc>, window_params = [{transform_indices = @transform_0, window_bounds = array<i64: 1, 384, 1024>}, {pipeline_mode = #tpu.pipeline_mode<synchronous>, transform_indices = @transform_1, window_bounds = array<i64: 384, 768>}, {pipeline_mode = #tpu.pipeline_mode<synchronous>, transform_indices = @transform_2, window_bounds = array<i64: 384, 1024>}, {pipeline_mode = #tpu.pipeline_mode<synchronous>, transform_indices = @transform_3, window_bounds = array<i64: 384, 1024>}, {pipeline_mode = #tpu.pipeline_mode<synchronous>, transform_indices = @transform_4, window_bounds = array<i64: 1024, 20>}, {pipeline_mode = #tpu.pipeline_mode<synchronous>, transform_indices = @transform_5, window_bounds = array<i64: 1024, 1024>}]} {
    %get3A = arith.constant 0 : index
    %get3A_0 = arith.constant 0 : index
    %get3A_1 = arith.constant 0 : index
    %get3A_2 = vector.load %arg1[%get3A, %get3A_0, %get3A_1] : memref<1x384x1024xf32, #tpu.memory_space<vmem>>, vector<1x384x1024xf32>
    %get3A_3 = vector.shape_cast %get3A_2 : vector<1x384x1024xf32> to vector<384x1024xf32>
    %get3A_4 = arith.constant 0 : index
    %get3A_5 = arith.constant 0 : index
    %get3A_6 = vector.load %arg2[%get3A_4, %get3A_5] : memref<384x768xf32, #tpu.memory_space<vmem>>, vector<384x384xf32>
    %get3A_7 = arith.constant 0 : index
    %get3A_8 = arith.constant 384 : index
    %get3A_9 = vector.load %arg2[%get3A_7, %get3A_8] : memref<384x768xf32, #tpu.memory_space<vmem>>, vector<384x384xf32>
    %sub3A = arith.subf %get3A_9, %get3A_6 : vector<384x384xf32>
    %concatenate3A = tpu.concatenate %get3A_6, %sub3A in 0 : vector<384x384xf32>, vector<384x384xf32> -> vector<768x384xf32>
    %dot_general3A = arith.constant dense<0.000000e+00> : vector<768x1024xf32>
    %dot_general3A_10 = tpu.matmul %concatenate3A, %get3A_3, %dot_general3A {dimension_numbers = #tpu.dot_dimension_numbers<[1], [0], [0], [1], [0, 0, 1, 1], [], []>, transpose_lhs_hint = false} : vector<768x384xf32>, vector<384x1024xf32>, vector<768x1024xf32> -> vector<768x1024xf32>
    %slice3A = vector.extract_strided_slice %dot_general3A_10 {offsets = [0, 0], sizes = [384, 1024], strides = [1, 1]} : vector<768x1024xf32> to vector<384x1024xf32>
    %swap3A = arith.constant 0 : index
    %swap3A_11 = arith.constant 0 : index
    %swap3A_12 = vector.load %arg3[%swap3A, %swap3A_11] : memref<384x1024xf32, #tpu.memory_space<vmem>>, vector<384x1024xf32>
    tpu.vector_store %arg3[%swap3A, %swap3A_11], %slice3A {strides = array<i32>} : memref<384x1024xf32, #tpu.memory_space<vmem>>, vector<384x1024xf32>,
    %slice3A_13 = vector.extract_strided_slice %dot_general3A_10 {offsets = [384, 0], sizes = [384, 1024], strides = [1, 1]} : vector<768x1024xf32> to vector<384x1024xf32>
    %swap3A_14 = arith.constant 0 : index
    %swap3A_15 = arith.constant 0 : index
    %swap3A_16 = vector.load %arg4[%swap3A_14, %swap3A_15] : memref<384x1024xf32, #tpu.memory_space<vmem>>, vector<384x1024xf32>
    tpu.vector_store %arg4[%swap3A_14, %swap3A_15], %slice3A_13 {strides = array<i32>} : memref<384x1024xf32, #tpu.memory_space<vmem>>, vector<384x1024xf32>,
    %dot_general3A_17 = arith.constant dense<0.000000e+00> : vector<1024x1024xf32>
    %dot_general3A_18 = tpu.matmul %get3A_3, %get3A_3, %dot_general3A_17 {dimension_numbers = #tpu.dot_dimension_numbers<[0], [0], [1], [1], [0, 1, 1, 1], [], []>, transpose_lhs_hint = false} : vector<384x1024xf32>, vector<384x1024xf32>, vector<1024x1024xf32> -> vector<1024x1024xf32>
    %mul3A = arith.mulf %get3A_3, %get3A_3 : vector<384x1024xf32>
    %reduce_sum3A = arith.constant dense<0.000000e+00> : vector<1024xf32>
    %reduce_sum3A_19 = vector.multi_reduction <add>, %mul3A, %reduce_sum3A [0] : vector<384x1024xf32> to vector<1024xf32>
    %mul3A_20 = arith.constant 2.000000e+00 : f32
    %mul3A_21 = vector.broadcast %mul3A_20 : f32 to vector<1024x1024xf32>
    %mul3A_22 = arith.mulf %mul3A_21, %dot_general3A_18 : vector<1024x1024xf32>
    %broadcast_in_dim3A = vector.shape_cast %reduce_sum3A_19 : vector<1024xf32> to vector<1024x1xf32>
    %sub3A_23 = vector.broadcast %broadcast_in_dim3A : vector<1024x1xf32> to vector<1024x1024xf32>
    %sub3A_24 = arith.subf %mul3A_22, %sub3A_23 : vector<1024x1024xf32>
    %broadcast_in_dim3A_25 = vector.shape_cast %reduce_sum3A_19 : vector<1024xf32> to vector<1x1024xf32>
    %sub3A_26 = vector.broadcast %broadcast_in_dim3A_25 : vector<1x1024xf32> to vector<1024x1024xf32>
    %sub3A_27 = arith.subf %sub3A_24, %sub3A_26 : vector<1024x1024xf32>
    %iota3A = tpu.iota {dimensions = array<i32: 1>} : vector<1024x1024xi32>
    %reduce_max3A = arith.constant dense<0xFF800000> : vector<1024xf32>
    %reduce_max3A_28 = vector.multi_reduction <maximumf>, %sub3A_27, %reduce_max3A [1] : vector<1024x1024xf32> to vector<1024xf32>
    %broadcast_in_dim3A_29 = vector.shape_cast %reduce_max3A_28 : vector<1024xf32> to vector<1024x1xf32>
    %eq3A = vector.broadcast %broadcast_in_dim3A_29 : vector<1024x1xf32> to vector<1024x1024xf32>
    %eq3A_30 = arith.cmpf oeq, %sub3A_27, %eq3A : vector<1024x1024xf32>
    %jit3A = arith.constant 1024 : i32
    %broadcast_in_dim3A_31 = vector.broadcast %jit3A : i32 to vector<1024x1024xi32>
    %select_n3A = arith.select %eq3A_30, %iota3A, %broadcast_in_dim3A_31 : vector<1024x1024xi1>, vector<1024x1024xi32>
    %reduce_min3A = arith.constant dense<2147483647> : vector<1024xi32>
    %reduce_min3A_32 = vector.multi_reduction <minsi>, %select_n3A, %reduce_min3A [1] : vector<1024x1024xi32> to vector<1024xi32>
    %broadcast_in_dim3A_33 = vector.shape_cast %reduce_min3A_32 : vector<1024xi32> to vector<1024x1xi32>
    %swap3A_34 = arith.constant 0 : index
    %swap3A_35 = arith.constant 0 : index
    %swap3A_36 = vector.load %arg5[%swap3A_34, %swap3A_35] : memref<1024x20xi32, #tpu.memory_space<vmem>>, vector<1024x1xi32>
    tpu.vector_store %arg5[%swap3A_34, %swap3A_35], %broadcast_in_dim3A_33 {strides = array<i32>} : memref<1024x20xi32, #tpu.memory_space<vmem>>, vector<1024x1xi32>,
    %jit3A_37 = arith.constant 0xFF800000 : f32
    %broadcast_in_dim3A_38 = vector.broadcast %jit3A_37 : f32 to vector<1024x1024xf32>
    %select_n3A_39 = arith.select %eq3A_30, %broadcast_in_dim3A_38, %sub3A_27 : vector<1024x1024xi1>, vector<1024x1024xf32>
    %reduce_max3A_40 = arith.constant dense<0xFF800000> : vector<1024xf32>
    %reduce_max3A_41 = vector.multi_reduction <maximumf>, %select_n3A_39, %reduce_max3A_40 [1] : vector<1024x1024xf32> to vector<1024xf32>
    %broadcast_in_dim3A_42 = vector.shape_cast %reduce_max3A_41 : vector<1024xf32> to vector<1024x1xf32>
    %eq3A_43 = vector.broadcast %broadcast_in_dim3A_42 : vector<1024x1xf32> to vector<1024x1024xf32>
    %eq3A_44 = arith.cmpf oeq, %select_n3A_39, %eq3A_43 : vector<1024x1024xf32>
    %jit3A_45 = arith.constant 1024 : i32
    %broadcast_in_dim3A_46 = vector.broadcast %jit3A_45 : i32 to vector<1024x1024xi32>
    %select_n3A_47 = arith.select %eq3A_44, %iota3A, %broadcast_in_dim3A_46 : vector<1024x1024xi1>, vector<1024x1024xi32>
    %reduce_min3A_48 = arith.constant dense<2147483647> : vector<1024xi32>
    %reduce_min3A_49 = vector.multi_reduction <minsi>, %select_n3A_47, %reduce_min3A_48 [1] : vector<1024x1024xi32> to vector<1024xi32>
    %broadcast_in_dim3A_50 = vector.shape_cast %reduce_min3A_49 : vector<1024xi32> to vector<1024x1xi32>
    %swap3A_51 = arith.constant 0 : index
    %swap3A_52 = arith.constant 1 : index
    %swap3A_53 = vector.load %arg5[%swap3A_51, %swap3A_52] : memref<1024x20xi32, #tpu.memory_space<vmem>>, vector<1024x1xi32>
    tpu.vector_store %arg5[%swap3A_51, %swap3A_52], %broadcast_in_dim3A_50 {strides = array<i32>} : memref<1024x20xi32, #tpu.memory_space<vmem>>, vector<1024x1xi32>,
    %jit3A_54 = arith.constant 0xFF800000 : f32
    %broadcast_in_dim3A_55 = vector.broadcast %jit3A_54 : f32 to vector<1024x1024xf32>
    %select_n3A_56 = arith.select %eq3A_44, %broadcast_in_dim3A_55, %select_n3A_39 : vector<1024x1024xi1>, vector<1024x1024xf32>
    %reduce_max3A_57 = arith.constant dense<0xFF800000> : vector<1024xf32>
    %reduce_max3A_58 = vector.multi_reduction <maximumf>, %select_n3A_56, %reduce_max3A_57 [1] : vector<1024x1024xf32> to vector<1024xf32>
    %broadcast_in_dim3A_59 = vector.shape_cast %reduce_max3A_58 : vector<1024xf32> to vector<1024x1xf32>
    %eq3A_60 = vector.broadcast %broadcast_in_dim3A_59 : vector<1024x1xf32> to vector<1024x1024xf32>
    %eq3A_61 = arith.cmpf oeq, %select_n3A_56, %eq3A_60 : vector<1024x1024xf32>
    %jit3A_62 = arith.constant 1024 : i32
    %broadcast_in_dim3A_63 = vector.broadcast %jit3A_62 : i32 to vector<1024x1024xi32>
    %select_n3A_64 = arith.select %eq3A_61, %iota3A, %broadcast_in_dim3A_63 : vector<1024x1024xi1>, vector<1024x1024xi32>
    %reduce_min3A_65 = arith.constant dense<2147483647> : vector<1024xi32>
    %reduce_min3A_66 = vector.multi_reduction <minsi>, %select_n3A_64, %reduce_min3A_65 [1] : vector<1024x1024xi32> to vector<1024xi32>
    %broadcast_in_dim3A_67 = vector.shape_cast %reduce_min3A_66 : vector<1024xi32> to vector<1024x1xi32>
    %swap3A_68 = arith.constant 0 : index
    %swap3A_69 = arith.constant 2 : index
    %swap3A_70 = vector.load %arg5[%swap3A_68, %swap3A_69] : memref<1024x20xi32, #tpu.memory_space<vmem>>, vector<1024x1xi32>
    tpu.vector_store %arg5[%swap3A_68, %swap3A_69], %broadcast_in_dim3A_67 {strides = array<i32>} : memref<1024x20xi32, #tpu.memory_space<vmem>>, vector<1024x1xi32>,
    %jit3A_71 = arith.constant 0xFF800000 : f32
    %broadcast_in_dim3A_72 = vector.broadcast %jit3A_71 : f32 to vector<1024x1024xf32>
    %select_n3A_73 = arith.select %eq3A_61, %broadcast_in_dim3A_72, %select_n3A_56 : vector<1024x1024xi1>, vector<1024x1024xf32>
    %reduce_max3A_74 = arith.constant dense<0xFF800000> : vector<1024xf32>
    %reduce_max3A_75 = vector.multi_reduction <maximumf>, %select_n3A_73, %reduce_max3A_74 [1] : vector<1024x1024xf32> to vector<1024xf32>
    %broadcast_in_dim3A_76 = vector.shape_cast %reduce_max3A_75 : vector<1024xf32> to vector<1024x1xf32>
    %eq3A_77 = vector.broadcast %broadcast_in_dim3A_76 : vector<1024x1xf32> to vector<1024x1024xf32>
    %eq3A_78 = arith.cmpf oeq, %select_n3A_73, %eq3A_77 : vector<1024x1024xf32>
    %jit3A_79 = arith.constant 1024 : i32
    %broadcast_in_dim3A_80 = vector.broadcast %jit3A_79 : i32 to vector<1024x1024xi32>
    %select_n3A_81 = arith.select %eq3A_78, %iota3A, %broadcast_in_dim3A_80 : vector<1024x1024xi1>, vector<1024x1024xi32>
    %reduce_min3A_82 = arith.constant dense<2147483647> : vector<1024xi32>
    %reduce_min3A_83 = vector.multi_reduction <minsi>, %select_n3A_81, %reduce_min3A_82 [1] : vector<1024x1024xi32> to vector<1024xi32>
    %broadcast_in_dim3A_84 = vector.shape_cast %reduce_min3A_83 : vector<1024xi32> to vector<1024x1xi32>
    %swap3A_85 = arith.constant 0 : index
    %swap3A_86 = arith.constant 3 : index
    %swap3A_87 = vector.load %arg5[%swap3A_85, %swap3A_86] : memref<1024x20xi32, #tpu.memory_space<vmem>>, vector<1024x1xi32>
    tpu.vector_store %arg5[%swap3A_85, %swap3A_86], %broadcast_in_dim3A_84 {strides = array<i32>} : memref<1024x20xi32, #tpu.memory_space<vmem>>, vector<1024x1xi32>,
    %jit3A_88 = arith.constant 0xFF800000 : f32
    %broadcast_in_dim3A_89 = vector.broadcast %jit3A_88 : f32 to vector<1024x1024xf32>
    %select_n3A_90 = arith.select %eq3A_78, %broadcast_in_dim3A_89, %select_n3A_73 : vector<1024x1024xi1>, vector<1024x1024xf32>
    %reduce_max3A_91 = arith.constant dense<0xFF800000> : vector<1024xf32>
    %reduce_max3A_92 = vector.multi_reduction <maximumf>, %select_n3A_90, %reduce_max3A_91 [1] : vector<1024x1024xf32> to vector<1024xf32>
    %broadcast_in_dim3A_93 = vector.shape_cast %reduce_max3A_92 : vector<1024xf32> to vector<1024x1xf32>
    %eq3A_94 = vector.broadcast %broadcast_in_dim3A_93 : vector<1024x1xf32> to vector<1024x1024xf32>
    %eq3A_95 = arith.cmpf oeq, %select_n3A_90, %eq3A_94 : vector<1024x1024xf32>
    %jit3A_96 = arith.constant 1024 : i32
    %broadcast_in_dim3A_97 = vector.broadcast %jit3A_96 : i32 to vector<1024x1024xi32>
    %select_n3A_98 = arith.select %eq3A_95, %iota3A, %broadcast_in_dim3A_97 : vector<1024x1024xi1>, vector<1024x1024xi32>
    %reduce_min3A_99 = arith.constant dense<2147483647> : vector<1024xi32>
    %reduce_min3A_100 = vector.multi_reduction <minsi>, %select_n3A_98, %reduce_min3A_99 [1] : vector<1024x1024xi32> to vector<1024xi32>
    %broadcast_in_dim3A_101 = vector.shape_cast %reduce_min3A_100 : vector<1024xi32> to vector<1024x1xi32>
    %swap3A_102 = arith.constant 0 : index
    %swap3A_103 = arith.constant 4 : index
    %swap3A_104 = vector.load %arg5[%swap3A_102, %swap3A_103] : memref<1024x20xi32, #tpu.memory_space<vmem>>, vector<1024x1xi32>
    tpu.vector_store %arg5[%swap3A_102, %swap3A_103], %broadcast_in_dim3A_101 {strides = array<i32>} : memref<1024x20xi32, #tpu.memory_space<vmem>>, vector<1024x1xi32>,
    %jit3A_105 = arith.constant 0xFF800000 : f32
    %broadcast_in_dim3A_106 = vector.broadcast %jit3A_105 : f32 to vector<1024x1024xf32>
    %select_n3A_107 = arith.select %eq3A_95, %broadcast_in_dim3A_106, %select_n3A_90 : vector<1024x1024xi1>, vector<1024x1024xf32>
    %reduce_max3A_108 = arith.constant dense<0xFF800000> : vector<1024xf32>
    %reduce_max3A_109 = vector.multi_reduction <maximumf>, %select_n3A_107, %reduce_max3A_108 [1] : vector<1024x1024xf32> to vector<1024xf32>
    %broadcast_in_dim3A_110 = vector.shape_cast %reduce_max3A_109 : vector<1024xf32> to vector<1024x1xf32>
    %eq3A_111 = vector.broadcast %broadcast_in_dim3A_110 : vector<1024x1xf32> to vector<1024x1024xf32>
    %eq3A_112 = arith.cmpf oeq, %select_n3A_107, %eq3A_111 : vector<1024x1024xf32>
    %jit3A_113 = arith.constant 1024 : i32
    %broadcast_in_dim3A_114 = vector.broadcast %jit3A_113 : i32 to vector<1024x1024xi32>
    %select_n3A_115 = arith.select %eq3A_112, %iota3A, %broadcast_in_dim3A_114 : vector<1024x1024xi1>, vector<1024x1024xi32>
    %reduce_min3A_116 = arith.constant dense<2147483647> : vector<1024xi32>
    %reduce_min3A_117 = vector.multi_reduction <minsi>, %select_n3A_115, %reduce_min3A_116 [1] : vector<1024x1024xi32> to vector<1024xi32>
    %broadcast_in_dim3A_118 = vector.shape_cast %reduce_min3A_117 : vector<1024xi32> to vector<1024x1xi32>
    %swap3A_119 = arith.constant 0 : index
    %swap3A_120 = arith.constant 5 : index
    %swap3A_121 = vector.load %arg5[%swap3A_119, %swap3A_120] : memref<1024x20xi32, #tpu.memory_space<vmem>>, vector<1024x1xi32>
    tpu.vector_store %arg5[%swap3A_119, %swap3A_120], %broadcast_in_dim3A_118 {strides = array<i32>} : memref<1024x20xi32, #tpu.memory_space<vmem>>, vector<1024x1xi32>,
    %jit3A_122 = arith.constant 0xFF800000 : f32
    %broadcast_in_dim3A_123 = vector.broadcast %jit3A_122 : f32 to vector<1024x1024xf32>
    %select_n3A_124 = arith.select %eq3A_112, %broadcast_in_dim3A_123, %select_n3A_107 : vector<1024x1024xi1>, vector<1024x1024xf32>
    %reduce_max3A_125 = arith.constant dense<0xFF800000> : vector<1024xf32>
    %reduce_max3A_126 = vector.multi_reduction <maximumf>, %select_n3A_124, %reduce_max3A_125 [1] : vector<1024x1024xf32> to vector<1024xf32>
    %broadcast_in_dim3A_127 = vector.shape_cast %reduce_max3A_126 : vector<1024xf32> to vector<1024x1xf32>
    %eq3A_128 = vector.broadcast %broadcast_in_dim3A_127 : vector<1024x1xf32> to vector<1024x1024xf32>
    %eq3A_129 = arith.cmpf oeq, %select_n3A_124, %eq3A_128 : vector<1024x1024xf32>
    %jit3A_130 = arith.constant 1024 : i32
    %broadcast_in_dim3A_131 = vector.broadcast %jit3A_130 : i32 to vector<1024x1024xi32>
    %select_n3A_132 = arith.select %eq3A_129, %iota3A, %broadcast_in_dim3A_131 : vector<1024x1024xi1>, vector<1024x1024xi32>
    %reduce_min3A_133 = arith.constant dense<2147483647> : vector<1024xi32>
    %reduce_min3A_134 = vector.multi_reduction <minsi>, %select_n3A_132, %reduce_min3A_133 [1] : vector<1024x1024xi32> to vector<1024xi32>
    %broadcast_in_dim3A_135 = vector.shape_cast %reduce_min3A_134 : vector<1024xi32> to vector<1024x1xi32>
    %swap3A_136 = arith.constant 0 : index
    %swap3A_137 = arith.constant 6 : index
    %swap3A_138 = vector.load %arg5[%swap3A_136, %swap3A_137] : memref<1024x20xi32, #tpu.memory_space<vmem>>, vector<1024x1xi32>
    tpu.vector_store %arg5[%swap3A_136, %swap3A_137], %broadcast_in_dim3A_135 {strides = array<i32>} : memref<1024x20xi32, #tpu.memory_space<vmem>>, vector<1024x1xi32>,
    %jit3A_139 = arith.constant 0xFF800000 : f32
    %broadcast_in_dim3A_140 = vector.broadcast %jit3A_139 : f32 to vector<1024x1024xf32>
    %select_n3A_141 = arith.select %eq3A_129, %broadcast_in_dim3A_140, %select_n3A_124 : vector<1024x1024xi1>, vector<1024x1024xf32>
    %reduce_max3A_142 = arith.constant dense<0xFF800000> : vector<1024xf32>
    %reduce_max3A_143 = vector.multi_reduction <maximumf>, %select_n3A_141, %reduce_max3A_142 [1] : vector<1024x1024xf32> to vector<1024xf32>
    %broadcast_in_dim3A_144 = vector.shape_cast %reduce_max3A_143 : vector<1024xf32> to vector<1024x1xf32>
    %eq3A_145 = vector.broadcast %broadcast_in_dim3A_144 : vector<1024x1xf32> to vector<1024x1024xf32>
    %eq3A_146 = arith.cmpf oeq, %select_n3A_141, %eq3A_145 : vector<1024x1024xf32>
    %jit3A_147 = arith.constant 1024 : i32
    %broadcast_in_dim3A_148 = vector.broadcast %jit3A_147 : i32 to vector<1024x1024xi32>
    %select_n3A_149 = arith.select %eq3A_146, %iota3A, %broadcast_in_dim3A_148 : vector<1024x1024xi1>, vector<1024x1024xi32>
    %reduce_min3A_150 = arith.constant dense<2147483647> : vector<1024xi32>
    %reduce_min3A_151 = vector.multi_reduction <minsi>, %select_n3A_149, %reduce_min3A_150 [1] : vector<1024x1024xi32> to vector<1024xi32>
    %broadcast_in_dim3A_152 = vector.shape_cast %reduce_min3A_151 : vector<1024xi32> to vector<1024x1xi32>
    %swap3A_153 = arith.constant 0 : index
    %swap3A_154 = arith.constant 7 : index
    %swap3A_155 = vector.load %arg5[%swap3A_153, %swap3A_154] : memref<1024x20xi32, #tpu.memory_space<vmem>>, vector<1024x1xi32>
    tpu.vector_store %arg5[%swap3A_153, %swap3A_154], %broadcast_in_dim3A_152 {strides = array<i32>} : memref<1024x20xi32, #tpu.memory_space<vmem>>, vector<1024x1xi32>,
    %jit3A_156 = arith.constant 0xFF800000 : f32
    %broadcast_in_dim3A_157 = vector.broadcast %jit3A_156 : f32 to vector<1024x1024xf32>
    %select_n3A_158 = arith.select %eq3A_146, %broadcast_in_dim3A_157, %select_n3A_141 : vector<1024x1024xi1>, vector<1024x1024xf32>
    %reduce_max3A_159 = arith.constant dense<0xFF800000> : vector<1024xf32>
    %reduce_max3A_160 = vector.multi_reduction <maximumf>, %select_n3A_158, %reduce_max3A_159 [1] : vector<1024x1024xf32> to vector<1024xf32>
    %broadcast_in_dim3A_161 = vector.shape_cast %reduce_max3A_160 : vector<1024xf32> to vector<1024x1xf32>
    %eq3A_162 = vector.broadcast %broadcast_in_dim3A_161 : vector<1024x1xf32> to vector<1024x1024xf32>
    %eq3A_163 = arith.cmpf oeq, %select_n3A_158, %eq3A_162 : vector<1024x1024xf32>
    %jit3A_164 = arith.constant 1024 : i32
    %broadcast_in_dim3A_165 = vector.broadcast %jit3A_164 : i32 to vector<1024x1024xi32>
    %select_n3A_166 = arith.select %eq3A_163, %iota3A, %broadcast_in_dim3A_165 : vector<1024x1024xi1>, vector<1024x1024xi32>
    %reduce_min3A_167 = arith.constant dense<2147483647> : vector<1024xi32>
    %reduce_min3A_168 = vector.multi_reduction <minsi>, %select_n3A_166, %reduce_min3A_167 [1] : vector<1024x1024xi32> to vector<1024xi32>
    %broadcast_in_dim3A_169 = vector.shape_cast %reduce_min3A_168 : vector<1024xi32> to vector<1024x1xi32>
    %swap3A_170 = arith.constant 0 : index
    %swap3A_171 = arith.constant 8 : index
    %swap3A_172 = vector.load %arg5[%swap3A_170, %swap3A_171] : memref<1024x20xi32, #tpu.memory_space<vmem>>, vector<1024x1xi32>
    tpu.vector_store %arg5[%swap3A_170, %swap3A_171], %broadcast_in_dim3A_169 {strides = array<i32>} : memref<1024x20xi32, #tpu.memory_space<vmem>>, vector<1024x1xi32>,
    %jit3A_173 = arith.constant 0xFF800000 : f32
    %broadcast_in_dim3A_174 = vector.broadcast %jit3A_173 : f32 to vector<1024x1024xf32>
    %select_n3A_175 = arith.select %eq3A_163, %broadcast_in_dim3A_174, %select_n3A_158 : vector<1024x1024xi1>, vector<1024x1024xf32>
    %reduce_max3A_176 = arith.constant dense<0xFF800000> : vector<1024xf32>
    %reduce_max3A_177 = vector.multi_reduction <maximumf>, %select_n3A_175, %reduce_max3A_176 [1] : vector<1024x1024xf32> to vector<1024xf32>
    %broadcast_in_dim3A_178 = vector.shape_cast %reduce_max3A_177 : vector<1024xf32> to vector<1024x1xf32>
    %eq3A_179 = vector.broadcast %broadcast_in_dim3A_178 : vector<1024x1xf32> to vector<1024x1024xf32>
    %eq3A_180 = arith.cmpf oeq, %select_n3A_175, %eq3A_179 : vector<1024x1024xf32>
    %jit3A_181 = arith.constant 1024 : i32
    %broadcast_in_dim3A_182 = vector.broadcast %jit3A_181 : i32 to vector<1024x1024xi32>
    %select_n3A_183 = arith.select %eq3A_180, %iota3A, %broadcast_in_dim3A_182 : vector<1024x1024xi1>, vector<1024x1024xi32>
    %reduce_min3A_184 = arith.constant dense<2147483647> : vector<1024xi32>
    %reduce_min3A_185 = vector.multi_reduction <minsi>, %select_n3A_183, %reduce_min3A_184 [1] : vector<1024x1024xi32> to vector<1024xi32>
    %broadcast_in_dim3A_186 = vector.shape_cast %reduce_min3A_185 : vector<1024xi32> to vector<1024x1xi32>
    %swap3A_187 = arith.constant 0 : index
    %swap3A_188 = arith.constant 9 : index
    %swap3A_189 = vector.load %arg5[%swap3A_187, %swap3A_188] : memref<1024x20xi32, #tpu.memory_space<vmem>>, vector<1024x1xi32>
    tpu.vector_store %arg5[%swap3A_187, %swap3A_188], %broadcast_in_dim3A_186 {strides = array<i32>} : memref<1024x20xi32, #tpu.memory_space<vmem>>, vector<1024x1xi32>,
    %jit3A_190 = arith.constant 0xFF800000 : f32
    %broadcast_in_dim3A_191 = vector.broadcast %jit3A_190 : f32 to vector<1024x1024xf32>
    %select_n3A_192 = arith.select %eq3A_180, %broadcast_in_dim3A_191, %select_n3A_175 : vector<1024x1024xi1>, vector<1024x1024xf32>
    %reduce_max3A_193 = arith.constant dense<0xFF800000> : vector<1024xf32>
    %reduce_max3A_194 = vector.multi_reduction <maximumf>, %select_n3A_192, %reduce_max3A_193 [1] : vector<1024x1024xf32> to vector<1024xf32>
    %broadcast_in_dim3A_195 = vector.shape_cast %reduce_max3A_194 : vector<1024xf32> to vector<1024x1xf32>
    %eq3A_196 = vector.broadcast %broadcast_in_dim3A_195 : vector<1024x1xf32> to vector<1024x1024xf32>
    %eq3A_197 = arith.cmpf oeq, %select_n3A_192, %eq3A_196 : vector<1024x1024xf32>
    %jit3A_198 = arith.constant 1024 : i32
    %broadcast_in_dim3A_199 = vector.broadcast %jit3A_198 : i32 to vector<1024x1024xi32>
    %select_n3A_200 = arith.select %eq3A_197, %iota3A, %broadcast_in_dim3A_199 : vector<1024x1024xi1>, vector<1024x1024xi32>
    %reduce_min3A_201 = arith.constant dense<2147483647> : vector<1024xi32>
    %reduce_min3A_202 = vector.multi_reduction <minsi>, %select_n3A_200, %reduce_min3A_201 [1] : vector<1024x1024xi32> to vector<1024xi32>
    %broadcast_in_dim3A_203 = vector.shape_cast %reduce_min3A_202 : vector<1024xi32> to vector<1024x1xi32>
    %swap3A_204 = arith.constant 0 : index
    %swap3A_205 = arith.constant 10 : index
    %swap3A_206 = vector.load %arg5[%swap3A_204, %swap3A_205] : memref<1024x20xi32, #tpu.memory_space<vmem>>, vector<1024x1xi32>
    tpu.vector_store %arg5[%swap3A_204, %swap3A_205], %broadcast_in_dim3A_203 {strides = array<i32>} : memref<1024x20xi32, #tpu.memory_space<vmem>>, vector<1024x1xi32>,
    %jit3A_207 = arith.constant 0xFF800000 : f32
    %broadcast_in_dim3A_208 = vector.broadcast %jit3A_207 : f32 to vector<1024x1024xf32>
    %select_n3A_209 = arith.select %eq3A_197, %broadcast_in_dim3A_208, %select_n3A_192 : vector<1024x1024xi1>, vector<1024x1024xf32>
    %reduce_max3A_210 = arith.constant dense<0xFF800000> : vector<1024xf32>
    %reduce_max3A_211 = vector.multi_reduction <maximumf>, %select_n3A_209, %reduce_max3A_210 [1] : vector<1024x1024xf32> to vector<1024xf32>
    %broadcast_in_dim3A_212 = vector.shape_cast %reduce_max3A_211 : vector<1024xf32> to vector<1024x1xf32>
    %eq3A_213 = vector.broadcast %broadcast_in_dim3A_212 : vector<1024x1xf32> to vector<1024x1024xf32>
    %eq3A_214 = arith.cmpf oeq, %select_n3A_209, %eq3A_213 : vector<1024x1024xf32>
    %jit3A_215 = arith.constant 1024 : i32
    %broadcast_in_dim3A_216 = vector.broadcast %jit3A_215 : i32 to vector<1024x1024xi32>
    %select_n3A_217 = arith.select %eq3A_214, %iota3A, %broadcast_in_dim3A_216 : vector<1024x1024xi1>, vector<1024x1024xi32>
    %reduce_min3A_218 = arith.constant dense<2147483647> : vector<1024xi32>
    %reduce_min3A_219 = vector.multi_reduction <minsi>, %select_n3A_217, %reduce_min3A_218 [1] : vector<1024x1024xi32> to vector<1024xi32>
    %broadcast_in_dim3A_220 = vector.shape_cast %reduce_min3A_219 : vector<1024xi32> to vector<1024x1xi32>
    %swap3A_221 = arith.constant 0 : index
    %swap3A_222 = arith.constant 11 : index
    %swap3A_223 = vector.load %arg5[%swap3A_221, %swap3A_222] : memref<1024x20xi32, #tpu.memory_space<vmem>>, vector<1024x1xi32>
    tpu.vector_store %arg5[%swap3A_221, %swap3A_222], %broadcast_in_dim3A_220 {strides = array<i32>} : memref<1024x20xi32, #tpu.memory_space<vmem>>, vector<1024x1xi32>,
    %jit3A_224 = arith.constant 0xFF800000 : f32
    %broadcast_in_dim3A_225 = vector.broadcast %jit3A_224 : f32 to vector<1024x1024xf32>
    %select_n3A_226 = arith.select %eq3A_214, %broadcast_in_dim3A_225, %select_n3A_209 : vector<1024x1024xi1>, vector<1024x1024xf32>
    %reduce_max3A_227 = arith.constant dense<0xFF800000> : vector<1024xf32>
    %reduce_max3A_228 = vector.multi_reduction <maximumf>, %select_n3A_226, %reduce_max3A_227 [1] : vector<1024x1024xf32> to vector<1024xf32>
    %broadcast_in_dim3A_229 = vector.shape_cast %reduce_max3A_228 : vector<1024xf32> to vector<1024x1xf32>
    %eq3A_230 = vector.broadcast %broadcast_in_dim3A_229 : vector<1024x1xf32> to vector<1024x1024xf32>
    %eq3A_231 = arith.cmpf oeq, %select_n3A_226, %eq3A_230 : vector<1024x1024xf32>
    %jit3A_232 = arith.constant 1024 : i32
    %broadcast_in_dim3A_233 = vector.broadcast %jit3A_232 : i32 to vector<1024x1024xi32>
    %select_n3A_234 = arith.select %eq3A_231, %iota3A, %broadcast_in_dim3A_233 : vector<1024x1024xi1>, vector<1024x1024xi32>
    %reduce_min3A_235 = arith.constant dense<2147483647> : vector<1024xi32>
    %reduce_min3A_236 = vector.multi_reduction <minsi>, %select_n3A_234, %reduce_min3A_235 [1] : vector<1024x1024xi32> to vector<1024xi32>
    %broadcast_in_dim3A_237 = vector.shape_cast %reduce_min3A_236 : vector<1024xi32> to vector<1024x1xi32>
    %swap3A_238 = arith.constant 0 : index
    %swap3A_239 = arith.constant 12 : index
    %swap3A_240 = vector.load %arg5[%swap3A_238, %swap3A_239] : memref<1024x20xi32, #tpu.memory_space<vmem>>, vector<1024x1xi32>
    tpu.vector_store %arg5[%swap3A_238, %swap3A_239], %broadcast_in_dim3A_237 {strides = array<i32>} : memref<1024x20xi32, #tpu.memory_space<vmem>>, vector<1024x1xi32>,
    %jit3A_241 = arith.constant 0xFF800000 : f32
    %broadcast_in_dim3A_242 = vector.broadcast %jit3A_241 : f32 to vector<1024x1024xf32>
    %select_n3A_243 = arith.select %eq3A_231, %broadcast_in_dim3A_242, %select_n3A_226 : vector<1024x1024xi1>, vector<1024x1024xf32>
    %reduce_max3A_244 = arith.constant dense<0xFF800000> : vector<1024xf32>
    %reduce_max3A_245 = vector.multi_reduction <maximumf>, %select_n3A_243, %reduce_max3A_244 [1] : vector<1024x1024xf32> to vector<1024xf32>
    %broadcast_in_dim3A_246 = vector.shape_cast %reduce_max3A_245 : vector<1024xf32> to vector<1024x1xf32>
    %eq3A_247 = vector.broadcast %broadcast_in_dim3A_246 : vector<1024x1xf32> to vector<1024x1024xf32>
    %eq3A_248 = arith.cmpf oeq, %select_n3A_243, %eq3A_247 : vector<1024x1024xf32>
    %jit3A_249 = arith.constant 1024 : i32
    %broadcast_in_dim3A_250 = vector.broadcast %jit3A_249 : i32 to vector<1024x1024xi32>
    %select_n3A_251 = arith.select %eq3A_248, %iota3A, %broadcast_in_dim3A_250 : vector<1024x1024xi1>, vector<1024x1024xi32>
    %reduce_min3A_252 = arith.constant dense<2147483647> : vector<1024xi32>
    %reduce_min3A_253 = vector.multi_reduction <minsi>, %select_n3A_251, %reduce_min3A_252 [1] : vector<1024x1024xi32> to vector<1024xi32>
    %broadcast_in_dim3A_254 = vector.shape_cast %reduce_min3A_253 : vector<1024xi32> to vector<1024x1xi32>
    %swap3A_255 = arith.constant 0 : index
    %swap3A_256 = arith.constant 13 : index
    %swap3A_257 = vector.load %arg5[%swap3A_255, %swap3A_256] : memref<1024x20xi32, #tpu.memory_space<vmem>>, vector<1024x1xi32>
    tpu.vector_store %arg5[%swap3A_255, %swap3A_256], %broadcast_in_dim3A_254 {strides = array<i32>} : memref<1024x20xi32, #tpu.memory_space<vmem>>, vector<1024x1xi32>,
    %jit3A_258 = arith.constant 0xFF800000 : f32
    %broadcast_in_dim3A_259 = vector.broadcast %jit3A_258 : f32 to vector<1024x1024xf32>
    %select_n3A_260 = arith.select %eq3A_248, %broadcast_in_dim3A_259, %select_n3A_243 : vector<1024x1024xi1>, vector<1024x1024xf32>
    %reduce_max3A_261 = arith.constant dense<0xFF800000> : vector<1024xf32>
    %reduce_max3A_262 = vector.multi_reduction <maximumf>, %select_n3A_260, %reduce_max3A_261 [1] : vector<1024x1024xf32> to vector<1024xf32>
    %broadcast_in_dim3A_263 = vector.shape_cast %reduce_max3A_262 : vector<1024xf32> to vector<1024x1xf32>
    %eq3A_264 = vector.broadcast %broadcast_in_dim3A_263 : vector<1024x1xf32> to vector<1024x1024xf32>
    %eq3A_265 = arith.cmpf oeq, %select_n3A_260, %eq3A_264 : vector<1024x1024xf32>
    %jit3A_266 = arith.constant 1024 : i32
    %broadcast_in_dim3A_267 = vector.broadcast %jit3A_266 : i32 to vector<1024x1024xi32>
    %select_n3A_268 = arith.select %eq3A_265, %iota3A, %broadcast_in_dim3A_267 : vector<1024x1024xi1>, vector<1024x1024xi32>
    %reduce_min3A_269 = arith.constant dense<2147483647> : vector<1024xi32>
    %reduce_min3A_270 = vector.multi_reduction <minsi>, %select_n3A_268, %reduce_min3A_269 [1] : vector<1024x1024xi32> to vector<1024xi32>
    %broadcast_in_dim3A_271 = vector.shape_cast %reduce_min3A_270 : vector<1024xi32> to vector<1024x1xi32>
    %swap3A_272 = arith.constant 0 : index
    %swap3A_273 = arith.constant 14 : index
    %swap3A_274 = vector.load %arg5[%swap3A_272, %swap3A_273] : memref<1024x20xi32, #tpu.memory_space<vmem>>, vector<1024x1xi32>
    tpu.vector_store %arg5[%swap3A_272, %swap3A_273], %broadcast_in_dim3A_271 {strides = array<i32>} : memref<1024x20xi32, #tpu.memory_space<vmem>>, vector<1024x1xi32>,
    %jit3A_275 = arith.constant 0xFF800000 : f32
    %broadcast_in_dim3A_276 = vector.broadcast %jit3A_275 : f32 to vector<1024x1024xf32>
    %select_n3A_277 = arith.select %eq3A_265, %broadcast_in_dim3A_276, %select_n3A_260 : vector<1024x1024xi1>, vector<1024x1024xf32>
    %reduce_max3A_278 = arith.constant dense<0xFF800000> : vector<1024xf32>
    %reduce_max3A_279 = vector.multi_reduction <maximumf>, %select_n3A_277, %reduce_max3A_278 [1] : vector<1024x1024xf32> to vector<1024xf32>
    %broadcast_in_dim3A_280 = vector.shape_cast %reduce_max3A_279 : vector<1024xf32> to vector<1024x1xf32>
    %eq3A_281 = vector.broadcast %broadcast_in_dim3A_280 : vector<1024x1xf32> to vector<1024x1024xf32>
    %eq3A_282 = arith.cmpf oeq, %select_n3A_277, %eq3A_281 : vector<1024x1024xf32>
    %jit3A_283 = arith.constant 1024 : i32
    %broadcast_in_dim3A_284 = vector.broadcast %jit3A_283 : i32 to vector<1024x1024xi32>
    %select_n3A_285 = arith.select %eq3A_282, %iota3A, %broadcast_in_dim3A_284 : vector<1024x1024xi1>, vector<1024x1024xi32>
    %reduce_min3A_286 = arith.constant dense<2147483647> : vector<1024xi32>
    %reduce_min3A_287 = vector.multi_reduction <minsi>, %select_n3A_285, %reduce_min3A_286 [1] : vector<1024x1024xi32> to vector<1024xi32>
    %broadcast_in_dim3A_288 = vector.shape_cast %reduce_min3A_287 : vector<1024xi32> to vector<1024x1xi32>
    %swap3A_289 = arith.constant 0 : index
    %swap3A_290 = arith.constant 15 : index
    %swap3A_291 = vector.load %arg5[%swap3A_289, %swap3A_290] : memref<1024x20xi32, #tpu.memory_space<vmem>>, vector<1024x1xi32>
    tpu.vector_store %arg5[%swap3A_289, %swap3A_290], %broadcast_in_dim3A_288 {strides = array<i32>} : memref<1024x20xi32, #tpu.memory_space<vmem>>, vector<1024x1xi32>,
    %jit3A_292 = arith.constant 0xFF800000 : f32
    %broadcast_in_dim3A_293 = vector.broadcast %jit3A_292 : f32 to vector<1024x1024xf32>
    %select_n3A_294 = arith.select %eq3A_282, %broadcast_in_dim3A_293, %select_n3A_277 : vector<1024x1024xi1>, vector<1024x1024xf32>
    %reduce_max3A_295 = arith.constant dense<0xFF800000> : vector<1024xf32>
    %reduce_max3A_296 = vector.multi_reduction <maximumf>, %select_n3A_294, %reduce_max3A_295 [1] : vector<1024x1024xf32> to vector<1024xf32>
    %broadcast_in_dim3A_297 = vector.shape_cast %reduce_max3A_296 : vector<1024xf32> to vector<1024x1xf32>
    %eq3A_298 = vector.broadcast %broadcast_in_dim3A_297 : vector<1024x1xf32> to vector<1024x1024xf32>
    %eq3A_299 = arith.cmpf oeq, %select_n3A_294, %eq3A_298 : vector<1024x1024xf32>
    %jit3A_300 = arith.constant 1024 : i32
    %broadcast_in_dim3A_301 = vector.broadcast %jit3A_300 : i32 to vector<1024x1024xi32>
    %select_n3A_302 = arith.select %eq3A_299, %iota3A, %broadcast_in_dim3A_301 : vector<1024x1024xi1>, vector<1024x1024xi32>
    %reduce_min3A_303 = arith.constant dense<2147483647> : vector<1024xi32>
    %reduce_min3A_304 = vector.multi_reduction <minsi>, %select_n3A_302, %reduce_min3A_303 [1] : vector<1024x1024xi32> to vector<1024xi32>
    %broadcast_in_dim3A_305 = vector.shape_cast %reduce_min3A_304 : vector<1024xi32> to vector<1024x1xi32>
    %swap3A_306 = arith.constant 0 : index
    %swap3A_307 = arith.constant 16 : index
    %swap3A_308 = vector.load %arg5[%swap3A_306, %swap3A_307] : memref<1024x20xi32, #tpu.memory_space<vmem>>, vector<1024x1xi32>
    tpu.vector_store %arg5[%swap3A_306, %swap3A_307], %broadcast_in_dim3A_305 {strides = array<i32>} : memref<1024x20xi32, #tpu.memory_space<vmem>>, vector<1024x1xi32>,
    %jit3A_309 = arith.constant 0xFF800000 : f32
    %broadcast_in_dim3A_310 = vector.broadcast %jit3A_309 : f32 to vector<1024x1024xf32>
    %select_n3A_311 = arith.select %eq3A_299, %broadcast_in_dim3A_310, %select_n3A_294 : vector<1024x1024xi1>, vector<1024x1024xf32>
    %reduce_max3A_312 = arith.constant dense<0xFF800000> : vector<1024xf32>
    %reduce_max3A_313 = vector.multi_reduction <maximumf>, %select_n3A_311, %reduce_max3A_312 [1] : vector<1024x1024xf32> to vector<1024xf32>
    %broadcast_in_dim3A_314 = vector.shape_cast %reduce_max3A_313 : vector<1024xf32> to vector<1024x1xf32>
    %eq3A_315 = vector.broadcast %broadcast_in_dim3A_314 : vector<1024x1xf32> to vector<1024x1024xf32>
    %eq3A_316 = arith.cmpf oeq, %select_n3A_311, %eq3A_315 : vector<1024x1024xf32>
    %jit3A_317 = arith.constant 1024 : i32
    %broadcast_in_dim3A_318 = vector.broadcast %jit3A_317 : i32 to vector<1024x1024xi32>
    %select_n3A_319 = arith.select %eq3A_316, %iota3A, %broadcast_in_dim3A_318 : vector<1024x1024xi1>, vector<1024x1024xi32>
    %reduce_min3A_320 = arith.constant dense<2147483647> : vector<1024xi32>
    %reduce_min3A_321 = vector.multi_reduction <minsi>, %select_n3A_319, %reduce_min3A_320 [1] : vector<1024x1024xi32> to vector<1024xi32>
    %broadcast_in_dim3A_322 = vector.shape_cast %reduce_min3A_321 : vector<1024xi32> to vector<1024x1xi32>
    %swap3A_323 = arith.constant 0 : index
    %swap3A_324 = arith.constant 17 : index
    %swap3A_325 = vector.load %arg5[%swap3A_323, %swap3A_324] : memref<1024x20xi32, #tpu.memory_space<vmem>>, vector<1024x1xi32>
    tpu.vector_store %arg5[%swap3A_323, %swap3A_324], %broadcast_in_dim3A_322 {strides = array<i32>} : memref<1024x20xi32, #tpu.memory_space<vmem>>, vector<1024x1xi32>,
    %jit3A_326 = arith.constant 0xFF800000 : f32
    %broadcast_in_dim3A_327 = vector.broadcast %jit3A_326 : f32 to vector<1024x1024xf32>
    %select_n3A_328 = arith.select %eq3A_316, %broadcast_in_dim3A_327, %select_n3A_311 : vector<1024x1024xi1>, vector<1024x1024xf32>
    %reduce_max3A_329 = arith.constant dense<0xFF800000> : vector<1024xf32>
    %reduce_max3A_330 = vector.multi_reduction <maximumf>, %select_n3A_328, %reduce_max3A_329 [1] : vector<1024x1024xf32> to vector<1024xf32>
    %broadcast_in_dim3A_331 = vector.shape_cast %reduce_max3A_330 : vector<1024xf32> to vector<1024x1xf32>
    %eq3A_332 = vector.broadcast %broadcast_in_dim3A_331 : vector<1024x1xf32> to vector<1024x1024xf32>
    %eq3A_333 = arith.cmpf oeq, %select_n3A_328, %eq3A_332 : vector<1024x1024xf32>
    %jit3A_334 = arith.constant 1024 : i32
    %broadcast_in_dim3A_335 = vector.broadcast %jit3A_334 : i32 to vector<1024x1024xi32>
    %select_n3A_336 = arith.select %eq3A_333, %iota3A, %broadcast_in_dim3A_335 : vector<1024x1024xi1>, vector<1024x1024xi32>
    %reduce_min3A_337 = arith.constant dense<2147483647> : vector<1024xi32>
    %reduce_min3A_338 = vector.multi_reduction <minsi>, %select_n3A_336, %reduce_min3A_337 [1] : vector<1024x1024xi32> to vector<1024xi32>
    %broadcast_in_dim3A_339 = vector.shape_cast %reduce_min3A_338 : vector<1024xi32> to vector<1024x1xi32>
    %swap3A_340 = arith.constant 0 : index
    %swap3A_341 = arith.constant 18 : index
    %swap3A_342 = vector.load %arg5[%swap3A_340, %swap3A_341] : memref<1024x20xi32, #tpu.memory_space<vmem>>, vector<1024x1xi32>
    tpu.vector_store %arg5[%swap3A_340, %swap3A_341], %broadcast_in_dim3A_339 {strides = array<i32>} : memref<1024x20xi32, #tpu.memory_space<vmem>>, vector<1024x1xi32>,
    %jit3A_343 = arith.constant 0xFF800000 : f32
    %broadcast_in_dim3A_344 = vector.broadcast %jit3A_343 : f32 to vector<1024x1024xf32>
    %select_n3A_345 = arith.select %eq3A_333, %broadcast_in_dim3A_344, %select_n3A_328 : vector<1024x1024xi1>, vector<1024x1024xf32>
    %reduce_max3A_346 = arith.constant dense<0xFF800000> : vector<1024xf32>
    %reduce_max3A_347 = vector.multi_reduction <maximumf>, %select_n3A_345, %reduce_max3A_346 [1] : vector<1024x1024xf32> to vector<1024xf32>
    %broadcast_in_dim3A_348 = vector.shape_cast %reduce_max3A_347 : vector<1024xf32> to vector<1024x1xf32>
    %eq3A_349 = vector.broadcast %broadcast_in_dim3A_348 : vector<1024x1xf32> to vector<1024x1024xf32>
    %eq3A_350 = arith.cmpf oeq, %select_n3A_345, %eq3A_349 : vector<1024x1024xf32>
    %jit3A_351 = arith.constant 1024 : i32
    %broadcast_in_dim3A_352 = vector.broadcast %jit3A_351 : i32 to vector<1024x1024xi32>
    %select_n3A_353 = arith.select %eq3A_350, %iota3A, %broadcast_in_dim3A_352 : vector<1024x1024xi1>, vector<1024x1024xi32>
    %reduce_min3A_354 = arith.constant dense<2147483647> : vector<1024xi32>
    %reduce_min3A_355 = vector.multi_reduction <minsi>, %select_n3A_353, %reduce_min3A_354 [1] : vector<1024x1024xi32> to vector<1024xi32>
    %broadcast_in_dim3A_356 = vector.shape_cast %reduce_min3A_355 : vector<1024xi32> to vector<1024x1xi32>
    %swap3A_357 = arith.constant 0 : index
    %swap3A_358 = arith.constant 19 : index
    %swap3A_359 = vector.load %arg5[%swap3A_357, %swap3A_358] : memref<1024x20xi32, #tpu.memory_space<vmem>>, vector<1024x1xi32>
    tpu.vector_store %arg5[%swap3A_357, %swap3A_358], %broadcast_in_dim3A_356 {strides = array<i32>} : memref<1024x20xi32, #tpu.memory_space<vmem>>, vector<1024x1xi32>,
    %jit3A_360 = arith.constant 0xFF800000 : f32
    %broadcast_in_dim3A_361 = vector.broadcast %jit3A_360 : f32 to vector<1024x1024xf32>
    %select_n3A_362 = arith.select %eq3A_350, %broadcast_in_dim3A_361, %select_n3A_345 : vector<1024x1024xi1>, vector<1024x1024xf32>
    %eq3A_363 = arith.constant 0xFF800000 : f32
    %eq3A_364 = vector.broadcast %eq3A_363 : f32 to vector<1024x1024xf32>
    %eq3A_365 = arith.cmpf oeq, %select_n3A_362, %eq3A_364 : vector<1024x1024xf32>
    %jit3A_366 = arith.constant 1.000000e+00 : f32
    %jit3A_367 = arith.constant 0.000000e+00 : f32
    %broadcast_in_dim3A_368 = vector.broadcast %jit3A_366 : f32 to vector<1024x1024xf32>
    %broadcast_in_dim3A_369 = vector.broadcast %jit3A_367 : f32 to vector<1024x1024xf32>
    %select_n3A_370 = arith.select %eq3A_365, %broadcast_in_dim3A_368, %broadcast_in_dim3A_369 : vector<1024x1024xi1>, vector<1024x1024xf32>
    %swap3A_371 = arith.constant 0 : index
    %swap3A_372 = arith.constant 0 : index
    %swap3A_373 = vector.load %arg6[%swap3A_371, %swap3A_372] : memref<1024x1024xf32, #tpu.memory_space<vmem>>, vector<1024x1024xf32>
    tpu.vector_store %arg6[%swap3A_371, %swap3A_372], %select_n3A_370 {strides = array<i32>} : memref<1024x1024xf32, #tpu.memory_space<vmem>>, vector<1024x1024xf32>,
    return
  }
  func.func @transform_0(%arg0: i32) -> (i32, i32, i32) {
    %c0_i32 = arith.constant 0 : i32
    %c0_i32_0 = arith.constant 0 : i32
    %c0_i32_1 = arith.constant 0 : i32
    %c0_i32_2 = arith.constant 0 : i32
    return %c0_i32, %c0_i32_0, %c0_i32_1 : i32, i32, i32
  }
  func.func @transform_1(%arg0: i32) -> (i32, i32) {
    %c0_i32 = arith.constant 0 : i32
    %c0_i32_0 = arith.constant 0 : i32
    %c0_i32_1 = arith.constant 0 : i32
    return %c0_i32, %c0_i32_0 : i32, i32
  }
  func.func @transform_2(%arg0: i32) -> (i32, i32) {
    %c0_i32 = arith.constant 0 : i32
    %c0_i32_0 = arith.constant 0 : i32
    %c0_i32_1 = arith.constant 0 : i32
    return %c0_i32, %c0_i32_0 : i32, i32
  }
  func.func @transform_3(%arg0: i32) -> (i32, i32) {
    %c0_i32 = arith.constant 0 : i32
    %c0_i32_0 = arith.constant 0 : i32
    %c0_i32_1 = arith.constant 0 : i32
    return %c0_i32, %c0_i32_0 : i32, i32
  }
  func.func @transform_4(%arg0: i32) -> (i32, i32) {
    %c0_i32 = arith.constant 0 : i32
    %c0_i32_0 = arith.constant 0 : i32
    %c0_i32_1 = arith.constant 0 : i32
    return %c0_i32, %c0_i32_0 : i32, i32
  }
  func.func @transform_5(%arg0: i32) -> (i32, i32) {
    %c0_i32 = arith.constant 0 : i32
    %c0_i32_0 = arith.constant 0 : i32
    %c0_i32_1 = arith.constant 0 : i32
    return %c0_i32, %c0_i32_0 : i32, i32
  }
}

module attributes {stable_mosaic.version = 14 : i64} {
  func.func @_tc1_body(%arg0: i32, %arg1: memref<1x384x1024xf32, #tpu.memory_space<vmem>>, %arg2: memref<384x768xf32, #tpu.memory_space<vmem>>, %arg3: memref<384x1024xf32, #tpu.memory_space<vmem>>, %arg4: memref<384x1024xf32, #tpu.memory_space<vmem>>, %arg5: memref<1024x20xi32, #tpu.memory_space<vmem>>, %arg6: memref<1024x1024xf32, #tpu.memory_space<vmem>>) attributes {dimension_semantics = [#tpu.dimension_semantics<arbitrary>], iteration_bounds = array<i64: 1>, scalar_prefetch = 0 : i64, scratch_operands = 0 : i64, tpu.core_type = #tpu.core_type<tc>, window_params = [{transform_indices = @transform_0, window_bounds = array<i64: 1, 384, 1024>}, {pipeline_mode = #tpu.pipeline_mode<synchronous>, transform_indices = @transform_1, window_bounds = array<i64: 384, 768>}, {pipeline_mode = #tpu.pipeline_mode<synchronous>, transform_indices = @transform_2, window_bounds = array<i64: 384, 1024>}, {pipeline_mode = #tpu.pipeline_mode<synchronous>, transform_indices = @transform_3, window_bounds = array<i64: 384, 1024>}, {pipeline_mode = #tpu.pipeline_mode<synchronous>, transform_indices = @transform_4, window_bounds = array<i64: 1024, 20>}, {pipeline_mode = #tpu.pipeline_mode<synchronous>, transform_indices = @transform_5, window_bounds = array<i64: 1024, 1024>}]} {
    %get3A = arith.constant 0 : index
    %get3A_0 = arith.constant 0 : index
    %get3A_1 = arith.constant 0 : index
    %get3A_2 = vector.load %arg1[%get3A, %get3A_0, %get3A_1] : memref<1x384x1024xf32, #tpu.memory_space<vmem>>, vector<1x384x1024xf32>
    %get3A_3 = vector.shape_cast %get3A_2 : vector<1x384x1024xf32> to vector<384x1024xf32>
    %get3A_4 = arith.constant 0 : index
    %get3A_5 = arith.constant 0 : index
    %get3A_6 = vector.load %arg2[%get3A_4, %get3A_5] : memref<384x768xf32, #tpu.memory_space<vmem>>, vector<384x384xf32>
    %get3A_7 = arith.constant 0 : index
    %get3A_8 = arith.constant 384 : index
    %get3A_9 = vector.load %arg2[%get3A_7, %get3A_8] : memref<384x768xf32, #tpu.memory_space<vmem>>, vector<384x384xf32>
    %sub3A = arith.subf %get3A_9, %get3A_6 : vector<384x384xf32>
    %concatenate3A = tpu.concatenate %get3A_6, %sub3A in 0 : vector<384x384xf32>, vector<384x384xf32> -> vector<768x384xf32>
    %dot_general3A = arith.constant dense<0.000000e+00> : vector<768x1024xf32>
    %dot_general3A_10 = tpu.matmul %concatenate3A, %get3A_3, %dot_general3A {dimension_numbers = #tpu.dot_dimension_numbers<[1], [0], [0], [1], [0, 0, 1, 1], [], []>, transpose_lhs_hint = false} : vector<768x384xf32>, vector<384x1024xf32>, vector<768x1024xf32> -> vector<768x1024xf32>
    %slice3A = vector.extract_strided_slice %dot_general3A_10 {offsets = [0, 0], sizes = [384, 1024], strides = [1, 1]} : vector<768x1024xf32> to vector<384x1024xf32>
    %swap3A = arith.constant 0 : index
    %swap3A_11 = arith.constant 0 : index
    %swap3A_12 = vector.load %arg3[%swap3A, %swap3A_11] : memref<384x1024xf32, #tpu.memory_space<vmem>>, vector<384x1024xf32>
    tpu.vector_store %arg3[%swap3A, %swap3A_11], %slice3A {strides = array<i32>} : memref<384x1024xf32, #tpu.memory_space<vmem>>, vector<384x1024xf32>,
    %slice3A_13 = vector.extract_strided_slice %dot_general3A_10 {offsets = [384, 0], sizes = [384, 1024], strides = [1, 1]} : vector<768x1024xf32> to vector<384x1024xf32>
    %swap3A_14 = arith.constant 0 : index
    %swap3A_15 = arith.constant 0 : index
    %swap3A_16 = vector.load %arg4[%swap3A_14, %swap3A_15] : memref<384x1024xf32, #tpu.memory_space<vmem>>, vector<384x1024xf32>
    tpu.vector_store %arg4[%swap3A_14, %swap3A_15], %slice3A_13 {strides = array<i32>} : memref<384x1024xf32, #tpu.memory_space<vmem>>, vector<384x1024xf32>,
    %dot_general3A_17 = arith.constant dense<0.000000e+00> : vector<1024x1024xf32>
    %dot_general3A_18 = tpu.matmul %get3A_3, %get3A_3, %dot_general3A_17 {dimension_numbers = #tpu.dot_dimension_numbers<[0], [0], [1], [1], [0, 1, 1, 1], [], []>, transpose_lhs_hint = false} : vector<384x1024xf32>, vector<384x1024xf32>, vector<1024x1024xf32> -> vector<1024x1024xf32>
    %mul3A = arith.mulf %get3A_3, %get3A_3 : vector<384x1024xf32>
    %reduce_sum3A = arith.constant dense<0.000000e+00> : vector<1024xf32>
    %reduce_sum3A_19 = vector.multi_reduction <add>, %mul3A, %reduce_sum3A [0] : vector<384x1024xf32> to vector<1024xf32>
    %mul3A_20 = arith.constant 2.000000e+00 : f32
    %mul3A_21 = vector.broadcast %mul3A_20 : f32 to vector<1024x1024xf32>
    %mul3A_22 = arith.mulf %mul3A_21, %dot_general3A_18 : vector<1024x1024xf32>
    %broadcast_in_dim3A = vector.shape_cast %reduce_sum3A_19 : vector<1024xf32> to vector<1024x1xf32>
    %sub3A_23 = vector.broadcast %broadcast_in_dim3A : vector<1024x1xf32> to vector<1024x1024xf32>
    %sub3A_24 = arith.subf %mul3A_22, %sub3A_23 : vector<1024x1024xf32>
    %broadcast_in_dim3A_25 = vector.shape_cast %reduce_sum3A_19 : vector<1024xf32> to vector<1x1024xf32>
    %sub3A_26 = vector.broadcast %broadcast_in_dim3A_25 : vector<1x1024xf32> to vector<1024x1024xf32>
    %sub3A_27 = arith.subf %sub3A_24, %sub3A_26 : vector<1024x1024xf32>
    %iota3A = tpu.iota {dimensions = array<i32: 1>} : vector<1024x1024xi32>
    %reduce_max3A = arith.constant dense<0xFF800000> : vector<1024xf32>
    %reduce_max3A_28 = vector.multi_reduction <maximumf>, %sub3A_27, %reduce_max3A [1] : vector<1024x1024xf32> to vector<1024xf32>
    %broadcast_in_dim3A_29 = vector.shape_cast %reduce_max3A_28 : vector<1024xf32> to vector<1024x1xf32>
    %eq3A = vector.broadcast %broadcast_in_dim3A_29 : vector<1024x1xf32> to vector<1024x1024xf32>
    %eq3A_30 = arith.cmpf oeq, %sub3A_27, %eq3A : vector<1024x1024xf32>
    %jit3A = arith.constant 1024 : i32
    %broadcast_in_dim3A_31 = vector.broadcast %jit3A : i32 to vector<1024x1024xi32>
    %select_n3A = arith.select %eq3A_30, %iota3A, %broadcast_in_dim3A_31 : vector<1024x1024xi1>, vector<1024x1024xi32>
    %reduce_min3A = arith.constant dense<2147483647> : vector<1024xi32>
    %reduce_min3A_32 = vector.multi_reduction <minsi>, %select_n3A, %reduce_min3A [1] : vector<1024x1024xi32> to vector<1024xi32>
    %broadcast_in_dim3A_33 = vector.shape_cast %reduce_min3A_32 : vector<1024xi32> to vector<1024x1xi32>
    %swap3A_34 = arith.constant 0 : index
    %swap3A_35 = arith.constant 0 : index
    %swap3A_36 = vector.load %arg5[%swap3A_34, %swap3A_35] : memref<1024x20xi32, #tpu.memory_space<vmem>>, vector<1024x1xi32>
    tpu.vector_store %arg5[%swap3A_34, %swap3A_35], %broadcast_in_dim3A_33 {strides = array<i32>} : memref<1024x20xi32, #tpu.memory_space<vmem>>, vector<1024x1xi32>,
    %jit3A_37 = arith.constant 0xFF800000 : f32
    %broadcast_in_dim3A_38 = vector.broadcast %jit3A_37 : f32 to vector<1024x1024xf32>
    %select_n3A_39 = arith.select %eq3A_30, %broadcast_in_dim3A_38, %sub3A_27 : vector<1024x1024xi1>, vector<1024x1024xf32>
    %reduce_max3A_40 = arith.constant dense<0xFF800000> : vector<1024xf32>
    %reduce_max3A_41 = vector.multi_reduction <maximumf>, %select_n3A_39, %reduce_max3A_40 [1] : vector<1024x1024xf32> to vector<1024xf32>
    %broadcast_in_dim3A_42 = vector.shape_cast %reduce_max3A_41 : vector<1024xf32> to vector<1024x1xf32>
    %eq3A_43 = vector.broadcast %broadcast_in_dim3A_42 : vector<1024x1xf32> to vector<1024x1024xf32>
    %eq3A_44 = arith.cmpf oeq, %select_n3A_39, %eq3A_43 : vector<1024x1024xf32>
    %jit3A_45 = arith.constant 1024 : i32
    %broadcast_in_dim3A_46 = vector.broadcast %jit3A_45 : i32 to vector<1024x1024xi32>
    %select_n3A_47 = arith.select %eq3A_44, %iota3A, %broadcast_in_dim3A_46 : vector<1024x1024xi1>, vector<1024x1024xi32>
    %reduce_min3A_48 = arith.constant dense<2147483647> : vector<1024xi32>
    %reduce_min3A_49 = vector.multi_reduction <minsi>, %select_n3A_47, %reduce_min3A_48 [1] : vector<1024x1024xi32> to vector<1024xi32>
    %broadcast_in_dim3A_50 = vector.shape_cast %reduce_min3A_49 : vector<1024xi32> to vector<1024x1xi32>
    %swap3A_51 = arith.constant 0 : index
    %swap3A_52 = arith.constant 1 : index
    %swap3A_53 = vector.load %arg5[%swap3A_51, %swap3A_52] : memref<1024x20xi32, #tpu.memory_space<vmem>>, vector<1024x1xi32>
    tpu.vector_store %arg5[%swap3A_51, %swap3A_52], %broadcast_in_dim3A_50 {strides = array<i32>} : memref<1024x20xi32, #tpu.memory_space<vmem>>, vector<1024x1xi32>,
    %jit3A_54 = arith.constant 0xFF800000 : f32
    %broadcast_in_dim3A_55 = vector.broadcast %jit3A_54 : f32 to vector<1024x1024xf32>
    %select_n3A_56 = arith.select %eq3A_44, %broadcast_in_dim3A_55, %select_n3A_39 : vector<1024x1024xi1>, vector<1024x1024xf32>
    %reduce_max3A_57 = arith.constant dense<0xFF800000> : vector<1024xf32>
    %reduce_max3A_58 = vector.multi_reduction <maximumf>, %select_n3A_56, %reduce_max3A_57 [1] : vector<1024x1024xf32> to vector<1024xf32>
    %broadcast_in_dim3A_59 = vector.shape_cast %reduce_max3A_58 : vector<1024xf32> to vector<1024x1xf32>
    %eq3A_60 = vector.broadcast %broadcast_in_dim3A_59 : vector<1024x1xf32> to vector<1024x1024xf32>
    %eq3A_61 = arith.cmpf oeq, %select_n3A_56, %eq3A_60 : vector<1024x1024xf32>
    %jit3A_62 = arith.constant 1024 : i32
    %broadcast_in_dim3A_63 = vector.broadcast %jit3A_62 : i32 to vector<1024x1024xi32>
    %select_n3A_64 = arith.select %eq3A_61, %iota3A, %broadcast_in_dim3A_63 : vector<1024x1024xi1>, vector<1024x1024xi32>
    %reduce_min3A_65 = arith.constant dense<2147483647> : vector<1024xi32>
    %reduce_min3A_66 = vector.multi_reduction <minsi>, %select_n3A_64, %reduce_min3A_65 [1] : vector<1024x1024xi32> to vector<1024xi32>
    %broadcast_in_dim3A_67 = vector.shape_cast %reduce_min3A_66 : vector<1024xi32> to vector<1024x1xi32>
    %swap3A_68 = arith.constant 0 : index
    %swap3A_69 = arith.constant 2 : index
    %swap3A_70 = vector.load %arg5[%swap3A_68, %swap3A_69] : memref<1024x20xi32, #tpu.memory_space<vmem>>, vector<1024x1xi32>
    tpu.vector_store %arg5[%swap3A_68, %swap3A_69], %broadcast_in_dim3A_67 {strides = array<i32>} : memref<1024x20xi32, #tpu.memory_space<vmem>>, vector<1024x1xi32>,
    %jit3A_71 = arith.constant 0xFF800000 : f32
    %broadcast_in_dim3A_72 = vector.broadcast %jit3A_71 : f32 to vector<1024x1024xf32>
    %select_n3A_73 = arith.select %eq3A_61, %broadcast_in_dim3A_72, %select_n3A_56 : vector<1024x1024xi1>, vector<1024x1024xf32>
    %reduce_max3A_74 = arith.constant dense<0xFF800000> : vector<1024xf32>
    %reduce_max3A_75 = vector.multi_reduction <maximumf>, %select_n3A_73, %reduce_max3A_74 [1] : vector<1024x1024xf32> to vector<1024xf32>
    %broadcast_in_dim3A_76 = vector.shape_cast %reduce_max3A_75 : vector<1024xf32> to vector<1024x1xf32>
    %eq3A_77 = vector.broadcast %broadcast_in_dim3A_76 : vector<1024x1xf32> to vector<1024x1024xf32>
    %eq3A_78 = arith.cmpf oeq, %select_n3A_73, %eq3A_77 : vector<1024x1024xf32>
    %jit3A_79 = arith.constant 1024 : i32
    %broadcast_in_dim3A_80 = vector.broadcast %jit3A_79 : i32 to vector<1024x1024xi32>
    %select_n3A_81 = arith.select %eq3A_78, %iota3A, %broadcast_in_dim3A_80 : vector<1024x1024xi1>, vector<1024x1024xi32>
    %reduce_min3A_82 = arith.constant dense<2147483647> : vector<1024xi32>
    %reduce_min3A_83 = vector.multi_reduction <minsi>, %select_n3A_81, %reduce_min3A_82 [1] : vector<1024x1024xi32> to vector<1024xi32>
    %broadcast_in_dim3A_84 = vector.shape_cast %reduce_min3A_83 : vector<1024xi32> to vector<1024x1xi32>
    %swap3A_85 = arith.constant 0 : index
    %swap3A_86 = arith.constant 3 : index
    %swap3A_87 = vector.load %arg5[%swap3A_85, %swap3A_86] : memref<1024x20xi32, #tpu.memory_space<vmem>>, vector<1024x1xi32>
    tpu.vector_store %arg5[%swap3A_85, %swap3A_86], %broadcast_in_dim3A_84 {strides = array<i32>} : memref<1024x20xi32, #tpu.memory_space<vmem>>, vector<1024x1xi32>,
    %jit3A_88 = arith.constant 0xFF800000 : f32
    %broadcast_in_dim3A_89 = vector.broadcast %jit3A_88 : f32 to vector<1024x1024xf32>
    %select_n3A_90 = arith.select %eq3A_78, %broadcast_in_dim3A_89, %select_n3A_73 : vector<1024x1024xi1>, vector<1024x1024xf32>
    %reduce_max3A_91 = arith.constant dense<0xFF800000> : vector<1024xf32>
    %reduce_max3A_92 = vector.multi_reduction <maximumf>, %select_n3A_90, %reduce_max3A_91 [1] : vector<1024x1024xf32> to vector<1024xf32>
    %broadcast_in_dim3A_93 = vector.shape_cast %reduce_max3A_92 : vector<1024xf32> to vector<1024x1xf32>
    %eq3A_94 = vector.broadcast %broadcast_in_dim3A_93 : vector<1024x1xf32> to vector<1024x1024xf32>
    %eq3A_95 = arith.cmpf oeq, %select_n3A_90, %eq3A_94 : vector<1024x1024xf32>
    %jit3A_96 = arith.constant 1024 : i32
    %broadcast_in_dim3A_97 = vector.broadcast %jit3A_96 : i32 to vector<1024x1024xi32>
    %select_n3A_98 = arith.select %eq3A_95, %iota3A, %broadcast_in_dim3A_97 : vector<1024x1024xi1>, vector<1024x1024xi32>
    %reduce_min3A_99 = arith.constant dense<2147483647> : vector<1024xi32>
    %reduce_min3A_100 = vector.multi_reduction <minsi>, %select_n3A_98, %reduce_min3A_99 [1] : vector<1024x1024xi32> to vector<1024xi32>
    %broadcast_in_dim3A_101 = vector.shape_cast %reduce_min3A_100 : vector<1024xi32> to vector<1024x1xi32>
    %swap3A_102 = arith.constant 0 : index
    %swap3A_103 = arith.constant 4 : index
    %swap3A_104 = vector.load %arg5[%swap3A_102, %swap3A_103] : memref<1024x20xi32, #tpu.memory_space<vmem>>, vector<1024x1xi32>
    tpu.vector_store %arg5[%swap3A_102, %swap3A_103], %broadcast_in_dim3A_101 {strides = array<i32>} : memref<1024x20xi32, #tpu.memory_space<vmem>>, vector<1024x1xi32>,
    %jit3A_105 = arith.constant 0xFF800000 : f32
    %broadcast_in_dim3A_106 = vector.broadcast %jit3A_105 : f32 to vector<1024x1024xf32>
    %select_n3A_107 = arith.select %eq3A_95, %broadcast_in_dim3A_106, %select_n3A_90 : vector<1024x1024xi1>, vector<1024x1024xf32>
    %reduce_max3A_108 = arith.constant dense<0xFF800000> : vector<1024xf32>
    %reduce_max3A_109 = vector.multi_reduction <maximumf>, %select_n3A_107, %reduce_max3A_108 [1] : vector<1024x1024xf32> to vector<1024xf32>
    %broadcast_in_dim3A_110 = vector.shape_cast %reduce_max3A_109 : vector<1024xf32> to vector<1024x1xf32>
    %eq3A_111 = vector.broadcast %broadcast_in_dim3A_110 : vector<1024x1xf32> to vector<1024x1024xf32>
    %eq3A_112 = arith.cmpf oeq, %select_n3A_107, %eq3A_111 : vector<1024x1024xf32>
    %jit3A_113 = arith.constant 1024 : i32
    %broadcast_in_dim3A_114 = vector.broadcast %jit3A_113 : i32 to vector<1024x1024xi32>
    %select_n3A_115 = arith.select %eq3A_112, %iota3A, %broadcast_in_dim3A_114 : vector<1024x1024xi1>, vector<1024x1024xi32>
    %reduce_min3A_116 = arith.constant dense<2147483647> : vector<1024xi32>
    %reduce_min3A_117 = vector.multi_reduction <minsi>, %select_n3A_115, %reduce_min3A_116 [1] : vector<1024x1024xi32> to vector<1024xi32>
    %broadcast_in_dim3A_118 = vector.shape_cast %reduce_min3A_117 : vector<1024xi32> to vector<1024x1xi32>
    %swap3A_119 = arith.constant 0 : index
    %swap3A_120 = arith.constant 5 : index
    %swap3A_121 = vector.load %arg5[%swap3A_119, %swap3A_120] : memref<1024x20xi32, #tpu.memory_space<vmem>>, vector<1024x1xi32>
    tpu.vector_store %arg5[%swap3A_119, %swap3A_120], %broadcast_in_dim3A_118 {strides = array<i32>} : memref<1024x20xi32, #tpu.memory_space<vmem>>, vector<1024x1xi32>,
    %jit3A_122 = arith.constant 0xFF800000 : f32
    %broadcast_in_dim3A_123 = vector.broadcast %jit3A_122 : f32 to vector<1024x1024xf32>
    %select_n3A_124 = arith.select %eq3A_112, %broadcast_in_dim3A_123, %select_n3A_107 : vector<1024x1024xi1>, vector<1024x1024xf32>
    %reduce_max3A_125 = arith.constant dense<0xFF800000> : vector<1024xf32>
    %reduce_max3A_126 = vector.multi_reduction <maximumf>, %select_n3A_124, %reduce_max3A_125 [1] : vector<1024x1024xf32> to vector<1024xf32>
    %broadcast_in_dim3A_127 = vector.shape_cast %reduce_max3A_126 : vector<1024xf32> to vector<1024x1xf32>
    %eq3A_128 = vector.broadcast %broadcast_in_dim3A_127 : vector<1024x1xf32> to vector<1024x1024xf32>
    %eq3A_129 = arith.cmpf oeq, %select_n3A_124, %eq3A_128 : vector<1024x1024xf32>
    %jit3A_130 = arith.constant 1024 : i32
    %broadcast_in_dim3A_131 = vector.broadcast %jit3A_130 : i32 to vector<1024x1024xi32>
    %select_n3A_132 = arith.select %eq3A_129, %iota3A, %broadcast_in_dim3A_131 : vector<1024x1024xi1>, vector<1024x1024xi32>
    %reduce_min3A_133 = arith.constant dense<2147483647> : vector<1024xi32>
    %reduce_min3A_134 = vector.multi_reduction <minsi>, %select_n3A_132, %reduce_min3A_133 [1] : vector<1024x1024xi32> to vector<1024xi32>
    %broadcast_in_dim3A_135 = vector.shape_cast %reduce_min3A_134 : vector<1024xi32> to vector<1024x1xi32>
    %swap3A_136 = arith.constant 0 : index
    %swap3A_137 = arith.constant 6 : index
    %swap3A_138 = vector.load %arg5[%swap3A_136, %swap3A_137] : memref<1024x20xi32, #tpu.memory_space<vmem>>, vector<1024x1xi32>
    tpu.vector_store %arg5[%swap3A_136, %swap3A_137], %broadcast_in_dim3A_135 {strides = array<i32>} : memref<1024x20xi32, #tpu.memory_space<vmem>>, vector<1024x1xi32>,
    %jit3A_139 = arith.constant 0xFF800000 : f32
    %broadcast_in_dim3A_140 = vector.broadcast %jit3A_139 : f32 to vector<1024x1024xf32>
    %select_n3A_141 = arith.select %eq3A_129, %broadcast_in_dim3A_140, %select_n3A_124 : vector<1024x1024xi1>, vector<1024x1024xf32>
    %reduce_max3A_142 = arith.constant dense<0xFF800000> : vector<1024xf32>
    %reduce_max3A_143 = vector.multi_reduction <maximumf>, %select_n3A_141, %reduce_max3A_142 [1] : vector<1024x1024xf32> to vector<1024xf32>
    %broadcast_in_dim3A_144 = vector.shape_cast %reduce_max3A_143 : vector<1024xf32> to vector<1024x1xf32>
    %eq3A_145 = vector.broadcast %broadcast_in_dim3A_144 : vector<1024x1xf32> to vector<1024x1024xf32>
    %eq3A_146 = arith.cmpf oeq, %select_n3A_141, %eq3A_145 : vector<1024x1024xf32>
    %jit3A_147 = arith.constant 1024 : i32
    %broadcast_in_dim3A_148 = vector.broadcast %jit3A_147 : i32 to vector<1024x1024xi32>
    %select_n3A_149 = arith.select %eq3A_146, %iota3A, %broadcast_in_dim3A_148 : vector<1024x1024xi1>, vector<1024x1024xi32>
    %reduce_min3A_150 = arith.constant dense<2147483647> : vector<1024xi32>
    %reduce_min3A_151 = vector.multi_reduction <minsi>, %select_n3A_149, %reduce_min3A_150 [1] : vector<1024x1024xi32> to vector<1024xi32>
    %broadcast_in_dim3A_152 = vector.shape_cast %reduce_min3A_151 : vector<1024xi32> to vector<1024x1xi32>
    %swap3A_153 = arith.constant 0 : index
    %swap3A_154 = arith.constant 7 : index
    %swap3A_155 = vector.load %arg5[%swap3A_153, %swap3A_154] : memref<1024x20xi32, #tpu.memory_space<vmem>>, vector<1024x1xi32>
    tpu.vector_store %arg5[%swap3A_153, %swap3A_154], %broadcast_in_dim3A_152 {strides = array<i32>} : memref<1024x20xi32, #tpu.memory_space<vmem>>, vector<1024x1xi32>,
    %jit3A_156 = arith.constant 0xFF800000 : f32
    %broadcast_in_dim3A_157 = vector.broadcast %jit3A_156 : f32 to vector<1024x1024xf32>
    %select_n3A_158 = arith.select %eq3A_146, %broadcast_in_dim3A_157, %select_n3A_141 : vector<1024x1024xi1>, vector<1024x1024xf32>
    %reduce_max3A_159 = arith.constant dense<0xFF800000> : vector<1024xf32>
    %reduce_max3A_160 = vector.multi_reduction <maximumf>, %select_n3A_158, %reduce_max3A_159 [1] : vector<1024x1024xf32> to vector<1024xf32>
    %broadcast_in_dim3A_161 = vector.shape_cast %reduce_max3A_160 : vector<1024xf32> to vector<1024x1xf32>
    %eq3A_162 = vector.broadcast %broadcast_in_dim3A_161 : vector<1024x1xf32> to vector<1024x1024xf32>
    %eq3A_163 = arith.cmpf oeq, %select_n3A_158, %eq3A_162 : vector<1024x1024xf32>
    %jit3A_164 = arith.constant 1024 : i32
    %broadcast_in_dim3A_165 = vector.broadcast %jit3A_164 : i32 to vector<1024x1024xi32>
    %select_n3A_166 = arith.select %eq3A_163, %iota3A, %broadcast_in_dim3A_165 : vector<1024x1024xi1>, vector<1024x1024xi32>
    %reduce_min3A_167 = arith.constant dense<2147483647> : vector<1024xi32>
    %reduce_min3A_168 = vector.multi_reduction <minsi>, %select_n3A_166, %reduce_min3A_167 [1] : vector<1024x1024xi32> to vector<1024xi32>
    %broadcast_in_dim3A_169 = vector.shape_cast %reduce_min3A_168 : vector<1024xi32> to vector<1024x1xi32>
    %swap3A_170 = arith.constant 0 : index
    %swap3A_171 = arith.constant 8 : index
    %swap3A_172 = vector.load %arg5[%swap3A_170, %swap3A_171] : memref<1024x20xi32, #tpu.memory_space<vmem>>, vector<1024x1xi32>
    tpu.vector_store %arg5[%swap3A_170, %swap3A_171], %broadcast_in_dim3A_169 {strides = array<i32>} : memref<1024x20xi32, #tpu.memory_space<vmem>>, vector<1024x1xi32>,
    %jit3A_173 = arith.constant 0xFF800000 : f32
    %broadcast_in_dim3A_174 = vector.broadcast %jit3A_173 : f32 to vector<1024x1024xf32>
    %select_n3A_175 = arith.select %eq3A_163, %broadcast_in_dim3A_174, %select_n3A_158 : vector<1024x1024xi1>, vector<1024x1024xf32>
    %reduce_max3A_176 = arith.constant dense<0xFF800000> : vector<1024xf32>
    %reduce_max3A_177 = vector.multi_reduction <maximumf>, %select_n3A_175, %reduce_max3A_176 [1] : vector<1024x1024xf32> to vector<1024xf32>
    %broadcast_in_dim3A_178 = vector.shape_cast %reduce_max3A_177 : vector<1024xf32> to vector<1024x1xf32>
    %eq3A_179 = vector.broadcast %broadcast_in_dim3A_178 : vector<1024x1xf32> to vector<1024x1024xf32>
    %eq3A_180 = arith.cmpf oeq, %select_n3A_175, %eq3A_179 : vector<1024x1024xf32>
    %jit3A_181 = arith.constant 1024 : i32
    %broadcast_in_dim3A_182 = vector.broadcast %jit3A_181 : i32 to vector<1024x1024xi32>
    %select_n3A_183 = arith.select %eq3A_180, %iota3A, %broadcast_in_dim3A_182 : vector<1024x1024xi1>, vector<1024x1024xi32>
    %reduce_min3A_184 = arith.constant dense<2147483647> : vector<1024xi32>
    %reduce_min3A_185 = vector.multi_reduction <minsi>, %select_n3A_183, %reduce_min3A_184 [1] : vector<1024x1024xi32> to vector<1024xi32>
    %broadcast_in_dim3A_186 = vector.shape_cast %reduce_min3A_185 : vector<1024xi32> to vector<1024x1xi32>
    %swap3A_187 = arith.constant 0 : index
    %swap3A_188 = arith.constant 9 : index
    %swap3A_189 = vector.load %arg5[%swap3A_187, %swap3A_188] : memref<1024x20xi32, #tpu.memory_space<vmem>>, vector<1024x1xi32>
    tpu.vector_store %arg5[%swap3A_187, %swap3A_188], %broadcast_in_dim3A_186 {strides = array<i32>} : memref<1024x20xi32, #tpu.memory_space<vmem>>, vector<1024x1xi32>,
    %jit3A_190 = arith.constant 0xFF800000 : f32
    %broadcast_in_dim3A_191 = vector.broadcast %jit3A_190 : f32 to vector<1024x1024xf32>
    %select_n3A_192 = arith.select %eq3A_180, %broadcast_in_dim3A_191, %select_n3A_175 : vector<1024x1024xi1>, vector<1024x1024xf32>
    %reduce_max3A_193 = arith.constant dense<0xFF800000> : vector<1024xf32>
    %reduce_max3A_194 = vector.multi_reduction <maximumf>, %select_n3A_192, %reduce_max3A_193 [1] : vector<1024x1024xf32> to vector<1024xf32>
    %broadcast_in_dim3A_195 = vector.shape_cast %reduce_max3A_194 : vector<1024xf32> to vector<1024x1xf32>
    %eq3A_196 = vector.broadcast %broadcast_in_dim3A_195 : vector<1024x1xf32> to vector<1024x1024xf32>
    %eq3A_197 = arith.cmpf oeq, %select_n3A_192, %eq3A_196 : vector<1024x1024xf32>
    %jit3A_198 = arith.constant 1024 : i32
    %broadcast_in_dim3A_199 = vector.broadcast %jit3A_198 : i32 to vector<1024x1024xi32>
    %select_n3A_200 = arith.select %eq3A_197, %iota3A, %broadcast_in_dim3A_199 : vector<1024x1024xi1>, vector<1024x1024xi32>
    %reduce_min3A_201 = arith.constant dense<2147483647> : vector<1024xi32>
    %reduce_min3A_202 = vector.multi_reduction <minsi>, %select_n3A_200, %reduce_min3A_201 [1] : vector<1024x1024xi32> to vector<1024xi32>
    %broadcast_in_dim3A_203 = vector.shape_cast %reduce_min3A_202 : vector<1024xi32> to vector<1024x1xi32>
    %swap3A_204 = arith.constant 0 : index
    %swap3A_205 = arith.constant 10 : index
    %swap3A_206 = vector.load %arg5[%swap3A_204, %swap3A_205] : memref<1024x20xi32, #tpu.memory_space<vmem>>, vector<1024x1xi32>
    tpu.vector_store %arg5[%swap3A_204, %swap3A_205], %broadcast_in_dim3A_203 {strides = array<i32>} : memref<1024x20xi32, #tpu.memory_space<vmem>>, vector<1024x1xi32>,
    %jit3A_207 = arith.constant 0xFF800000 : f32
    %broadcast_in_dim3A_208 = vector.broadcast %jit3A_207 : f32 to vector<1024x1024xf32>
    %select_n3A_209 = arith.select %eq3A_197, %broadcast_in_dim3A_208, %select_n3A_192 : vector<1024x1024xi1>, vector<1024x1024xf32>
    %reduce_max3A_210 = arith.constant dense<0xFF800000> : vector<1024xf32>
    %reduce_max3A_211 = vector.multi_reduction <maximumf>, %select_n3A_209, %reduce_max3A_210 [1] : vector<1024x1024xf32> to vector<1024xf32>
    %broadcast_in_dim3A_212 = vector.shape_cast %reduce_max3A_211 : vector<1024xf32> to vector<1024x1xf32>
    %eq3A_213 = vector.broadcast %broadcast_in_dim3A_212 : vector<1024x1xf32> to vector<1024x1024xf32>
    %eq3A_214 = arith.cmpf oeq, %select_n3A_209, %eq3A_213 : vector<1024x1024xf32>
    %jit3A_215 = arith.constant 1024 : i32
    %broadcast_in_dim3A_216 = vector.broadcast %jit3A_215 : i32 to vector<1024x1024xi32>
    %select_n3A_217 = arith.select %eq3A_214, %iota3A, %broadcast_in_dim3A_216 : vector<1024x1024xi1>, vector<1024x1024xi32>
    %reduce_min3A_218 = arith.constant dense<2147483647> : vector<1024xi32>
    %reduce_min3A_219 = vector.multi_reduction <minsi>, %select_n3A_217, %reduce_min3A_218 [1] : vector<1024x1024xi32> to vector<1024xi32>
    %broadcast_in_dim3A_220 = vector.shape_cast %reduce_min3A_219 : vector<1024xi32> to vector<1024x1xi32>
    %swap3A_221 = arith.constant 0 : index
    %swap3A_222 = arith.constant 11 : index
    %swap3A_223 = vector.load %arg5[%swap3A_221, %swap3A_222] : memref<1024x20xi32, #tpu.memory_space<vmem>>, vector<1024x1xi32>
    tpu.vector_store %arg5[%swap3A_221, %swap3A_222], %broadcast_in_dim3A_220 {strides = array<i32>} : memref<1024x20xi32, #tpu.memory_space<vmem>>, vector<1024x1xi32>,
    %jit3A_224 = arith.constant 0xFF800000 : f32
    %broadcast_in_dim3A_225 = vector.broadcast %jit3A_224 : f32 to vector<1024x1024xf32>
    %select_n3A_226 = arith.select %eq3A_214, %broadcast_in_dim3A_225, %select_n3A_209 : vector<1024x1024xi1>, vector<1024x1024xf32>
    %reduce_max3A_227 = arith.constant dense<0xFF800000> : vector<1024xf32>
    %reduce_max3A_228 = vector.multi_reduction <maximumf>, %select_n3A_226, %reduce_max3A_227 [1] : vector<1024x1024xf32> to vector<1024xf32>
    %broadcast_in_dim3A_229 = vector.shape_cast %reduce_max3A_228 : vector<1024xf32> to vector<1024x1xf32>
    %eq3A_230 = vector.broadcast %broadcast_in_dim3A_229 : vector<1024x1xf32> to vector<1024x1024xf32>
    %eq3A_231 = arith.cmpf oeq, %select_n3A_226, %eq3A_230 : vector<1024x1024xf32>
    %jit3A_232 = arith.constant 1024 : i32
    %broadcast_in_dim3A_233 = vector.broadcast %jit3A_232 : i32 to vector<1024x1024xi32>
    %select_n3A_234 = arith.select %eq3A_231, %iota3A, %broadcast_in_dim3A_233 : vector<1024x1024xi1>, vector<1024x1024xi32>
    %reduce_min3A_235 = arith.constant dense<2147483647> : vector<1024xi32>
    %reduce_min3A_236 = vector.multi_reduction <minsi>, %select_n3A_234, %reduce_min3A_235 [1] : vector<1024x1024xi32> to vector<1024xi32>
    %broadcast_in_dim3A_237 = vector.shape_cast %reduce_min3A_236 : vector<1024xi32> to vector<1024x1xi32>
    %swap3A_238 = arith.constant 0 : index
    %swap3A_239 = arith.constant 12 : index
    %swap3A_240 = vector.load %arg5[%swap3A_238, %swap3A_239] : memref<1024x20xi32, #tpu.memory_space<vmem>>, vector<1024x1xi32>
    tpu.vector_store %arg5[%swap3A_238, %swap3A_239], %broadcast_in_dim3A_237 {strides = array<i32>} : memref<1024x20xi32, #tpu.memory_space<vmem>>, vector<1024x1xi32>,
    %jit3A_241 = arith.constant 0xFF800000 : f32
    %broadcast_in_dim3A_242 = vector.broadcast %jit3A_241 : f32 to vector<1024x1024xf32>
    %select_n3A_243 = arith.select %eq3A_231, %broadcast_in_dim3A_242, %select_n3A_226 : vector<1024x1024xi1>, vector<1024x1024xf32>
    %reduce_max3A_244 = arith.constant dense<0xFF800000> : vector<1024xf32>
    %reduce_max3A_245 = vector.multi_reduction <maximumf>, %select_n3A_243, %reduce_max3A_244 [1] : vector<1024x1024xf32> to vector<1024xf32>
    %broadcast_in_dim3A_246 = vector.shape_cast %reduce_max3A_245 : vector<1024xf32> to vector<1024x1xf32>
    %eq3A_247 = vector.broadcast %broadcast_in_dim3A_246 : vector<1024x1xf32> to vector<1024x1024xf32>
    %eq3A_248 = arith.cmpf oeq, %select_n3A_243, %eq3A_247 : vector<1024x1024xf32>
    %jit3A_249 = arith.constant 1024 : i32
    %broadcast_in_dim3A_250 = vector.broadcast %jit3A_249 : i32 to vector<1024x1024xi32>
    %select_n3A_251 = arith.select %eq3A_248, %iota3A, %broadcast_in_dim3A_250 : vector<1024x1024xi1>, vector<1024x1024xi32>
    %reduce_min3A_252 = arith.constant dense<2147483647> : vector<1024xi32>
    %reduce_min3A_253 = vector.multi_reduction <minsi>, %select_n3A_251, %reduce_min3A_252 [1] : vector<1024x1024xi32> to vector<1024xi32>
    %broadcast_in_dim3A_254 = vector.shape_cast %reduce_min3A_253 : vector<1024xi32> to vector<1024x1xi32>
    %swap3A_255 = arith.constant 0 : index
    %swap3A_256 = arith.constant 13 : index
    %swap3A_257 = vector.load %arg5[%swap3A_255, %swap3A_256] : memref<1024x20xi32, #tpu.memory_space<vmem>>, vector<1024x1xi32>
    tpu.vector_store %arg5[%swap3A_255, %swap3A_256], %broadcast_in_dim3A_254 {strides = array<i32>} : memref<1024x20xi32, #tpu.memory_space<vmem>>, vector<1024x1xi32>,
    %jit3A_258 = arith.constant 0xFF800000 : f32
    %broadcast_in_dim3A_259 = vector.broadcast %jit3A_258 : f32 to vector<1024x1024xf32>
    %select_n3A_260 = arith.select %eq3A_248, %broadcast_in_dim3A_259, %select_n3A_243 : vector<1024x1024xi1>, vector<1024x1024xf32>
    %reduce_max3A_261 = arith.constant dense<0xFF800000> : vector<1024xf32>
    %reduce_max3A_262 = vector.multi_reduction <maximumf>, %select_n3A_260, %reduce_max3A_261 [1] : vector<1024x1024xf32> to vector<1024xf32>
    %broadcast_in_dim3A_263 = vector.shape_cast %reduce_max3A_262 : vector<1024xf32> to vector<1024x1xf32>
    %eq3A_264 = vector.broadcast %broadcast_in_dim3A_263 : vector<1024x1xf32> to vector<1024x1024xf32>
    %eq3A_265 = arith.cmpf oeq, %select_n3A_260, %eq3A_264 : vector<1024x1024xf32>
    %jit3A_266 = arith.constant 1024 : i32
    %broadcast_in_dim3A_267 = vector.broadcast %jit3A_266 : i32 to vector<1024x1024xi32>
    %select_n3A_268 = arith.select %eq3A_265, %iota3A, %broadcast_in_dim3A_267 : vector<1024x1024xi1>, vector<1024x1024xi32>
    %reduce_min3A_269 = arith.constant dense<2147483647> : vector<1024xi32>
    %reduce_min3A_270 = vector.multi_reduction <minsi>, %select_n3A_268, %reduce_min3A_269 [1] : vector<1024x1024xi32> to vector<1024xi32>
    %broadcast_in_dim3A_271 = vector.shape_cast %reduce_min3A_270 : vector<1024xi32> to vector<1024x1xi32>
    %swap3A_272 = arith.constant 0 : index
    %swap3A_273 = arith.constant 14 : index
    %swap3A_274 = vector.load %arg5[%swap3A_272, %swap3A_273] : memref<1024x20xi32, #tpu.memory_space<vmem>>, vector<1024x1xi32>
    tpu.vector_store %arg5[%swap3A_272, %swap3A_273], %broadcast_in_dim3A_271 {strides = array<i32>} : memref<1024x20xi32, #tpu.memory_space<vmem>>, vector<1024x1xi32>,
    %jit3A_275 = arith.constant 0xFF800000 : f32
    %broadcast_in_dim3A_276 = vector.broadcast %jit3A_275 : f32 to vector<1024x1024xf32>
    %select_n3A_277 = arith.select %eq3A_265, %broadcast_in_dim3A_276, %select_n3A_260 : vector<1024x1024xi1>, vector<1024x1024xf32>
    %reduce_max3A_278 = arith.constant dense<0xFF800000> : vector<1024xf32>
    %reduce_max3A_279 = vector.multi_reduction <maximumf>, %select_n3A_277, %reduce_max3A_278 [1] : vector<1024x1024xf32> to vector<1024xf32>
    %broadcast_in_dim3A_280 = vector.shape_cast %reduce_max3A_279 : vector<1024xf32> to vector<1024x1xf32>
    %eq3A_281 = vector.broadcast %broadcast_in_dim3A_280 : vector<1024x1xf32> to vector<1024x1024xf32>
    %eq3A_282 = arith.cmpf oeq, %select_n3A_277, %eq3A_281 : vector<1024x1024xf32>
    %jit3A_283 = arith.constant 1024 : i32
    %broadcast_in_dim3A_284 = vector.broadcast %jit3A_283 : i32 to vector<1024x1024xi32>
    %select_n3A_285 = arith.select %eq3A_282, %iota3A, %broadcast_in_dim3A_284 : vector<1024x1024xi1>, vector<1024x1024xi32>
    %reduce_min3A_286 = arith.constant dense<2147483647> : vector<1024xi32>
    %reduce_min3A_287 = vector.multi_reduction <minsi>, %select_n3A_285, %reduce_min3A_286 [1] : vector<1024x1024xi32> to vector<1024xi32>
    %broadcast_in_dim3A_288 = vector.shape_cast %reduce_min3A_287 : vector<1024xi32> to vector<1024x1xi32>
    %swap3A_289 = arith.constant 0 : index
    %swap3A_290 = arith.constant 15 : index
    %swap3A_291 = vector.load %arg5[%swap3A_289, %swap3A_290] : memref<1024x20xi32, #tpu.memory_space<vmem>>, vector<1024x1xi32>
    tpu.vector_store %arg5[%swap3A_289, %swap3A_290], %broadcast_in_dim3A_288 {strides = array<i32>} : memref<1024x20xi32, #tpu.memory_space<vmem>>, vector<1024x1xi32>,
    %jit3A_292 = arith.constant 0xFF800000 : f32
    %broadcast_in_dim3A_293 = vector.broadcast %jit3A_292 : f32 to vector<1024x1024xf32>
    %select_n3A_294 = arith.select %eq3A_282, %broadcast_in_dim3A_293, %select_n3A_277 : vector<1024x1024xi1>, vector<1024x1024xf32>
    %reduce_max3A_295 = arith.constant dense<0xFF800000> : vector<1024xf32>
    %reduce_max3A_296 = vector.multi_reduction <maximumf>, %select_n3A_294, %reduce_max3A_295 [1] : vector<1024x1024xf32> to vector<1024xf32>
    %broadcast_in_dim3A_297 = vector.shape_cast %reduce_max3A_296 : vector<1024xf32> to vector<1024x1xf32>
    %eq3A_298 = vector.broadcast %broadcast_in_dim3A_297 : vector<1024x1xf32> to vector<1024x1024xf32>
    %eq3A_299 = arith.cmpf oeq, %select_n3A_294, %eq3A_298 : vector<1024x1024xf32>
    %jit3A_300 = arith.constant 1024 : i32
    %broadcast_in_dim3A_301 = vector.broadcast %jit3A_300 : i32 to vector<1024x1024xi32>
    %select_n3A_302 = arith.select %eq3A_299, %iota3A, %broadcast_in_dim3A_301 : vector<1024x1024xi1>, vector<1024x1024xi32>
    %reduce_min3A_303 = arith.constant dense<2147483647> : vector<1024xi32>
    %reduce_min3A_304 = vector.multi_reduction <minsi>, %select_n3A_302, %reduce_min3A_303 [1] : vector<1024x1024xi32> to vector<1024xi32>
    %broadcast_in_dim3A_305 = vector.shape_cast %reduce_min3A_304 : vector<1024xi32> to vector<1024x1xi32>
    %swap3A_306 = arith.constant 0 : index
    %swap3A_307 = arith.constant 16 : index
    %swap3A_308 = vector.load %arg5[%swap3A_306, %swap3A_307] : memref<1024x20xi32, #tpu.memory_space<vmem>>, vector<1024x1xi32>
    tpu.vector_store %arg5[%swap3A_306, %swap3A_307], %broadcast_in_dim3A_305 {strides = array<i32>} : memref<1024x20xi32, #tpu.memory_space<vmem>>, vector<1024x1xi32>,
    %jit3A_309 = arith.constant 0xFF800000 : f32
    %broadcast_in_dim3A_310 = vector.broadcast %jit3A_309 : f32 to vector<1024x1024xf32>
    %select_n3A_311 = arith.select %eq3A_299, %broadcast_in_dim3A_310, %select_n3A_294 : vector<1024x1024xi1>, vector<1024x1024xf32>
    %reduce_max3A_312 = arith.constant dense<0xFF800000> : vector<1024xf32>
    %reduce_max3A_313 = vector.multi_reduction <maximumf>, %select_n3A_311, %reduce_max3A_312 [1] : vector<1024x1024xf32> to vector<1024xf32>
    %broadcast_in_dim3A_314 = vector.shape_cast %reduce_max3A_313 : vector<1024xf32> to vector<1024x1xf32>
    %eq3A_315 = vector.broadcast %broadcast_in_dim3A_314 : vector<1024x1xf32> to vector<1024x1024xf32>
    %eq3A_316 = arith.cmpf oeq, %select_n3A_311, %eq3A_315 : vector<1024x1024xf32>
    %jit3A_317 = arith.constant 1024 : i32
    %broadcast_in_dim3A_318 = vector.broadcast %jit3A_317 : i32 to vector<1024x1024xi32>
    %select_n3A_319 = arith.select %eq3A_316, %iota3A, %broadcast_in_dim3A_318 : vector<1024x1024xi1>, vector<1024x1024xi32>
    %reduce_min3A_320 = arith.constant dense<2147483647> : vector<1024xi32>
    %reduce_min3A_321 = vector.multi_reduction <minsi>, %select_n3A_319, %reduce_min3A_320 [1] : vector<1024x1024xi32> to vector<1024xi32>
    %broadcast_in_dim3A_322 = vector.shape_cast %reduce_min3A_321 : vector<1024xi32> to vector<1024x1xi32>
    %swap3A_323 = arith.constant 0 : index
    %swap3A_324 = arith.constant 17 : index
    %swap3A_325 = vector.load %arg5[%swap3A_323, %swap3A_324] : memref<1024x20xi32, #tpu.memory_space<vmem>>, vector<1024x1xi32>
    tpu.vector_store %arg5[%swap3A_323, %swap3A_324], %broadcast_in_dim3A_322 {strides = array<i32>} : memref<1024x20xi32, #tpu.memory_space<vmem>>, vector<1024x1xi32>,
    %jit3A_326 = arith.constant 0xFF800000 : f32
    %broadcast_in_dim3A_327 = vector.broadcast %jit3A_326 : f32 to vector<1024x1024xf32>
    %select_n3A_328 = arith.select %eq3A_316, %broadcast_in_dim3A_327, %select_n3A_311 : vector<1024x1024xi1>, vector<1024x1024xf32>
    %reduce_max3A_329 = arith.constant dense<0xFF800000> : vector<1024xf32>
    %reduce_max3A_330 = vector.multi_reduction <maximumf>, %select_n3A_328, %reduce_max3A_329 [1] : vector<1024x1024xf32> to vector<1024xf32>
    %broadcast_in_dim3A_331 = vector.shape_cast %reduce_max3A_330 : vector<1024xf32> to vector<1024x1xf32>
    %eq3A_332 = vector.broadcast %broadcast_in_dim3A_331 : vector<1024x1xf32> to vector<1024x1024xf32>
    %eq3A_333 = arith.cmpf oeq, %select_n3A_328, %eq3A_332 : vector<1024x1024xf32>
    %jit3A_334 = arith.constant 1024 : i32
    %broadcast_in_dim3A_335 = vector.broadcast %jit3A_334 : i32 to vector<1024x1024xi32>
    %select_n3A_336 = arith.select %eq3A_333, %iota3A, %broadcast_in_dim3A_335 : vector<1024x1024xi1>, vector<1024x1024xi32>
    %reduce_min3A_337 = arith.constant dense<2147483647> : vector<1024xi32>
    %reduce_min3A_338 = vector.multi_reduction <minsi>, %select_n3A_336, %reduce_min3A_337 [1] : vector<1024x1024xi32> to vector<1024xi32>
    %broadcast_in_dim3A_339 = vector.shape_cast %reduce_min3A_338 : vector<1024xi32> to vector<1024x1xi32>
    %swap3A_340 = arith.constant 0 : index
    %swap3A_341 = arith.constant 18 : index
    %swap3A_342 = vector.load %arg5[%swap3A_340, %swap3A_341] : memref<1024x20xi32, #tpu.memory_space<vmem>>, vector<1024x1xi32>
    tpu.vector_store %arg5[%swap3A_340, %swap3A_341], %broadcast_in_dim3A_339 {strides = array<i32>} : memref<1024x20xi32, #tpu.memory_space<vmem>>, vector<1024x1xi32>,
    %jit3A_343 = arith.constant 0xFF800000 : f32
    %broadcast_in_dim3A_344 = vector.broadcast %jit3A_343 : f32 to vector<1024x1024xf32>
    %select_n3A_345 = arith.select %eq3A_333, %broadcast_in_dim3A_344, %select_n3A_328 : vector<1024x1024xi1>, vector<1024x1024xf32>
    %reduce_max3A_346 = arith.constant dense<0xFF800000> : vector<1024xf32>
    %reduce_max3A_347 = vector.multi_reduction <maximumf>, %select_n3A_345, %reduce_max3A_346 [1] : vector<1024x1024xf32> to vector<1024xf32>
    %broadcast_in_dim3A_348 = vector.shape_cast %reduce_max3A_347 : vector<1024xf32> to vector<1024x1xf32>
    %eq3A_349 = vector.broadcast %broadcast_in_dim3A_348 : vector<1024x1xf32> to vector<1024x1024xf32>
    %eq3A_350 = arith.cmpf oeq, %select_n3A_345, %eq3A_349 : vector<1024x1024xf32>
    %jit3A_351 = arith.constant 1024 : i32
    %broadcast_in_dim3A_352 = vector.broadcast %jit3A_351 : i32 to vector<1024x1024xi32>
    %select_n3A_353 = arith.select %eq3A_350, %iota3A, %broadcast_in_dim3A_352 : vector<1024x1024xi1>, vector<1024x1024xi32>
    %reduce_min3A_354 = arith.constant dense<2147483647> : vector<1024xi32>
    %reduce_min3A_355 = vector.multi_reduction <minsi>, %select_n3A_353, %reduce_min3A_354 [1] : vector<1024x1024xi32> to vector<1024xi32>
    %broadcast_in_dim3A_356 = vector.shape_cast %reduce_min3A_355 : vector<1024xi32> to vector<1024x1xi32>
    %swap3A_357 = arith.constant 0 : index
    %swap3A_358 = arith.constant 19 : index
    %swap3A_359 = vector.load %arg5[%swap3A_357, %swap3A_358] : memref<1024x20xi32, #tpu.memory_space<vmem>>, vector<1024x1xi32>
    tpu.vector_store %arg5[%swap3A_357, %swap3A_358], %broadcast_in_dim3A_356 {strides = array<i32>} : memref<1024x20xi32, #tpu.memory_space<vmem>>, vector<1024x1xi32>,
    %jit3A_360 = arith.constant 0xFF800000 : f32
    %broadcast_in_dim3A_361 = vector.broadcast %jit3A_360 : f32 to vector<1024x1024xf32>
    %select_n3A_362 = arith.select %eq3A_350, %broadcast_in_dim3A_361, %select_n3A_345 : vector<1024x1024xi1>, vector<1024x1024xf32>
    %eq3A_363 = arith.constant 0xFF800000 : f32
    %eq3A_364 = vector.broadcast %eq3A_363 : f32 to vector<1024x1024xf32>
    %eq3A_365 = arith.cmpf oeq, %select_n3A_362, %eq3A_364 : vector<1024x1024xf32>
    %jit3A_366 = arith.constant 1.000000e+00 : f32
    %jit3A_367 = arith.constant 0.000000e+00 : f32
    %broadcast_in_dim3A_368 = vector.broadcast %jit3A_366 : f32 to vector<1024x1024xf32>
    %broadcast_in_dim3A_369 = vector.broadcast %jit3A_367 : f32 to vector<1024x1024xf32>
    %select_n3A_370 = arith.select %eq3A_365, %broadcast_in_dim3A_368, %broadcast_in_dim3A_369 : vector<1024x1024xi1>, vector<1024x1024xf32>
    %swap3A_371 = arith.constant 0 : index
    %swap3A_372 = arith.constant 0 : index
    %swap3A_373 = vector.load %arg6[%swap3A_371, %swap3A_372] : memref<1024x1024xf32, #tpu.memory_space<vmem>>, vector<1024x1024xf32>
    tpu.vector_store %arg6[%swap3A_371, %swap3A_372], %select_n3A_370 {strides = array<i32>} : memref<1024x1024xf32, #tpu.memory_space<vmem>>, vector<1024x1024xf32>,
    return
  }
  func.func @transform_0(%arg0: i32) -> (i32, i32, i32) {
    %c3_i32 = arith.constant 3 : i32
    %c0_i32 = arith.constant 0 : i32
    %c0_i32_0 = arith.constant 0 : i32
    %c0_i32_1 = arith.constant 0 : i32
    return %c3_i32, %c0_i32, %c0_i32_0 : i32, i32, i32
  }
  func.func @transform_1(%arg0: i32) -> (i32, i32) {
    %c0_i32 = arith.constant 0 : i32
    %c0_i32_0 = arith.constant 0 : i32
    %c0_i32_1 = arith.constant 0 : i32
    return %c0_i32, %c0_i32_0 : i32, i32
  }
  func.func @transform_2(%arg0: i32) -> (i32, i32) {
    %c0_i32 = arith.constant 0 : i32
    %c0_i32_0 = arith.constant 0 : i32
    %c0_i32_1 = arith.constant 0 : i32
    return %c0_i32, %c0_i32_0 : i32, i32
  }
  func.func @transform_3(%arg0: i32) -> (i32, i32) {
    %c0_i32 = arith.constant 0 : i32
    %c0_i32_0 = arith.constant 0 : i32
    %c0_i32_1 = arith.constant 0 : i32
    return %c0_i32, %c0_i32_0 : i32, i32
  }
  func.func @transform_4(%arg0: i32) -> (i32, i32) {
    %c0_i32 = arith.constant 0 : i32
    %c0_i32_0 = arith.constant 0 : i32
    %c0_i32_1 = arith.constant 0 : i32
    return %c0_i32, %c0_i32_0 : i32, i32
  }
  func.func @transform_5(%arg0: i32) -> (i32, i32) {
    %c0_i32 = arith.constant 0 : i32
    %c0_i32_0 = arith.constant 0 : i32
    %c0_i32_1 = arith.constant 0 : i32
    return %c0_i32, %c0_i32_0 : i32, i32
  }
}

module attributes {stable_mosaic.version = 14 : i64} {
  func.func @_tc1_body(%arg0: i32, %arg1: memref<1x384x1024xf32, #tpu.memory_space<vmem>>, %arg2: memref<384x768xf32, #tpu.memory_space<vmem>>, %arg3: memref<384x1024xf32, #tpu.memory_space<vmem>>, %arg4: memref<384x1024xf32, #tpu.memory_space<vmem>>, %arg5: memref<1024x20xi32, #tpu.memory_space<vmem>>, %arg6: memref<1024x1024xf32, #tpu.memory_space<vmem>>) attributes {dimension_semantics = [#tpu.dimension_semantics<arbitrary>], iteration_bounds = array<i64: 1>, scalar_prefetch = 0 : i64, scratch_operands = 0 : i64, tpu.core_type = #tpu.core_type<tc>, window_params = [{transform_indices = @transform_0, window_bounds = array<i64: 1, 384, 1024>}, {pipeline_mode = #tpu.pipeline_mode<synchronous>, transform_indices = @transform_1, window_bounds = array<i64: 384, 768>}, {pipeline_mode = #tpu.pipeline_mode<synchronous>, transform_indices = @transform_2, window_bounds = array<i64: 384, 1024>}, {pipeline_mode = #tpu.pipeline_mode<synchronous>, transform_indices = @transform_3, window_bounds = array<i64: 384, 1024>}, {pipeline_mode = #tpu.pipeline_mode<synchronous>, transform_indices = @transform_4, window_bounds = array<i64: 1024, 20>}, {pipeline_mode = #tpu.pipeline_mode<synchronous>, transform_indices = @transform_5, window_bounds = array<i64: 1024, 1024>}]} {
    %get3A = arith.constant 0 : index
    %get3A_0 = arith.constant 0 : index
    %get3A_1 = arith.constant 0 : index
    %get3A_2 = vector.load %arg1[%get3A, %get3A_0, %get3A_1] : memref<1x384x1024xf32, #tpu.memory_space<vmem>>, vector<1x384x1024xf32>
    %get3A_3 = vector.shape_cast %get3A_2 : vector<1x384x1024xf32> to vector<384x1024xf32>
    %get3A_4 = arith.constant 0 : index
    %get3A_5 = arith.constant 0 : index
    %get3A_6 = vector.load %arg2[%get3A_4, %get3A_5] : memref<384x768xf32, #tpu.memory_space<vmem>>, vector<384x384xf32>
    %get3A_7 = arith.constant 0 : index
    %get3A_8 = arith.constant 384 : index
    %get3A_9 = vector.load %arg2[%get3A_7, %get3A_8] : memref<384x768xf32, #tpu.memory_space<vmem>>, vector<384x384xf32>
    %sub3A = arith.subf %get3A_9, %get3A_6 : vector<384x384xf32>
    %concatenate3A = tpu.concatenate %get3A_6, %sub3A in 0 : vector<384x384xf32>, vector<384x384xf32> -> vector<768x384xf32>
    %dot_general3A = arith.constant dense<0.000000e+00> : vector<768x1024xf32>
    %dot_general3A_10 = tpu.matmul %concatenate3A, %get3A_3, %dot_general3A {dimension_numbers = #tpu.dot_dimension_numbers<[1], [0], [0], [1], [0, 0, 1, 1], [], []>, transpose_lhs_hint = false} : vector<768x384xf32>, vector<384x1024xf32>, vector<768x1024xf32> -> vector<768x1024xf32>
    %slice3A = vector.extract_strided_slice %dot_general3A_10 {offsets = [0, 0], sizes = [384, 1024], strides = [1, 1]} : vector<768x1024xf32> to vector<384x1024xf32>
    %swap3A = arith.constant 0 : index
    %swap3A_11 = arith.constant 0 : index
    %swap3A_12 = vector.load %arg3[%swap3A, %swap3A_11] : memref<384x1024xf32, #tpu.memory_space<vmem>>, vector<384x1024xf32>
    tpu.vector_store %arg3[%swap3A, %swap3A_11], %slice3A {strides = array<i32>} : memref<384x1024xf32, #tpu.memory_space<vmem>>, vector<384x1024xf32>,
    %slice3A_13 = vector.extract_strided_slice %dot_general3A_10 {offsets = [384, 0], sizes = [384, 1024], strides = [1, 1]} : vector<768x1024xf32> to vector<384x1024xf32>
    %swap3A_14 = arith.constant 0 : index
    %swap3A_15 = arith.constant 0 : index
    %swap3A_16 = vector.load %arg4[%swap3A_14, %swap3A_15] : memref<384x1024xf32, #tpu.memory_space<vmem>>, vector<384x1024xf32>
    tpu.vector_store %arg4[%swap3A_14, %swap3A_15], %slice3A_13 {strides = array<i32>} : memref<384x1024xf32, #tpu.memory_space<vmem>>, vector<384x1024xf32>,
    %dot_general3A_17 = arith.constant dense<0.000000e+00> : vector<1024x1024xf32>
    %dot_general3A_18 = tpu.matmul %get3A_3, %get3A_3, %dot_general3A_17 {dimension_numbers = #tpu.dot_dimension_numbers<[0], [0], [1], [1], [0, 1, 1, 1], [], []>, transpose_lhs_hint = false} : vector<384x1024xf32>, vector<384x1024xf32>, vector<1024x1024xf32> -> vector<1024x1024xf32>
    %mul3A = arith.mulf %get3A_3, %get3A_3 : vector<384x1024xf32>
    %reduce_sum3A = arith.constant dense<0.000000e+00> : vector<1024xf32>
    %reduce_sum3A_19 = vector.multi_reduction <add>, %mul3A, %reduce_sum3A [0] : vector<384x1024xf32> to vector<1024xf32>
    %mul3A_20 = arith.constant 2.000000e+00 : f32
    %mul3A_21 = vector.broadcast %mul3A_20 : f32 to vector<1024x1024xf32>
    %mul3A_22 = arith.mulf %mul3A_21, %dot_general3A_18 : vector<1024x1024xf32>
    %broadcast_in_dim3A = vector.shape_cast %reduce_sum3A_19 : vector<1024xf32> to vector<1024x1xf32>
    %sub3A_23 = vector.broadcast %broadcast_in_dim3A : vector<1024x1xf32> to vector<1024x1024xf32>
    %sub3A_24 = arith.subf %mul3A_22, %sub3A_23 : vector<1024x1024xf32>
    %broadcast_in_dim3A_25 = vector.shape_cast %reduce_sum3A_19 : vector<1024xf32> to vector<1x1024xf32>
    %sub3A_26 = vector.broadcast %broadcast_in_dim3A_25 : vector<1x1024xf32> to vector<1024x1024xf32>
    %sub3A_27 = arith.subf %sub3A_24, %sub3A_26 : vector<1024x1024xf32>
    %iota3A = tpu.iota {dimensions = array<i32: 1>} : vector<1024x1024xi32>
    %reduce_max3A = arith.constant dense<0xFF800000> : vector<1024xf32>
    %reduce_max3A_28 = vector.multi_reduction <maximumf>, %sub3A_27, %reduce_max3A [1] : vector<1024x1024xf32> to vector<1024xf32>
    %broadcast_in_dim3A_29 = vector.shape_cast %reduce_max3A_28 : vector<1024xf32> to vector<1024x1xf32>
    %eq3A = vector.broadcast %broadcast_in_dim3A_29 : vector<1024x1xf32> to vector<1024x1024xf32>
    %eq3A_30 = arith.cmpf oeq, %sub3A_27, %eq3A : vector<1024x1024xf32>
    %jit3A = arith.constant 1024 : i32
    %broadcast_in_dim3A_31 = vector.broadcast %jit3A : i32 to vector<1024x1024xi32>
    %select_n3A = arith.select %eq3A_30, %iota3A, %broadcast_in_dim3A_31 : vector<1024x1024xi1>, vector<1024x1024xi32>
    %reduce_min3A = arith.constant dense<2147483647> : vector<1024xi32>
    %reduce_min3A_32 = vector.multi_reduction <minsi>, %select_n3A, %reduce_min3A [1] : vector<1024x1024xi32> to vector<1024xi32>
    %broadcast_in_dim3A_33 = vector.shape_cast %reduce_min3A_32 : vector<1024xi32> to vector<1024x1xi32>
    %swap3A_34 = arith.constant 0 : index
    %swap3A_35 = arith.constant 0 : index
    %swap3A_36 = vector.load %arg5[%swap3A_34, %swap3A_35] : memref<1024x20xi32, #tpu.memory_space<vmem>>, vector<1024x1xi32>
    tpu.vector_store %arg5[%swap3A_34, %swap3A_35], %broadcast_in_dim3A_33 {strides = array<i32>} : memref<1024x20xi32, #tpu.memory_space<vmem>>, vector<1024x1xi32>,
    %jit3A_37 = arith.constant 0xFF800000 : f32
    %broadcast_in_dim3A_38 = vector.broadcast %jit3A_37 : f32 to vector<1024x1024xf32>
    %select_n3A_39 = arith.select %eq3A_30, %broadcast_in_dim3A_38, %sub3A_27 : vector<1024x1024xi1>, vector<1024x1024xf32>
    %reduce_max3A_40 = arith.constant dense<0xFF800000> : vector<1024xf32>
    %reduce_max3A_41 = vector.multi_reduction <maximumf>, %select_n3A_39, %reduce_max3A_40 [1] : vector<1024x1024xf32> to vector<1024xf32>
    %broadcast_in_dim3A_42 = vector.shape_cast %reduce_max3A_41 : vector<1024xf32> to vector<1024x1xf32>
    %eq3A_43 = vector.broadcast %broadcast_in_dim3A_42 : vector<1024x1xf32> to vector<1024x1024xf32>
    %eq3A_44 = arith.cmpf oeq, %select_n3A_39, %eq3A_43 : vector<1024x1024xf32>
    %jit3A_45 = arith.constant 1024 : i32
    %broadcast_in_dim3A_46 = vector.broadcast %jit3A_45 : i32 to vector<1024x1024xi32>
    %select_n3A_47 = arith.select %eq3A_44, %iota3A, %broadcast_in_dim3A_46 : vector<1024x1024xi1>, vector<1024x1024xi32>
    %reduce_min3A_48 = arith.constant dense<2147483647> : vector<1024xi32>
    %reduce_min3A_49 = vector.multi_reduction <minsi>, %select_n3A_47, %reduce_min3A_48 [1] : vector<1024x1024xi32> to vector<1024xi32>
    %broadcast_in_dim3A_50 = vector.shape_cast %reduce_min3A_49 : vector<1024xi32> to vector<1024x1xi32>
    %swap3A_51 = arith.constant 0 : index
    %swap3A_52 = arith.constant 1 : index
    %swap3A_53 = vector.load %arg5[%swap3A_51, %swap3A_52] : memref<1024x20xi32, #tpu.memory_space<vmem>>, vector<1024x1xi32>
    tpu.vector_store %arg5[%swap3A_51, %swap3A_52], %broadcast_in_dim3A_50 {strides = array<i32>} : memref<1024x20xi32, #tpu.memory_space<vmem>>, vector<1024x1xi32>,
    %jit3A_54 = arith.constant 0xFF800000 : f32
    %broadcast_in_dim3A_55 = vector.broadcast %jit3A_54 : f32 to vector<1024x1024xf32>
    %select_n3A_56 = arith.select %eq3A_44, %broadcast_in_dim3A_55, %select_n3A_39 : vector<1024x1024xi1>, vector<1024x1024xf32>
    %reduce_max3A_57 = arith.constant dense<0xFF800000> : vector<1024xf32>
    %reduce_max3A_58 = vector.multi_reduction <maximumf>, %select_n3A_56, %reduce_max3A_57 [1] : vector<1024x1024xf32> to vector<1024xf32>
    %broadcast_in_dim3A_59 = vector.shape_cast %reduce_max3A_58 : vector<1024xf32> to vector<1024x1xf32>
    %eq3A_60 = vector.broadcast %broadcast_in_dim3A_59 : vector<1024x1xf32> to vector<1024x1024xf32>
    %eq3A_61 = arith.cmpf oeq, %select_n3A_56, %eq3A_60 : vector<1024x1024xf32>
    %jit3A_62 = arith.constant 1024 : i32
    %broadcast_in_dim3A_63 = vector.broadcast %jit3A_62 : i32 to vector<1024x1024xi32>
    %select_n3A_64 = arith.select %eq3A_61, %iota3A, %broadcast_in_dim3A_63 : vector<1024x1024xi1>, vector<1024x1024xi32>
    %reduce_min3A_65 = arith.constant dense<2147483647> : vector<1024xi32>
    %reduce_min3A_66 = vector.multi_reduction <minsi>, %select_n3A_64, %reduce_min3A_65 [1] : vector<1024x1024xi32> to vector<1024xi32>
    %broadcast_in_dim3A_67 = vector.shape_cast %reduce_min3A_66 : vector<1024xi32> to vector<1024x1xi32>
    %swap3A_68 = arith.constant 0 : index
    %swap3A_69 = arith.constant 2 : index
    %swap3A_70 = vector.load %arg5[%swap3A_68, %swap3A_69] : memref<1024x20xi32, #tpu.memory_space<vmem>>, vector<1024x1xi32>
    tpu.vector_store %arg5[%swap3A_68, %swap3A_69], %broadcast_in_dim3A_67 {strides = array<i32>} : memref<1024x20xi32, #tpu.memory_space<vmem>>, vector<1024x1xi32>,
    %jit3A_71 = arith.constant 0xFF800000 : f32
    %broadcast_in_dim3A_72 = vector.broadcast %jit3A_71 : f32 to vector<1024x1024xf32>
    %select_n3A_73 = arith.select %eq3A_61, %broadcast_in_dim3A_72, %select_n3A_56 : vector<1024x1024xi1>, vector<1024x1024xf32>
    %reduce_max3A_74 = arith.constant dense<0xFF800000> : vector<1024xf32>
    %reduce_max3A_75 = vector.multi_reduction <maximumf>, %select_n3A_73, %reduce_max3A_74 [1] : vector<1024x1024xf32> to vector<1024xf32>
    %broadcast_in_dim3A_76 = vector.shape_cast %reduce_max3A_75 : vector<1024xf32> to vector<1024x1xf32>
    %eq3A_77 = vector.broadcast %broadcast_in_dim3A_76 : vector<1024x1xf32> to vector<1024x1024xf32>
    %eq3A_78 = arith.cmpf oeq, %select_n3A_73, %eq3A_77 : vector<1024x1024xf32>
    %jit3A_79 = arith.constant 1024 : i32
    %broadcast_in_dim3A_80 = vector.broadcast %jit3A_79 : i32 to vector<1024x1024xi32>
    %select_n3A_81 = arith.select %eq3A_78, %iota3A, %broadcast_in_dim3A_80 : vector<1024x1024xi1>, vector<1024x1024xi32>
    %reduce_min3A_82 = arith.constant dense<2147483647> : vector<1024xi32>
    %reduce_min3A_83 = vector.multi_reduction <minsi>, %select_n3A_81, %reduce_min3A_82 [1] : vector<1024x1024xi32> to vector<1024xi32>
    %broadcast_in_dim3A_84 = vector.shape_cast %reduce_min3A_83 : vector<1024xi32> to vector<1024x1xi32>
    %swap3A_85 = arith.constant 0 : index
    %swap3A_86 = arith.constant 3 : index
    %swap3A_87 = vector.load %arg5[%swap3A_85, %swap3A_86] : memref<1024x20xi32, #tpu.memory_space<vmem>>, vector<1024x1xi32>
    tpu.vector_store %arg5[%swap3A_85, %swap3A_86], %broadcast_in_dim3A_84 {strides = array<i32>} : memref<1024x20xi32, #tpu.memory_space<vmem>>, vector<1024x1xi32>,
    %jit3A_88 = arith.constant 0xFF800000 : f32
    %broadcast_in_dim3A_89 = vector.broadcast %jit3A_88 : f32 to vector<1024x1024xf32>
    %select_n3A_90 = arith.select %eq3A_78, %broadcast_in_dim3A_89, %select_n3A_73 : vector<1024x1024xi1>, vector<1024x1024xf32>
    %reduce_max3A_91 = arith.constant dense<0xFF800000> : vector<1024xf32>
    %reduce_max3A_92 = vector.multi_reduction <maximumf>, %select_n3A_90, %reduce_max3A_91 [1] : vector<1024x1024xf32> to vector<1024xf32>
    %broadcast_in_dim3A_93 = vector.shape_cast %reduce_max3A_92 : vector<1024xf32> to vector<1024x1xf32>
    %eq3A_94 = vector.broadcast %broadcast_in_dim3A_93 : vector<1024x1xf32> to vector<1024x1024xf32>
    %eq3A_95 = arith.cmpf oeq, %select_n3A_90, %eq3A_94 : vector<1024x1024xf32>
    %jit3A_96 = arith.constant 1024 : i32
    %broadcast_in_dim3A_97 = vector.broadcast %jit3A_96 : i32 to vector<1024x1024xi32>
    %select_n3A_98 = arith.select %eq3A_95, %iota3A, %broadcast_in_dim3A_97 : vector<1024x1024xi1>, vector<1024x1024xi32>
    %reduce_min3A_99 = arith.constant dense<2147483647> : vector<1024xi32>
    %reduce_min3A_100 = vector.multi_reduction <minsi>, %select_n3A_98, %reduce_min3A_99 [1] : vector<1024x1024xi32> to vector<1024xi32>
    %broadcast_in_dim3A_101 = vector.shape_cast %reduce_min3A_100 : vector<1024xi32> to vector<1024x1xi32>
    %swap3A_102 = arith.constant 0 : index
    %swap3A_103 = arith.constant 4 : index
    %swap3A_104 = vector.load %arg5[%swap3A_102, %swap3A_103] : memref<1024x20xi32, #tpu.memory_space<vmem>>, vector<1024x1xi32>
    tpu.vector_store %arg5[%swap3A_102, %swap3A_103], %broadcast_in_dim3A_101 {strides = array<i32>} : memref<1024x20xi32, #tpu.memory_space<vmem>>, vector<1024x1xi32>,
    %jit3A_105 = arith.constant 0xFF800000 : f32
    %broadcast_in_dim3A_106 = vector.broadcast %jit3A_105 : f32 to vector<1024x1024xf32>
    %select_n3A_107 = arith.select %eq3A_95, %broadcast_in_dim3A_106, %select_n3A_90 : vector<1024x1024xi1>, vector<1024x1024xf32>
    %reduce_max3A_108 = arith.constant dense<0xFF800000> : vector<1024xf32>
    %reduce_max3A_109 = vector.multi_reduction <maximumf>, %select_n3A_107, %reduce_max3A_108 [1] : vector<1024x1024xf32> to vector<1024xf32>
    %broadcast_in_dim3A_110 = vector.shape_cast %reduce_max3A_109 : vector<1024xf32> to vector<1024x1xf32>
    %eq3A_111 = vector.broadcast %broadcast_in_dim3A_110 : vector<1024x1xf32> to vector<1024x1024xf32>
    %eq3A_112 = arith.cmpf oeq, %select_n3A_107, %eq3A_111 : vector<1024x1024xf32>
    %jit3A_113 = arith.constant 1024 : i32
    %broadcast_in_dim3A_114 = vector.broadcast %jit3A_113 : i32 to vector<1024x1024xi32>
    %select_n3A_115 = arith.select %eq3A_112, %iota3A, %broadcast_in_dim3A_114 : vector<1024x1024xi1>, vector<1024x1024xi32>
    %reduce_min3A_116 = arith.constant dense<2147483647> : vector<1024xi32>
    %reduce_min3A_117 = vector.multi_reduction <minsi>, %select_n3A_115, %reduce_min3A_116 [1] : vector<1024x1024xi32> to vector<1024xi32>
    %broadcast_in_dim3A_118 = vector.shape_cast %reduce_min3A_117 : vector<1024xi32> to vector<1024x1xi32>
    %swap3A_119 = arith.constant 0 : index
    %swap3A_120 = arith.constant 5 : index
    %swap3A_121 = vector.load %arg5[%swap3A_119, %swap3A_120] : memref<1024x20xi32, #tpu.memory_space<vmem>>, vector<1024x1xi32>
    tpu.vector_store %arg5[%swap3A_119, %swap3A_120], %broadcast_in_dim3A_118 {strides = array<i32>} : memref<1024x20xi32, #tpu.memory_space<vmem>>, vector<1024x1xi32>,
    %jit3A_122 = arith.constant 0xFF800000 : f32
    %broadcast_in_dim3A_123 = vector.broadcast %jit3A_122 : f32 to vector<1024x1024xf32>
    %select_n3A_124 = arith.select %eq3A_112, %broadcast_in_dim3A_123, %select_n3A_107 : vector<1024x1024xi1>, vector<1024x1024xf32>
    %reduce_max3A_125 = arith.constant dense<0xFF800000> : vector<1024xf32>
    %reduce_max3A_126 = vector.multi_reduction <maximumf>, %select_n3A_124, %reduce_max3A_125 [1] : vector<1024x1024xf32> to vector<1024xf32>
    %broadcast_in_dim3A_127 = vector.shape_cast %reduce_max3A_126 : vector<1024xf32> to vector<1024x1xf32>
    %eq3A_128 = vector.broadcast %broadcast_in_dim3A_127 : vector<1024x1xf32> to vector<1024x1024xf32>
    %eq3A_129 = arith.cmpf oeq, %select_n3A_124, %eq3A_128 : vector<1024x1024xf32>
    %jit3A_130 = arith.constant 1024 : i32
    %broadcast_in_dim3A_131 = vector.broadcast %jit3A_130 : i32 to vector<1024x1024xi32>
    %select_n3A_132 = arith.select %eq3A_129, %iota3A, %broadcast_in_dim3A_131 : vector<1024x1024xi1>, vector<1024x1024xi32>
    %reduce_min3A_133 = arith.constant dense<2147483647> : vector<1024xi32>
    %reduce_min3A_134 = vector.multi_reduction <minsi>, %select_n3A_132, %reduce_min3A_133 [1] : vector<1024x1024xi32> to vector<1024xi32>
    %broadcast_in_dim3A_135 = vector.shape_cast %reduce_min3A_134 : vector<1024xi32> to vector<1024x1xi32>
    %swap3A_136 = arith.constant 0 : index
    %swap3A_137 = arith.constant 6 : index
    %swap3A_138 = vector.load %arg5[%swap3A_136, %swap3A_137] : memref<1024x20xi32, #tpu.memory_space<vmem>>, vector<1024x1xi32>
    tpu.vector_store %arg5[%swap3A_136, %swap3A_137], %broadcast_in_dim3A_135 {strides = array<i32>} : memref<1024x20xi32, #tpu.memory_space<vmem>>, vector<1024x1xi32>,
    %jit3A_139 = arith.constant 0xFF800000 : f32
    %broadcast_in_dim3A_140 = vector.broadcast %jit3A_139 : f32 to vector<1024x1024xf32>
    %select_n3A_141 = arith.select %eq3A_129, %broadcast_in_dim3A_140, %select_n3A_124 : vector<1024x1024xi1>, vector<1024x1024xf32>
    %reduce_max3A_142 = arith.constant dense<0xFF800000> : vector<1024xf32>
    %reduce_max3A_143 = vector.multi_reduction <maximumf>, %select_n3A_141, %reduce_max3A_142 [1] : vector<1024x1024xf32> to vector<1024xf32>
    %broadcast_in_dim3A_144 = vector.shape_cast %reduce_max3A_143 : vector<1024xf32> to vector<1024x1xf32>
    %eq3A_145 = vector.broadcast %broadcast_in_dim3A_144 : vector<1024x1xf32> to vector<1024x1024xf32>
    %eq3A_146 = arith.cmpf oeq, %select_n3A_141, %eq3A_145 : vector<1024x1024xf32>
    %jit3A_147 = arith.constant 1024 : i32
    %broadcast_in_dim3A_148 = vector.broadcast %jit3A_147 : i32 to vector<1024x1024xi32>
    %select_n3A_149 = arith.select %eq3A_146, %iota3A, %broadcast_in_dim3A_148 : vector<1024x1024xi1>, vector<1024x1024xi32>
    %reduce_min3A_150 = arith.constant dense<2147483647> : vector<1024xi32>
    %reduce_min3A_151 = vector.multi_reduction <minsi>, %select_n3A_149, %reduce_min3A_150 [1] : vector<1024x1024xi32> to vector<1024xi32>
    %broadcast_in_dim3A_152 = vector.shape_cast %reduce_min3A_151 : vector<1024xi32> to vector<1024x1xi32>
    %swap3A_153 = arith.constant 0 : index
    %swap3A_154 = arith.constant 7 : index
    %swap3A_155 = vector.load %arg5[%swap3A_153, %swap3A_154] : memref<1024x20xi32, #tpu.memory_space<vmem>>, vector<1024x1xi32>
    tpu.vector_store %arg5[%swap3A_153, %swap3A_154], %broadcast_in_dim3A_152 {strides = array<i32>} : memref<1024x20xi32, #tpu.memory_space<vmem>>, vector<1024x1xi32>,
    %jit3A_156 = arith.constant 0xFF800000 : f32
    %broadcast_in_dim3A_157 = vector.broadcast %jit3A_156 : f32 to vector<1024x1024xf32>
    %select_n3A_158 = arith.select %eq3A_146, %broadcast_in_dim3A_157, %select_n3A_141 : vector<1024x1024xi1>, vector<1024x1024xf32>
    %reduce_max3A_159 = arith.constant dense<0xFF800000> : vector<1024xf32>
    %reduce_max3A_160 = vector.multi_reduction <maximumf>, %select_n3A_158, %reduce_max3A_159 [1] : vector<1024x1024xf32> to vector<1024xf32>
    %broadcast_in_dim3A_161 = vector.shape_cast %reduce_max3A_160 : vector<1024xf32> to vector<1024x1xf32>
    %eq3A_162 = vector.broadcast %broadcast_in_dim3A_161 : vector<1024x1xf32> to vector<1024x1024xf32>
    %eq3A_163 = arith.cmpf oeq, %select_n3A_158, %eq3A_162 : vector<1024x1024xf32>
    %jit3A_164 = arith.constant 1024 : i32
    %broadcast_in_dim3A_165 = vector.broadcast %jit3A_164 : i32 to vector<1024x1024xi32>
    %select_n3A_166 = arith.select %eq3A_163, %iota3A, %broadcast_in_dim3A_165 : vector<1024x1024xi1>, vector<1024x1024xi32>
    %reduce_min3A_167 = arith.constant dense<2147483647> : vector<1024xi32>
    %reduce_min3A_168 = vector.multi_reduction <minsi>, %select_n3A_166, %reduce_min3A_167 [1] : vector<1024x1024xi32> to vector<1024xi32>
    %broadcast_in_dim3A_169 = vector.shape_cast %reduce_min3A_168 : vector<1024xi32> to vector<1024x1xi32>
    %swap3A_170 = arith.constant 0 : index
    %swap3A_171 = arith.constant 8 : index
    %swap3A_172 = vector.load %arg5[%swap3A_170, %swap3A_171] : memref<1024x20xi32, #tpu.memory_space<vmem>>, vector<1024x1xi32>
    tpu.vector_store %arg5[%swap3A_170, %swap3A_171], %broadcast_in_dim3A_169 {strides = array<i32>} : memref<1024x20xi32, #tpu.memory_space<vmem>>, vector<1024x1xi32>,
    %jit3A_173 = arith.constant 0xFF800000 : f32
    %broadcast_in_dim3A_174 = vector.broadcast %jit3A_173 : f32 to vector<1024x1024xf32>
    %select_n3A_175 = arith.select %eq3A_163, %broadcast_in_dim3A_174, %select_n3A_158 : vector<1024x1024xi1>, vector<1024x1024xf32>
    %reduce_max3A_176 = arith.constant dense<0xFF800000> : vector<1024xf32>
    %reduce_max3A_177 = vector.multi_reduction <maximumf>, %select_n3A_175, %reduce_max3A_176 [1] : vector<1024x1024xf32> to vector<1024xf32>
    %broadcast_in_dim3A_178 = vector.shape_cast %reduce_max3A_177 : vector<1024xf32> to vector<1024x1xf32>
    %eq3A_179 = vector.broadcast %broadcast_in_dim3A_178 : vector<1024x1xf32> to vector<1024x1024xf32>
    %eq3A_180 = arith.cmpf oeq, %select_n3A_175, %eq3A_179 : vector<1024x1024xf32>
    %jit3A_181 = arith.constant 1024 : i32
    %broadcast_in_dim3A_182 = vector.broadcast %jit3A_181 : i32 to vector<1024x1024xi32>
    %select_n3A_183 = arith.select %eq3A_180, %iota3A, %broadcast_in_dim3A_182 : vector<1024x1024xi1>, vector<1024x1024xi32>
    %reduce_min3A_184 = arith.constant dense<2147483647> : vector<1024xi32>
    %reduce_min3A_185 = vector.multi_reduction <minsi>, %select_n3A_183, %reduce_min3A_184 [1] : vector<1024x1024xi32> to vector<1024xi32>
    %broadcast_in_dim3A_186 = vector.shape_cast %reduce_min3A_185 : vector<1024xi32> to vector<1024x1xi32>
    %swap3A_187 = arith.constant 0 : index
    %swap3A_188 = arith.constant 9 : index
    %swap3A_189 = vector.load %arg5[%swap3A_187, %swap3A_188] : memref<1024x20xi32, #tpu.memory_space<vmem>>, vector<1024x1xi32>
    tpu.vector_store %arg5[%swap3A_187, %swap3A_188], %broadcast_in_dim3A_186 {strides = array<i32>} : memref<1024x20xi32, #tpu.memory_space<vmem>>, vector<1024x1xi32>,
    %jit3A_190 = arith.constant 0xFF800000 : f32
    %broadcast_in_dim3A_191 = vector.broadcast %jit3A_190 : f32 to vector<1024x1024xf32>
    %select_n3A_192 = arith.select %eq3A_180, %broadcast_in_dim3A_191, %select_n3A_175 : vector<1024x1024xi1>, vector<1024x1024xf32>
    %reduce_max3A_193 = arith.constant dense<0xFF800000> : vector<1024xf32>
    %reduce_max3A_194 = vector.multi_reduction <maximumf>, %select_n3A_192, %reduce_max3A_193 [1] : vector<1024x1024xf32> to vector<1024xf32>
    %broadcast_in_dim3A_195 = vector.shape_cast %reduce_max3A_194 : vector<1024xf32> to vector<1024x1xf32>
    %eq3A_196 = vector.broadcast %broadcast_in_dim3A_195 : vector<1024x1xf32> to vector<1024x1024xf32>
    %eq3A_197 = arith.cmpf oeq, %select_n3A_192, %eq3A_196 : vector<1024x1024xf32>
    %jit3A_198 = arith.constant 1024 : i32
    %broadcast_in_dim3A_199 = vector.broadcast %jit3A_198 : i32 to vector<1024x1024xi32>
    %select_n3A_200 = arith.select %eq3A_197, %iota3A, %broadcast_in_dim3A_199 : vector<1024x1024xi1>, vector<1024x1024xi32>
    %reduce_min3A_201 = arith.constant dense<2147483647> : vector<1024xi32>
    %reduce_min3A_202 = vector.multi_reduction <minsi>, %select_n3A_200, %reduce_min3A_201 [1] : vector<1024x1024xi32> to vector<1024xi32>
    %broadcast_in_dim3A_203 = vector.shape_cast %reduce_min3A_202 : vector<1024xi32> to vector<1024x1xi32>
    %swap3A_204 = arith.constant 0 : index
    %swap3A_205 = arith.constant 10 : index
    %swap3A_206 = vector.load %arg5[%swap3A_204, %swap3A_205] : memref<1024x20xi32, #tpu.memory_space<vmem>>, vector<1024x1xi32>
    tpu.vector_store %arg5[%swap3A_204, %swap3A_205], %broadcast_in_dim3A_203 {strides = array<i32>} : memref<1024x20xi32, #tpu.memory_space<vmem>>, vector<1024x1xi32>,
    %jit3A_207 = arith.constant 0xFF800000 : f32
    %broadcast_in_dim3A_208 = vector.broadcast %jit3A_207 : f32 to vector<1024x1024xf32>
    %select_n3A_209 = arith.select %eq3A_197, %broadcast_in_dim3A_208, %select_n3A_192 : vector<1024x1024xi1>, vector<1024x1024xf32>
    %reduce_max3A_210 = arith.constant dense<0xFF800000> : vector<1024xf32>
    %reduce_max3A_211 = vector.multi_reduction <maximumf>, %select_n3A_209, %reduce_max3A_210 [1] : vector<1024x1024xf32> to vector<1024xf32>
    %broadcast_in_dim3A_212 = vector.shape_cast %reduce_max3A_211 : vector<1024xf32> to vector<1024x1xf32>
    %eq3A_213 = vector.broadcast %broadcast_in_dim3A_212 : vector<1024x1xf32> to vector<1024x1024xf32>
    %eq3A_214 = arith.cmpf oeq, %select_n3A_209, %eq3A_213 : vector<1024x1024xf32>
    %jit3A_215 = arith.constant 1024 : i32
    %broadcast_in_dim3A_216 = vector.broadcast %jit3A_215 : i32 to vector<1024x1024xi32>
    %select_n3A_217 = arith.select %eq3A_214, %iota3A, %broadcast_in_dim3A_216 : vector<1024x1024xi1>, vector<1024x1024xi32>
    %reduce_min3A_218 = arith.constant dense<2147483647> : vector<1024xi32>
    %reduce_min3A_219 = vector.multi_reduction <minsi>, %select_n3A_217, %reduce_min3A_218 [1] : vector<1024x1024xi32> to vector<1024xi32>
    %broadcast_in_dim3A_220 = vector.shape_cast %reduce_min3A_219 : vector<1024xi32> to vector<1024x1xi32>
    %swap3A_221 = arith.constant 0 : index
    %swap3A_222 = arith.constant 11 : index
    %swap3A_223 = vector.load %arg5[%swap3A_221, %swap3A_222] : memref<1024x20xi32, #tpu.memory_space<vmem>>, vector<1024x1xi32>
    tpu.vector_store %arg5[%swap3A_221, %swap3A_222], %broadcast_in_dim3A_220 {strides = array<i32>} : memref<1024x20xi32, #tpu.memory_space<vmem>>, vector<1024x1xi32>,
    %jit3A_224 = arith.constant 0xFF800000 : f32
    %broadcast_in_dim3A_225 = vector.broadcast %jit3A_224 : f32 to vector<1024x1024xf32>
    %select_n3A_226 = arith.select %eq3A_214, %broadcast_in_dim3A_225, %select_n3A_209 : vector<1024x1024xi1>, vector<1024x1024xf32>
    %reduce_max3A_227 = arith.constant dense<0xFF800000> : vector<1024xf32>
    %reduce_max3A_228 = vector.multi_reduction <maximumf>, %select_n3A_226, %reduce_max3A_227 [1] : vector<1024x1024xf32> to vector<1024xf32>
    %broadcast_in_dim3A_229 = vector.shape_cast %reduce_max3A_228 : vector<1024xf32> to vector<1024x1xf32>
    %eq3A_230 = vector.broadcast %broadcast_in_dim3A_229 : vector<1024x1xf32> to vector<1024x1024xf32>
    %eq3A_231 = arith.cmpf oeq, %select_n3A_226, %eq3A_230 : vector<1024x1024xf32>
    %jit3A_232 = arith.constant 1024 : i32
    %broadcast_in_dim3A_233 = vector.broadcast %jit3A_232 : i32 to vector<1024x1024xi32>
    %select_n3A_234 = arith.select %eq3A_231, %iota3A, %broadcast_in_dim3A_233 : vector<1024x1024xi1>, vector<1024x1024xi32>
    %reduce_min3A_235 = arith.constant dense<2147483647> : vector<1024xi32>
    %reduce_min3A_236 = vector.multi_reduction <minsi>, %select_n3A_234, %reduce_min3A_235 [1] : vector<1024x1024xi32> to vector<1024xi32>
    %broadcast_in_dim3A_237 = vector.shape_cast %reduce_min3A_236 : vector<1024xi32> to vector<1024x1xi32>
    %swap3A_238 = arith.constant 0 : index
    %swap3A_239 = arith.constant 12 : index
    %swap3A_240 = vector.load %arg5[%swap3A_238, %swap3A_239] : memref<1024x20xi32, #tpu.memory_space<vmem>>, vector<1024x1xi32>
    tpu.vector_store %arg5[%swap3A_238, %swap3A_239], %broadcast_in_dim3A_237 {strides = array<i32>} : memref<1024x20xi32, #tpu.memory_space<vmem>>, vector<1024x1xi32>,
    %jit3A_241 = arith.constant 0xFF800000 : f32
    %broadcast_in_dim3A_242 = vector.broadcast %jit3A_241 : f32 to vector<1024x1024xf32>
    %select_n3A_243 = arith.select %eq3A_231, %broadcast_in_dim3A_242, %select_n3A_226 : vector<1024x1024xi1>, vector<1024x1024xf32>
    %reduce_max3A_244 = arith.constant dense<0xFF800000> : vector<1024xf32>
    %reduce_max3A_245 = vector.multi_reduction <maximumf>, %select_n3A_243, %reduce_max3A_244 [1] : vector<1024x1024xf32> to vector<1024xf32>
    %broadcast_in_dim3A_246 = vector.shape_cast %reduce_max3A_245 : vector<1024xf32> to vector<1024x1xf32>
    %eq3A_247 = vector.broadcast %broadcast_in_dim3A_246 : vector<1024x1xf32> to vector<1024x1024xf32>
    %eq3A_248 = arith.cmpf oeq, %select_n3A_243, %eq3A_247 : vector<1024x1024xf32>
    %jit3A_249 = arith.constant 1024 : i32
    %broadcast_in_dim3A_250 = vector.broadcast %jit3A_249 : i32 to vector<1024x1024xi32>
    %select_n3A_251 = arith.select %eq3A_248, %iota3A, %broadcast_in_dim3A_250 : vector<1024x1024xi1>, vector<1024x1024xi32>
    %reduce_min3A_252 = arith.constant dense<2147483647> : vector<1024xi32>
    %reduce_min3A_253 = vector.multi_reduction <minsi>, %select_n3A_251, %reduce_min3A_252 [1] : vector<1024x1024xi32> to vector<1024xi32>
    %broadcast_in_dim3A_254 = vector.shape_cast %reduce_min3A_253 : vector<1024xi32> to vector<1024x1xi32>
    %swap3A_255 = arith.constant 0 : index
    %swap3A_256 = arith.constant 13 : index
    %swap3A_257 = vector.load %arg5[%swap3A_255, %swap3A_256] : memref<1024x20xi32, #tpu.memory_space<vmem>>, vector<1024x1xi32>
    tpu.vector_store %arg5[%swap3A_255, %swap3A_256], %broadcast_in_dim3A_254 {strides = array<i32>} : memref<1024x20xi32, #tpu.memory_space<vmem>>, vector<1024x1xi32>,
    %jit3A_258 = arith.constant 0xFF800000 : f32
    %broadcast_in_dim3A_259 = vector.broadcast %jit3A_258 : f32 to vector<1024x1024xf32>
    %select_n3A_260 = arith.select %eq3A_248, %broadcast_in_dim3A_259, %select_n3A_243 : vector<1024x1024xi1>, vector<1024x1024xf32>
    %reduce_max3A_261 = arith.constant dense<0xFF800000> : vector<1024xf32>
    %reduce_max3A_262 = vector.multi_reduction <maximumf>, %select_n3A_260, %reduce_max3A_261 [1] : vector<1024x1024xf32> to vector<1024xf32>
    %broadcast_in_dim3A_263 = vector.shape_cast %reduce_max3A_262 : vector<1024xf32> to vector<1024x1xf32>
    %eq3A_264 = vector.broadcast %broadcast_in_dim3A_263 : vector<1024x1xf32> to vector<1024x1024xf32>
    %eq3A_265 = arith.cmpf oeq, %select_n3A_260, %eq3A_264 : vector<1024x1024xf32>
    %jit3A_266 = arith.constant 1024 : i32
    %broadcast_in_dim3A_267 = vector.broadcast %jit3A_266 : i32 to vector<1024x1024xi32>
    %select_n3A_268 = arith.select %eq3A_265, %iota3A, %broadcast_in_dim3A_267 : vector<1024x1024xi1>, vector<1024x1024xi32>
    %reduce_min3A_269 = arith.constant dense<2147483647> : vector<1024xi32>
    %reduce_min3A_270 = vector.multi_reduction <minsi>, %select_n3A_268, %reduce_min3A_269 [1] : vector<1024x1024xi32> to vector<1024xi32>
    %broadcast_in_dim3A_271 = vector.shape_cast %reduce_min3A_270 : vector<1024xi32> to vector<1024x1xi32>
    %swap3A_272 = arith.constant 0 : index
    %swap3A_273 = arith.constant 14 : index
    %swap3A_274 = vector.load %arg5[%swap3A_272, %swap3A_273] : memref<1024x20xi32, #tpu.memory_space<vmem>>, vector<1024x1xi32>
    tpu.vector_store %arg5[%swap3A_272, %swap3A_273], %broadcast_in_dim3A_271 {strides = array<i32>} : memref<1024x20xi32, #tpu.memory_space<vmem>>, vector<1024x1xi32>,
    %jit3A_275 = arith.constant 0xFF800000 : f32
    %broadcast_in_dim3A_276 = vector.broadcast %jit3A_275 : f32 to vector<1024x1024xf32>
    %select_n3A_277 = arith.select %eq3A_265, %broadcast_in_dim3A_276, %select_n3A_260 : vector<1024x1024xi1>, vector<1024x1024xf32>
    %reduce_max3A_278 = arith.constant dense<0xFF800000> : vector<1024xf32>
    %reduce_max3A_279 = vector.multi_reduction <maximumf>, %select_n3A_277, %reduce_max3A_278 [1] : vector<1024x1024xf32> to vector<1024xf32>
    %broadcast_in_dim3A_280 = vector.shape_cast %reduce_max3A_279 : vector<1024xf32> to vector<1024x1xf32>
    %eq3A_281 = vector.broadcast %broadcast_in_dim3A_280 : vector<1024x1xf32> to vector<1024x1024xf32>
    %eq3A_282 = arith.cmpf oeq, %select_n3A_277, %eq3A_281 : vector<1024x1024xf32>
    %jit3A_283 = arith.constant 1024 : i32
    %broadcast_in_dim3A_284 = vector.broadcast %jit3A_283 : i32 to vector<1024x1024xi32>
    %select_n3A_285 = arith.select %eq3A_282, %iota3A, %broadcast_in_dim3A_284 : vector<1024x1024xi1>, vector<1024x1024xi32>
    %reduce_min3A_286 = arith.constant dense<2147483647> : vector<1024xi32>
    %reduce_min3A_287 = vector.multi_reduction <minsi>, %select_n3A_285, %reduce_min3A_286 [1] : vector<1024x1024xi32> to vector<1024xi32>
    %broadcast_in_dim3A_288 = vector.shape_cast %reduce_min3A_287 : vector<1024xi32> to vector<1024x1xi32>
    %swap3A_289 = arith.constant 0 : index
    %swap3A_290 = arith.constant 15 : index
    %swap3A_291 = vector.load %arg5[%swap3A_289, %swap3A_290] : memref<1024x20xi32, #tpu.memory_space<vmem>>, vector<1024x1xi32>
    tpu.vector_store %arg5[%swap3A_289, %swap3A_290], %broadcast_in_dim3A_288 {strides = array<i32>} : memref<1024x20xi32, #tpu.memory_space<vmem>>, vector<1024x1xi32>,
    %jit3A_292 = arith.constant 0xFF800000 : f32
    %broadcast_in_dim3A_293 = vector.broadcast %jit3A_292 : f32 to vector<1024x1024xf32>
    %select_n3A_294 = arith.select %eq3A_282, %broadcast_in_dim3A_293, %select_n3A_277 : vector<1024x1024xi1>, vector<1024x1024xf32>
    %reduce_max3A_295 = arith.constant dense<0xFF800000> : vector<1024xf32>
    %reduce_max3A_296 = vector.multi_reduction <maximumf>, %select_n3A_294, %reduce_max3A_295 [1] : vector<1024x1024xf32> to vector<1024xf32>
    %broadcast_in_dim3A_297 = vector.shape_cast %reduce_max3A_296 : vector<1024xf32> to vector<1024x1xf32>
    %eq3A_298 = vector.broadcast %broadcast_in_dim3A_297 : vector<1024x1xf32> to vector<1024x1024xf32>
    %eq3A_299 = arith.cmpf oeq, %select_n3A_294, %eq3A_298 : vector<1024x1024xf32>
    %jit3A_300 = arith.constant 1024 : i32
    %broadcast_in_dim3A_301 = vector.broadcast %jit3A_300 : i32 to vector<1024x1024xi32>
    %select_n3A_302 = arith.select %eq3A_299, %iota3A, %broadcast_in_dim3A_301 : vector<1024x1024xi1>, vector<1024x1024xi32>
    %reduce_min3A_303 = arith.constant dense<2147483647> : vector<1024xi32>
    %reduce_min3A_304 = vector.multi_reduction <minsi>, %select_n3A_302, %reduce_min3A_303 [1] : vector<1024x1024xi32> to vector<1024xi32>
    %broadcast_in_dim3A_305 = vector.shape_cast %reduce_min3A_304 : vector<1024xi32> to vector<1024x1xi32>
    %swap3A_306 = arith.constant 0 : index
    %swap3A_307 = arith.constant 16 : index
    %swap3A_308 = vector.load %arg5[%swap3A_306, %swap3A_307] : memref<1024x20xi32, #tpu.memory_space<vmem>>, vector<1024x1xi32>
    tpu.vector_store %arg5[%swap3A_306, %swap3A_307], %broadcast_in_dim3A_305 {strides = array<i32>} : memref<1024x20xi32, #tpu.memory_space<vmem>>, vector<1024x1xi32>,
    %jit3A_309 = arith.constant 0xFF800000 : f32
    %broadcast_in_dim3A_310 = vector.broadcast %jit3A_309 : f32 to vector<1024x1024xf32>
    %select_n3A_311 = arith.select %eq3A_299, %broadcast_in_dim3A_310, %select_n3A_294 : vector<1024x1024xi1>, vector<1024x1024xf32>
    %reduce_max3A_312 = arith.constant dense<0xFF800000> : vector<1024xf32>
    %reduce_max3A_313 = vector.multi_reduction <maximumf>, %select_n3A_311, %reduce_max3A_312 [1] : vector<1024x1024xf32> to vector<1024xf32>
    %broadcast_in_dim3A_314 = vector.shape_cast %reduce_max3A_313 : vector<1024xf32> to vector<1024x1xf32>
    %eq3A_315 = vector.broadcast %broadcast_in_dim3A_314 : vector<1024x1xf32> to vector<1024x1024xf32>
    %eq3A_316 = arith.cmpf oeq, %select_n3A_311, %eq3A_315 : vector<1024x1024xf32>
    %jit3A_317 = arith.constant 1024 : i32
    %broadcast_in_dim3A_318 = vector.broadcast %jit3A_317 : i32 to vector<1024x1024xi32>
    %select_n3A_319 = arith.select %eq3A_316, %iota3A, %broadcast_in_dim3A_318 : vector<1024x1024xi1>, vector<1024x1024xi32>
    %reduce_min3A_320 = arith.constant dense<2147483647> : vector<1024xi32>
    %reduce_min3A_321 = vector.multi_reduction <minsi>, %select_n3A_319, %reduce_min3A_320 [1] : vector<1024x1024xi32> to vector<1024xi32>
    %broadcast_in_dim3A_322 = vector.shape_cast %reduce_min3A_321 : vector<1024xi32> to vector<1024x1xi32>
    %swap3A_323 = arith.constant 0 : index
    %swap3A_324 = arith.constant 17 : index
    %swap3A_325 = vector.load %arg5[%swap3A_323, %swap3A_324] : memref<1024x20xi32, #tpu.memory_space<vmem>>, vector<1024x1xi32>
    tpu.vector_store %arg5[%swap3A_323, %swap3A_324], %broadcast_in_dim3A_322 {strides = array<i32>} : memref<1024x20xi32, #tpu.memory_space<vmem>>, vector<1024x1xi32>,
    %jit3A_326 = arith.constant 0xFF800000 : f32
    %broadcast_in_dim3A_327 = vector.broadcast %jit3A_326 : f32 to vector<1024x1024xf32>
    %select_n3A_328 = arith.select %eq3A_316, %broadcast_in_dim3A_327, %select_n3A_311 : vector<1024x1024xi1>, vector<1024x1024xf32>
    %reduce_max3A_329 = arith.constant dense<0xFF800000> : vector<1024xf32>
    %reduce_max3A_330 = vector.multi_reduction <maximumf>, %select_n3A_328, %reduce_max3A_329 [1] : vector<1024x1024xf32> to vector<1024xf32>
    %broadcast_in_dim3A_331 = vector.shape_cast %reduce_max3A_330 : vector<1024xf32> to vector<1024x1xf32>
    %eq3A_332 = vector.broadcast %broadcast_in_dim3A_331 : vector<1024x1xf32> to vector<1024x1024xf32>
    %eq3A_333 = arith.cmpf oeq, %select_n3A_328, %eq3A_332 : vector<1024x1024xf32>
    %jit3A_334 = arith.constant 1024 : i32
    %broadcast_in_dim3A_335 = vector.broadcast %jit3A_334 : i32 to vector<1024x1024xi32>
    %select_n3A_336 = arith.select %eq3A_333, %iota3A, %broadcast_in_dim3A_335 : vector<1024x1024xi1>, vector<1024x1024xi32>
    %reduce_min3A_337 = arith.constant dense<2147483647> : vector<1024xi32>
    %reduce_min3A_338 = vector.multi_reduction <minsi>, %select_n3A_336, %reduce_min3A_337 [1] : vector<1024x1024xi32> to vector<1024xi32>
    %broadcast_in_dim3A_339 = vector.shape_cast %reduce_min3A_338 : vector<1024xi32> to vector<1024x1xi32>
    %swap3A_340 = arith.constant 0 : index
    %swap3A_341 = arith.constant 18 : index
    %swap3A_342 = vector.load %arg5[%swap3A_340, %swap3A_341] : memref<1024x20xi32, #tpu.memory_space<vmem>>, vector<1024x1xi32>
    tpu.vector_store %arg5[%swap3A_340, %swap3A_341], %broadcast_in_dim3A_339 {strides = array<i32>} : memref<1024x20xi32, #tpu.memory_space<vmem>>, vector<1024x1xi32>,
    %jit3A_343 = arith.constant 0xFF800000 : f32
    %broadcast_in_dim3A_344 = vector.broadcast %jit3A_343 : f32 to vector<1024x1024xf32>
    %select_n3A_345 = arith.select %eq3A_333, %broadcast_in_dim3A_344, %select_n3A_328 : vector<1024x1024xi1>, vector<1024x1024xf32>
    %reduce_max3A_346 = arith.constant dense<0xFF800000> : vector<1024xf32>
    %reduce_max3A_347 = vector.multi_reduction <maximumf>, %select_n3A_345, %reduce_max3A_346 [1] : vector<1024x1024xf32> to vector<1024xf32>
    %broadcast_in_dim3A_348 = vector.shape_cast %reduce_max3A_347 : vector<1024xf32> to vector<1024x1xf32>
    %eq3A_349 = vector.broadcast %broadcast_in_dim3A_348 : vector<1024x1xf32> to vector<1024x1024xf32>
    %eq3A_350 = arith.cmpf oeq, %select_n3A_345, %eq3A_349 : vector<1024x1024xf32>
    %jit3A_351 = arith.constant 1024 : i32
    %broadcast_in_dim3A_352 = vector.broadcast %jit3A_351 : i32 to vector<1024x1024xi32>
    %select_n3A_353 = arith.select %eq3A_350, %iota3A, %broadcast_in_dim3A_352 : vector<1024x1024xi1>, vector<1024x1024xi32>
    %reduce_min3A_354 = arith.constant dense<2147483647> : vector<1024xi32>
    %reduce_min3A_355 = vector.multi_reduction <minsi>, %select_n3A_353, %reduce_min3A_354 [1] : vector<1024x1024xi32> to vector<1024xi32>
    %broadcast_in_dim3A_356 = vector.shape_cast %reduce_min3A_355 : vector<1024xi32> to vector<1024x1xi32>
    %swap3A_357 = arith.constant 0 : index
    %swap3A_358 = arith.constant 19 : index
    %swap3A_359 = vector.load %arg5[%swap3A_357, %swap3A_358] : memref<1024x20xi32, #tpu.memory_space<vmem>>, vector<1024x1xi32>
    tpu.vector_store %arg5[%swap3A_357, %swap3A_358], %broadcast_in_dim3A_356 {strides = array<i32>} : memref<1024x20xi32, #tpu.memory_space<vmem>>, vector<1024x1xi32>,
    %jit3A_360 = arith.constant 0xFF800000 : f32
    %broadcast_in_dim3A_361 = vector.broadcast %jit3A_360 : f32 to vector<1024x1024xf32>
    %select_n3A_362 = arith.select %eq3A_350, %broadcast_in_dim3A_361, %select_n3A_345 : vector<1024x1024xi1>, vector<1024x1024xf32>
    %eq3A_363 = arith.constant 0xFF800000 : f32
    %eq3A_364 = vector.broadcast %eq3A_363 : f32 to vector<1024x1024xf32>
    %eq3A_365 = arith.cmpf oeq, %select_n3A_362, %eq3A_364 : vector<1024x1024xf32>
    %jit3A_366 = arith.constant 1.000000e+00 : f32
    %jit3A_367 = arith.constant 0.000000e+00 : f32
    %broadcast_in_dim3A_368 = vector.broadcast %jit3A_366 : f32 to vector<1024x1024xf32>
    %broadcast_in_dim3A_369 = vector.broadcast %jit3A_367 : f32 to vector<1024x1024xf32>
    %select_n3A_370 = arith.select %eq3A_365, %broadcast_in_dim3A_368, %broadcast_in_dim3A_369 : vector<1024x1024xi1>, vector<1024x1024xf32>
    %swap3A_371 = arith.constant 0 : index
    %swap3A_372 = arith.constant 0 : index
    %swap3A_373 = vector.load %arg6[%swap3A_371, %swap3A_372] : memref<1024x1024xf32, #tpu.memory_space<vmem>>, vector<1024x1024xf32>
    tpu.vector_store %arg6[%swap3A_371, %swap3A_372], %select_n3A_370 {strides = array<i32>} : memref<1024x1024xf32, #tpu.memory_space<vmem>>, vector<1024x1024xf32>,
    return
  }
  func.func @transform_0(%arg0: i32) -> (i32, i32, i32) {
    %c1_i32 = arith.constant 1 : i32
    %c0_i32 = arith.constant 0 : i32
    %c0_i32_0 = arith.constant 0 : i32
    %c0_i32_1 = arith.constant 0 : i32
    return %c1_i32, %c0_i32, %c0_i32_0 : i32, i32, i32
  }
  func.func @transform_1(%arg0: i32) -> (i32, i32) {
    %c0_i32 = arith.constant 0 : i32
    %c0_i32_0 = arith.constant 0 : i32
    %c0_i32_1 = arith.constant 0 : i32
    return %c0_i32, %c0_i32_0 : i32, i32
  }
  func.func @transform_2(%arg0: i32) -> (i32, i32) {
    %c0_i32 = arith.constant 0 : i32
    %c0_i32_0 = arith.constant 0 : i32
    %c0_i32_1 = arith.constant 0 : i32
    return %c0_i32, %c0_i32_0 : i32, i32
  }
  func.func @transform_3(%arg0: i32) -> (i32, i32) {
    %c0_i32 = arith.constant 0 : i32
    %c0_i32_0 = arith.constant 0 : i32
    %c0_i32_1 = arith.constant 0 : i32
    return %c0_i32, %c0_i32_0 : i32, i32
  }
  func.func @transform_4(%arg0: i32) -> (i32, i32) {
    %c0_i32 = arith.constant 0 : i32
    %c0_i32_0 = arith.constant 0 : i32
    %c0_i32_1 = arith.constant 0 : i32
    return %c0_i32, %c0_i32_0 : i32, i32
  }
  func.func @transform_5(%arg0: i32) -> (i32, i32) {
    %c0_i32 = arith.constant 0 : i32
    %c0_i32_0 = arith.constant 0 : i32
    %c0_i32_1 = arith.constant 0 : i32
    return %c0_i32, %c0_i32_0 : i32, i32
  }
}

module attributes {stable_mosaic.version = 14 : i64} {
  func.func @_tc1_body(%arg0: i32, %arg1: memref<1x384x1024xf32, #tpu.memory_space<vmem>>, %arg2: memref<384x768xf32, #tpu.memory_space<vmem>>, %arg3: memref<384x1024xf32, #tpu.memory_space<vmem>>, %arg4: memref<384x1024xf32, #tpu.memory_space<vmem>>, %arg5: memref<1024x20xi32, #tpu.memory_space<vmem>>, %arg6: memref<1024x1024xf32, #tpu.memory_space<vmem>>) attributes {dimension_semantics = [#tpu.dimension_semantics<arbitrary>], iteration_bounds = array<i64: 1>, scalar_prefetch = 0 : i64, scratch_operands = 0 : i64, tpu.core_type = #tpu.core_type<tc>, window_params = [{transform_indices = @transform_0, window_bounds = array<i64: 1, 384, 1024>}, {pipeline_mode = #tpu.pipeline_mode<synchronous>, transform_indices = @transform_1, window_bounds = array<i64: 384, 768>}, {pipeline_mode = #tpu.pipeline_mode<synchronous>, transform_indices = @transform_2, window_bounds = array<i64: 384, 1024>}, {pipeline_mode = #tpu.pipeline_mode<synchronous>, transform_indices = @transform_3, window_bounds = array<i64: 384, 1024>}, {pipeline_mode = #tpu.pipeline_mode<synchronous>, transform_indices = @transform_4, window_bounds = array<i64: 1024, 20>}, {pipeline_mode = #tpu.pipeline_mode<synchronous>, transform_indices = @transform_5, window_bounds = array<i64: 1024, 1024>}]} {
    %get3A = arith.constant 0 : index
    %get3A_0 = arith.constant 0 : index
    %get3A_1 = arith.constant 0 : index
    %get3A_2 = vector.load %arg1[%get3A, %get3A_0, %get3A_1] : memref<1x384x1024xf32, #tpu.memory_space<vmem>>, vector<1x384x1024xf32>
    %get3A_3 = vector.shape_cast %get3A_2 : vector<1x384x1024xf32> to vector<384x1024xf32>
    %get3A_4 = arith.constant 0 : index
    %get3A_5 = arith.constant 0 : index
    %get3A_6 = vector.load %arg2[%get3A_4, %get3A_5] : memref<384x768xf32, #tpu.memory_space<vmem>>, vector<384x384xf32>
    %get3A_7 = arith.constant 0 : index
    %get3A_8 = arith.constant 384 : index
    %get3A_9 = vector.load %arg2[%get3A_7, %get3A_8] : memref<384x768xf32, #tpu.memory_space<vmem>>, vector<384x384xf32>
    %sub3A = arith.subf %get3A_9, %get3A_6 : vector<384x384xf32>
    %concatenate3A = tpu.concatenate %get3A_6, %sub3A in 0 : vector<384x384xf32>, vector<384x384xf32> -> vector<768x384xf32>
    %dot_general3A = arith.constant dense<0.000000e+00> : vector<768x1024xf32>
    %dot_general3A_10 = tpu.matmul %concatenate3A, %get3A_3, %dot_general3A {dimension_numbers = #tpu.dot_dimension_numbers<[1], [0], [0], [1], [0, 0, 1, 1], [], []>, transpose_lhs_hint = false} : vector<768x384xf32>, vector<384x1024xf32>, vector<768x1024xf32> -> vector<768x1024xf32>
    %slice3A = vector.extract_strided_slice %dot_general3A_10 {offsets = [0, 0], sizes = [384, 1024], strides = [1, 1]} : vector<768x1024xf32> to vector<384x1024xf32>
    %swap3A = arith.constant 0 : index
    %swap3A_11 = arith.constant 0 : index
    %swap3A_12 = vector.load %arg3[%swap3A, %swap3A_11] : memref<384x1024xf32, #tpu.memory_space<vmem>>, vector<384x1024xf32>
    tpu.vector_store %arg3[%swap3A, %swap3A_11], %slice3A {strides = array<i32>} : memref<384x1024xf32, #tpu.memory_space<vmem>>, vector<384x1024xf32>,
    %slice3A_13 = vector.extract_strided_slice %dot_general3A_10 {offsets = [384, 0], sizes = [384, 1024], strides = [1, 1]} : vector<768x1024xf32> to vector<384x1024xf32>
    %swap3A_14 = arith.constant 0 : index
    %swap3A_15 = arith.constant 0 : index
    %swap3A_16 = vector.load %arg4[%swap3A_14, %swap3A_15] : memref<384x1024xf32, #tpu.memory_space<vmem>>, vector<384x1024xf32>
    tpu.vector_store %arg4[%swap3A_14, %swap3A_15], %slice3A_13 {strides = array<i32>} : memref<384x1024xf32, #tpu.memory_space<vmem>>, vector<384x1024xf32>,
    %dot_general3A_17 = arith.constant dense<0.000000e+00> : vector<1024x1024xf32>
    %dot_general3A_18 = tpu.matmul %get3A_3, %get3A_3, %dot_general3A_17 {dimension_numbers = #tpu.dot_dimension_numbers<[0], [0], [1], [1], [0, 1, 1, 1], [], []>, transpose_lhs_hint = false} : vector<384x1024xf32>, vector<384x1024xf32>, vector<1024x1024xf32> -> vector<1024x1024xf32>
    %mul3A = arith.mulf %get3A_3, %get3A_3 : vector<384x1024xf32>
    %reduce_sum3A = arith.constant dense<0.000000e+00> : vector<1024xf32>
    %reduce_sum3A_19 = vector.multi_reduction <add>, %mul3A, %reduce_sum3A [0] : vector<384x1024xf32> to vector<1024xf32>
    %mul3A_20 = arith.constant 2.000000e+00 : f32
    %mul3A_21 = vector.broadcast %mul3A_20 : f32 to vector<1024x1024xf32>
    %mul3A_22 = arith.mulf %mul3A_21, %dot_general3A_18 : vector<1024x1024xf32>
    %broadcast_in_dim3A = vector.shape_cast %reduce_sum3A_19 : vector<1024xf32> to vector<1024x1xf32>
    %sub3A_23 = vector.broadcast %broadcast_in_dim3A : vector<1024x1xf32> to vector<1024x1024xf32>
    %sub3A_24 = arith.subf %mul3A_22, %sub3A_23 : vector<1024x1024xf32>
    %broadcast_in_dim3A_25 = vector.shape_cast %reduce_sum3A_19 : vector<1024xf32> to vector<1x1024xf32>
    %sub3A_26 = vector.broadcast %broadcast_in_dim3A_25 : vector<1x1024xf32> to vector<1024x1024xf32>
    %sub3A_27 = arith.subf %sub3A_24, %sub3A_26 : vector<1024x1024xf32>
    %iota3A = tpu.iota {dimensions = array<i32: 1>} : vector<1024x1024xi32>
    %reduce_max3A = arith.constant dense<0xFF800000> : vector<1024xf32>
    %reduce_max3A_28 = vector.multi_reduction <maximumf>, %sub3A_27, %reduce_max3A [1] : vector<1024x1024xf32> to vector<1024xf32>
    %broadcast_in_dim3A_29 = vector.shape_cast %reduce_max3A_28 : vector<1024xf32> to vector<1024x1xf32>
    %eq3A = vector.broadcast %broadcast_in_dim3A_29 : vector<1024x1xf32> to vector<1024x1024xf32>
    %eq3A_30 = arith.cmpf oeq, %sub3A_27, %eq3A : vector<1024x1024xf32>
    %jit3A = arith.constant 1024 : i32
    %broadcast_in_dim3A_31 = vector.broadcast %jit3A : i32 to vector<1024x1024xi32>
    %select_n3A = arith.select %eq3A_30, %iota3A, %broadcast_in_dim3A_31 : vector<1024x1024xi1>, vector<1024x1024xi32>
    %reduce_min3A = arith.constant dense<2147483647> : vector<1024xi32>
    %reduce_min3A_32 = vector.multi_reduction <minsi>, %select_n3A, %reduce_min3A [1] : vector<1024x1024xi32> to vector<1024xi32>
    %broadcast_in_dim3A_33 = vector.shape_cast %reduce_min3A_32 : vector<1024xi32> to vector<1024x1xi32>
    %swap3A_34 = arith.constant 0 : index
    %swap3A_35 = arith.constant 0 : index
    %swap3A_36 = vector.load %arg5[%swap3A_34, %swap3A_35] : memref<1024x20xi32, #tpu.memory_space<vmem>>, vector<1024x1xi32>
    tpu.vector_store %arg5[%swap3A_34, %swap3A_35], %broadcast_in_dim3A_33 {strides = array<i32>} : memref<1024x20xi32, #tpu.memory_space<vmem>>, vector<1024x1xi32>,
    %jit3A_37 = arith.constant 0xFF800000 : f32
    %broadcast_in_dim3A_38 = vector.broadcast %jit3A_37 : f32 to vector<1024x1024xf32>
    %select_n3A_39 = arith.select %eq3A_30, %broadcast_in_dim3A_38, %sub3A_27 : vector<1024x1024xi1>, vector<1024x1024xf32>
    %reduce_max3A_40 = arith.constant dense<0xFF800000> : vector<1024xf32>
    %reduce_max3A_41 = vector.multi_reduction <maximumf>, %select_n3A_39, %reduce_max3A_40 [1] : vector<1024x1024xf32> to vector<1024xf32>
    %broadcast_in_dim3A_42 = vector.shape_cast %reduce_max3A_41 : vector<1024xf32> to vector<1024x1xf32>
    %eq3A_43 = vector.broadcast %broadcast_in_dim3A_42 : vector<1024x1xf32> to vector<1024x1024xf32>
    %eq3A_44 = arith.cmpf oeq, %select_n3A_39, %eq3A_43 : vector<1024x1024xf32>
    %jit3A_45 = arith.constant 1024 : i32
    %broadcast_in_dim3A_46 = vector.broadcast %jit3A_45 : i32 to vector<1024x1024xi32>
    %select_n3A_47 = arith.select %eq3A_44, %iota3A, %broadcast_in_dim3A_46 : vector<1024x1024xi1>, vector<1024x1024xi32>
    %reduce_min3A_48 = arith.constant dense<2147483647> : vector<1024xi32>
    %reduce_min3A_49 = vector.multi_reduction <minsi>, %select_n3A_47, %reduce_min3A_48 [1] : vector<1024x1024xi32> to vector<1024xi32>
    %broadcast_in_dim3A_50 = vector.shape_cast %reduce_min3A_49 : vector<1024xi32> to vector<1024x1xi32>
    %swap3A_51 = arith.constant 0 : index
    %swap3A_52 = arith.constant 1 : index
    %swap3A_53 = vector.load %arg5[%swap3A_51, %swap3A_52] : memref<1024x20xi32, #tpu.memory_space<vmem>>, vector<1024x1xi32>
    tpu.vector_store %arg5[%swap3A_51, %swap3A_52], %broadcast_in_dim3A_50 {strides = array<i32>} : memref<1024x20xi32, #tpu.memory_space<vmem>>, vector<1024x1xi32>,
    %jit3A_54 = arith.constant 0xFF800000 : f32
    %broadcast_in_dim3A_55 = vector.broadcast %jit3A_54 : f32 to vector<1024x1024xf32>
    %select_n3A_56 = arith.select %eq3A_44, %broadcast_in_dim3A_55, %select_n3A_39 : vector<1024x1024xi1>, vector<1024x1024xf32>
    %reduce_max3A_57 = arith.constant dense<0xFF800000> : vector<1024xf32>
    %reduce_max3A_58 = vector.multi_reduction <maximumf>, %select_n3A_56, %reduce_max3A_57 [1] : vector<1024x1024xf32> to vector<1024xf32>
    %broadcast_in_dim3A_59 = vector.shape_cast %reduce_max3A_58 : vector<1024xf32> to vector<1024x1xf32>
    %eq3A_60 = vector.broadcast %broadcast_in_dim3A_59 : vector<1024x1xf32> to vector<1024x1024xf32>
    %eq3A_61 = arith.cmpf oeq, %select_n3A_56, %eq3A_60 : vector<1024x1024xf32>
    %jit3A_62 = arith.constant 1024 : i32
    %broadcast_in_dim3A_63 = vector.broadcast %jit3A_62 : i32 to vector<1024x1024xi32>
    %select_n3A_64 = arith.select %eq3A_61, %iota3A, %broadcast_in_dim3A_63 : vector<1024x1024xi1>, vector<1024x1024xi32>
    %reduce_min3A_65 = arith.constant dense<2147483647> : vector<1024xi32>
    %reduce_min3A_66 = vector.multi_reduction <minsi>, %select_n3A_64, %reduce_min3A_65 [1] : vector<1024x1024xi32> to vector<1024xi32>
    %broadcast_in_dim3A_67 = vector.shape_cast %reduce_min3A_66 : vector<1024xi32> to vector<1024x1xi32>
    %swap3A_68 = arith.constant 0 : index
    %swap3A_69 = arith.constant 2 : index
    %swap3A_70 = vector.load %arg5[%swap3A_68, %swap3A_69] : memref<1024x20xi32, #tpu.memory_space<vmem>>, vector<1024x1xi32>
    tpu.vector_store %arg5[%swap3A_68, %swap3A_69], %broadcast_in_dim3A_67 {strides = array<i32>} : memref<1024x20xi32, #tpu.memory_space<vmem>>, vector<1024x1xi32>,
    %jit3A_71 = arith.constant 0xFF800000 : f32
    %broadcast_in_dim3A_72 = vector.broadcast %jit3A_71 : f32 to vector<1024x1024xf32>
    %select_n3A_73 = arith.select %eq3A_61, %broadcast_in_dim3A_72, %select_n3A_56 : vector<1024x1024xi1>, vector<1024x1024xf32>
    %reduce_max3A_74 = arith.constant dense<0xFF800000> : vector<1024xf32>
    %reduce_max3A_75 = vector.multi_reduction <maximumf>, %select_n3A_73, %reduce_max3A_74 [1] : vector<1024x1024xf32> to vector<1024xf32>
    %broadcast_in_dim3A_76 = vector.shape_cast %reduce_max3A_75 : vector<1024xf32> to vector<1024x1xf32>
    %eq3A_77 = vector.broadcast %broadcast_in_dim3A_76 : vector<1024x1xf32> to vector<1024x1024xf32>
    %eq3A_78 = arith.cmpf oeq, %select_n3A_73, %eq3A_77 : vector<1024x1024xf32>
    %jit3A_79 = arith.constant 1024 : i32
    %broadcast_in_dim3A_80 = vector.broadcast %jit3A_79 : i32 to vector<1024x1024xi32>
    %select_n3A_81 = arith.select %eq3A_78, %iota3A, %broadcast_in_dim3A_80 : vector<1024x1024xi1>, vector<1024x1024xi32>
    %reduce_min3A_82 = arith.constant dense<2147483647> : vector<1024xi32>
    %reduce_min3A_83 = vector.multi_reduction <minsi>, %select_n3A_81, %reduce_min3A_82 [1] : vector<1024x1024xi32> to vector<1024xi32>
    %broadcast_in_dim3A_84 = vector.shape_cast %reduce_min3A_83 : vector<1024xi32> to vector<1024x1xi32>
    %swap3A_85 = arith.constant 0 : index
    %swap3A_86 = arith.constant 3 : index
    %swap3A_87 = vector.load %arg5[%swap3A_85, %swap3A_86] : memref<1024x20xi32, #tpu.memory_space<vmem>>, vector<1024x1xi32>
    tpu.vector_store %arg5[%swap3A_85, %swap3A_86], %broadcast_in_dim3A_84 {strides = array<i32>} : memref<1024x20xi32, #tpu.memory_space<vmem>>, vector<1024x1xi32>,
    %jit3A_88 = arith.constant 0xFF800000 : f32
    %broadcast_in_dim3A_89 = vector.broadcast %jit3A_88 : f32 to vector<1024x1024xf32>
    %select_n3A_90 = arith.select %eq3A_78, %broadcast_in_dim3A_89, %select_n3A_73 : vector<1024x1024xi1>, vector<1024x1024xf32>
    %reduce_max3A_91 = arith.constant dense<0xFF800000> : vector<1024xf32>
    %reduce_max3A_92 = vector.multi_reduction <maximumf>, %select_n3A_90, %reduce_max3A_91 [1] : vector<1024x1024xf32> to vector<1024xf32>
    %broadcast_in_dim3A_93 = vector.shape_cast %reduce_max3A_92 : vector<1024xf32> to vector<1024x1xf32>
    %eq3A_94 = vector.broadcast %broadcast_in_dim3A_93 : vector<1024x1xf32> to vector<1024x1024xf32>
    %eq3A_95 = arith.cmpf oeq, %select_n3A_90, %eq3A_94 : vector<1024x1024xf32>
    %jit3A_96 = arith.constant 1024 : i32
    %broadcast_in_dim3A_97 = vector.broadcast %jit3A_96 : i32 to vector<1024x1024xi32>
    %select_n3A_98 = arith.select %eq3A_95, %iota3A, %broadcast_in_dim3A_97 : vector<1024x1024xi1>, vector<1024x1024xi32>
    %reduce_min3A_99 = arith.constant dense<2147483647> : vector<1024xi32>
    %reduce_min3A_100 = vector.multi_reduction <minsi>, %select_n3A_98, %reduce_min3A_99 [1] : vector<1024x1024xi32> to vector<1024xi32>
    %broadcast_in_dim3A_101 = vector.shape_cast %reduce_min3A_100 : vector<1024xi32> to vector<1024x1xi32>
    %swap3A_102 = arith.constant 0 : index
    %swap3A_103 = arith.constant 4 : index
    %swap3A_104 = vector.load %arg5[%swap3A_102, %swap3A_103] : memref<1024x20xi32, #tpu.memory_space<vmem>>, vector<1024x1xi32>
    tpu.vector_store %arg5[%swap3A_102, %swap3A_103], %broadcast_in_dim3A_101 {strides = array<i32>} : memref<1024x20xi32, #tpu.memory_space<vmem>>, vector<1024x1xi32>,
    %jit3A_105 = arith.constant 0xFF800000 : f32
    %broadcast_in_dim3A_106 = vector.broadcast %jit3A_105 : f32 to vector<1024x1024xf32>
    %select_n3A_107 = arith.select %eq3A_95, %broadcast_in_dim3A_106, %select_n3A_90 : vector<1024x1024xi1>, vector<1024x1024xf32>
    %reduce_max3A_108 = arith.constant dense<0xFF800000> : vector<1024xf32>
    %reduce_max3A_109 = vector.multi_reduction <maximumf>, %select_n3A_107, %reduce_max3A_108 [1] : vector<1024x1024xf32> to vector<1024xf32>
    %broadcast_in_dim3A_110 = vector.shape_cast %reduce_max3A_109 : vector<1024xf32> to vector<1024x1xf32>
    %eq3A_111 = vector.broadcast %broadcast_in_dim3A_110 : vector<1024x1xf32> to vector<1024x1024xf32>
    %eq3A_112 = arith.cmpf oeq, %select_n3A_107, %eq3A_111 : vector<1024x1024xf32>
    %jit3A_113 = arith.constant 1024 : i32
    %broadcast_in_dim3A_114 = vector.broadcast %jit3A_113 : i32 to vector<1024x1024xi32>
    %select_n3A_115 = arith.select %eq3A_112, %iota3A, %broadcast_in_dim3A_114 : vector<1024x1024xi1>, vector<1024x1024xi32>
    %reduce_min3A_116 = arith.constant dense<2147483647> : vector<1024xi32>
    %reduce_min3A_117 = vector.multi_reduction <minsi>, %select_n3A_115, %reduce_min3A_116 [1] : vector<1024x1024xi32> to vector<1024xi32>
    %broadcast_in_dim3A_118 = vector.shape_cast %reduce_min3A_117 : vector<1024xi32> to vector<1024x1xi32>
    %swap3A_119 = arith.constant 0 : index
    %swap3A_120 = arith.constant 5 : index
    %swap3A_121 = vector.load %arg5[%swap3A_119, %swap3A_120] : memref<1024x20xi32, #tpu.memory_space<vmem>>, vector<1024x1xi32>
    tpu.vector_store %arg5[%swap3A_119, %swap3A_120], %broadcast_in_dim3A_118 {strides = array<i32>} : memref<1024x20xi32, #tpu.memory_space<vmem>>, vector<1024x1xi32>,
    %jit3A_122 = arith.constant 0xFF800000 : f32
    %broadcast_in_dim3A_123 = vector.broadcast %jit3A_122 : f32 to vector<1024x1024xf32>
    %select_n3A_124 = arith.select %eq3A_112, %broadcast_in_dim3A_123, %select_n3A_107 : vector<1024x1024xi1>, vector<1024x1024xf32>
    %reduce_max3A_125 = arith.constant dense<0xFF800000> : vector<1024xf32>
    %reduce_max3A_126 = vector.multi_reduction <maximumf>, %select_n3A_124, %reduce_max3A_125 [1] : vector<1024x1024xf32> to vector<1024xf32>
    %broadcast_in_dim3A_127 = vector.shape_cast %reduce_max3A_126 : vector<1024xf32> to vector<1024x1xf32>
    %eq3A_128 = vector.broadcast %broadcast_in_dim3A_127 : vector<1024x1xf32> to vector<1024x1024xf32>
    %eq3A_129 = arith.cmpf oeq, %select_n3A_124, %eq3A_128 : vector<1024x1024xf32>
    %jit3A_130 = arith.constant 1024 : i32
    %broadcast_in_dim3A_131 = vector.broadcast %jit3A_130 : i32 to vector<1024x1024xi32>
    %select_n3A_132 = arith.select %eq3A_129, %iota3A, %broadcast_in_dim3A_131 : vector<1024x1024xi1>, vector<1024x1024xi32>
    %reduce_min3A_133 = arith.constant dense<2147483647> : vector<1024xi32>
    %reduce_min3A_134 = vector.multi_reduction <minsi>, %select_n3A_132, %reduce_min3A_133 [1] : vector<1024x1024xi32> to vector<1024xi32>
    %broadcast_in_dim3A_135 = vector.shape_cast %reduce_min3A_134 : vector<1024xi32> to vector<1024x1xi32>
    %swap3A_136 = arith.constant 0 : index
    %swap3A_137 = arith.constant 6 : index
    %swap3A_138 = vector.load %arg5[%swap3A_136, %swap3A_137] : memref<1024x20xi32, #tpu.memory_space<vmem>>, vector<1024x1xi32>
    tpu.vector_store %arg5[%swap3A_136, %swap3A_137], %broadcast_in_dim3A_135 {strides = array<i32>} : memref<1024x20xi32, #tpu.memory_space<vmem>>, vector<1024x1xi32>,
    %jit3A_139 = arith.constant 0xFF800000 : f32
    %broadcast_in_dim3A_140 = vector.broadcast %jit3A_139 : f32 to vector<1024x1024xf32>
    %select_n3A_141 = arith.select %eq3A_129, %broadcast_in_dim3A_140, %select_n3A_124 : vector<1024x1024xi1>, vector<1024x1024xf32>
    %reduce_max3A_142 = arith.constant dense<0xFF800000> : vector<1024xf32>
    %reduce_max3A_143 = vector.multi_reduction <maximumf>, %select_n3A_141, %reduce_max3A_142 [1] : vector<1024x1024xf32> to vector<1024xf32>
    %broadcast_in_dim3A_144 = vector.shape_cast %reduce_max3A_143 : vector<1024xf32> to vector<1024x1xf32>
    %eq3A_145 = vector.broadcast %broadcast_in_dim3A_144 : vector<1024x1xf32> to vector<1024x1024xf32>
    %eq3A_146 = arith.cmpf oeq, %select_n3A_141, %eq3A_145 : vector<1024x1024xf32>
    %jit3A_147 = arith.constant 1024 : i32
    %broadcast_in_dim3A_148 = vector.broadcast %jit3A_147 : i32 to vector<1024x1024xi32>
    %select_n3A_149 = arith.select %eq3A_146, %iota3A, %broadcast_in_dim3A_148 : vector<1024x1024xi1>, vector<1024x1024xi32>
    %reduce_min3A_150 = arith.constant dense<2147483647> : vector<1024xi32>
    %reduce_min3A_151 = vector.multi_reduction <minsi>, %select_n3A_149, %reduce_min3A_150 [1] : vector<1024x1024xi32> to vector<1024xi32>
    %broadcast_in_dim3A_152 = vector.shape_cast %reduce_min3A_151 : vector<1024xi32> to vector<1024x1xi32>
    %swap3A_153 = arith.constant 0 : index
    %swap3A_154 = arith.constant 7 : index
    %swap3A_155 = vector.load %arg5[%swap3A_153, %swap3A_154] : memref<1024x20xi32, #tpu.memory_space<vmem>>, vector<1024x1xi32>
    tpu.vector_store %arg5[%swap3A_153, %swap3A_154], %broadcast_in_dim3A_152 {strides = array<i32>} : memref<1024x20xi32, #tpu.memory_space<vmem>>, vector<1024x1xi32>,
    %jit3A_156 = arith.constant 0xFF800000 : f32
    %broadcast_in_dim3A_157 = vector.broadcast %jit3A_156 : f32 to vector<1024x1024xf32>
    %select_n3A_158 = arith.select %eq3A_146, %broadcast_in_dim3A_157, %select_n3A_141 : vector<1024x1024xi1>, vector<1024x1024xf32>
    %reduce_max3A_159 = arith.constant dense<0xFF800000> : vector<1024xf32>
    %reduce_max3A_160 = vector.multi_reduction <maximumf>, %select_n3A_158, %reduce_max3A_159 [1] : vector<1024x1024xf32> to vector<1024xf32>
    %broadcast_in_dim3A_161 = vector.shape_cast %reduce_max3A_160 : vector<1024xf32> to vector<1024x1xf32>
    %eq3A_162 = vector.broadcast %broadcast_in_dim3A_161 : vector<1024x1xf32> to vector<1024x1024xf32>
    %eq3A_163 = arith.cmpf oeq, %select_n3A_158, %eq3A_162 : vector<1024x1024xf32>
    %jit3A_164 = arith.constant 1024 : i32
    %broadcast_in_dim3A_165 = vector.broadcast %jit3A_164 : i32 to vector<1024x1024xi32>
    %select_n3A_166 = arith.select %eq3A_163, %iota3A, %broadcast_in_dim3A_165 : vector<1024x1024xi1>, vector<1024x1024xi32>
    %reduce_min3A_167 = arith.constant dense<2147483647> : vector<1024xi32>
    %reduce_min3A_168 = vector.multi_reduction <minsi>, %select_n3A_166, %reduce_min3A_167 [1] : vector<1024x1024xi32> to vector<1024xi32>
    %broadcast_in_dim3A_169 = vector.shape_cast %reduce_min3A_168 : vector<1024xi32> to vector<1024x1xi32>
    %swap3A_170 = arith.constant 0 : index
    %swap3A_171 = arith.constant 8 : index
    %swap3A_172 = vector.load %arg5[%swap3A_170, %swap3A_171] : memref<1024x20xi32, #tpu.memory_space<vmem>>, vector<1024x1xi32>
    tpu.vector_store %arg5[%swap3A_170, %swap3A_171], %broadcast_in_dim3A_169 {strides = array<i32>} : memref<1024x20xi32, #tpu.memory_space<vmem>>, vector<1024x1xi32>,
    %jit3A_173 = arith.constant 0xFF800000 : f32
    %broadcast_in_dim3A_174 = vector.broadcast %jit3A_173 : f32 to vector<1024x1024xf32>
    %select_n3A_175 = arith.select %eq3A_163, %broadcast_in_dim3A_174, %select_n3A_158 : vector<1024x1024xi1>, vector<1024x1024xf32>
    %reduce_max3A_176 = arith.constant dense<0xFF800000> : vector<1024xf32>
    %reduce_max3A_177 = vector.multi_reduction <maximumf>, %select_n3A_175, %reduce_max3A_176 [1] : vector<1024x1024xf32> to vector<1024xf32>
    %broadcast_in_dim3A_178 = vector.shape_cast %reduce_max3A_177 : vector<1024xf32> to vector<1024x1xf32>
    %eq3A_179 = vector.broadcast %broadcast_in_dim3A_178 : vector<1024x1xf32> to vector<1024x1024xf32>
    %eq3A_180 = arith.cmpf oeq, %select_n3A_175, %eq3A_179 : vector<1024x1024xf32>
    %jit3A_181 = arith.constant 1024 : i32
    %broadcast_in_dim3A_182 = vector.broadcast %jit3A_181 : i32 to vector<1024x1024xi32>
    %select_n3A_183 = arith.select %eq3A_180, %iota3A, %broadcast_in_dim3A_182 : vector<1024x1024xi1>, vector<1024x1024xi32>
    %reduce_min3A_184 = arith.constant dense<2147483647> : vector<1024xi32>
    %reduce_min3A_185 = vector.multi_reduction <minsi>, %select_n3A_183, %reduce_min3A_184 [1] : vector<1024x1024xi32> to vector<1024xi32>
    %broadcast_in_dim3A_186 = vector.shape_cast %reduce_min3A_185 : vector<1024xi32> to vector<1024x1xi32>
    %swap3A_187 = arith.constant 0 : index
    %swap3A_188 = arith.constant 9 : index
    %swap3A_189 = vector.load %arg5[%swap3A_187, %swap3A_188] : memref<1024x20xi32, #tpu.memory_space<vmem>>, vector<1024x1xi32>
    tpu.vector_store %arg5[%swap3A_187, %swap3A_188], %broadcast_in_dim3A_186 {strides = array<i32>} : memref<1024x20xi32, #tpu.memory_space<vmem>>, vector<1024x1xi32>,
    %jit3A_190 = arith.constant 0xFF800000 : f32
    %broadcast_in_dim3A_191 = vector.broadcast %jit3A_190 : f32 to vector<1024x1024xf32>
    %select_n3A_192 = arith.select %eq3A_180, %broadcast_in_dim3A_191, %select_n3A_175 : vector<1024x1024xi1>, vector<1024x1024xf32>
    %reduce_max3A_193 = arith.constant dense<0xFF800000> : vector<1024xf32>
    %reduce_max3A_194 = vector.multi_reduction <maximumf>, %select_n3A_192, %reduce_max3A_193 [1] : vector<1024x1024xf32> to vector<1024xf32>
    %broadcast_in_dim3A_195 = vector.shape_cast %reduce_max3A_194 : vector<1024xf32> to vector<1024x1xf32>
    %eq3A_196 = vector.broadcast %broadcast_in_dim3A_195 : vector<1024x1xf32> to vector<1024x1024xf32>
    %eq3A_197 = arith.cmpf oeq, %select_n3A_192, %eq3A_196 : vector<1024x1024xf32>
    %jit3A_198 = arith.constant 1024 : i32
    %broadcast_in_dim3A_199 = vector.broadcast %jit3A_198 : i32 to vector<1024x1024xi32>
    %select_n3A_200 = arith.select %eq3A_197, %iota3A, %broadcast_in_dim3A_199 : vector<1024x1024xi1>, vector<1024x1024xi32>
    %reduce_min3A_201 = arith.constant dense<2147483647> : vector<1024xi32>
    %reduce_min3A_202 = vector.multi_reduction <minsi>, %select_n3A_200, %reduce_min3A_201 [1] : vector<1024x1024xi32> to vector<1024xi32>
    %broadcast_in_dim3A_203 = vector.shape_cast %reduce_min3A_202 : vector<1024xi32> to vector<1024x1xi32>
    %swap3A_204 = arith.constant 0 : index
    %swap3A_205 = arith.constant 10 : index
    %swap3A_206 = vector.load %arg5[%swap3A_204, %swap3A_205] : memref<1024x20xi32, #tpu.memory_space<vmem>>, vector<1024x1xi32>
    tpu.vector_store %arg5[%swap3A_204, %swap3A_205], %broadcast_in_dim3A_203 {strides = array<i32>} : memref<1024x20xi32, #tpu.memory_space<vmem>>, vector<1024x1xi32>,
    %jit3A_207 = arith.constant 0xFF800000 : f32
    %broadcast_in_dim3A_208 = vector.broadcast %jit3A_207 : f32 to vector<1024x1024xf32>
    %select_n3A_209 = arith.select %eq3A_197, %broadcast_in_dim3A_208, %select_n3A_192 : vector<1024x1024xi1>, vector<1024x1024xf32>
    %reduce_max3A_210 = arith.constant dense<0xFF800000> : vector<1024xf32>
    %reduce_max3A_211 = vector.multi_reduction <maximumf>, %select_n3A_209, %reduce_max3A_210 [1] : vector<1024x1024xf32> to vector<1024xf32>
    %broadcast_in_dim3A_212 = vector.shape_cast %reduce_max3A_211 : vector<1024xf32> to vector<1024x1xf32>
    %eq3A_213 = vector.broadcast %broadcast_in_dim3A_212 : vector<1024x1xf32> to vector<1024x1024xf32>
    %eq3A_214 = arith.cmpf oeq, %select_n3A_209, %eq3A_213 : vector<1024x1024xf32>
    %jit3A_215 = arith.constant 1024 : i32
    %broadcast_in_dim3A_216 = vector.broadcast %jit3A_215 : i32 to vector<1024x1024xi32>
    %select_n3A_217 = arith.select %eq3A_214, %iota3A, %broadcast_in_dim3A_216 : vector<1024x1024xi1>, vector<1024x1024xi32>
    %reduce_min3A_218 = arith.constant dense<2147483647> : vector<1024xi32>
    %reduce_min3A_219 = vector.multi_reduction <minsi>, %select_n3A_217, %reduce_min3A_218 [1] : vector<1024x1024xi32> to vector<1024xi32>
    %broadcast_in_dim3A_220 = vector.shape_cast %reduce_min3A_219 : vector<1024xi32> to vector<1024x1xi32>
    %swap3A_221 = arith.constant 0 : index
    %swap3A_222 = arith.constant 11 : index
    %swap3A_223 = vector.load %arg5[%swap3A_221, %swap3A_222] : memref<1024x20xi32, #tpu.memory_space<vmem>>, vector<1024x1xi32>
    tpu.vector_store %arg5[%swap3A_221, %swap3A_222], %broadcast_in_dim3A_220 {strides = array<i32>} : memref<1024x20xi32, #tpu.memory_space<vmem>>, vector<1024x1xi32>,
    %jit3A_224 = arith.constant 0xFF800000 : f32
    %broadcast_in_dim3A_225 = vector.broadcast %jit3A_224 : f32 to vector<1024x1024xf32>
    %select_n3A_226 = arith.select %eq3A_214, %broadcast_in_dim3A_225, %select_n3A_209 : vector<1024x1024xi1>, vector<1024x1024xf32>
    %reduce_max3A_227 = arith.constant dense<0xFF800000> : vector<1024xf32>
    %reduce_max3A_228 = vector.multi_reduction <maximumf>, %select_n3A_226, %reduce_max3A_227 [1] : vector<1024x1024xf32> to vector<1024xf32>
    %broadcast_in_dim3A_229 = vector.shape_cast %reduce_max3A_228 : vector<1024xf32> to vector<1024x1xf32>
    %eq3A_230 = vector.broadcast %broadcast_in_dim3A_229 : vector<1024x1xf32> to vector<1024x1024xf32>
    %eq3A_231 = arith.cmpf oeq, %select_n3A_226, %eq3A_230 : vector<1024x1024xf32>
    %jit3A_232 = arith.constant 1024 : i32
    %broadcast_in_dim3A_233 = vector.broadcast %jit3A_232 : i32 to vector<1024x1024xi32>
    %select_n3A_234 = arith.select %eq3A_231, %iota3A, %broadcast_in_dim3A_233 : vector<1024x1024xi1>, vector<1024x1024xi32>
    %reduce_min3A_235 = arith.constant dense<2147483647> : vector<1024xi32>
    %reduce_min3A_236 = vector.multi_reduction <minsi>, %select_n3A_234, %reduce_min3A_235 [1] : vector<1024x1024xi32> to vector<1024xi32>
    %broadcast_in_dim3A_237 = vector.shape_cast %reduce_min3A_236 : vector<1024xi32> to vector<1024x1xi32>
    %swap3A_238 = arith.constant 0 : index
    %swap3A_239 = arith.constant 12 : index
    %swap3A_240 = vector.load %arg5[%swap3A_238, %swap3A_239] : memref<1024x20xi32, #tpu.memory_space<vmem>>, vector<1024x1xi32>
    tpu.vector_store %arg5[%swap3A_238, %swap3A_239], %broadcast_in_dim3A_237 {strides = array<i32>} : memref<1024x20xi32, #tpu.memory_space<vmem>>, vector<1024x1xi32>,
    %jit3A_241 = arith.constant 0xFF800000 : f32
    %broadcast_in_dim3A_242 = vector.broadcast %jit3A_241 : f32 to vector<1024x1024xf32>
    %select_n3A_243 = arith.select %eq3A_231, %broadcast_in_dim3A_242, %select_n3A_226 : vector<1024x1024xi1>, vector<1024x1024xf32>
    %reduce_max3A_244 = arith.constant dense<0xFF800000> : vector<1024xf32>
    %reduce_max3A_245 = vector.multi_reduction <maximumf>, %select_n3A_243, %reduce_max3A_244 [1] : vector<1024x1024xf32> to vector<1024xf32>
    %broadcast_in_dim3A_246 = vector.shape_cast %reduce_max3A_245 : vector<1024xf32> to vector<1024x1xf32>
    %eq3A_247 = vector.broadcast %broadcast_in_dim3A_246 : vector<1024x1xf32> to vector<1024x1024xf32>
    %eq3A_248 = arith.cmpf oeq, %select_n3A_243, %eq3A_247 : vector<1024x1024xf32>
    %jit3A_249 = arith.constant 1024 : i32
    %broadcast_in_dim3A_250 = vector.broadcast %jit3A_249 : i32 to vector<1024x1024xi32>
    %select_n3A_251 = arith.select %eq3A_248, %iota3A, %broadcast_in_dim3A_250 : vector<1024x1024xi1>, vector<1024x1024xi32>
    %reduce_min3A_252 = arith.constant dense<2147483647> : vector<1024xi32>
    %reduce_min3A_253 = vector.multi_reduction <minsi>, %select_n3A_251, %reduce_min3A_252 [1] : vector<1024x1024xi32> to vector<1024xi32>
    %broadcast_in_dim3A_254 = vector.shape_cast %reduce_min3A_253 : vector<1024xi32> to vector<1024x1xi32>
    %swap3A_255 = arith.constant 0 : index
    %swap3A_256 = arith.constant 13 : index
    %swap3A_257 = vector.load %arg5[%swap3A_255, %swap3A_256] : memref<1024x20xi32, #tpu.memory_space<vmem>>, vector<1024x1xi32>
    tpu.vector_store %arg5[%swap3A_255, %swap3A_256], %broadcast_in_dim3A_254 {strides = array<i32>} : memref<1024x20xi32, #tpu.memory_space<vmem>>, vector<1024x1xi32>,
    %jit3A_258 = arith.constant 0xFF800000 : f32
    %broadcast_in_dim3A_259 = vector.broadcast %jit3A_258 : f32 to vector<1024x1024xf32>
    %select_n3A_260 = arith.select %eq3A_248, %broadcast_in_dim3A_259, %select_n3A_243 : vector<1024x1024xi1>, vector<1024x1024xf32>
    %reduce_max3A_261 = arith.constant dense<0xFF800000> : vector<1024xf32>
    %reduce_max3A_262 = vector.multi_reduction <maximumf>, %select_n3A_260, %reduce_max3A_261 [1] : vector<1024x1024xf32> to vector<1024xf32>
    %broadcast_in_dim3A_263 = vector.shape_cast %reduce_max3A_262 : vector<1024xf32> to vector<1024x1xf32>
    %eq3A_264 = vector.broadcast %broadcast_in_dim3A_263 : vector<1024x1xf32> to vector<1024x1024xf32>
    %eq3A_265 = arith.cmpf oeq, %select_n3A_260, %eq3A_264 : vector<1024x1024xf32>
    %jit3A_266 = arith.constant 1024 : i32
    %broadcast_in_dim3A_267 = vector.broadcast %jit3A_266 : i32 to vector<1024x1024xi32>
    %select_n3A_268 = arith.select %eq3A_265, %iota3A, %broadcast_in_dim3A_267 : vector<1024x1024xi1>, vector<1024x1024xi32>
    %reduce_min3A_269 = arith.constant dense<2147483647> : vector<1024xi32>
    %reduce_min3A_270 = vector.multi_reduction <minsi>, %select_n3A_268, %reduce_min3A_269 [1] : vector<1024x1024xi32> to vector<1024xi32>
    %broadcast_in_dim3A_271 = vector.shape_cast %reduce_min3A_270 : vector<1024xi32> to vector<1024x1xi32>
    %swap3A_272 = arith.constant 0 : index
    %swap3A_273 = arith.constant 14 : index
    %swap3A_274 = vector.load %arg5[%swap3A_272, %swap3A_273] : memref<1024x20xi32, #tpu.memory_space<vmem>>, vector<1024x1xi32>
    tpu.vector_store %arg5[%swap3A_272, %swap3A_273], %broadcast_in_dim3A_271 {strides = array<i32>} : memref<1024x20xi32, #tpu.memory_space<vmem>>, vector<1024x1xi32>,
    %jit3A_275 = arith.constant 0xFF800000 : f32
    %broadcast_in_dim3A_276 = vector.broadcast %jit3A_275 : f32 to vector<1024x1024xf32>
    %select_n3A_277 = arith.select %eq3A_265, %broadcast_in_dim3A_276, %select_n3A_260 : vector<1024x1024xi1>, vector<1024x1024xf32>
    %reduce_max3A_278 = arith.constant dense<0xFF800000> : vector<1024xf32>
    %reduce_max3A_279 = vector.multi_reduction <maximumf>, %select_n3A_277, %reduce_max3A_278 [1] : vector<1024x1024xf32> to vector<1024xf32>
    %broadcast_in_dim3A_280 = vector.shape_cast %reduce_max3A_279 : vector<1024xf32> to vector<1024x1xf32>
    %eq3A_281 = vector.broadcast %broadcast_in_dim3A_280 : vector<1024x1xf32> to vector<1024x1024xf32>
    %eq3A_282 = arith.cmpf oeq, %select_n3A_277, %eq3A_281 : vector<1024x1024xf32>
    %jit3A_283 = arith.constant 1024 : i32
    %broadcast_in_dim3A_284 = vector.broadcast %jit3A_283 : i32 to vector<1024x1024xi32>
    %select_n3A_285 = arith.select %eq3A_282, %iota3A, %broadcast_in_dim3A_284 : vector<1024x1024xi1>, vector<1024x1024xi32>
    %reduce_min3A_286 = arith.constant dense<2147483647> : vector<1024xi32>
    %reduce_min3A_287 = vector.multi_reduction <minsi>, %select_n3A_285, %reduce_min3A_286 [1] : vector<1024x1024xi32> to vector<1024xi32>
    %broadcast_in_dim3A_288 = vector.shape_cast %reduce_min3A_287 : vector<1024xi32> to vector<1024x1xi32>
    %swap3A_289 = arith.constant 0 : index
    %swap3A_290 = arith.constant 15 : index
    %swap3A_291 = vector.load %arg5[%swap3A_289, %swap3A_290] : memref<1024x20xi32, #tpu.memory_space<vmem>>, vector<1024x1xi32>
    tpu.vector_store %arg5[%swap3A_289, %swap3A_290], %broadcast_in_dim3A_288 {strides = array<i32>} : memref<1024x20xi32, #tpu.memory_space<vmem>>, vector<1024x1xi32>,
    %jit3A_292 = arith.constant 0xFF800000 : f32
    %broadcast_in_dim3A_293 = vector.broadcast %jit3A_292 : f32 to vector<1024x1024xf32>
    %select_n3A_294 = arith.select %eq3A_282, %broadcast_in_dim3A_293, %select_n3A_277 : vector<1024x1024xi1>, vector<1024x1024xf32>
    %reduce_max3A_295 = arith.constant dense<0xFF800000> : vector<1024xf32>
    %reduce_max3A_296 = vector.multi_reduction <maximumf>, %select_n3A_294, %reduce_max3A_295 [1] : vector<1024x1024xf32> to vector<1024xf32>
    %broadcast_in_dim3A_297 = vector.shape_cast %reduce_max3A_296 : vector<1024xf32> to vector<1024x1xf32>
    %eq3A_298 = vector.broadcast %broadcast_in_dim3A_297 : vector<1024x1xf32> to vector<1024x1024xf32>
    %eq3A_299 = arith.cmpf oeq, %select_n3A_294, %eq3A_298 : vector<1024x1024xf32>
    %jit3A_300 = arith.constant 1024 : i32
    %broadcast_in_dim3A_301 = vector.broadcast %jit3A_300 : i32 to vector<1024x1024xi32>
    %select_n3A_302 = arith.select %eq3A_299, %iota3A, %broadcast_in_dim3A_301 : vector<1024x1024xi1>, vector<1024x1024xi32>
    %reduce_min3A_303 = arith.constant dense<2147483647> : vector<1024xi32>
    %reduce_min3A_304 = vector.multi_reduction <minsi>, %select_n3A_302, %reduce_min3A_303 [1] : vector<1024x1024xi32> to vector<1024xi32>
    %broadcast_in_dim3A_305 = vector.shape_cast %reduce_min3A_304 : vector<1024xi32> to vector<1024x1xi32>
    %swap3A_306 = arith.constant 0 : index
    %swap3A_307 = arith.constant 16 : index
    %swap3A_308 = vector.load %arg5[%swap3A_306, %swap3A_307] : memref<1024x20xi32, #tpu.memory_space<vmem>>, vector<1024x1xi32>
    tpu.vector_store %arg5[%swap3A_306, %swap3A_307], %broadcast_in_dim3A_305 {strides = array<i32>} : memref<1024x20xi32, #tpu.memory_space<vmem>>, vector<1024x1xi32>,
    %jit3A_309 = arith.constant 0xFF800000 : f32
    %broadcast_in_dim3A_310 = vector.broadcast %jit3A_309 : f32 to vector<1024x1024xf32>
    %select_n3A_311 = arith.select %eq3A_299, %broadcast_in_dim3A_310, %select_n3A_294 : vector<1024x1024xi1>, vector<1024x1024xf32>
    %reduce_max3A_312 = arith.constant dense<0xFF800000> : vector<1024xf32>
    %reduce_max3A_313 = vector.multi_reduction <maximumf>, %select_n3A_311, %reduce_max3A_312 [1] : vector<1024x1024xf32> to vector<1024xf32>
    %broadcast_in_dim3A_314 = vector.shape_cast %reduce_max3A_313 : vector<1024xf32> to vector<1024x1xf32>
    %eq3A_315 = vector.broadcast %broadcast_in_dim3A_314 : vector<1024x1xf32> to vector<1024x1024xf32>
    %eq3A_316 = arith.cmpf oeq, %select_n3A_311, %eq3A_315 : vector<1024x1024xf32>
    %jit3A_317 = arith.constant 1024 : i32
    %broadcast_in_dim3A_318 = vector.broadcast %jit3A_317 : i32 to vector<1024x1024xi32>
    %select_n3A_319 = arith.select %eq3A_316, %iota3A, %broadcast_in_dim3A_318 : vector<1024x1024xi1>, vector<1024x1024xi32>
    %reduce_min3A_320 = arith.constant dense<2147483647> : vector<1024xi32>
    %reduce_min3A_321 = vector.multi_reduction <minsi>, %select_n3A_319, %reduce_min3A_320 [1] : vector<1024x1024xi32> to vector<1024xi32>
    %broadcast_in_dim3A_322 = vector.shape_cast %reduce_min3A_321 : vector<1024xi32> to vector<1024x1xi32>
    %swap3A_323 = arith.constant 0 : index
    %swap3A_324 = arith.constant 17 : index
    %swap3A_325 = vector.load %arg5[%swap3A_323, %swap3A_324] : memref<1024x20xi32, #tpu.memory_space<vmem>>, vector<1024x1xi32>
    tpu.vector_store %arg5[%swap3A_323, %swap3A_324], %broadcast_in_dim3A_322 {strides = array<i32>} : memref<1024x20xi32, #tpu.memory_space<vmem>>, vector<1024x1xi32>,
    %jit3A_326 = arith.constant 0xFF800000 : f32
    %broadcast_in_dim3A_327 = vector.broadcast %jit3A_326 : f32 to vector<1024x1024xf32>
    %select_n3A_328 = arith.select %eq3A_316, %broadcast_in_dim3A_327, %select_n3A_311 : vector<1024x1024xi1>, vector<1024x1024xf32>
    %reduce_max3A_329 = arith.constant dense<0xFF800000> : vector<1024xf32>
    %reduce_max3A_330 = vector.multi_reduction <maximumf>, %select_n3A_328, %reduce_max3A_329 [1] : vector<1024x1024xf32> to vector<1024xf32>
    %broadcast_in_dim3A_331 = vector.shape_cast %reduce_max3A_330 : vector<1024xf32> to vector<1024x1xf32>
    %eq3A_332 = vector.broadcast %broadcast_in_dim3A_331 : vector<1024x1xf32> to vector<1024x1024xf32>
    %eq3A_333 = arith.cmpf oeq, %select_n3A_328, %eq3A_332 : vector<1024x1024xf32>
    %jit3A_334 = arith.constant 1024 : i32
    %broadcast_in_dim3A_335 = vector.broadcast %jit3A_334 : i32 to vector<1024x1024xi32>
    %select_n3A_336 = arith.select %eq3A_333, %iota3A, %broadcast_in_dim3A_335 : vector<1024x1024xi1>, vector<1024x1024xi32>
    %reduce_min3A_337 = arith.constant dense<2147483647> : vector<1024xi32>
    %reduce_min3A_338 = vector.multi_reduction <minsi>, %select_n3A_336, %reduce_min3A_337 [1] : vector<1024x1024xi32> to vector<1024xi32>
    %broadcast_in_dim3A_339 = vector.shape_cast %reduce_min3A_338 : vector<1024xi32> to vector<1024x1xi32>
    %swap3A_340 = arith.constant 0 : index
    %swap3A_341 = arith.constant 18 : index
    %swap3A_342 = vector.load %arg5[%swap3A_340, %swap3A_341] : memref<1024x20xi32, #tpu.memory_space<vmem>>, vector<1024x1xi32>
    tpu.vector_store %arg5[%swap3A_340, %swap3A_341], %broadcast_in_dim3A_339 {strides = array<i32>} : memref<1024x20xi32, #tpu.memory_space<vmem>>, vector<1024x1xi32>,
    %jit3A_343 = arith.constant 0xFF800000 : f32
    %broadcast_in_dim3A_344 = vector.broadcast %jit3A_343 : f32 to vector<1024x1024xf32>
    %select_n3A_345 = arith.select %eq3A_333, %broadcast_in_dim3A_344, %select_n3A_328 : vector<1024x1024xi1>, vector<1024x1024xf32>
    %reduce_max3A_346 = arith.constant dense<0xFF800000> : vector<1024xf32>
    %reduce_max3A_347 = vector.multi_reduction <maximumf>, %select_n3A_345, %reduce_max3A_346 [1] : vector<1024x1024xf32> to vector<1024xf32>
    %broadcast_in_dim3A_348 = vector.shape_cast %reduce_max3A_347 : vector<1024xf32> to vector<1024x1xf32>
    %eq3A_349 = vector.broadcast %broadcast_in_dim3A_348 : vector<1024x1xf32> to vector<1024x1024xf32>
    %eq3A_350 = arith.cmpf oeq, %select_n3A_345, %eq3A_349 : vector<1024x1024xf32>
    %jit3A_351 = arith.constant 1024 : i32
    %broadcast_in_dim3A_352 = vector.broadcast %jit3A_351 : i32 to vector<1024x1024xi32>
    %select_n3A_353 = arith.select %eq3A_350, %iota3A, %broadcast_in_dim3A_352 : vector<1024x1024xi1>, vector<1024x1024xi32>
    %reduce_min3A_354 = arith.constant dense<2147483647> : vector<1024xi32>
    %reduce_min3A_355 = vector.multi_reduction <minsi>, %select_n3A_353, %reduce_min3A_354 [1] : vector<1024x1024xi32> to vector<1024xi32>
    %broadcast_in_dim3A_356 = vector.shape_cast %reduce_min3A_355 : vector<1024xi32> to vector<1024x1xi32>
    %swap3A_357 = arith.constant 0 : index
    %swap3A_358 = arith.constant 19 : index
    %swap3A_359 = vector.load %arg5[%swap3A_357, %swap3A_358] : memref<1024x20xi32, #tpu.memory_space<vmem>>, vector<1024x1xi32>
    tpu.vector_store %arg5[%swap3A_357, %swap3A_358], %broadcast_in_dim3A_356 {strides = array<i32>} : memref<1024x20xi32, #tpu.memory_space<vmem>>, vector<1024x1xi32>,
    %jit3A_360 = arith.constant 0xFF800000 : f32
    %broadcast_in_dim3A_361 = vector.broadcast %jit3A_360 : f32 to vector<1024x1024xf32>
    %select_n3A_362 = arith.select %eq3A_350, %broadcast_in_dim3A_361, %select_n3A_345 : vector<1024x1024xi1>, vector<1024x1024xf32>
    %eq3A_363 = arith.constant 0xFF800000 : f32
    %eq3A_364 = vector.broadcast %eq3A_363 : f32 to vector<1024x1024xf32>
    %eq3A_365 = arith.cmpf oeq, %select_n3A_362, %eq3A_364 : vector<1024x1024xf32>
    %jit3A_366 = arith.constant 1.000000e+00 : f32
    %jit3A_367 = arith.constant 0.000000e+00 : f32
    %broadcast_in_dim3A_368 = vector.broadcast %jit3A_366 : f32 to vector<1024x1024xf32>
    %broadcast_in_dim3A_369 = vector.broadcast %jit3A_367 : f32 to vector<1024x1024xf32>
    %select_n3A_370 = arith.select %eq3A_365, %broadcast_in_dim3A_368, %broadcast_in_dim3A_369 : vector<1024x1024xi1>, vector<1024x1024xf32>
    %swap3A_371 = arith.constant 0 : index
    %swap3A_372 = arith.constant 0 : index
    %swap3A_373 = vector.load %arg6[%swap3A_371, %swap3A_372] : memref<1024x1024xf32, #tpu.memory_space<vmem>>, vector<1024x1024xf32>
    tpu.vector_store %arg6[%swap3A_371, %swap3A_372], %select_n3A_370 {strides = array<i32>} : memref<1024x1024xf32, #tpu.memory_space<vmem>>, vector<1024x1024xf32>,
    return
  }
  func.func @transform_0(%arg0: i32) -> (i32, i32, i32) {
    %c2_i32 = arith.constant 2 : i32
    %c0_i32 = arith.constant 0 : i32
    %c0_i32_0 = arith.constant 0 : i32
    %c0_i32_1 = arith.constant 0 : i32
    return %c2_i32, %c0_i32, %c0_i32_0 : i32, i32, i32
  }
  func.func @transform_1(%arg0: i32) -> (i32, i32) {
    %c0_i32 = arith.constant 0 : i32
    %c0_i32_0 = arith.constant 0 : i32
    %c0_i32_1 = arith.constant 0 : i32
    return %c0_i32, %c0_i32_0 : i32, i32
  }
  func.func @transform_2(%arg0: i32) -> (i32, i32) {
    %c0_i32 = arith.constant 0 : i32
    %c0_i32_0 = arith.constant 0 : i32
    %c0_i32_1 = arith.constant 0 : i32
    return %c0_i32, %c0_i32_0 : i32, i32
  }
  func.func @transform_3(%arg0: i32) -> (i32, i32) {
    %c0_i32 = arith.constant 0 : i32
    %c0_i32_0 = arith.constant 0 : i32
    %c0_i32_1 = arith.constant 0 : i32
    return %c0_i32, %c0_i32_0 : i32, i32
  }
  func.func @transform_4(%arg0: i32) -> (i32, i32) {
    %c0_i32 = arith.constant 0 : i32
    %c0_i32_0 = arith.constant 0 : i32
    %c0_i32_1 = arith.constant 0 : i32
    return %c0_i32, %c0_i32_0 : i32, i32
  }
  func.func @transform_5(%arg0: i32) -> (i32, i32) {
    %c0_i32 = arith.constant 0 : i32
    %c0_i32_0 = arith.constant 0 : i32
    %c0_i32_1 = arith.constant 0 : i32
    return %c0_i32, %c0_i32_0 : i32, i32
  }
}

module attributes {stable_mosaic.version = 14 : i64} {
  func.func @_tc1b_body(%arg0: memref<384x1024xf32, #tpu.memory_space<vmem>>, %arg1: memref<384x1024xf32, #tpu.memory_space<vmem>>, %arg2: memref<384x1024xf32, #tpu.memory_space<vmem>>, %arg3: memref<384x1024xf32, #tpu.memory_space<vmem>>, %arg4: memref<384x1024xf32, #tpu.memory_space<vmem>>, %arg5: memref<384x1024xf32, #tpu.memory_space<vmem>>, %arg6: memref<384x1024xf32, #tpu.memory_space<vmem>>, %arg7: memref<384x1024xf32, #tpu.memory_space<vmem>>, %arg8: memref<1024x1024xf32, #tpu.memory_space<vmem>>, %arg9: memref<1024x1024xf32, #tpu.memory_space<vmem>>, %arg10: memref<1024x1024xf32, #tpu.memory_space<vmem>>, %arg11: memref<1024x1024xf32, #tpu.memory_space<vmem>>, %arg12: memref<384x1xf32, #tpu.memory_space<vmem>>, %arg13: memref<384x1xf32, #tpu.memory_space<vmem>>, %arg14: memref<384x1xf32, #tpu.memory_space<vmem>>, %arg15: memref<384x1xf32, #tpu.memory_space<vmem>>, %arg16: memref<384x1xf32, #tpu.memory_space<vmem>>, %arg17: memref<384x1xf32, #tpu.memory_space<vmem>>, %arg18: memref<384x1xf32, #tpu.memory_space<vmem>>, %arg19: memref<384x1xf32, #tpu.memory_space<vmem>>, %arg20: memref<384x1xf32, #tpu.memory_space<vmem>>, %arg21: memref<384x1xf32, #tpu.memory_space<vmem>>, %arg22: memref<384x1xf32, #tpu.memory_space<vmem>>, %arg23: memref<384x1xf32, #tpu.memory_space<vmem>>) attributes {dimension_semantics = [], scalar_prefetch = 0 : i64, scratch_operands = 0 : i64, tpu.core_type = #tpu.core_type<tc>} {
    %get3A = arith.constant 0 : index
    %get3A_0 = arith.constant 0 : index
    %get3A_1 = vector.load %arg0[%get3A, %get3A_0] : memref<384x1024xf32, #tpu.memory_space<vmem>>, vector<384x1024xf32>
    %get3A_2 = arith.constant 0 : index
    %get3A_3 = arith.constant 0 : index
    %get3A_4 = vector.load %arg8[%get3A_2, %get3A_3] : memref<1024x1024xf32, #tpu.memory_space<vmem>>, vector<1024x1024xf32>
    %get3A_5 = arith.constant 0 : index
    %get3A_6 = arith.constant 0 : index
    %get3A_7 = vector.load %arg4[%get3A_5, %get3A_6] : memref<384x1024xf32, #tpu.memory_space<vmem>>, vector<384x1024xf32>
    %dot_general3A = arith.constant dense<0.000000e+00> : vector<384x1024xf32>
    %dot_general3A_8 = tpu.matmul %get3A_7, %get3A_4, %dot_general3A {dimension_numbers = #tpu.dot_dimension_numbers<[1], [0], [0], [1], [0, 0, 1, 1], [], []>, transpose_lhs_hint = false} : vector<384x1024xf32>, vector<1024x1024xf32>, vector<384x1024xf32> -> vector<384x1024xf32>
    %reduce_sum3A = arith.constant dense<0.000000e+00> : vector<1024xf32>
    %reduce_sum3A_9 = vector.multi_reduction <add>, %get3A_4, %reduce_sum3A [0] : vector<1024x1024xf32> to vector<1024xf32>
    %broadcast_in_dim3A = vector.shape_cast %reduce_sum3A_9 : vector<1024xf32> to vector<1x1024xf32>
    %mul3A = vector.broadcast %broadcast_in_dim3A : vector<1x1024xf32> to vector<384x1024xf32>
    %mul3A_10 = arith.mulf %get3A_1, %mul3A : vector<384x1024xf32>
    %reduce_sum3A_11 = arith.constant dense<0.000000e+00> : vector<384xf32>
    %reduce_sum3A_12 = vector.multi_reduction <add>, %mul3A_10, %reduce_sum3A_11 [1] : vector<384x1024xf32> to vector<384xf32>
    %broadcast_in_dim3A_13 = vector.shape_cast %reduce_sum3A_12 : vector<384xf32> to vector<384x1xf32>
    %swap3A = arith.constant 0 : index
    %swap3A_14 = arith.constant 0 : index
    %swap3A_15 = vector.load %arg12[%swap3A, %swap3A_14] : memref<384x1xf32, #tpu.memory_space<vmem>>, vector<384x1xf32>
    tpu.vector_store %arg12[%swap3A, %swap3A_14], %broadcast_in_dim3A_13 {strides = array<i32>} : memref<384x1xf32, #tpu.memory_space<vmem>>, vector<384x1xf32>,
    %mul3A_16 = arith.mulf %get3A_1, %get3A_1 : vector<384x1024xf32>
    %mul3A_17 = vector.broadcast %broadcast_in_dim3A : vector<1x1024xf32> to vector<384x1024xf32>
    %mul3A_18 = arith.mulf %mul3A_16, %mul3A_17 : vector<384x1024xf32>
    %reduce_sum3A_19 = arith.constant dense<0.000000e+00> : vector<384xf32>
    %reduce_sum3A_20 = vector.multi_reduction <add>, %mul3A_18, %reduce_sum3A_19 [1] : vector<384x1024xf32> to vector<384xf32>
    %broadcast_in_dim3A_21 = vector.shape_cast %reduce_sum3A_20 : vector<384xf32> to vector<384x1xf32>
    %swap3A_22 = arith.constant 0 : index
    %swap3A_23 = arith.constant 0 : index
    %swap3A_24 = vector.load %arg16[%swap3A_22, %swap3A_23] : memref<384x1xf32, #tpu.memory_space<vmem>>, vector<384x1xf32>
    tpu.vector_store %arg16[%swap3A_22, %swap3A_23], %broadcast_in_dim3A_21 {strides = array<i32>} : memref<384x1xf32, #tpu.memory_space<vmem>>, vector<384x1xf32>,
    %mul3A_25 = arith.mulf %get3A_1, %dot_general3A_8 : vector<384x1024xf32>
    %reduce_sum3A_26 = arith.constant dense<0.000000e+00> : vector<384xf32>
    %reduce_sum3A_27 = vector.multi_reduction <add>, %mul3A_25, %reduce_sum3A_26 [1] : vector<384x1024xf32> to vector<384xf32>
    %broadcast_in_dim3A_28 = vector.shape_cast %reduce_sum3A_27 : vector<384xf32> to vector<384x1xf32>
    %swap3A_29 = arith.constant 0 : index
    %swap3A_30 = arith.constant 0 : index
    %swap3A_31 = vector.load %arg20[%swap3A_29, %swap3A_30] : memref<384x1xf32, #tpu.memory_space<vmem>>, vector<384x1xf32>
    tpu.vector_store %arg20[%swap3A_29, %swap3A_30], %broadcast_in_dim3A_28 {strides = array<i32>} : memref<384x1xf32, #tpu.memory_space<vmem>>, vector<384x1xf32>,
    %get3A_32 = arith.constant 0 : index
    %get3A_33 = arith.constant 0 : index
    %get3A_34 = vector.load %arg1[%get3A_32, %get3A_33] : memref<384x1024xf32, #tpu.memory_space<vmem>>, vector<384x1024xf32>
    %get3A_35 = arith.constant 0 : index
    %get3A_36 = arith.constant 0 : index
    %get3A_37 = vector.load %arg9[%get3A_35, %get3A_36] : memref<1024x1024xf32, #tpu.memory_space<vmem>>, vector<1024x1024xf32>
    %get3A_38 = arith.constant 0 : index
    %get3A_39 = arith.constant 0 : index
    %get3A_40 = vector.load %arg5[%get3A_38, %get3A_39] : memref<384x1024xf32, #tpu.memory_space<vmem>>, vector<384x1024xf32>
    %dot_general3A_41 = arith.constant dense<0.000000e+00> : vector<384x1024xf32>
    %dot_general3A_42 = tpu.matmul %get3A_40, %get3A_37, %dot_general3A_41 {dimension_numbers = #tpu.dot_dimension_numbers<[1], [0], [0], [1], [0, 0, 1, 1], [], []>, transpose_lhs_hint = false} : vector<384x1024xf32>, vector<1024x1024xf32>, vector<384x1024xf32> -> vector<384x1024xf32>
    %reduce_sum3A_43 = arith.constant dense<0.000000e+00> : vector<1024xf32>
    %reduce_sum3A_44 = vector.multi_reduction <add>, %get3A_37, %reduce_sum3A_43 [0] : vector<1024x1024xf32> to vector<1024xf32>
    %broadcast_in_dim3A_45 = vector.shape_cast %reduce_sum3A_44 : vector<1024xf32> to vector<1x1024xf32>
    %mul3A_46 = vector.broadcast %broadcast_in_dim3A_45 : vector<1x1024xf32> to vector<384x1024xf32>
    %mul3A_47 = arith.mulf %get3A_34, %mul3A_46 : vector<384x1024xf32>
    %reduce_sum3A_48 = arith.constant dense<0.000000e+00> : vector<384xf32>
    %reduce_sum3A_49 = vector.multi_reduction <add>, %mul3A_47, %reduce_sum3A_48 [1] : vector<384x1024xf32> to vector<384xf32>
    %broadcast_in_dim3A_50 = vector.shape_cast %reduce_sum3A_49 : vector<384xf32> to vector<384x1xf32>
    %swap3A_51 = arith.constant 0 : index
    %swap3A_52 = arith.constant 0 : index
    %swap3A_53 = vector.load %arg13[%swap3A_51, %swap3A_52] : memref<384x1xf32, #tpu.memory_space<vmem>>, vector<384x1xf32>
    tpu.vector_store %arg13[%swap3A_51, %swap3A_52], %broadcast_in_dim3A_50 {strides = array<i32>} : memref<384x1xf32, #tpu.memory_space<vmem>>, vector<384x1xf32>,
    %mul3A_54 = arith.mulf %get3A_34, %get3A_34 : vector<384x1024xf32>
    %mul3A_55 = vector.broadcast %broadcast_in_dim3A_45 : vector<1x1024xf32> to vector<384x1024xf32>
    %mul3A_56 = arith.mulf %mul3A_54, %mul3A_55 : vector<384x1024xf32>
    %reduce_sum3A_57 = arith.constant dense<0.000000e+00> : vector<384xf32>
    %reduce_sum3A_58 = vector.multi_reduction <add>, %mul3A_56, %reduce_sum3A_57 [1] : vector<384x1024xf32> to vector<384xf32>
    %broadcast_in_dim3A_59 = vector.shape_cast %reduce_sum3A_58 : vector<384xf32> to vector<384x1xf32>
    %swap3A_60 = arith.constant 0 : index
    %swap3A_61 = arith.constant 0 : index
    %swap3A_62 = vector.load %arg17[%swap3A_60, %swap3A_61] : memref<384x1xf32, #tpu.memory_space<vmem>>, vector<384x1xf32>
    tpu.vector_store %arg17[%swap3A_60, %swap3A_61], %broadcast_in_dim3A_59 {strides = array<i32>} : memref<384x1xf32, #tpu.memory_space<vmem>>, vector<384x1xf32>,
    %mul3A_63 = arith.mulf %get3A_34, %dot_general3A_42 : vector<384x1024xf32>
    %reduce_sum3A_64 = arith.constant dense<0.000000e+00> : vector<384xf32>
    %reduce_sum3A_65 = vector.multi_reduction <add>, %mul3A_63, %reduce_sum3A_64 [1] : vector<384x1024xf32> to vector<384xf32>
    %broadcast_in_dim3A_66 = vector.shape_cast %reduce_sum3A_65 : vector<384xf32> to vector<384x1xf32>
    %swap3A_67 = arith.constant 0 : index
    %swap3A_68 = arith.constant 0 : index
    %swap3A_69 = vector.load %arg21[%swap3A_67, %swap3A_68] : memref<384x1xf32, #tpu.memory_space<vmem>>, vector<384x1xf32>
    tpu.vector_store %arg21[%swap3A_67, %swap3A_68], %broadcast_in_dim3A_66 {strides = array<i32>} : memref<384x1xf32, #tpu.memory_space<vmem>>, vector<384x1xf32>,
    %get3A_70 = arith.constant 0 : index
    %get3A_71 = arith.constant 0 : index
    %get3A_72 = vector.load %arg2[%get3A_70, %get3A_71] : memref<384x1024xf32, #tpu.memory_space<vmem>>, vector<384x1024xf32>
    %get3A_73 = arith.constant 0 : index
    %get3A_74 = arith.constant 0 : index
    %get3A_75 = vector.load %arg10[%get3A_73, %get3A_74] : memref<1024x1024xf32, #tpu.memory_space<vmem>>, vector<1024x1024xf32>
    %get3A_76 = arith.constant 0 : index
    %get3A_77 = arith.constant 0 : index
    %get3A_78 = vector.load %arg6[%get3A_76, %get3A_77] : memref<384x1024xf32, #tpu.memory_space<vmem>>, vector<384x1024xf32>
    %dot_general3A_79 = arith.constant dense<0.000000e+00> : vector<384x1024xf32>
    %dot_general3A_80 = tpu.matmul %get3A_78, %get3A_75, %dot_general3A_79 {dimension_numbers = #tpu.dot_dimension_numbers<[1], [0], [0], [1], [0, 0, 1, 1], [], []>, transpose_lhs_hint = false} : vector<384x1024xf32>, vector<1024x1024xf32>, vector<384x1024xf32> -> vector<384x1024xf32>
    %reduce_sum3A_81 = arith.constant dense<0.000000e+00> : vector<1024xf32>
    %reduce_sum3A_82 = vector.multi_reduction <add>, %get3A_75, %reduce_sum3A_81 [0] : vector<1024x1024xf32> to vector<1024xf32>
    %broadcast_in_dim3A_83 = vector.shape_cast %reduce_sum3A_82 : vector<1024xf32> to vector<1x1024xf32>
    %mul3A_84 = vector.broadcast %broadcast_in_dim3A_83 : vector<1x1024xf32> to vector<384x1024xf32>
    %mul3A_85 = arith.mulf %get3A_72, %mul3A_84 : vector<384x1024xf32>
    %reduce_sum3A_86 = arith.constant dense<0.000000e+00> : vector<384xf32>
    %reduce_sum3A_87 = vector.multi_reduction <add>, %mul3A_85, %reduce_sum3A_86 [1] : vector<384x1024xf32> to vector<384xf32>
    %broadcast_in_dim3A_88 = vector.shape_cast %reduce_sum3A_87 : vector<384xf32> to vector<384x1xf32>
    %swap3A_89 = arith.constant 0 : index
    %swap3A_90 = arith.constant 0 : index
    %swap3A_91 = vector.load %arg14[%swap3A_89, %swap3A_90] : memref<384x1xf32, #tpu.memory_space<vmem>>, vector<384x1xf32>
    tpu.vector_store %arg14[%swap3A_89, %swap3A_90], %broadcast_in_dim3A_88 {strides = array<i32>} : memref<384x1xf32, #tpu.memory_space<vmem>>, vector<384x1xf32>,
    %mul3A_92 = arith.mulf %get3A_72, %get3A_72 : vector<384x1024xf32>
    %mul3A_93 = vector.broadcast %broadcast_in_dim3A_83 : vector<1x1024xf32> to vector<384x1024xf32>
    %mul3A_94 = arith.mulf %mul3A_92, %mul3A_93 : vector<384x1024xf32>
    %reduce_sum3A_95 = arith.constant dense<0.000000e+00> : vector<384xf32>
    %reduce_sum3A_96 = vector.multi_reduction <add>, %mul3A_94, %reduce_sum3A_95 [1] : vector<384x1024xf32> to vector<384xf32>
    %broadcast_in_dim3A_97 = vector.shape_cast %reduce_sum3A_96 : vector<384xf32> to vector<384x1xf32>
    %swap3A_98 = arith.constant 0 : index
    %swap3A_99 = arith.constant 0 : index
    %swap3A_100 = vector.load %arg18[%swap3A_98, %swap3A_99] : memref<384x1xf32, #tpu.memory_space<vmem>>, vector<384x1xf32>
    tpu.vector_store %arg18[%swap3A_98, %swap3A_99], %broadcast_in_dim3A_97 {strides = array<i32>} : memref<384x1xf32, #tpu.memory_space<vmem>>, vector<384x1xf32>,
    %mul3A_101 = arith.mulf %get3A_72, %dot_general3A_80 : vector<384x1024xf32>
    %reduce_sum3A_102 = arith.constant dense<0.000000e+00> : vector<384xf32>
    %reduce_sum3A_103 = vector.multi_reduction <add>, %mul3A_101, %reduce_sum3A_102 [1] : vector<384x1024xf32> to vector<384xf32>
    %broadcast_in_dim3A_104 = vector.shape_cast %reduce_sum3A_103 : vector<384xf32> to vector<384x1xf32>
    %swap3A_105 = arith.constant 0 : index
    %swap3A_106 = arith.constant 0 : index
    %swap3A_107 = vector.load %arg22[%swap3A_105, %swap3A_106] : memref<384x1xf32, #tpu.memory_space<vmem>>, vector<384x1xf32>
    tpu.vector_store %arg22[%swap3A_105, %swap3A_106], %broadcast_in_dim3A_104 {strides = array<i32>} : memref<384x1xf32, #tpu.memory_space<vmem>>, vector<384x1xf32>,
    %get3A_108 = arith.constant 0 : index
    %get3A_109 = arith.constant 0 : index
    %get3A_110 = vector.load %arg3[%get3A_108, %get3A_109] : memref<384x1024xf32, #tpu.memory_space<vmem>>, vector<384x1024xf32>
    %get3A_111 = arith.constant 0 : index
    %get3A_112 = arith.constant 0 : index
    %get3A_113 = vector.load %arg11[%get3A_111, %get3A_112] : memref<1024x1024xf32, #tpu.memory_space<vmem>>, vector<1024x1024xf32>
    %get3A_114 = arith.constant 0 : index
    %get3A_115 = arith.constant 0 : index
    %get3A_116 = vector.load %arg7[%get3A_114, %get3A_115] : memref<384x1024xf32, #tpu.memory_space<vmem>>, vector<384x1024xf32>
    %dot_general3A_117 = arith.constant dense<0.000000e+00> : vector<384x1024xf32>
    %dot_general3A_118 = tpu.matmul %get3A_116, %get3A_113, %dot_general3A_117 {dimension_numbers = #tpu.dot_dimension_numbers<[1], [0], [0], [1], [0, 0, 1, 1], [], []>, transpose_lhs_hint = false} : vector<384x1024xf32>, vector<1024x1024xf32>, vector<384x1024xf32> -> vector<384x1024xf32>
    %reduce_sum3A_119 = arith.constant dense<0.000000e+00> : vector<1024xf32>
    %reduce_sum3A_120 = vector.multi_reduction <add>, %get3A_113, %reduce_sum3A_119 [0] : vector<1024x1024xf32> to vector<1024xf32>
    %broadcast_in_dim3A_121 = vector.shape_cast %reduce_sum3A_120 : vector<1024xf32> to vector<1x1024xf32>
    %mul3A_122 = vector.broadcast %broadcast_in_dim3A_121 : vector<1x1024xf32> to vector<384x1024xf32>
    %mul3A_123 = arith.mulf %get3A_110, %mul3A_122 : vector<384x1024xf32>
    %reduce_sum3A_124 = arith.constant dense<0.000000e+00> : vector<384xf32>
    %reduce_sum3A_125 = vector.multi_reduction <add>, %mul3A_123, %reduce_sum3A_124 [1] : vector<384x1024xf32> to vector<384xf32>
    %broadcast_in_dim3A_126 = vector.shape_cast %reduce_sum3A_125 : vector<384xf32> to vector<384x1xf32>
    %swap3A_127 = arith.constant 0 : index
    %swap3A_128 = arith.constant 0 : index
    %swap3A_129 = vector.load %arg15[%swap3A_127, %swap3A_128] : memref<384x1xf32, #tpu.memory_space<vmem>>, vector<384x1xf32>
    tpu.vector_store %arg15[%swap3A_127, %swap3A_128], %broadcast_in_dim3A_126 {strides = array<i32>} : memref<384x1xf32, #tpu.memory_space<vmem>>, vector<384x1xf32>,
    %mul3A_130 = arith.mulf %get3A_110, %get3A_110 : vector<384x1024xf32>
    %mul3A_131 = vector.broadcast %broadcast_in_dim3A_121 : vector<1x1024xf32> to vector<384x1024xf32>
    %mul3A_132 = arith.mulf %mul3A_130, %mul3A_131 : vector<384x1024xf32>
    %reduce_sum3A_133 = arith.constant dense<0.000000e+00> : vector<384xf32>
    %reduce_sum3A_134 = vector.multi_reduction <add>, %mul3A_132, %reduce_sum3A_133 [1] : vector<384x1024xf32> to vector<384xf32>
    %broadcast_in_dim3A_135 = vector.shape_cast %reduce_sum3A_134 : vector<384xf32> to vector<384x1xf32>
    %swap3A_136 = arith.constant 0 : index
    %swap3A_137 = arith.constant 0 : index
    %swap3A_138 = vector.load %arg19[%swap3A_136, %swap3A_137] : memref<384x1xf32, #tpu.memory_space<vmem>>, vector<384x1xf32>
    tpu.vector_store %arg19[%swap3A_136, %swap3A_137], %broadcast_in_dim3A_135 {strides = array<i32>} : memref<384x1xf32, #tpu.memory_space<vmem>>, vector<384x1xf32>,
    %mul3A_139 = arith.mulf %get3A_110, %dot_general3A_118 : vector<384x1024xf32>
    %reduce_sum3A_140 = arith.constant dense<0.000000e+00> : vector<384xf32>
    %reduce_sum3A_141 = vector.multi_reduction <add>, %mul3A_139, %reduce_sum3A_140 [1] : vector<384x1024xf32> to vector<384xf32>
    %broadcast_in_dim3A_142 = vector.shape_cast %reduce_sum3A_141 : vector<384xf32> to vector<384x1xf32>
    %swap3A_143 = arith.constant 0 : index
    %swap3A_144 = arith.constant 0 : index
    %swap3A_145 = vector.load %arg23[%swap3A_143, %swap3A_144] : memref<384x1xf32, #tpu.memory_space<vmem>>, vector<384x1xf32>
    tpu.vector_store %arg23[%swap3A_143, %swap3A_144], %broadcast_in_dim3A_142 {strides = array<i32>} : memref<384x1xf32, #tpu.memory_space<vmem>>, vector<384x1xf32>,
    return
  }
}

module attributes {stable_mosaic.version = 14 : i64} {
  func.func @_tc2_body(%arg0: memref<384x1024xf32, #tpu.memory_space<vmem>>, %arg1: memref<384x1024xf32, #tpu.memory_space<vmem>>, %arg2: memref<384x1024xf32, #tpu.memory_space<vmem>>, %arg3: memref<384x1024xf32, #tpu.memory_space<vmem>>, %arg4: memref<384x1024xf32, #tpu.memory_space<vmem>>, %arg5: memref<384x1024xf32, #tpu.memory_space<vmem>>, %arg6: memref<384x1024xf32, #tpu.memory_space<vmem>>, %arg7: memref<384x1024xf32, #tpu.memory_space<vmem>>, %arg8: memref<384x1xf32, #tpu.memory_space<vmem>>, %arg9: memref<384x1xf32, #tpu.memory_space<vmem>>, %arg10: memref<384x1xf32, #tpu.memory_space<vmem>>, %arg11: memref<384x1xf32, #tpu.memory_space<vmem>>, %arg12: memref<384x1xf32, #tpu.memory_space<vmem>>, %arg13: memref<384x1xf32, #tpu.memory_space<vmem>>, %arg14: memref<384x1xf32, #tpu.memory_space<vmem>>, %arg15: memref<384x1xf32, #tpu.memory_space<vmem>>, %arg16: memref<384x1xf32, #tpu.memory_space<vmem>>, %arg17: memref<384x1xf32, #tpu.memory_space<vmem>>, %arg18: memref<384x1xf32, #tpu.memory_space<vmem>>, %arg19: memref<384x1xf32, #tpu.memory_space<vmem>>, %arg20: memref<384x384xf32, #tpu.memory_space<vmem>>, %arg21: memref<384x1xf32, #tpu.memory_space<vmem>>, %arg22: memref<384x1xf32, #tpu.memory_space<vmem>>, %arg23: memref<384x1xf32, #tpu.memory_space<vmem>>, %arg24: memref<384x1xf32, #tpu.memory_space<vmem>>, %arg25: memref<4x384x1xf32, #tpu.memory_space<vmem>>) attributes {dimension_semantics = [], scalar_prefetch = 0 : i64, scratch_operands = 0 : i64, tpu.core_type = #tpu.core_type<tc>} {
    %broadcast_in_dim3A = arith.constant 0.000000e+00 : f32
    %broadcast_in_dim3A_0 = vector.broadcast %broadcast_in_dim3A : f32 to vector<384x1xf32>
    %broadcast_in_dim3A_1 = arith.constant 0.000000e+00 : f32
    %broadcast_in_dim3A_2 = vector.broadcast %broadcast_in_dim3A_1 : f32 to vector<384x1xf32>
    %get3A = arith.constant 0 : index
    %get3A_3 = arith.constant 0 : index
    %get3A_4 = vector.load %arg4[%get3A, %get3A_3] : memref<384x1024xf32, #tpu.memory_space<vmem>>, vector<384x1024xf32>
    %get3A_5 = arith.constant 0 : index
    %get3A_6 = arith.constant 0 : index
    %get3A_7 = vector.load %arg8[%get3A_5, %get3A_6] : memref<384x1xf32, #tpu.memory_space<vmem>>, vector<384x1xf32>
    %add3A = arith.addf %broadcast_in_dim3A_0, %get3A_7 : vector<384x1xf32>
    %reduce_sum3A = arith.constant dense<0.000000e+00> : vector<384xf32>
    %reduce_sum3A_8 = vector.multi_reduction <add>, %get3A_4, %reduce_sum3A [1] : vector<384x1024xf32> to vector<384xf32>
    %broadcast_in_dim3A_9 = vector.shape_cast %reduce_sum3A_8 : vector<384xf32> to vector<384x1xf32>
    %mul3A = arith.constant 2.000000e+01 : f32
    %mul3A_10 = vector.broadcast %mul3A : f32 to vector<384x1xf32>
    %mul3A_11 = arith.mulf %mul3A_10, %broadcast_in_dim3A_9 : vector<384x1xf32>
    %add3A_12 = arith.addf %add3A, %mul3A_11 : vector<384x1xf32>
    %get3A_13 = arith.constant 0 : index
    %get3A_14 = arith.constant 0 : index
    %get3A_15 = vector.load %arg12[%get3A_13, %get3A_14] : memref<384x1xf32, #tpu.memory_space<vmem>>, vector<384x1xf32>
    %get3A_16 = arith.constant 0 : index
    %get3A_17 = arith.constant 0 : index
    %get3A_18 = vector.load %arg16[%get3A_16, %get3A_17] : memref<384x1xf32, #tpu.memory_space<vmem>>, vector<384x1xf32>
    %mul3A_19 = arith.constant 2.000000e+00 : f32
    %mul3A_20 = vector.broadcast %mul3A_19 : f32 to vector<384x1xf32>
    %mul3A_21 = arith.mulf %mul3A_20, %get3A_18 : vector<384x1xf32>
    %add3A_22 = arith.addf %get3A_15, %mul3A_21 : vector<384x1xf32>
    %mul3A_23 = arith.mulf %get3A_4, %get3A_4 : vector<384x1024xf32>
    %reduce_sum3A_24 = arith.constant dense<0.000000e+00> : vector<384xf32>
    %reduce_sum3A_25 = vector.multi_reduction <add>, %mul3A_23, %reduce_sum3A_24 [1] : vector<384x1024xf32> to vector<384xf32>
    %broadcast_in_dim3A_26 = vector.shape_cast %reduce_sum3A_25 : vector<384xf32> to vector<384x1xf32>
    %mul3A_27 = arith.constant 2.000000e+01 : f32
    %mul3A_28 = vector.broadcast %mul3A_27 : f32 to vector<384x1xf32>
    %mul3A_29 = arith.mulf %mul3A_28, %broadcast_in_dim3A_26 : vector<384x1xf32>
    %add3A_30 = arith.addf %add3A_22, %mul3A_29 : vector<384x1xf32>
    %add3A_31 = arith.addf %broadcast_in_dim3A_2, %add3A_30 : vector<384x1xf32>
    %get3A_32 = arith.constant 0 : index
    %get3A_33 = arith.constant 0 : index
    %get3A_34 = vector.load %arg5[%get3A_32, %get3A_33] : memref<384x1024xf32, #tpu.memory_space<vmem>>, vector<384x1024xf32>
    %get3A_35 = arith.constant 0 : index
    %get3A_36 = arith.constant 0 : index
    %get3A_37 = vector.load %arg9[%get3A_35, %get3A_36] : memref<384x1xf32, #tpu.memory_space<vmem>>, vector<384x1xf32>
    %add3A_38 = arith.addf %add3A_12, %get3A_37 : vector<384x1xf32>
    %reduce_sum3A_39 = arith.constant dense<0.000000e+00> : vector<384xf32>
    %reduce_sum3A_40 = vector.multi_reduction <add>, %get3A_34, %reduce_sum3A_39 [1] : vector<384x1024xf32> to vector<384xf32>
    %broadcast_in_dim3A_41 = vector.shape_cast %reduce_sum3A_40 : vector<384xf32> to vector<384x1xf32>
    %mul3A_42 = arith.constant 2.000000e+01 : f32
    %mul3A_43 = vector.broadcast %mul3A_42 : f32 to vector<384x1xf32>
    %mul3A_44 = arith.mulf %mul3A_43, %broadcast_in_dim3A_41 : vector<384x1xf32>
    %add3A_45 = arith.addf %add3A_38, %mul3A_44 : vector<384x1xf32>
    %get3A_46 = arith.constant 0 : index
    %get3A_47 = arith.constant 0 : index
    %get3A_48 = vector.load %arg13[%get3A_46, %get3A_47] : memref<384x1xf32, #tpu.memory_space<vmem>>, vector<384x1xf32>
    %get3A_49 = arith.constant 0 : index
    %get3A_50 = arith.constant 0 : index
    %get3A_51 = vector.load %arg17[%get3A_49, %get3A_50] : memref<384x1xf32, #tpu.memory_space<vmem>>, vector<384x1xf32>
    %mul3A_52 = arith.constant 2.000000e+00 : f32
    %mul3A_53 = vector.broadcast %mul3A_52 : f32 to vector<384x1xf32>
    %mul3A_54 = arith.mulf %mul3A_53, %get3A_51 : vector<384x1xf32>
    %add3A_55 = arith.addf %get3A_48, %mul3A_54 : vector<384x1xf32>
    %mul3A_56 = arith.mulf %get3A_34, %get3A_34 : vector<384x1024xf32>
    %reduce_sum3A_57 = arith.constant dense<0.000000e+00> : vector<384xf32>
    %reduce_sum3A_58 = vector.multi_reduction <add>, %mul3A_56, %reduce_sum3A_57 [1] : vector<384x1024xf32> to vector<384xf32>
    %broadcast_in_dim3A_59 = vector.shape_cast %reduce_sum3A_58 : vector<384xf32> to vector<384x1xf32>
    %mul3A_60 = arith.constant 2.000000e+01 : f32
    %mul3A_61 = vector.broadcast %mul3A_60 : f32 to vector<384x1xf32>
    %mul3A_62 = arith.mulf %mul3A_61, %broadcast_in_dim3A_59 : vector<384x1xf32>
    %add3A_63 = arith.addf %add3A_55, %mul3A_62 : vector<384x1xf32>
    %add3A_64 = arith.addf %add3A_31, %add3A_63 : vector<384x1xf32>
    %get3A_65 = arith.constant 0 : index
    %get3A_66 = arith.constant 0 : index
    %get3A_67 = vector.load %arg6[%get3A_65, %get3A_66] : memref<384x1024xf32, #tpu.memory_space<vmem>>, vector<384x1024xf32>
    %get3A_68 = arith.constant 0 : index
    %get3A_69 = arith.constant 0 : index
    %get3A_70 = vector.load %arg10[%get3A_68, %get3A_69] : memref<384x1xf32, #tpu.memory_space<vmem>>, vector<384x1xf32>
    %add3A_71 = arith.addf %add3A_45, %get3A_70 : vector<384x1xf32>
    %reduce_sum3A_72 = arith.constant dense<0.000000e+00> : vector<384xf32>
    %reduce_sum3A_73 = vector.multi_reduction <add>, %get3A_67, %reduce_sum3A_72 [1] : vector<384x1024xf32> to vector<384xf32>
    %broadcast_in_dim3A_74 = vector.shape_cast %reduce_sum3A_73 : vector<384xf32> to vector<384x1xf32>
    %mul3A_75 = arith.constant 2.000000e+01 : f32
    %mul3A_76 = vector.broadcast %mul3A_75 : f32 to vector<384x1xf32>
    %mul3A_77 = arith.mulf %mul3A_76, %broadcast_in_dim3A_74 : vector<384x1xf32>
    %add3A_78 = arith.addf %add3A_71, %mul3A_77 : vector<384x1xf32>
    %get3A_79 = arith.constant 0 : index
    %get3A_80 = arith.constant 0 : index
    %get3A_81 = vector.load %arg14[%get3A_79, %get3A_80] : memref<384x1xf32, #tpu.memory_space<vmem>>, vector<384x1xf32>
    %get3A_82 = arith.constant 0 : index
    %get3A_83 = arith.constant 0 : index
    %get3A_84 = vector.load %arg18[%get3A_82, %get3A_83] : memref<384x1xf32, #tpu.memory_space<vmem>>, vector<384x1xf32>
    %mul3A_85 = arith.constant 2.000000e+00 : f32
    %mul3A_86 = vector.broadcast %mul3A_85 : f32 to vector<384x1xf32>
    %mul3A_87 = arith.mulf %mul3A_86, %get3A_84 : vector<384x1xf32>
    %add3A_88 = arith.addf %get3A_81, %mul3A_87 : vector<384x1xf32>
    %mul3A_89 = arith.mulf %get3A_67, %get3A_67 : vector<384x1024xf32>
    %reduce_sum3A_90 = arith.constant dense<0.000000e+00> : vector<384xf32>
    %reduce_sum3A_91 = vector.multi_reduction <add>, %mul3A_89, %reduce_sum3A_90 [1] : vector<384x1024xf32> to vector<384xf32>
    %broadcast_in_dim3A_92 = vector.shape_cast %reduce_sum3A_91 : vector<384xf32> to vector<384x1xf32>
    %mul3A_93 = arith.constant 2.000000e+01 : f32
    %mul3A_94 = vector.broadcast %mul3A_93 : f32 to vector<384x1xf32>
    %mul3A_95 = arith.mulf %mul3A_94, %broadcast_in_dim3A_92 : vector<384x1xf32>
    %add3A_96 = arith.addf %add3A_88, %mul3A_95 : vector<384x1xf32>
    %add3A_97 = arith.addf %add3A_64, %add3A_96 : vector<384x1xf32>
    %get3A_98 = arith.constant 0 : index
    %get3A_99 = arith.constant 0 : index
    %get3A_100 = vector.load %arg7[%get3A_98, %get3A_99] : memref<384x1024xf32, #tpu.memory_space<vmem>>, vector<384x1024xf32>
    %get3A_101 = arith.constant 0 : index
    %get3A_102 = arith.constant 0 : index
    %get3A_103 = vector.load %arg11[%get3A_101, %get3A_102] : memref<384x1xf32, #tpu.memory_space<vmem>>, vector<384x1xf32>
    %add3A_104 = arith.addf %add3A_78, %get3A_103 : vector<384x1xf32>
    %reduce_sum3A_105 = arith.constant dense<0.000000e+00> : vector<384xf32>
    %reduce_sum3A_106 = vector.multi_reduction <add>, %get3A_100, %reduce_sum3A_105 [1] : vector<384x1024xf32> to vector<384xf32>
    %broadcast_in_dim3A_107 = vector.shape_cast %reduce_sum3A_106 : vector<384xf32> to vector<384x1xf32>
    %mul3A_108 = arith.constant 2.000000e+01 : f32
    %mul3A_109 = vector.broadcast %mul3A_108 : f32 to vector<384x1xf32>
    %mul3A_110 = arith.mulf %mul3A_109, %broadcast_in_dim3A_107 : vector<384x1xf32>
    %add3A_111 = arith.addf %add3A_104, %mul3A_110 : vector<384x1xf32>
    %get3A_112 = arith.constant 0 : index
    %get3A_113 = arith.constant 0 : index
    %get3A_114 = vector.load %arg15[%get3A_112, %get3A_113] : memref<384x1xf32, #tpu.memory_space<vmem>>, vector<384x1xf32>
    %get3A_115 = arith.constant 0 : index
    %get3A_116 = arith.constant 0 : index
    %get3A_117 = vector.load %arg19[%get3A_115, %get3A_116] : memref<384x1xf32, #tpu.memory_space<vmem>>, vector<384x1xf32>
    %mul3A_118 = arith.constant 2.000000e+00 : f32
    %mul3A_119 = vector.broadcast %mul3A_118 : f32 to vector<384x1xf32>
    %mul3A_120 = arith.mulf %mul3A_119, %get3A_117 : vector<384x1xf32>
    %add3A_121 = arith.addf %get3A_114, %mul3A_120 : vector<384x1xf32>
    %mul3A_122 = arith.mulf %get3A_100, %get3A_100 : vector<384x1024xf32>
    %reduce_sum3A_123 = arith.constant dense<0.000000e+00> : vector<384xf32>
    %reduce_sum3A_124 = vector.multi_reduction <add>, %mul3A_122, %reduce_sum3A_123 [1] : vector<384x1024xf32> to vector<384xf32>
    %broadcast_in_dim3A_125 = vector.shape_cast %reduce_sum3A_124 : vector<384xf32> to vector<384x1xf32>
    %mul3A_126 = arith.constant 2.000000e+01 : f32
    %mul3A_127 = vector.broadcast %mul3A_126 : f32 to vector<384x1xf32>
    %mul3A_128 = arith.mulf %mul3A_127, %broadcast_in_dim3A_125 : vector<384x1xf32>
    %add3A_129 = arith.addf %add3A_121, %mul3A_128 : vector<384x1xf32>
    %add3A_130 = arith.addf %add3A_97, %add3A_129 : vector<384x1xf32>
    %div3A = arith.constant 8.192000e+04 : f32
    %div3A_131 = vector.broadcast %div3A : f32 to vector<384x1xf32>
    %div3A_132 = arith.divf %add3A_111, %div3A_131 : vector<384x1xf32>
    %div3A_133 = arith.constant 8.192000e+04 : f32
    %div3A_134 = vector.broadcast %div3A_133 : f32 to vector<384x1xf32>
    %div3A_135 = arith.divf %add3A_130, %div3A_134 : vector<384x1xf32>
    %mul3A_136 = arith.mulf %div3A_132, %div3A_132 : vector<384x1xf32>
    %sub3A = arith.subf %div3A_135, %mul3A_136 : vector<384x1xf32>
    %get3A_137 = arith.constant 0 : index
    %get3A_138 = arith.constant 0 : index
    %get3A_139 = vector.load %arg21[%get3A_137, %get3A_138] : memref<384x1xf32, #tpu.memory_space<vmem>>, vector<384x1xf32>
    %add3A_140 = arith.constant 9.99999974E-6 : f32
    %add3A_141 = vector.broadcast %add3A_140 : f32 to vector<384x1xf32>
    %add3A_142 = arith.addf %sub3A, %add3A_141 : vector<384x1xf32>
    %rsqrt3A = math.rsqrt %add3A_142 : vector<384x1xf32>
    %mul3A_143 = arith.mulf %get3A_139, %rsqrt3A : vector<384x1xf32>
    %get3A_144 = arith.constant 0 : index
    %get3A_145 = arith.constant 0 : index
    %get3A_146 = vector.load %arg22[%get3A_144, %get3A_145] : memref<384x1xf32, #tpu.memory_space<vmem>>, vector<384x1xf32>
    %mul3A_147 = arith.mulf %div3A_132, %mul3A_143 : vector<384x1xf32>
    %sub3A_148 = arith.subf %get3A_146, %mul3A_147 : vector<384x1xf32>
    %broadcast_in_dim3A_149 = arith.constant 0.000000e+00 : f32
    %broadcast_in_dim3A_150 = vector.broadcast %broadcast_in_dim3A_149 : f32 to vector<384x1xf32>
    %broadcast_in_dim3A_151 = arith.constant 0.000000e+00 : f32
    %broadcast_in_dim3A_152 = vector.broadcast %broadcast_in_dim3A_151 : f32 to vector<384x1xf32>
    %get3A_153 = arith.constant 0 : index
    %get3A_154 = arith.constant 0 : index
    %get3A_155 = vector.load %arg0[%get3A_153, %get3A_154] : memref<384x1024xf32, #tpu.memory_space<vmem>>, vector<384x1024xf32>
    %get3A_156 = arith.constant 0 : index
    %get3A_157 = arith.constant 0 : index
    %get3A_158 = vector.load %arg4[%get3A_156, %get3A_157] : memref<384x1024xf32, #tpu.memory_space<vmem>>, vector<384x1024xf32>
    %add3A_159 = arith.addf %get3A_155, %get3A_158 : vector<384x1024xf32>
    %mul3A_160 = vector.broadcast %mul3A_143 : vector<384x1xf32> to vector<384x1024xf32>
    %mul3A_161 = arith.mulf %add3A_159, %mul3A_160 : vector<384x1024xf32>
    %add3A_162 = vector.broadcast %sub3A_148 : vector<384x1xf32> to vector<384x1024xf32>
    %add3A_163 = arith.addf %mul3A_161, %add3A_162 : vector<384x1024xf32>
    %ge3A = arith.constant 0.000000e+00 : f32
    %ge3A_164 = vector.broadcast %ge3A : f32 to vector<384x1024xf32>
    %ge3A_165 = arith.cmpf oge, %add3A_163, %ge3A_164 : vector<384x1024xf32>
    %mul3A_166 = arith.constant 2.000000e-01 : f32
    %mul3A_167 = vector.broadcast %mul3A_166 : f32 to vector<384x1024xf32>
    %mul3A_168 = arith.mulf %mul3A_167, %add3A_163 : vector<384x1024xf32>
    %select_n3A = arith.select %ge3A_165, %add3A_163, %mul3A_168 : vector<384x1024xi1>, vector<384x1024xf32>
    %get3A_169 = arith.constant 0 : index
    %get3A_170 = arith.constant 0 : index
    %get3A_171 = vector.load %arg20[%get3A_169, %get3A_170] : memref<384x384xf32, #tpu.memory_space<vmem>>, vector<384x384xf32>
    %dot_general3A = arith.constant dense<0.000000e+00> : vector<384x1024xf32>
    %dot_general3A_172 = tpu.matmul %get3A_171, %select_n3A, %dot_general3A {dimension_numbers = #tpu.dot_dimension_numbers<[1], [0], [0], [1], [0, 0, 1, 1], [], []>, transpose_lhs_hint = false} : vector<384x384xf32>, vector<384x1024xf32>, vector<384x1024xf32> -> vector<384x1024xf32>
    %reduce_sum3A_173 = arith.constant dense<0.000000e+00> : vector<384xf32>
    %reduce_sum3A_174 = vector.multi_reduction <add>, %dot_general3A_172, %reduce_sum3A_173 [1] : vector<384x1024xf32> to vector<384xf32>
    %broadcast_in_dim3A_175 = vector.shape_cast %reduce_sum3A_174 : vector<384xf32> to vector<384x1xf32>
    %add3A_176 = arith.addf %broadcast_in_dim3A_150, %broadcast_in_dim3A_175 : vector<384x1xf32>
    %mul3A_177 = arith.mulf %dot_general3A_172, %dot_general3A_172 : vector<384x1024xf32>
    %reduce_sum3A_178 = arith.constant dense<0.000000e+00> : vector<384xf32>
    %reduce_sum3A_179 = vector.multi_reduction <add>, %mul3A_177, %reduce_sum3A_178 [1] : vector<384x1024xf32> to vector<384xf32>
    %broadcast_in_dim3A_180 = vector.shape_cast %reduce_sum3A_179 : vector<384xf32> to vector<384x1xf32>
    %add3A_181 = arith.addf %broadcast_in_dim3A_152, %broadcast_in_dim3A_180 : vector<384x1xf32>
    %reduce_max3A = arith.constant dense<0xFF800000> : vector<384xf32>
    %reduce_max3A_182 = vector.multi_reduction <maximumf>, %dot_general3A_172, %reduce_max3A [1] : vector<384x1024xf32> to vector<384xf32>
    %broadcast_in_dim3A_183 = vector.shape_cast %reduce_max3A_182 : vector<384xf32> to vector<384x1xf32>
    %get3A_184 = arith.constant 0 : index
    %get3A_185 = arith.constant 0 : index
    %get3A_186 = vector.load %arg1[%get3A_184, %get3A_185] : memref<384x1024xf32, #tpu.memory_space<vmem>>, vector<384x1024xf32>
    %get3A_187 = arith.constant 0 : index
    %get3A_188 = arith.constant 0 : index
    %get3A_189 = vector.load %arg5[%get3A_187, %get3A_188] : memref<384x1024xf32, #tpu.memory_space<vmem>>, vector<384x1024xf32>
    %add3A_190 = arith.addf %get3A_186, %get3A_189 : vector<384x1024xf32>
    %mul3A_191 = vector.broadcast %mul3A_143 : vector<384x1xf32> to vector<384x1024xf32>
    %mul3A_192 = arith.mulf %add3A_190, %mul3A_191 : vector<384x1024xf32>
    %add3A_193 = vector.broadcast %sub3A_148 : vector<384x1xf32> to vector<384x1024xf32>
    %add3A_194 = arith.addf %mul3A_192, %add3A_193 : vector<384x1024xf32>
    %ge3A_195 = arith.constant 0.000000e+00 : f32
    %ge3A_196 = vector.broadcast %ge3A_195 : f32 to vector<384x1024xf32>
    %ge3A_197 = arith.cmpf oge, %add3A_194, %ge3A_196 : vector<384x1024xf32>
    %mul3A_198 = arith.constant 2.000000e-01 : f32
    %mul3A_199 = vector.broadcast %mul3A_198 : f32 to vector<384x1024xf32>
    %mul3A_200 = arith.mulf %mul3A_199, %add3A_194 : vector<384x1024xf32>
    %select_n3A_201 = arith.select %ge3A_197, %add3A_194, %mul3A_200 : vector<384x1024xi1>, vector<384x1024xf32>
    %get3A_202 = arith.constant 0 : index
    %get3A_203 = arith.constant 0 : index
    %get3A_204 = vector.load %arg20[%get3A_202, %get3A_203] : memref<384x384xf32, #tpu.memory_space<vmem>>, vector<384x384xf32>
    %dot_general3A_205 = arith.constant dense<0.000000e+00> : vector<384x1024xf32>
    %dot_general3A_206 = tpu.matmul %get3A_204, %select_n3A_201, %dot_general3A_205 {dimension_numbers = #tpu.dot_dimension_numbers<[1], [0], [0], [1], [0, 0, 1, 1], [], []>, transpose_lhs_hint = false} : vector<384x384xf32>, vector<384x1024xf32>, vector<384x1024xf32> -> vector<384x1024xf32>
    %reduce_sum3A_207 = arith.constant dense<0.000000e+00> : vector<384xf32>
    %reduce_sum3A_208 = vector.multi_reduction <add>, %dot_general3A_206, %reduce_sum3A_207 [1] : vector<384x1024xf32> to vector<384xf32>
    %broadcast_in_dim3A_209 = vector.shape_cast %reduce_sum3A_208 : vector<384xf32> to vector<384x1xf32>
    %add3A_210 = arith.addf %add3A_176, %broadcast_in_dim3A_209 : vector<384x1xf32>
    %mul3A_211 = arith.mulf %dot_general3A_206, %dot_general3A_206 : vector<384x1024xf32>
    %reduce_sum3A_212 = arith.constant dense<0.000000e+00> : vector<384xf32>
    %reduce_sum3A_213 = vector.multi_reduction <add>, %mul3A_211, %reduce_sum3A_212 [1] : vector<384x1024xf32> to vector<384xf32>
    %broadcast_in_dim3A_214 = vector.shape_cast %reduce_sum3A_213 : vector<384xf32> to vector<384x1xf32>
    %add3A_215 = arith.addf %add3A_181, %broadcast_in_dim3A_214 : vector<384x1xf32>
    %reduce_max3A_216 = arith.constant dense<0xFF800000> : vector<384xf32>
    %reduce_max3A_217 = vector.multi_reduction <maximumf>, %dot_general3A_206, %reduce_max3A_216 [1] : vector<384x1024xf32> to vector<384xf32>
    %broadcast_in_dim3A_218 = vector.shape_cast %reduce_max3A_217 : vector<384xf32> to vector<384x1xf32>
    %get3A_219 = arith.constant 0 : index
    %get3A_220 = arith.constant 0 : index
    %get3A_221 = vector.load %arg2[%get3A_219, %get3A_220] : memref<384x1024xf32, #tpu.memory_space<vmem>>, vector<384x1024xf32>
    %get3A_222 = arith.constant 0 : index
    %get3A_223 = arith.constant 0 : index
    %get3A_224 = vector.load %arg6[%get3A_222, %get3A_223] : memref<384x1024xf32, #tpu.memory_space<vmem>>, vector<384x1024xf32>
    %add3A_225 = arith.addf %get3A_221, %get3A_224 : vector<384x1024xf32>
    %mul3A_226 = vector.broadcast %mul3A_143 : vector<384x1xf32> to vector<384x1024xf32>
    %mul3A_227 = arith.mulf %add3A_225, %mul3A_226 : vector<384x1024xf32>
    %add3A_228 = vector.broadcast %sub3A_148 : vector<384x1xf32> to vector<384x1024xf32>
    %add3A_229 = arith.addf %mul3A_227, %add3A_228 : vector<384x1024xf32>
    %ge3A_230 = arith.constant 0.000000e+00 : f32
    %ge3A_231 = vector.broadcast %ge3A_230 : f32 to vector<384x1024xf32>
    %ge3A_232 = arith.cmpf oge, %add3A_229, %ge3A_231 : vector<384x1024xf32>
    %mul3A_233 = arith.constant 2.000000e-01 : f32
    %mul3A_234 = vector.broadcast %mul3A_233 : f32 to vector<384x1024xf32>
    %mul3A_235 = arith.mulf %mul3A_234, %add3A_229 : vector<384x1024xf32>
    %select_n3A_236 = arith.select %ge3A_232, %add3A_229, %mul3A_235 : vector<384x1024xi1>, vector<384x1024xf32>
    %get3A_237 = arith.constant 0 : index
    %get3A_238 = arith.constant 0 : index
    %get3A_239 = vector.load %arg20[%get3A_237, %get3A_238] : memref<384x384xf32, #tpu.memory_space<vmem>>, vector<384x384xf32>
    %dot_general3A_240 = arith.constant dense<0.000000e+00> : vector<384x1024xf32>
    %dot_general3A_241 = tpu.matmul %get3A_239, %select_n3A_236, %dot_general3A_240 {dimension_numbers = #tpu.dot_dimension_numbers<[1], [0], [0], [1], [0, 0, 1, 1], [], []>, transpose_lhs_hint = false} : vector<384x384xf32>, vector<384x1024xf32>, vector<384x1024xf32> -> vector<384x1024xf32>
    %reduce_sum3A_242 = arith.constant dense<0.000000e+00> : vector<384xf32>
    %reduce_sum3A_243 = vector.multi_reduction <add>, %dot_general3A_241, %reduce_sum3A_242 [1] : vector<384x1024xf32> to vector<384xf32>
    %broadcast_in_dim3A_244 = vector.shape_cast %reduce_sum3A_243 : vector<384xf32> to vector<384x1xf32>
    %add3A_245 = arith.addf %add3A_210, %broadcast_in_dim3A_244 : vector<384x1xf32>
    %mul3A_246 = arith.mulf %dot_general3A_241, %dot_general3A_241 : vector<384x1024xf32>
    %reduce_sum3A_247 = arith.constant dense<0.000000e+00> : vector<384xf32>
    %reduce_sum3A_248 = vector.multi_reduction <add>, %mul3A_246, %reduce_sum3A_247 [1] : vector<384x1024xf32> to vector<384xf32>
    %broadcast_in_dim3A_249 = vector.shape_cast %reduce_sum3A_248 : vector<384xf32> to vector<384x1xf32>
    %add3A_250 = arith.addf %add3A_215, %broadcast_in_dim3A_249 : vector<384x1xf32>
    %reduce_max3A_251 = arith.constant dense<0xFF800000> : vector<384xf32>
    %reduce_max3A_252 = vector.multi_reduction <maximumf>, %dot_general3A_241, %reduce_max3A_251 [1] : vector<384x1024xf32> to vector<384xf32>
    %broadcast_in_dim3A_253 = vector.shape_cast %reduce_max3A_252 : vector<384xf32> to vector<384x1xf32>
    %get3A_254 = arith.constant 0 : index
    %get3A_255 = arith.constant 0 : index
    %get3A_256 = vector.load %arg3[%get3A_254, %get3A_255] : memref<384x1024xf32, #tpu.memory_space<vmem>>, vector<384x1024xf32>
    %get3A_257 = arith.constant 0 : index
    %get3A_258 = arith.constant 0 : index
    %get3A_259 = vector.load %arg7[%get3A_257, %get3A_258] : memref<384x1024xf32, #tpu.memory_space<vmem>>, vector<384x1024xf32>
    %add3A_260 = arith.addf %get3A_256, %get3A_259 : vector<384x1024xf32>
    %mul3A_261 = vector.broadcast %mul3A_143 : vector<384x1xf32> to vector<384x1024xf32>
    %mul3A_262 = arith.mulf %add3A_260, %mul3A_261 : vector<384x1024xf32>
    %add3A_263 = vector.broadcast %sub3A_148 : vector<384x1xf32> to vector<384x1024xf32>
    %add3A_264 = arith.addf %mul3A_262, %add3A_263 : vector<384x1024xf32>
    %ge3A_265 = arith.constant 0.000000e+00 : f32
    %ge3A_266 = vector.broadcast %ge3A_265 : f32 to vector<384x1024xf32>
    %ge3A_267 = arith.cmpf oge, %add3A_264, %ge3A_266 : vector<384x1024xf32>
    %mul3A_268 = arith.constant 2.000000e-01 : f32
    %mul3A_269 = vector.broadcast %mul3A_268 : f32 to vector<384x1024xf32>
    %mul3A_270 = arith.mulf %mul3A_269, %add3A_264 : vector<384x1024xf32>
    %select_n3A_271 = arith.select %ge3A_267, %add3A_264, %mul3A_270 : vector<384x1024xi1>, vector<384x1024xf32>
    %get3A_272 = arith.constant 0 : index
    %get3A_273 = arith.constant 0 : index
    %get3A_274 = vector.load %arg20[%get3A_272, %get3A_273] : memref<384x384xf32, #tpu.memory_space<vmem>>, vector<384x384xf32>
    %dot_general3A_275 = arith.constant dense<0.000000e+00> : vector<384x1024xf32>
    %dot_general3A_276 = tpu.matmul %get3A_274, %select_n3A_271, %dot_general3A_275 {dimension_numbers = #tpu.dot_dimension_numbers<[1], [0], [0], [1], [0, 0, 1, 1], [], []>, transpose_lhs_hint = false} : vector<384x384xf32>, vector<384x1024xf32>, vector<384x1024xf32> -> vector<384x1024xf32>
    %reduce_sum3A_277 = arith.constant dense<0.000000e+00> : vector<384xf32>
    %reduce_sum3A_278 = vector.multi_reduction <add>, %dot_general3A_276, %reduce_sum3A_277 [1] : vector<384x1024xf32> to vector<384xf32>
    %broadcast_in_dim3A_279 = vector.shape_cast %reduce_sum3A_278 : vector<384xf32> to vector<384x1xf32>
    %add3A_280 = arith.addf %add3A_245, %broadcast_in_dim3A_279 : vector<384x1xf32>
    %mul3A_281 = arith.mulf %dot_general3A_276, %dot_general3A_276 : vector<384x1024xf32>
    %reduce_sum3A_282 = arith.constant dense<0.000000e+00> : vector<384xf32>
    %reduce_sum3A_283 = vector.multi_reduction <add>, %mul3A_281, %reduce_sum3A_282 [1] : vector<384x1024xf32> to vector<384xf32>
    %broadcast_in_dim3A_284 = vector.shape_cast %reduce_sum3A_283 : vector<384xf32> to vector<384x1xf32>
    %add3A_285 = arith.addf %add3A_250, %broadcast_in_dim3A_284 : vector<384x1xf32>
    %reduce_max3A_286 = arith.constant dense<0xFF800000> : vector<384xf32>
    %reduce_max3A_287 = vector.multi_reduction <maximumf>, %dot_general3A_276, %reduce_max3A_286 [1] : vector<384x1024xf32> to vector<384xf32>
    %broadcast_in_dim3A_288 = vector.shape_cast %reduce_max3A_287 : vector<384xf32> to vector<384x1xf32>
    %div3A_289 = arith.constant 4.096000e+03 : f32
    %div3A_290 = vector.broadcast %div3A_289 : f32 to vector<384x1xf32>
    %div3A_291 = arith.divf %add3A_280, %div3A_290 : vector<384x1xf32>
    %div3A_292 = arith.constant 4.096000e+03 : f32
    %div3A_293 = vector.broadcast %div3A_292 : f32 to vector<384x1xf32>
    %div3A_294 = arith.divf %add3A_285, %div3A_293 : vector<384x1xf32>
    %mul3A_295 = arith.mulf %div3A_291, %div3A_291 : vector<384x1xf32>
    %sub3A_296 = arith.subf %div3A_294, %mul3A_295 : vector<384x1xf32>
    %get3A_297 = arith.constant 0 : index
    %get3A_298 = arith.constant 0 : index
    %get3A_299 = vector.load %arg23[%get3A_297, %get3A_298] : memref<384x1xf32, #tpu.memory_space<vmem>>, vector<384x1xf32>
    %add3A_300 = arith.constant 9.99999974E-6 : f32
    %add3A_301 = vector.broadcast %add3A_300 : f32 to vector<384x1xf32>
    %add3A_302 = arith.addf %sub3A_296, %add3A_301 : vector<384x1xf32>
    %rsqrt3A_303 = math.rsqrt %add3A_302 : vector<384x1xf32>
    %mul3A_304 = arith.mulf %get3A_299, %rsqrt3A_303 : vector<384x1xf32>
    %get3A_305 = arith.constant 0 : index
    %get3A_306 = arith.constant 0 : index
    %get3A_307 = vector.load %arg24[%get3A_305, %get3A_306] : memref<384x1xf32, #tpu.memory_space<vmem>>, vector<384x1xf32>
    %mul3A_308 = arith.mulf %div3A_291, %mul3A_304 : vector<384x1xf32>
    %sub3A_309 = arith.subf %get3A_307, %mul3A_308 : vector<384x1xf32>
    %mul3A_310 = arith.mulf %broadcast_in_dim3A_183, %mul3A_304 : vector<384x1xf32>
    %add3A_311 = arith.addf %mul3A_310, %sub3A_309 : vector<384x1xf32>
    %ge3A_312 = arith.constant 0.000000e+00 : f32
    %ge3A_313 = vector.broadcast %ge3A_312 : f32 to vector<384x1xf32>
    %ge3A_314 = arith.cmpf oge, %add3A_311, %ge3A_313 : vector<384x1xf32>
    %mul3A_315 = arith.constant 2.000000e-01 : f32
    %mul3A_316 = vector.broadcast %mul3A_315 : f32 to vector<384x1xf32>
    %mul3A_317 = arith.mulf %mul3A_316, %add3A_311 : vector<384x1xf32>
    %select_n3A_318 = arith.select %ge3A_314, %add3A_311, %mul3A_317 : vector<384x1xi1>, vector<384x1xf32>
    %swap3A = arith.constant 0 : index
    %swap3A_319 = arith.constant 0 : index
    %swap3A_320 = arith.constant 0 : index
    %swap3A_321 = vector.load %arg25[%swap3A, %swap3A_319, %swap3A_320] : memref<4x384x1xf32, #tpu.memory_space<vmem>>, vector<1x384x1xf32>
    %swap3A_322 = vector.shape_cast %swap3A_321 : vector<1x384x1xf32> to vector<384x1xf32>
    %swap3A_323 = vector.shape_cast %select_n3A_318 : vector<384x1xf32> to vector<1x384x1xf32>
    tpu.vector_store %arg25[%swap3A, %swap3A_319, %swap3A_320], %swap3A_323 {strides = array<i32>} : memref<4x384x1xf32, #tpu.memory_space<vmem>>, vector<1x384x1xf32>,
    %mul3A_324 = arith.mulf %broadcast_in_dim3A_218, %mul3A_304 : vector<384x1xf32>
    %add3A_325 = arith.addf %mul3A_324, %sub3A_309 : vector<384x1xf32>
    %ge3A_326 = arith.constant 0.000000e+00 : f32
    %ge3A_327 = vector.broadcast %ge3A_326 : f32 to vector<384x1xf32>
    %ge3A_328 = arith.cmpf oge, %add3A_325, %ge3A_327 : vector<384x1xf32>
    %mul3A_329 = arith.constant 2.000000e-01 : f32
    %mul3A_330 = vector.broadcast %mul3A_329 : f32 to vector<384x1xf32>
    %mul3A_331 = arith.mulf %mul3A_330, %add3A_325 : vector<384x1xf32>
    %select_n3A_332 = arith.select %ge3A_328, %add3A_325, %mul3A_331 : vector<384x1xi1>, vector<384x1xf32>
    %swap3A_333 = arith.constant 1 : index
    %swap3A_334 = arith.constant 0 : index
    %swap3A_335 = arith.constant 0 : index
    %swap3A_336 = vector.load %arg25[%swap3A_333, %swap3A_334, %swap3A_335] : memref<4x384x1xf32, #tpu.memory_space<vmem>>, vector<1x384x1xf32>
    %swap3A_337 = vector.shape_cast %swap3A_336 : vector<1x384x1xf32> to vector<384x1xf32>
    %swap3A_338 = vector.shape_cast %select_n3A_332 : vector<384x1xf32> to vector<1x384x1xf32>
    tpu.vector_store %arg25[%swap3A_333, %swap3A_334, %swap3A_335], %swap3A_338 {strides = array<i32>} : memref<4x384x1xf32, #tpu.memory_space<vmem>>, vector<1x384x1xf32>,
    %mul3A_339 = arith.mulf %broadcast_in_dim3A_253, %mul3A_304 : vector<384x1xf32>
    %add3A_340 = arith.addf %mul3A_339, %sub3A_309 : vector<384x1xf32>
    %ge3A_341 = arith.constant 0.000000e+00 : f32
    %ge3A_342 = vector.broadcast %ge3A_341 : f32 to vector<384x1xf32>
    %ge3A_343 = arith.cmpf oge, %add3A_340, %ge3A_342 : vector<384x1xf32>
    %mul3A_344 = arith.constant 2.000000e-01 : f32
    %mul3A_345 = vector.broadcast %mul3A_344 : f32 to vector<384x1xf32>
    %mul3A_346 = arith.mulf %mul3A_345, %add3A_340 : vector<384x1xf32>
    %select_n3A_347 = arith.select %ge3A_343, %add3A_340, %mul3A_346 : vector<384x1xi1>, vector<384x1xf32>
    %swap3A_348 = arith.constant 2 : index
    %swap3A_349 = arith.constant 0 : index
    %swap3A_350 = arith.constant 0 : index
    %swap3A_351 = vector.load %arg25[%swap3A_348, %swap3A_349, %swap3A_350] : memref<4x384x1xf32, #tpu.memory_space<vmem>>, vector<1x384x1xf32>
    %swap3A_352 = vector.shape_cast %swap3A_351 : vector<1x384x1xf32> to vector<384x1xf32>
    %swap3A_353 = vector.shape_cast %select_n3A_347 : vector<384x1xf32> to vector<1x384x1xf32>
    tpu.vector_store %arg25[%swap3A_348, %swap3A_349, %swap3A_350], %swap3A_353 {strides = array<i32>} : memref<4x384x1xf32, #tpu.memory_space<vmem>>, vector<1x384x1xf32>,
    %mul3A_354 = arith.mulf %broadcast_in_dim3A_288, %mul3A_304 : vector<384x1xf32>
    %add3A_355 = arith.addf %mul3A_354, %sub3A_309 : vector<384x1xf32>
    %ge3A_356 = arith.constant 0.000000e+00 : f32
    %ge3A_357 = vector.broadcast %ge3A_356 : f32 to vector<384x1xf32>
    %ge3A_358 = arith.cmpf oge, %add3A_355, %ge3A_357 : vector<384x1xf32>
    %mul3A_359 = arith.constant 2.000000e-01 : f32
    %mul3A_360 = vector.broadcast %mul3A_359 : f32 to vector<384x1xf32>
    %mul3A_361 = arith.mulf %mul3A_360, %add3A_355 : vector<384x1xf32>
    %select_n3A_362 = arith.select %ge3A_358, %add3A_355, %mul3A_361 : vector<384x1xi1>, vector<384x1xf32>
    %swap3A_363 = arith.constant 3 : index
    %swap3A_364 = arith.constant 0 : index
    %swap3A_365 = arith.constant 0 : index
    %swap3A_366 = vector.load %arg25[%swap3A_363, %swap3A_364, %swap3A_365] : memref<4x384x1xf32, #tpu.memory_space<vmem>>, vector<1x384x1xf32>
    %swap3A_367 = vector.shape_cast %swap3A_366 : vector<1x384x1xf32> to vector<384x1xf32>
    %swap3A_368 = vector.shape_cast %select_n3A_362 : vector<384x1xf32> to vector<1x384x1xf32>
    tpu.vector_store %arg25[%swap3A_363, %swap3A_364, %swap3A_365], %swap3A_368 {strides = array<i32>} : memref<4x384x1xf32, #tpu.memory_space<vmem>>, vector<1x384x1xf32>,
    return
  }
}

</mosaic_0001>

<sc_bundles>
// kernel: kernel.12.cloned.1.call-start
scs
__scs_entry_jumppad:
0x0: {  	(pc) =	sbr.rel $0x88, $3  }
0x1: {  	(tag) =	ssettag $0x0;
	lr =	simm.s32 $0x1  }
0x2: {  	[smem:$0x3F9A] =	sst lr;
	_ =	strace $0xD0000000  }
0x3: {  	_ = 	snop  }
0x4: {  	_ = 	snop  }
0x5: {  	_ = 	snop  }
0x6: {  	_ = 	snop  }
0x7: {  	_ = 	snop  }
__scs_overlays_trampoline_lowered:
0x8: {  	[smem:$0x3FA9] =	sst s0  }
0x9: {  	[smem:$0x3FAA] =	sst s1  }
0xa: {  	[smem:$0x3FAB] =	sst s2  }
0xb: {  	[smem:$0x3FAC] =	sst s3  }
0xc: {  	[smem:$0x3FAD] =	sst s4  }
0xd: {  	[smem:$0x3FAE] =	sst s5  }
0xe: {  	[smem:$0x3FAF] =	sst s6  }
0xf: {  	[smem:$0x3FB0] =	sst s7  }
0x10: {  	[smem:$0x3FB1] =	sst s8  }
0x11: {  	[smem:$0x3FB2] =	sst s9;
	s0 =	simm.s32 @!p0 $0x0  }
0x12: {  	s1 =	sld [smem:$0x3F98];
	s0 =	simm.s32 @p0 $0x1  }
0x13: {  	[smem:$0x3FB3] =	sst s0;
	s0 =	simm.s32 @!p1 $0x0  }
0x14: {  	s2 =	sld [smem:$0x3F97];
	s0 =	simm.s32 @p1 $0x1  }
0x15: {  	[smem:$0x3FB4] =	sst s0;
	s0 =	simm.s32 @!p2 $0x0  }
0x16: {  	s3 =	sld [smem:$0x3FDB];
	s0 =	simm.s32 @p2 $0x1  }
0x17: {  	s4 =	simm.s32 $0x1BF5;
	[smem:$0x3FB6] =	sst s0  }
0x18: {  	s0 =	sld [smem:$0x3F99];
	_ =	swait.ge [sflag:s4], $0x0  }
0x19: {  	s7 =	sld [smem:$0x3F9A]  }
0x1a: {  	s8 =	sadd.s32 $0xFFFFE003, lr  }
0x1b: {  	s9 =	sadd.s32 $0xFFFFFEF7, lr;
	s5 =	simm.s32 $0xFFFFFFFF;
	p2 =	slt.u32 s8, $0xFFFFF086  }
0x1c: {  	p1 =	slt.u32 s9, $0xF7A;
	s5 =	simm.s32 @!p2 $0x0  }
0x1d: {  	s5 =	simm.s32 @p1 $0x1;
	p0 =	seq.s32 s7, s2  }
0x1e: {  	s7 =	smul.u32 @!p0 $0xF7A, s2;
	p2 =	seq.s32 @!p0 s5, $0x0  }
0x1f: {  	s9 =	smul.u32 $0xF7A, s1;
	s8 =	simm.s32 @!p0 $0x1BF5;
	p2 =	por !p2, p0  }
0x20: {  	[sflag:s8] =	ssyncset.s32 @!p0 $0xFFFFF086;
	s6 =	sadd.s32 @!p0 s3, s7;
	s7 =	simm.s32 @!p0 $0x108  }
0x21: {  	s3 =	sadd.s32 s3, s9;
	s6 =	sadd.s32 @!p0 $0x88, s6;
	s7 =	simm.s32 @p2 $0x1082  }
0x22: {  	[simem:s7], [sflag:s8] =	dma.local @!p0 [hbm:s6], $0xF7A  }
0x23: {  	s9 =	sor.u32 $0xD0000000, s2;
	s6 =	simm.s32 $0x108;
	_ =	swait.ge @!p0 [sflag:s8], $0x0  }
0x24: {  	s3 =	sadd.s32 $0x88, s3;
	s6 =	simm.s32 @!p1 $0x1082;
	[sflag:s4] =	ssyncset.s32 $0xFFFFF086  }
0x25: {  	[simem:s6], [sflag:s4] =	dma.local [hbm:s3], $0xF7A  }
0x26: {  	[smem:$0x3F9A] =	sst s1;
	(tag) =	ssettag s2;
	_ =	strace s9  }
0x27: {  	s1 =	sld [smem:$0x3FAA]  }
0x28: {  	s2 =	sld [smem:$0x3FAB]  }
0x29: {  	s4 =	sld [smem:$0x3FAD]  }
0x2a: {  	p0 =	seq.s32 s5, $0x0;
	s5 =	sld [smem:$0x3FAE]  }
0x2b: {  	s6 =	sld [smem:$0x3FAF]  }
0x2c: {  	s7 =	sld [smem:$0x3FB0]  }
0x2d: {  	s3 =	simm.s32 $0x108;
	s8 =	sld [smem:$0x3FB1]  }
0x2e: {  	s3 =	simm.s32 @!p0 $0x1082;
	s9 =	sld [smem:$0x3FB2]  }
0x2f: {  	lr =	sadd.s32 s0, s3;
	s0 =	sld [smem:$0x3FA9]  }
0x30: {  	s3 =	sld [smem:$0x3FAC]  }
0x31: {  	[smem:$0x3FB5] =	sst s10  }
0x32: {  	s10 =	sld [smem:$0x3FB3];
	_ =	sdelay $0x3  }
0x33: {  	p0 =	seq.s32 s10, $0x1;
	s10 =	sld [smem:$0x3FB5];
	_ =	sdelay $0x3  }
0x34: {  	[smem:$0x3FB5] =	sst s10  }
0x35: {  	s10 =	sld [smem:$0x3FB4];
	_ =	sdelay $0x3  }
0x36: {  	p1 =	seq.s32 s10, $0x1;
	s10 =	sld [smem:$0x3FB5];
	_ =	sdelay $0x3  }
0x37: {  	[smem:$0x3FB5] =	sst s10  }
0x38: {  	s10 =	sld [smem:$0x3FB6]  }
0x39: {  	_ = 	snop;
	(pc) =	sbr.ind lr, $3  }
0x3a: {  	_ = 	snop  }
0x3b: {  	_ = 	snop  }
0x3c: {  	p2 =	seq.s32 s10, $0x1;
	s10 =	sld [smem:$0x3FB5]  }
0x3d: {  	_ =	shalt  }
0x3e: {  	_ =	shalt  }
0x3f: {  	_ =	shalt  }
0x40: {  	_ =	shalt  }
0x41: {  	_ =	shalt  }
0x42: {  	_ =	shalt  }
0x43: {  	_ =	shalt  }
0x44: {  	_ =	shalt  }
0x45: {  	_ =	shalt  }
0x46: {  	_ =	shalt  }
0x47: {  	_ =	shalt  }
0x48: {  	_ =	shalt  }
0x49: {  	_ =	shalt  }
0x4a: {  	_ =	shalt  }
0x4b: {  	_ =	shalt  }
0x4c: {  	_ =	shalt  }
0x4d: {  	_ =	shalt  }
0x4e: {  	_ =	shalt  }
0x4f: {  	_ =	shalt  }
0x50: {  	_ =	shalt  }
0x51: {  	_ =	shalt  }
0x52: {  	_ =	shalt  }
0x53: {  	_ =	shalt  }
0x54: {  	_ =	shalt  }
0x55: {  	_ =	shalt  }
0x56: {  	_ =	shalt  }
0x57: {  	_ =	shalt  }
0x58: {  	_ =	shalt  }
0x59: {  	_ =	shalt  }
0x5a: {  	_ =	shalt  }
0x5b: {  	_ =	shalt  }
0x5c: {  	_ =	shalt  }
0x5d: {  	_ =	shalt  }
0x5e: {  	_ =	shalt  }
0x5f: {  	_ =	shalt  }
0x60: {  	_ =	shalt  }
0x61: {  	_ =	shalt  }
0x62: {  	_ =	shalt  }
0x63: {  	_ =	shalt  }
0x64: {  	_ =	shalt  }
0x65: {  	_ =	shalt  }
0x66: {  	_ =	shalt  }
0x67: {  	_ =	shalt  }
0x68: {  	_ =	shalt  }
0x69: {  	_ =	shalt  }
0x6a: {  	_ =	shalt  }
0x6b: {  	_ =	shalt  }
0x6c: {  	_ =	shalt  }
0x6d: {  	_ =	shalt  }
0x6e: {  	_ =	shalt  }
0x6f: {  	_ =	shalt  }
0x70: {  	_ =	shalt  }
0x71: {  	_ =	shalt  }
0x72: {  	_ =	shalt  }
0x73: {  	_ =	shalt  }
0x74: {  	_ =	shalt  }
0x75: {  	_ =	shalt  }
0x76: {  	_ =	shalt  }
0x77: {  	_ =	shalt  }
0x78: {  	_ =	shalt  }
0x79: {  	_ =	shalt  }
0x7a: {  	_ =	shalt  }
0x7b: {  	_ =	shalt  }
0x7c: {  	_ =	shalt  }
0x7d: {  	_ =	shalt  }
0x7e: {  	_ =	shalt  }
0x7f: {  	_ =	shalt  }
0x80: {  	_ =	shalt  }
0x81: {  	_ =	shalt  }
0x82: {  	_ =	shalt  }
0x83: {  	_ =	shalt  }
0x84: {  	_ =	shalt  }
0x85: {  	_ =	shalt  }
0x86: {  	_ =	shalt  }
0x87: {  	_ =	shalt  }
.Lfunc_end0:
.L_simem_size_0:
called_computation_lowered:
.L_overlay_start_0:
0x88: {  	s2 =	sld [smem:$0x3FD9]  }
0x89: {  	s3 =	sld [smem:$0x3FFE];
	_ =	sdelay $0x1  }
0x8a: {  	s1 =	srdreg.scid  }
0x8b: {  	s0 =	sand.u32 $0x1, s1  }
0x8c: {  	s17 =	sshll.u32 s0, $0xA;
	s2 =	sadd.s32 s3, s2  }
0x8d: {  	s2 =	sadd.s32 s2, s17  }
0x8e: {  	[smem:$0x3FC1] =	sst s2  }
0x8f: {  	_ = 	snop  }
0x90: {  	(tm) =	ssettm $0x1  }
0x91: {  	s18 =	sld [smem:$0x3FFB];
	_ =	sdelay $0x3  }
0x92: {  	_ =	strace s18  }
0x93: {  	s2 =	sld [smem:$0x3FFC];
	_ =	sdelay $0x3  }
0x94: {  	_ =	strace s2  }
0x95: {  	s2 =	sld [smem:$0x3FFD];
	_ =	sdelay $0x3  }
0x96: {  	_ =	strace s2  }
0x97: {  	_ =	strace $0x8FFFFFFF  }
0x98: {  	s19 =	sld [smem:$0x3FDB];
	_ =	sdelay $0x1  }
0x99: {  	s20 =	simm.s32 $_scs_section_size  }
0x9a: {  	s4 =	simm.s32 $_size__tile_overlayer_lowered;
	s5 =	simm.s32 $_tile_overlayer_lowered  }
0x9b: {  	s6 =	simm.s32 $0x1BFF;
	s21 =	sshll.u32 s5, $0x1;
	s3 =	sadd.s32 s20, s19  }
0x9c: {  	s22 =	simm.s32 $0x0;
	s4 =	sshll.u32 s4, $0x1;
	s5 =	sadd.s32 s21, s3  }
0x9d: {  	[timem:s22], [sflag:s6] =	dma.local [hbm:s5], s4  }
0x9e: {  	_ =	swait.ge [sflag:s6], s4  }
0x9f: {  	s4 =	ssub.s32 $0x0, s4;
	[sflag:s6] =	ssyncset.done $0x0  }
0xa0: {  	[sflag:s6] =	ssyncadd.s32 s4;
	_ =	sdelay $0x1  }
0xa1: {  	s23 =	simm.s32 $0x1B8B  }
0xa2: {  	_ =	swait.ge [sflag:s23], $0x1  }
0xa3: {  	[sflag:s23] =	ssyncset.done $0x0  }
0xa4: {  	[sflag:s23] =	ssyncadd.s32 $0xFFFFFFFF  }
0xa5: {  	s4 =	sld [smem:$0x0]  }
0xa6: {  	s5 =	sand.u32 $0xFFFFFFFE, s1  }
0xa7: {  	p0 =	sne.s32 s1, s5  }
0xa8: {  	s5 =	sshll.u32 @p0 s5, $0xE  }
0xa9: {  	s5 =	sadd.s32 @p0 $0x11B8D, s5;
	s6 =	sshll.u32 @p0 s4, $0x11  }
0xaa: {  	s5 =	sor.u32 @p0 s6, s5  }
0xab: {  	[sflag:s5] =	ssyncadd.remote.s32 @p0 $0x1;
	_ =	sdelay $0x1  }
0xac: {  	s5 =	simm.s32 @p0 $0x1B8D  }
0xad: {  	_ =	swait.eq @p0 [sflag:s5], $0x1  }
0xae: {  	[sflag:s5] =	ssyncadd.s32 @p0 $0xFFFFFFFF  }
0xaf: {  	s6 =	sshll.u32 @!p0 s1, $0xE  }
0xb0: {  	s6 =	sor.u32 @!p0 $0x4000, s6;
	s5 =	simm.s32 @!p0 $0x1B8D  }
0xb1: {  	s4 =	sshll.u32 @!p0 s4, $0x11;
	s6 =	sadd.s32 @!p0 $0x11B8D, s6;
	_ =	swait.eq @!p0 [sflag:s5], $0x1  }
0xb2: {  	s4 =	sor.u32 @!p0 s4, s6;
	[sflag:s5] =	ssyncadd.s32 @!p0 $0xFFFFFFFF  }
0xb3: {  	s25 =	simm.s32 $0x1B8E;
	s24 =	sld [smem:$0x3FFE];
	[sflag:s4] =	ssyncadd.remote.s32 @!p0 $0x1  }
0xb4: {  	s26 =	simm.s32 $execute0_lowered;
	[smem:$0x3FD2] =	sst s25  }
0xb5: {  	s5 =	sshll.u32 s26, $0x1;
	_ =	strace $0x8000004F;
	[dreg:$0x1] =	wrdreg $0xFFFFFFFF  }
0xb6: {  	s28 =	simm.s32 $_size_execute0_lowered;
	s3 =	sadd.s32 s3, s5;
	[dreg:$0x0] =	wrdreg $0x0  }
0xb7: {  	s5 =	sshll.u32 s28, $0x1;
	[dreg:$0x2] =	wrdreg s3  }
0xb8: {  	[dreg:$0x3] =	wrdreg s5  }
0xb9: {  	[dreg:$0x4] =	wrdreg $0xC0  }
0xba: {  	_ =	task [dreg:s22], $0x5FFFF  }
0xbb: {  	[dreg:$0x1] =	wrdreg $0xFFFFFFFF  }
0xbc: {  	[dreg:$0x0] =	wrdreg $0x60  }
0xbd: {  	[dreg:$0x2] =	wrdreg s24  }
0xbe: {  	[dreg:$0x3] =	wrdreg $0x9  }
0xbf: {  	_ =	task.clear_ibuf [dreg:s22], $0x4FFFF;
	_ =	strace $0x9000004F  }
0xc0: {  	s29 =	simm.s32 $0x9;
	_ =	strace $0x80000051  }
0xc1: {  	_ =	swait.ge [sflag:s29], $0x1  }
0xc2: {  	[sflag:s29] =	ssyncadd.s32 $0xFFFFFFFF  }
0xc3: {  	_ =	strace $0x90000051  }
0xc4: {  	_ =	sfence  }
0xc5: {  	s30 =	sld [smem:$0x0];
	_ =	sdelay $0x2  }
0xc6: {  	s31 =	sshll.u32 s1, $0xD;
	s1 =	sshrl.u32 s1, $0x2  }
0xc7: {  	s4 =	sand.u32 $0x4000, s31;
	s1 =	sadd.s32 s1, s30  }
0xc8: {  	s0 =	sor.u32 s4, s0;
	s1 =	sshll.u32 s1, $0x11  }
0xc9: {  	s0 =	sor.u32 s1, s0  }
0xca: {  	s0 =	sadd.s32 $0x8F2B, s0  }
0xcb: {  	[sflag:s0] =	ssyncadd.remote.s32 $0x1  }
0xcc: {  	_ =	sfence.sel $0xFFFF  }
0xcd: {  	[dreg:$0x0] =	wrdreg $0xFFFFFFFF;
	(pc) =	sbr.abs _section_cstart, $3  }
0xce: {  	[dreg:$0x1] =	wrdreg $0xFFFFFFFF  }
0xcf: {  	_ =	task.clear_ibuf [dreg:s22], $0x2FFFF;
	_ =	strace $0x9FFFFFFF  }
0xd0: {  	(tm) =	ssettm $0x7FFFFFFF  }
0xd1: {  	_ =	shalt  }
tec
execute0_lowered:
.L_overlay_start_1:
0x0: {  	(tag) =	ssettag $0x1  }
0x1: {  	s3 =	rddreg [dreg:$0x0]  }
0x2: {  	s0 =	rddreg [dreg:$0x1]  }
0x3: {  	s1 =	stileid.u32;
	s4 =	srdreg.scid  }
0x4: {  	s2 =	simm.s32 $0x0;
	s9 =	simm.s32 $0x800;
	s10 =	simm.s32 $0x2000  }
0x5: {  	s11 =	simm.s32 $0x14000;
	s12 =	simm.s32 $0x0;
	s5 =	sshrl.u32 s1, $0x1  }
0x6: {  	s4 =	sand.u32 $0x1, s4;
	s7 =	sshll.u32 s1, $0x9;
	[smem:$0x7FF] =	sst s2  }
0x7: {  	s6 =	smul.u32 $0x1800, s5;
	s8 =	sshll.u32 s4, $0x8;
	s5 =	sshll.u32 s5, $0xA  }
0x8: {  	_ =	strace $0x80000050;
	s4 =	ssub.s32 $0x2, s4;
	s7 =	sor.u32 s8, s7  }
0x9: {  	s31 =	sshrl.u32 s4, $0x1;
	s8 =	simm.s32 $0xC000;
	s5 =	ssub.s32 s7, s5  }
0xa: {  	s29 =	sadd.s32 s6, s3;
	s7 =	sshll.u32 s5, $0x4;
	s5 =	sadd.s32 s6, s5  }
0xb: {  	s30 =	sadd.s32 s7, s3;
	s5 =	sand.u32 $0x1FFFFF00, s5;
	s7 =	ssub.s32 s4, s31  }
0xc: {  	v0 =	vlaneseq.u32;
	s5 =	sadd.s32 s5, s3;
	s3 =	sadd.s32 $0xB8A00, s29;
	s4 =	sadd.s32 $0xC4A00, s30  }
0xd: {  	v0 =	vmul.u32 $0x80, v0;
	s6 =	smax.u32 s7, $0x1;
	s7 =	simm.s32 $0x1;
	s5 =	sadd.s32 $0xC8A00, s5  }
.LBB2_1:
0xe: {  	[tilespmem:s2], [sflag:$0x1] =	stream.linear.gather [hbm4b:s3+s2], $0xC000, $0x38;
	[tilespmem:$0x17000] =	vst v63  }
0xf: {  	_ =	swait.ge [sflag:s7], $0xC000  }
0x10: {  	[sflag:s7] =	ssyncset.done $0x0  }
0x11: {  	[sflag:s7] =	ssyncadd.s32 $0xFFFF4000  }
0x12: {  	[tilespmem:s8], [sflag:$0x1] =	stream.linear.gather [hbm4b:s4+s2], $0x8000, $0x38;
	[tilespmem:$0x17000] =	vst v63  }
0x13: {  	_ =	swait.ge [sflag:s7], $0x8000  }
0x14: {  	[sflag:s7] =	ssyncset.done $0x0  }
0x15: {  	s13 =	simm.s32 $0x0;
	[sflag:s7] =	ssyncadd.s32 $0xFFFF8000  }
.LBB2_2:
0x16: {  	s15 =	sshll.u32 s13, $0x4  }
0x17: {  	v1 =	vmov s15  }
0x18: {  	v1 =	vshll.u32 v1, $0x7  }
0x19: {  	v1 =	vor.u32 v0, v1  }
0x1a: {  	v2 =	vor.u32 $0x1, v1;
	_ =	sdelay $0x1  }
0x1b: {  	v3 =	vor.u32 $0x2, v1  }
0x1c: {  	v7 =	vor.u32 $0x5, v1  }
0x1d: {  	v4 =	vor.u32 $0x3, v1;
	v5 =	vld.idx.msk [tilespmem:v1+s8+$0x0], $0xffff  }
0x1e: {  	v6 =	vor.u32 $0x4, v1;
	v8 =	vor.u32 $0x6, v1;
	v9 =	vor.u32 $0x7, v1;
	v2 =	vld.idx.msk [tilespmem:v2+s8+$0x0], $0xffff  }
0x1f: {  	v10 =	vor.u32 $0x8, v1;
	v11 =	vor.u32 $0x9, v1;
	v12 =	vor.u32 $0xA, v1  }
0x20: {  	v13 =	vor.u32 $0xB, v1;
	v14 =	vor.u32 $0xC, v1;
	v15 =	vor.u32 $0xD, v1;
	v3 =	vld.idx.msk [tilespmem:v3+s8+$0x0], $0xffff  }
0x21: {  	v17 =	vor.u32 $0xE, v1;
	v18 =	vor.u32 $0xF, v1;
	v19 =	vor.u32 $0x10, v1;
	v7 =	vld.idx.msk [tilespmem:v7+s8+$0x0], $0xffff  }
0x22: {  	v20 =	vor.u32 $0x11, v1;
	v21 =	vor.u32 $0x12, v1;
	v22 =	vor.u32 $0x13, v1;
	v16 =	vld.idx.msk [tilespmem:v4+s8+$0x0], $0xffff  }
0x23: {  	v6 =	vld.idx.msk [tilespmem:v6+s8+$0x0], $0xffff;
	v1 =	vand.u32 $0x7F, v5;
	v4 =	vshll.u32 v5, $0x3;
	v5 =	vshll.u32 v2, $0x3  }
0x24: {  	v4 =	vand.u32 $0xFFFFFC00, v4;
	v2 =	vand.u32 $0x7F, v2;
	v5 =	vand.u32 $0xFFFFFC00, v5  }
0x25: {  	v8 =	vld.idx.msk [tilespmem:v8+s8+$0x0], $0xffff;
	v1 =	vor.u32 v1, v4;
	v4 =	vor.u32 v2, v5;
	v2 =	vshll.u32 v3, $0x3  }
0x26: {  	v23 =	vld.idx.msk [tilespmem:v9+s8+$0x0], $0xffff;
	v9 =	vshll.u32 v7, $0x3;
	v3 =	vand.u32 $0x7F, v3;
	v2 =	vand.u32 $0xFFFFFC00, v2  }
0x27: {  	v7 =	vand.u32 $0x7F, v7;
	v5 =	vshll.u32 v16, $0x3;
	v2 =	vor.u32 v3, v2  }
0x28: {  	v10 =	vld.idx.msk [tilespmem:v10+s8+$0x0], $0xffff;
	v3 =	vand.u32 $0x7F, v16;
	v16 =	vand.u32 $0x7F, v6;
	v6 =	vshll.u32 v6, $0x3  }
0x29: {  	v13 =	vld.idx.msk [tilespmem:v13+s8+$0x0], $0xffff;
	v24 =	vand.u32 $0xFFFFFC00, v9;
	v5 =	vand.u32 $0xFFFFFC00, v5;
	v6 =	vand.u32 $0xFFFFFC00, v6  }
0x2a: {  	v11 =	vld.idx.msk [tilespmem:v11+s8+$0x0], $0xffff;
	v9 =	vor.u32 v3, v5;
	v3 =	vor.u32 v7, v24;
	v7 =	vshll.u32 v8, $0x3  }
0x2b: {  	v12 =	vld.idx.msk [tilespmem:v12+s8+$0x0], $0xffff;
	v5 =	vor.u32 v16, v6;
	v6 =	vand.u32 $0x7F, v8;
	v8 =	vshll.u32 v23, $0x3  }
0x2c: {  	v7 =	vand.u32 $0xFFFFFC00, v7;
	v16 =	vand.u32 $0x7F, v23;
	v8 =	vand.u32 $0xFFFFFC00, v8  }
0x2d: {  	v14 =	vld.idx.msk [tilespmem:v14+s8+$0x0], $0xffff;
	v7 =	vor.u32 v6, v7;
	v6 =	vor.u32 v16, v8;
	v8 =	vshll.u32 v10, $0x3  }
0x2e: {  	v15 =	vld.idx.msk [tilespmem:v15+s8+$0x0], $0xffff;
	v23 =	vshll.u32 v13, $0x3;
	v10 =	vand.u32 $0x7F, v10;
	v8 =	vand.u32 $0xFFFFFC00, v8  }
0x2f: {  	v16 =	vshll.u32 v11, $0x3;
	v8 =	vor.u32 v10, v8;
	v10 =	vand.u32 $0x7F, v11  }
0x30: {  	v17 =	vld.idx.msk [tilespmem:v17+s8+$0x0], $0xffff;
	v11 =	vand.u32 $0xFFFFFC00, v16;
	v16 =	vand.u32 $0x7F, v12;
	v12 =	vshll.u32 v12, $0x3  }
0x31: {  	v18 =	vld.idx.msk [tilespmem:v18+s8+$0x0], $0xffff;
	v24 =	vand.u32 $0x7F, v13;
	v23 =	vand.u32 $0xFFFFFC00, v23;
	v12 =	vand.u32 $0xFFFFFC00, v12  }
0x32: {  	v13 =	vor.u32 v10, v11;
	v10 =	vor.u32 v24, v23;
	v11 =	vor.u32 v16, v12  }
0x33: {  	v19 =	vld.idx.msk [tilespmem:v19+s8+$0x0], $0xffff;
	v12 =	vand.u32 $0x7F, v14;
	v14 =	vshll.u32 v14, $0x3;
	v16 =	vshll.u32 v15, $0x3  }
0x34: {  	v15 =	vand.u32 $0x7F, v15;
	v14 =	vand.u32 $0xFFFFFC00, v14;
	v23 =	vand.u32 $0xFFFFFC00, v16  }
0x35: {  	v16 =	vor.u32 v12, v14;
	v12 =	vor.u32 v15, v23;
	v14 =	vshll.u32 v17, $0x3  }
0x36: {  	v20 =	vld.idx.msk [tilespmem:v20+s8+$0x0], $0xffff;
	v15 =	vand.u32 $0x7F, v17;
	v17 =	vshll.u32 v18, $0x3;
	v14 =	vand.u32 $0xFFFFFC00, v14  }
0x37: {  	s14 =	simm.s32 $0x0;
	v17 =	vand.u32 $0xFFFFFC00, v17;
	v14 =	vor.u32 v15, v14;
	v15 =	vand.u32 $0x7F, v18  }
0x38: {  	v18 =	vmov s14;
	v15 =	vor.u32 v15, v17;
	v17 =	vshll.u32 v19, $0x3  }
0x39: {  	v19 =	vand.u32 $0x7F, v19;
	v23 =	vshll.u32 v18, $0xA;
	v18 =	vshll.u32 v18, $0x7  }
0x3a: {  	v21 =	vld.idx.msk [tilespmem:v21+s8+$0x0], $0xffff;
	v17 =	vand.u32 $0xFFFFFC00, v17;
	v23 =	vand.u32 $0xE000, v23;
	v24 =	vand.u32 $0x380, v18  }
0x3b: {  	v17 =	vor.u32 v19, v17;
	v19 =	vand.u32 $0x7F, v20;
	v18 =	vadd.s32 v4, v23  }
0x3c: {  	v20 =	vshll.u32 v20, $0x3;
	v25 =	vadd.s32 v1, v23;
	v26 =	vor.u32 v24, v18  }
0x3d: {  	v18 =	vand.u32 $0xFFFFFC00, v20;
	v20 =	vor.u32 v24, v25;
	v25 =	vadd.s32 v2, v23  }
0x3e: {  	v22 =	vld.idx.msk [tilespmem:v22+s8+$0x0], $0xffff;
	v18 =	vor.u32 v19, v18;
	v25 =	vor.u32 v24, v25;
	v19 =	vadd.s32 v9, v23  }
0x3f: {  	v27 =	vand.u32 $0x7F, v21;
	v28 =	vor.u32 v24, v19;
	v19 =	vadd.s32 v5, v23  }
0x40: {  	v21 =	vshll.u32 v21, $0x3;
	v29 =	vor.u32 v24, v19;
	v19 =	vadd.s32 v3, v23  }
0x41: {  	v21 =	vand.u32 $0xFFFFFC00, v21;
	v31 =	vadd.s32 v7, v23;
	v30 =	vor.u32 v24, v19;
	v26 =	vld.idx.msk [tilespmem:v26+s2+$0x0], $0xffff  }
0x42: {  	v19 =	vor.u32 v27, v21;
	v27 =	vor.u32 v24, v31;
	v21 =	vld.idx.msk [tilespmem:v20+s2+$0x0], $0xffff;
	v20 =	vadd.s32 v6, v23  }
0x43: {  	v31 =	vand.u32 $0x7F, v22;
	v25 =	vld.idx.msk [tilespmem:v25+s2+$0x0], $0xffff;
	v32 =	vor.u32 v24, v20;
	v20 =	vadd.s32 v8, v23  }
0x44: {  	v22 =	vshll.u32 v22, $0x3;
	v28 =	vld.idx.msk [tilespmem:v28+s2+$0x0], $0xffff;
	v33 =	vor.u32 v24, v20;
	v20 =	vadd.s32 v13, v23  }
0x45: {  	v35 =	vadd.s32 v11, v23;
	v22 =	vand.u32 $0xFFFFFC00, v22;
	v29 =	vld.idx.msk [tilespmem:v29+s2+$0x0], $0xffff;
	v34 =	vor.u32 v24, v20  }
0x46: {  	v20 =	vor.u32 v31, v22;
	v31 =	vadd.s32 v10, v23;
	v22 =	vld.idx.msk [tilespmem:v30+s2+$0x0], $0xffff;
	v30 =	vor.u32 v24, v35  }
0x47: {  	v40 =	vadd.s32 v16, v23;
	v27 =	vld.idx.msk [tilespmem:v27+s2+$0x0], $0xffff;
	v31 =	vor.u32 v24, v31;
	v21 =	vmax.f32 v21, v26  }
0x48: {  	v42 =	vadd.s32 v12, v23;
	v41 =	vor.u32 v24, v40;
	v26 =	vld.idx.msk [tilespmem:v32+s2+$0x0], $0xffff;
	v21 =	vmax.f32 v21, v25  }
0x49: {  	v44 =	vadd.s32 v14, v23;
	v43 =	vor.u32 v24, v42;
	v25 =	vld.idx.msk [tilespmem:v33+s2+$0x0], $0xffff;
	v21 =	vmax.f32 v21, v28  }
0x4a: {  	v46 =	vadd.s32 v15, v23;
	v45 =	vor.u32 v24, v44;
	v28 =	vld.idx.msk [tilespmem:v34+s2+$0x0], $0xffff;
	v21 =	vmax.f32 v21, v29  }
0x4b: {  	v47 =	vadd.s32 v17, v23;
	v29 =	vld.idx.msk [tilespmem:v30+s2+$0x0], $0xffff;
	v30 =	vor.u32 v24, v46;
	v21 =	vmax.f32 v21, v22  }
0x4c: {  	v48 =	vadd.s32 v18, v23;
	v22 =	vld.idx.msk [tilespmem:v31+s2+$0x0], $0xffff;
	v31 =	vor.u32 v24, v47;
	v21 =	vmax.f32 v21, v27  }
0x4d: {  	v49 =	vor.u32 v24, v48;
	v50 =	vadd.s32 v19, v23;
	v27 =	vld.idx.msk [tilespmem:v41+s2+$0x0], $0xffff;
	v21 =	vmax.f32 v21, v26  }
0x4e: {  	v51 =	vor.u32 v24, v50;
	v23 =	vadd.s32 v20, v23;
	v26 =	vld.idx.msk [tilespmem:v43+s2+$0x0], $0xffff;
	v21 =	vmax.f32 v21, v25  }
0x4f: {  	v23 =	vor.u32 v24, v23;
	v25 =	vld.idx.msk [tilespmem:v45+s2+$0x0], $0xffff;
	v21 =	vmax.f32 v21, v28  }
0x50: {  	v24 =	vld.idx.msk [tilespmem:v30+s2+$0x0], $0xffff;
	v21 =	vmax.f32 v21, v29  }
0x51: {  	s16 =	simm.s32 $0x1;
	v28 =	vld.idx.msk [tilespmem:v31+s2+$0x0], $0xffff;
	v21 =	vmax.f32 v21, v22  }
0x52: {  	v29 =	vmov s16;
	v22 =	vld.idx.msk [tilespmem:v49+s2+$0x0], $0xffff;
	v27 =	vmax.f32 v21, v27  }
0x53: {  	s15 =	sand.u32 $0x70, s15;
	v30 =	vld.idx.msk [tilespmem:v51+s2+$0x0], $0xffff;
	v31 =	vshll.u32 v29, $0xA;
	v29 =	vshll.u32 v29, $0x7;
	v26 =	vmax.f32 v27, v26  }
0x54: {  	v23 =	vld.idx.msk [tilespmem:v23+s2+$0x0], $0xffff;
	v21 =	vmov s15;
	v27 =	vand.u32 $0xE000, v31;
	v25 =	vmax.f32 v26, v25  }
0x55: {  	s29 =	sshll.u32 s13, $0x7;
	v29 =	vand.u32 $0x380, v29;
	v26 =	vadd.s32 v4, v27;
	v24 =	vmax.f32 v25, v24  }
0x56: {  	s15 =	sand.u32 $0x400, s29;
	v25 =	vadd.s32 v1, v27;
	v26 =	vor.u32 v29, v26;
	v24 =	vmax.f32 v24, v28  }
0x57: {  	s30 =	sand.u32 $0x3800, s14;
	s15 =	sor.u32 $0x14000, s15;
	v25 =	vor.u32 v29, v25;
	v28 =	vadd.s32 v2, v27;
	v22 =	vmax.f32 v24, v22  }
0x58: {  	s17 =	sand.u32 $0x380, s14;
	s16 =	sadd.s32 s30, s15;
	v24 =	vor.u32 v29, v28;
	v28 =	vadd.s32 v9, v27;
	v22 =	vmax.f32 v22, v30  }
0x59: {  	s16 =	sadd.s32 s17, s16;
	v28 =	vor.u32 v29, v28;
	v30 =	vadd.s32 v5, v27;
	v22 =	vmax.f32 v22, v23  }
0x5a: {  	v23 =	vor.u32 v29, v30;
	v30 =	vadd.s32 v3, v27;
	[tilespmem:v21+s16+$0x0 ss:$0x1] =	vst.idx.msk $0xffff, v22  }
0x5b: {  	v31 =	vadd.s32 v6, v27;
	v22 =	vld.idx.msk [tilespmem:v26+s2+$0x0], $0xffff;
	v26 =	vor.u32 v29, v30  }
0x5c: {  	v31 =	vor.u32 v29, v31;
	v30 =	vadd.s32 v7, v27;
	v25 =	vld.idx.msk [tilespmem:v25+s2+$0x0], $0xffff  }
0x5d: {  	v55 =	vadd.s32 v10, v27;
	v30 =	vor.u32 v29, v30;
	v24 =	vld.idx.msk [tilespmem:v24+s2+$0x0], $0xffff  }
0x5e: {  	v52 =	vadd.s32 v8, v27;
	v35 =	vor.u32 v29, v55;
	v28 =	vld.idx.msk [tilespmem:v28+s2+$0x0], $0xffff  }
0x5f: {  	v53 =	vadd.s32 v13, v27;
	v32 =	vor.u32 v29, v52;
	v23 =	vld.idx.msk [tilespmem:v23+s2+$0x0], $0xffff  }
0x60: {  	v54 =	vadd.s32 v11, v27;
	v33 =	vor.u32 v29, v53;
	v26 =	vld.idx.msk [tilespmem:v26+s2+$0x0], $0xffff  }
0x61: {  	v36 =	vadd.s32 v16, v27;
	v34 =	vor.u32 v29, v54;
	v22 =	vmax.f32 v25, v22;
	v25 =	vld.idx.msk [tilespmem:v31+s2+$0x0], $0xffff  }
0x62: {  	v56 =	vadd.s32 v12, v27;
	v31 =	vor.u32 v29, v36;
	v30 =	vld.idx.msk [tilespmem:v30+s2+$0x0], $0xffff  }
0x63: {  	v58 =	vadd.s32 v14, v27;
	v57 =	vor.u32 v29, v56;
	v35 =	vld.idx.msk [tilespmem:v35+s2+$0x0], $0xffff;
	v22 =	vmax.f32 v22, v24  }
0x64: {  	v60 =	vadd.s32 v15, v27;
	v59 =	vor.u32 v29, v58;
	v24 =	vld.idx.msk [tilespmem:v32+s2+$0x0], $0xffff;
	v22 =	vmax.f32 v22, v28  }
0x65: {  	v62 =	vadd.s32 v17, v27;
	v61 =	vor.u32 v29, v60;
	v28 =	vld.idx.msk [tilespmem:v33+s2+$0x0], $0xffff;
	v22 =	vmax.f32 v22, v23  }
0x66: {  	v36 =	vor.u32 v29, v62;
	v23 =	vld.idx.msk [tilespmem:v34+s2+$0x0], $0xffff;
	v22 =	vmax.f32 v22, v26;
	v26 =	vadd.s32 v18, v27  }
0x67: {  	v22 =	vmax.f32 v22, v30;
	v30 =	vld.idx.msk [tilespmem:v31+s2+$0x0], $0xffff;
	v31 =	vor.u32 v29, v26;
	v26 =	vadd.s32 v19, v27  }
0x68: {  	v32 =	vld.idx.msk [tilespmem:v57+s2+$0x0], $0xffff;
	v22 =	vmax.f32 v22, v25;
	v37 =	vor.u32 v29, v26;
	v25 =	vadd.s32 v20, v27  }
0x69: {  	v26 =	vld.idx.msk [tilespmem:v59+s2+$0x0], $0xffff;
	v22 =	vmax.f32 v22, v24;
	v63 =	vor.u32 v29, v25  }
0x6a: {  	v27 =	vld.idx.msk [tilespmem:v61+s2+$0x0], $0xffff;
	v22 =	vmax.f32 v22, v28  }
0x6b: {  	v25 =	vld.idx.msk [tilespmem:v36+s2+$0x0], $0xffff;
	v22 =	vmax.f32 v22, v23  }
0x6c: {  	s31 =	simm.s32 $0x2;
	v22 =	vmax.f32 v22, v35;
	v24 =	vld.idx.msk [tilespmem:v31+s2+$0x0], $0xffff  }
0x6d: {  	v28 =	vmov s31;
	v22 =	vmax.f32 v22, v30;
	v23 =	vld.idx.msk [tilespmem:v37+s2+$0x0], $0xffff  }
0x6e: {  	s17 =	simm.s32 $0x3;
	s16 =	simm.s32 $0x0;
	v29 =	vshll.u32 v28, $0xA;
	v30 =	vmax.f32 v22, v32;
	v22 =	vld.idx.msk [tilespmem:v63+s2+$0x0], $0xffff  }
.LBB2_3:
0x6f: {  	p0 =	sne.s32 s17, $0x2F;
	v29 =	vand.u32 $0xE000, v29;
	v28 =	vshll.u32 v28, $0x7;
	v26 =	vmax.f32 v30, v26  }
0x70: {  	v28 =	vand.u32 $0x380, v28;
	v30 =	vadd.s32 v4, v29;
	v26 =	vmax.f32 v26, v27  }
0x71: {  	s14 =	sadd.s32 $0x100, s14;
	v27 =	vadd.s32 v1, v29;
	v30 =	vor.u32 v28, v30;
	v25 =	vmax.f32 v26, v25  }
0x72: {  	s16 =	sadd.s32 $0x80, s16;
	s18 =	sand.u32 $0x3800, s14;
	v26 =	vor.u32 v28, v27;
	v27 =	vadd.s32 v2, v29;
	v24 =	vmax.f32 v25, v24  }
0x73: {  	s19 =	sand.u32 $0x380, s16;
	s18 =	sadd.s32 s18, s15;
	v25 =	vor.u32 v28, v27;
	v27 =	vadd.s32 v9, v29;
	v23 =	vmax.f32 v24, v23  }
0x74: {  	s18 =	sadd.s32 s19, s18;
	v24 =	vor.u32 v28, v27;
	v27 =	vadd.s32 v5, v29;
	v22 =	vmax.f32 v23, v22  }
0x75: {  	v23 =	vor.u32 v28, v27;
	v27 =	vadd.s32 v3, v29;
	[tilespmem:v21+s18+$0x0 ss:$0x1] =	vst.idx.msk $0xffff, v22  }
0x76: {  	v27 =	vor.u32 v28, v27;
	v22 =	vld.idx.msk [tilespmem:v30+s2+$0x0], $0xffff;
	v30 =	vadd.s32 v7, v29  }
0x77: {  	v31 =	vadd.s32 v6, v29;
	v26 =	vld.idx.msk [tilespmem:v26+s2+$0x0], $0xffff;
	v30 =	vor.u32 v28, v30  }
0x78: {  	v32 =	vadd.s32 v8, v29;
	v31 =	vor.u32 v28, v31;
	v25 =	vld.idx.msk [tilespmem:v25+s2+$0x0], $0xffff  }
0x79: {  	v33 =	vadd.s32 v13, v29;
	v32 =	vor.u32 v28, v32;
	v24 =	vld.idx.msk [tilespmem:v24+s2+$0x0], $0xffff  }
0x7a: {  	v34 =	vadd.s32 v11, v29;
	v33 =	vor.u32 v28, v33;
	v23 =	vld.idx.msk [tilespmem:v23+s2+$0x0], $0xffff  }
0x7b: {  	v35 =	vadd.s32 v10, v29;
	v34 =	vor.u32 v28, v34;
	v27 =	vld.idx.msk [tilespmem:v27+s2+$0x0], $0xffff  }
0x7c: {  	v36 =	vadd.s32 v16, v29;
	v35 =	vor.u32 v28, v35;
	v30 =	vld.idx.msk [tilespmem:v30+s2+$0x0], $0xffff  }
0x7d: {  	v22 =	vmax.f32 v26, v22;
	v26 =	vld.idx.msk [tilespmem:v31+s2+$0x0], $0xffff;
	v31 =	vor.u32 v28, v36;
	v36 =	vadd.s32 v12, v29  }
0x7e: {  	v22 =	vmax.f32 v22, v25;
	v25 =	vld.idx.msk [tilespmem:v32+s2+$0x0], $0xffff;
	v32 =	vor.u32 v28, v36;
	v36 =	vadd.s32 v14, v29  }
0x7f: {  	v22 =	vmax.f32 v22, v24;
	v24 =	vld.idx.msk [tilespmem:v33+s2+$0x0], $0xffff;
	v33 =	vor.u32 v28, v36;
	v36 =	vadd.s32 v15, v29  }
0x80: {  	v22 =	vmax.f32 v22, v23;
	v23 =	vld.idx.msk [tilespmem:v34+s2+$0x0], $0xffff;
	v34 =	vor.u32 v28, v36;
	v36 =	vadd.s32 v17, v29  }
0x81: {  	v22 =	vmax.f32 v22, v27;
	v27 =	vadd.s32 v18, v29;
	v35 =	vld.idx.msk [tilespmem:v35+s2+$0x0], $0xffff;
	v36 =	vor.u32 v28, v36  }
0x82: {  	v22 =	vmax.f32 v22, v30;
	v30 =	vld.idx.msk [tilespmem:v31+s2+$0x0], $0xffff;
	v31 =	vor.u32 v28, v27;
	v27 =	vadd.s32 v19, v29  }
0x83: {  	v22 =	vmax.f32 v22, v26;
	v32 =	vld.idx.msk [tilespmem:v32+s2+$0x0], $0xffff;
	v37 =	vor.u32 v28, v27;
	v27 =	vadd.s32 v20, v29  }
0x84: {  	v22 =	vmax.f32 v22, v25;
	v26 =	vld.idx.msk [tilespmem:v33+s2+$0x0], $0xffff;
	v33 =	vor.u32 v28, v27  }
.Ltmp0:
0x85: {  	v22 =	vmax.f32 v22, v24;
	v27 =	vld.idx.msk [tilespmem:v34+s2+$0x0], $0xffff;
	(pc) =	sbr.rel @p0 .LBB2_3-.Ltmp0, $4  }
0x86: {  	v22 =	vmax.f32 v22, v23;
	v25 =	vld.idx.msk [tilespmem:v36+s2+$0x0], $0xffff  }
0x87: {  	v22 =	vmax.f32 v22, v35;
	v24 =	vld.idx.msk [tilespmem:v31+s2+$0x0], $0xffff  }
0x88: {  	v28 =	vmov s17;
	v22 =	vmax.f32 v22, v30;
	v23 =	vld.idx.msk [tilespmem:v37+s2+$0x0], $0xffff  }
0x89: {  	s17 =	sadd.s32 $0x1, s17;
	v29 =	vshll.u32 v28, $0xA;
	v30 =	vmax.f32 v22, v32;
	v22 =	vld.idx.msk [tilespmem:v33+s2+$0x0], $0xffff  }
0x8a: {  	v29 =	vand.u32 $0xE000, v29;
	v28 =	vshll.u32 v28, $0x7;
	v26 =	vmax.f32 v30, v26  }
0x8b: {  	v28 =	vand.u32 $0x380, v28;
	v4 =	vadd.s32 v4, v29;
	v26 =	vmax.f32 v26, v27  }
0x8c: {  	s14 =	sadd.s32 $0x100, s14;
	v1 =	vadd.s32 v1, v29;
	v4 =	vor.u32 v28, v4;
	v25 =	vmax.f32 v26, v25  }
0x8d: {  	s16 =	sadd.s32 $0x80, s16;
	v2 =	vadd.s32 v2, v29;
	s17 =	sand.u32 $0x3800, s14;
	v1 =	vor.u32 v28, v1;
	v24 =	vmax.f32 v25, v24  }
0x8e: {  	v9 =	vadd.s32 v9, v29;
	s18 =	sand.u32 $0x380, s16;
	v2 =	vor.u32 v28, v2;
	s17 =	sadd.s32 s17, s15;
	v23 =	vmax.f32 v24, v23  }
0x8f: {  	v5 =	vadd.s32 v5, v29;
	v9 =	vor.u32 v28, v9;
	s17 =	sadd.s32 s18, s17;
	v22 =	vmax.f32 v23, v22  }
0x90: {  	v3 =	vadd.s32 v3, v29;
	v5 =	vor.u32 v28, v5;
	[tilespmem:v21+s17+$0x0 ss:$0x1] =	vst.idx.msk $0xffff, v22  }
0x91: {  	v7 =	vadd.s32 v7, v29;
	v3 =	vor.u32 v28, v3;
	v4 =	vld.idx.msk [tilespmem:v4+s2+$0x0], $0xffff  }
0x92: {  	v6 =	vadd.s32 v6, v29;
	v7 =	vor.u32 v28, v7;
	v1 =	vld.idx.msk [tilespmem:v1+s2+$0x0], $0xffff  }
0x93: {  	v8 =	vadd.s32 v8, v29;
	v6 =	vor.u32 v28, v6;
	v2 =	vld.idx.msk [tilespmem:v2+s2+$0x0], $0xffff  }
0x94: {  	v13 =	vadd.s32 v13, v29;
	v8 =	vor.u32 v28, v8;
	v9 =	vld.idx.msk [tilespmem:v9+s2+$0x0], $0xffff  }
0x95: {  	v11 =	vadd.s32 v11, v29;
	v13 =	vor.u32 v28, v13;
	v5 =	vld.idx.msk [tilespmem:v5+s2+$0x0], $0xffff  }
0x96: {  	v10 =	vadd.s32 v10, v29;
	v11 =	vor.u32 v28, v11;
	v3 =	vld.idx.msk [tilespmem:v3+s2+$0x0], $0xffff  }
0x97: {  	v16 =	vadd.s32 v16, v29;
	v10 =	vor.u32 v28, v10;
	v7 =	vld.idx.msk [tilespmem:v7+s2+$0x0], $0xffff;
	v1 =	vmax.f32 v1, v4  }
0x98: {  	v12 =	vadd.s32 v12, v29;
	v44 =	vor.u32 v28, v16;
	v43 =	vld.idx.msk [tilespmem:v6+s2+$0x0], $0xffff;
	v1 =	vmax.f32 v1, v2  }
0x99: {  	v46 =	vadd.s32 v14, v29;
	v45 =	vor.u32 v28, v12;
	v2 =	vld.idx.msk [tilespmem:v8+s2+$0x0], $0xffff;
	v1 =	vmax.f32 v1, v9  }
0x9a: {  	v48 =	vadd.s32 v15, v29;
	v12 =	vor.u32 v28, v46;
	v47 =	vld.idx.msk [tilespmem:v13+s2+$0x0], $0xffff;
	v1 =	vmax.f32 v1, v5  }
0x9b: {  	v51 =	vadd.s32 v17, v29;
	v50 =	vor.u32 v28, v48;
	v49 =	vld.idx.msk [tilespmem:v11+s2+$0x0], $0xffff;
	v1 =	vmax.f32 v1, v3  }
0x9c: {  	v53 =	vadd.s32 v18, v29;
	v52 =	vor.u32 v28, v51;
	v3 =	vld.idx.msk [tilespmem:v10+s2+$0x0], $0xffff;
	v1 =	vmax.f32 v1, v7  }
0x9d: {  	v55 =	vadd.s32 v19, v29;
	v54 =	vor.u32 v28, v53;
	v6 =	vld.idx.msk [tilespmem:v44+s2+$0x0], $0xffff;
	v1 =	vmax.f32 v1, v43  }
0x9e: {  	v58 =	vadd.s32 v20, v29;
	v57 =	vor.u32 v28, v55;
	v56 =	vld.idx.msk [tilespmem:v45+s2+$0x0], $0xffff;
	v1 =	vmax.f32 v1, v2  }
0x9f: {  	v59 =	vor.u32 v28, v58;
	v2 =	vld.idx.msk [tilespmem:v12+s2+$0x0], $0xffff;
	v1 =	vmax.f32 v1, v47  }
0xa0: {  	v60 =	vld.idx.msk [tilespmem:v50+s2+$0x0], $0xffff;
	v1 =	vmax.f32 v1, v49  }
0xa1: {  	v61 =	vld.idx.msk [tilespmem:v52+s2+$0x0], $0xffff;
	v1 =	vmax.f32 v1, v3  }
0xa2: {  	v3 =	vld.idx.msk [tilespmem:v54+s2+$0x0], $0xffff;
	v1 =	vmax.f32 v1, v6  }
0xa3: {  	v62 =	vld.idx.msk [tilespmem:v57+s2+$0x0], $0xffff;
	v1 =	vmax.f32 v1, v56  }
0xa4: {  	s13 =	sadd.s32 $0x1, s13;
	v63 =	vld.idx.msk [tilespmem:v59+s2+$0x0], $0xffff;
	v1 =	vmax.f32 v1, v2  }
0xa5: {  	p0 =	sne.s32 s13, $0x10;
	v1 =	vmax.f32 v1, v60  }
.Ltmp1:
0xa6: {  	s14 =	sadd.s32 $0x100, s14;
	v1 =	vmax.f32 v1, v61;
	(pc) =	sbr.rel @p0 .LBB2_2-.Ltmp1, $4  }
0xa7: {  	s16 =	sadd.s32 $0x80, s16;
	s14 =	sand.u32 $0x3800, s14;
	v1 =	vmax.f32 v1, v3  }
0xa8: {  	s16 =	sand.u32 $0x380, s16;
	s14 =	sadd.s32 s14, s15;
	v1 =	vmax.f32 v1, v62  }
0xa9: {  	s14 =	sadd.s32 s16, s14;
	v1 =	vmax.f32 v1, v63  }
0xaa: {  	[tilespmem:v21+s14+$0x0 ss:$0x1] =	vst.idx.msk $0xffff, v1  }
0xab: {  	s12 =	sadd.s32 $0x1, s12  }
0xac: {  	p0 =	sne.s32 s12, s6  }
.Ltmp2:
0xad: {  	_ = 	snop;
	(pc) =	sbr.rel @p0 .LBB2_1-.Ltmp2, $4  }
0xae: {  	[hbm4b:s5+s9] =	stream.strided.scatter [tilespmem:s11], [sflag:$0x1], $0x3000, s10, s9, $0x38;
	[tilespmem:$0x17000] =	vst v63  }
0xaf: {  	_ =	swait.ge [sflag:s7], $0x3000  }
0xb0: {  	[sflag:s7] =	ssyncset.done $0x0  }
0xb1: {  	[sflag:s7] =	ssyncadd.s32 $0xFFFFD000  }
0xb2: {  	_ =	sfence.sel $0x180000  }
0xb3: {  	[bflag:$0x0] =	sbarrier.arrive $0xFFFF  }
0xb4: {  	p0 =	sne.s32 s1, $0x0;
	_ =	strace $0x90000050  }
0xb5: {  	s0 =	sadd.s32 @!p0 $0x100000, s0;
	[bflag:$0x2] =	sbarrier.arrive $0xFFFF  }
0xb6: {  	[sflag:s0] =	ssyncadd.tile.s32 @!p0 $0x1;
	_ =	shalt  }
.Lfunc_end2:
_tile_overlayer_lowered:
.L_overlay_start_2:
0xb7: {  	(tag) =	ssettag $0x2  }
0xb8: {  	s0 =	rddreg [dreg:$0x0];
	s2 =	stileid.u32  }
0xb9: {  	s1 =	rddreg [dreg:$0x1];
	p0 =	sne.s32 s2, $0x0  }
0xba: {  	s3 =	rddreg [dreg:$0x2];
	[bflag:$0x3] =	sbarrier.arrive $0xFFFF;
	s2 =	simm.s32 @!p0 $0x1C01  }
0xbb: {  	[timem:s3], [sflag:s2] =	dma.local @!p0 [hbm:s0], s1  }
0xbc: {  	s0 =	simm.s32 @!p0 $0x1  }
0xbd: {  	_ =	swait.ge @!p0 [sflag:s0], s1  }
0xbe: {  	s1 =	ssub.s32 @!p0 $0x0, s1;
	[sflag:s0] =	ssyncset.done @!p0 $0x0  }
0xbf: {  	[sflag:s0] =	ssyncadd.s32 @!p0 s1  }
0xc0: {  	[bflag:$0x3] =	sbarrier.arrive $0xFFFF  }
0xc1: {  	_ =	shalt  }

// kernel: kernel.15.cloned.1.call-start
scs
__scs_entry_jumppad:
0x0: {  	(pc) =	sbr.rel $0x88, $3  }
0x1: {  	(tag) =	ssettag $0x0;
	lr =	simm.s32 $0x1  }
0x2: {  	[smem:$0x3F9A] =	sst lr;
	_ =	strace $0xD0000000  }
0x3: {  	_ = 	snop  }
0x4: {  	_ = 	snop  }
0x5: {  	_ = 	snop  }
0x6: {  	_ = 	snop  }
0x7: {  	_ = 	snop  }
__scs_overlays_trampoline_lowered:
0x8: {  	[smem:$0x3FA9] =	sst s0  }
0x9: {  	[smem:$0x3FAA] =	sst s1  }
0xa: {  	[smem:$0x3FAB] =	sst s2  }
0xb: {  	[smem:$0x3FAC] =	sst s3  }
0xc: {  	[smem:$0x3FAD] =	sst s4  }
0xd: {  	[smem:$0x3FAE] =	sst s5  }
0xe: {  	[smem:$0x3FAF] =	sst s6  }
0xf: {  	[smem:$0x3FB0] =	sst s7  }
0x10: {  	[smem:$0x3FB1] =	sst s8  }
0x11: {  	[smem:$0x3FB2] =	sst s9;
	s0 =	simm.s32 @!p0 $0x0  }
0x12: {  	s1 =	sld [smem:$0x3F98];
	s0 =	simm.s32 @p0 $0x1  }
0x13: {  	[smem:$0x3FB3] =	sst s0;
	s0 =	simm.s32 @!p1 $0x0  }
0x14: {  	s2 =	sld [smem:$0x3F97];
	s0 =	simm.s32 @p1 $0x1  }
0x15: {  	[smem:$0x3FB4] =	sst s0;
	s0 =	simm.s32 @!p2 $0x0  }
0x16: {  	s3 =	sld [smem:$0x3FDB];
	s0 =	simm.s32 @p2 $0x1  }
0x17: {  	s4 =	simm.s32 $0x1BF5;
	[smem:$0x3FB6] =	sst s0  }
0x18: {  	s0 =	sld [smem:$0x3F99];
	_ =	swait.ge [sflag:s4], $0x0  }
0x19: {  	s7 =	sld [smem:$0x3F9A]  }
0x1a: {  	s8 =	sadd.s32 $0xFFFFE003, lr  }
0x1b: {  	s9 =	sadd.s32 $0xFFFFFEF7, lr;
	s5 =	simm.s32 $0xFFFFFFFF;
	p2 =	slt.u32 s8, $0xFFFFF086  }
0x1c: {  	p1 =	slt.u32 s9, $0xF7A;
	s5 =	simm.s32 @!p2 $0x0  }
0x1d: {  	s5 =	simm.s32 @p1 $0x1;
	p0 =	seq.s32 s7, s2  }
0x1e: {  	s7 =	smul.u32 @!p0 $0xF7A, s2;
	p2 =	seq.s32 @!p0 s5, $0x0  }
0x1f: {  	s9 =	smul.u32 $0xF7A, s1;
	s8 =	simm.s32 @!p0 $0x1BF5;
	p2 =	por !p2, p0  }
0x20: {  	[sflag:s8] =	ssyncset.s32 @!p0 $0xFFFFF086;
	s6 =	sadd.s32 @!p0 s3, s7;
	s7 =	simm.s32 @!p0 $0x108  }
0x21: {  	s3 =	sadd.s32 s3, s9;
	s6 =	sadd.s32 @!p0 $0x88, s6;
	s7 =	simm.s32 @p2 $0x1082  }
0x22: {  	[simem:s7], [sflag:s8] =	dma.local @!p0 [hbm:s6], $0xF7A  }
0x23: {  	s9 =	sor.u32 $0xD0000000, s2;
	s6 =	simm.s32 $0x108;
	_ =	swait.ge @!p0 [sflag:s8], $0x0  }
0x24: {  	s3 =	sadd.s32 $0x88, s3;
	s6 =	simm.s32 @!p1 $0x1082;
	[sflag:s4] =	ssyncset.s32 $0xFFFFF086  }
0x25: {  	[simem:s6], [sflag:s4] =	dma.local [hbm:s3], $0xF7A  }
0x26: {  	[smem:$0x3F9A] =	sst s1;
	(tag) =	ssettag s2;
	_ =	strace s9  }
0x27: {  	s1 =	sld [smem:$0x3FAA]  }
0x28: {  	s2 =	sld [smem:$0x3FAB]  }
0x29: {  	s4 =	sld [smem:$0x3FAD]  }
0x2a: {  	p0 =	seq.s32 s5, $0x0;
	s5 =	sld [smem:$0x3FAE]  }
0x2b: {  	s6 =	sld [smem:$0x3FAF]  }
0x2c: {  	s7 =	sld [smem:$0x3FB0]  }
0x2d: {  	s3 =	simm.s32 $0x108;
	s8 =	sld [smem:$0x3FB1]  }
0x2e: {  	s3 =	simm.s32 @!p0 $0x1082;
	s9 =	sld [smem:$0x3FB2]  }
0x2f: {  	lr =	sadd.s32 s0, s3;
	s0 =	sld [smem:$0x3FA9]  }
0x30: {  	s3 =	sld [smem:$0x3FAC]  }
0x31: {  	[smem:$0x3FB5] =	sst s10  }
0x32: {  	s10 =	sld [smem:$0x3FB3];
	_ =	sdelay $0x3  }
0x33: {  	p0 =	seq.s32 s10, $0x1;
	s10 =	sld [smem:$0x3FB5];
	_ =	sdelay $0x3  }
0x34: {  	[smem:$0x3FB5] =	sst s10  }
0x35: {  	s10 =	sld [smem:$0x3FB4];
	_ =	sdelay $0x3  }
0x36: {  	p1 =	seq.s32 s10, $0x1;
	s10 =	sld [smem:$0x3FB5];
	_ =	sdelay $0x3  }
0x37: {  	[smem:$0x3FB5] =	sst s10  }
0x38: {  	s10 =	sld [smem:$0x3FB6]  }
0x39: {  	_ = 	snop;
	(pc) =	sbr.ind lr, $3  }
0x3a: {  	_ = 	snop  }
0x3b: {  	_ = 	snop  }
0x3c: {  	p2 =	seq.s32 s10, $0x1;
	s10 =	sld [smem:$0x3FB5]  }
0x3d: {  	_ =	shalt  }
0x3e: {  	_ =	shalt  }
0x3f: {  	_ =	shalt  }
0x40: {  	_ =	shalt  }
0x41: {  	_ =	shalt  }
0x42: {  	_ =	shalt  }
0x43: {  	_ =	shalt  }
0x44: {  	_ =	shalt  }
0x45: {  	_ =	shalt  }
0x46: {  	_ =	shalt  }
0x47: {  	_ =	shalt  }
0x48: {  	_ =	shalt  }
0x49: {  	_ =	shalt  }
0x4a: {  	_ =	shalt  }
0x4b: {  	_ =	shalt  }
0x4c: {  	_ =	shalt  }
0x4d: {  	_ =	shalt  }
0x4e: {  	_ =	shalt  }
0x4f: {  	_ =	shalt  }
0x50: {  	_ =	shalt  }
0x51: {  	_ =	shalt  }
0x52: {  	_ =	shalt  }
0x53: {  	_ =	shalt  }
0x54: {  	_ =	shalt  }
0x55: {  	_ =	shalt  }
0x56: {  	_ =	shalt  }
0x57: {  	_ =	shalt  }
0x58: {  	_ =	shalt  }
0x59: {  	_ =	shalt  }
0x5a: {  	_ =	shalt  }
0x5b: {  	_ =	shalt  }
0x5c: {  	_ =	shalt  }
0x5d: {  	_ =	shalt  }
0x5e: {  	_ =	shalt  }
0x5f: {  	_ =	shalt  }
0x60: {  	_ =	shalt  }
0x61: {  	_ =	shalt  }
0x62: {  	_ =	shalt  }
0x63: {  	_ =	shalt  }
0x64: {  	_ =	shalt  }
0x65: {  	_ =	shalt  }
0x66: {  	_ =	shalt  }
0x67: {  	_ =	shalt  }
0x68: {  	_ =	shalt  }
0x69: {  	_ =	shalt  }
0x6a: {  	_ =	shalt  }
0x6b: {  	_ =	shalt  }
0x6c: {  	_ =	shalt  }
0x6d: {  	_ =	shalt  }
0x6e: {  	_ =	shalt  }
0x6f: {  	_ =	shalt  }
0x70: {  	_ =	shalt  }
0x71: {  	_ =	shalt  }
0x72: {  	_ =	shalt  }
0x73: {  	_ =	shalt  }
0x74: {  	_ =	shalt  }
0x75: {  	_ =	shalt  }
0x76: {  	_ =	shalt  }
0x77: {  	_ =	shalt  }
0x78: {  	_ =	shalt  }
0x79: {  	_ =	shalt  }
0x7a: {  	_ =	shalt  }
0x7b: {  	_ =	shalt  }
0x7c: {  	_ =	shalt  }
0x7d: {  	_ =	shalt  }
0x7e: {  	_ =	shalt  }
0x7f: {  	_ =	shalt  }
0x80: {  	_ =	shalt  }
0x81: {  	_ =	shalt  }
0x82: {  	_ =	shalt  }
0x83: {  	_ =	shalt  }
0x84: {  	_ =	shalt  }
0x85: {  	_ =	shalt  }
0x86: {  	_ =	shalt  }
0x87: {  	_ =	shalt  }
.Lfunc_end0:
.L_simem_size_0:
called_computation.1_lowered:
.L_overlay_start_0:
0x88: {  	s2 =	sld [smem:$0x3FD9]  }
0x89: {  	s3 =	sld [smem:$0x3FFE];
	_ =	sdelay $0x1  }
0x8a: {  	s1 =	srdreg.scid  }
0x8b: {  	s0 =	sand.u32 $0x1, s1  }
0x8c: {  	s16 =	sshll.u32 s0, $0xA;
	s2 =	sadd.s32 s3, s2  }
0x8d: {  	s2 =	sadd.s32 s2, s16  }
0x8e: {  	[smem:$0x3FC1] =	sst s2  }
0x8f: {  	_ = 	snop  }
0x90: {  	(tm) =	ssettm $0x1  }
0x91: {  	s17 =	sld [smem:$0x3FFB];
	_ =	sdelay $0x3  }
0x92: {  	_ =	strace s17  }
0x93: {  	s2 =	sld [smem:$0x3FFC];
	_ =	sdelay $0x3  }
0x94: {  	_ =	strace s2  }
0x95: {  	s2 =	sld [smem:$0x3FFD];
	_ =	sdelay $0x3  }
0x96: {  	_ =	strace s2  }
0x97: {  	_ =	strace $0x8FFFFFFF  }
0x98: {  	s18 =	sld [smem:$0x3FDB];
	_ =	sdelay $0x1  }
0x99: {  	s19 =	simm.s32 $_scs_section_size  }
0x9a: {  	s4 =	simm.s32 $_size__tile_overlayer_lowered;
	s5 =	simm.s32 $_tile_overlayer_lowered  }
0x9b: {  	s22 =	simm.s32 $0x1BFF;
	s21 =	sshll.u32 s5, $0x1;
	s2 =	sadd.s32 s19, s18  }
0x9c: {  	s6 =	simm.s32 $0x0;
	s20 =	sshll.u32 s4, $0x1;
	s4 =	sadd.s32 s21, s2  }
0x9d: {  	[timem:s6], [sflag:s22] =	dma.local [hbm:s4], s20  }
0x9e: {  	_ =	swait.ge [sflag:s22], s20  }
0x9f: {  	s3 =	ssub.s32 $0x0, s20;
	[sflag:s22] =	ssyncset.done $0x0  }
0xa0: {  	[sflag:s22] =	ssyncadd.s32 s3;
	_ =	sdelay $0x1  }
0xa1: {  	s23 =	simm.s32 $0x1B8B  }
0xa2: {  	_ =	swait.ge [sflag:s23], $0x1  }
0xa3: {  	[sflag:s23] =	ssyncset.done $0x0  }
0xa4: {  	s25 =	simm.s32 $0x1B8E;
	s24 =	sld [smem:$0x3FFE];
	[sflag:s23] =	ssyncadd.s32 $0xFFFFFFFF  }
0xa5: {  	s26 =	simm.s32 $execute0_lowered;
	[smem:$0x3FD2] =	sst s25  }
0xa6: {  	s4 =	sshll.u32 s26, $0x1;
	_ =	strace $0x80000046;
	[dreg:$0x1] =	wrdreg $0xFFFFFFFF  }
0xa7: {  	s28 =	simm.s32 $_size_execute0_lowered;
	s2 =	sadd.s32 s2, s4;
	[dreg:$0x0] =	wrdreg $0x0  }
0xa8: {  	s4 =	sshll.u32 s28, $0x1;
	[dreg:$0x2] =	wrdreg s2  }
0xa9: {  	[dreg:$0x3] =	wrdreg s4  }
0xaa: {  	[dreg:$0x4] =	wrdreg $0xC0  }
0xab: {  	_ =	task [dreg:s6], $0x5FFFF  }
0xac: {  	[dreg:$0x1] =	wrdreg $0xFFFFFFFF  }
0xad: {  	[dreg:$0x0] =	wrdreg $0x60  }
0xae: {  	[dreg:$0x2] =	wrdreg s24  }
0xaf: {  	[dreg:$0x3] =	wrdreg $0xA  }
0xb0: {  	_ =	task.clear_ibuf [dreg:s6], $0x4FFFF;
	_ =	strace $0x90000046  }
0xb1: {  	s29 =	simm.s32 $0xA;
	_ =	strace $0x80000048  }
0xb2: {  	_ =	swait.ge [sflag:s29], $0x1  }
0xb3: {  	[sflag:s29] =	ssyncadd.s32 $0xFFFFFFFF  }
0xb4: {  	_ =	strace $0x90000048  }
0xb5: {  	_ =	sfence  }
0xb6: {  	s30 =	sld [smem:$0x0];
	_ =	sdelay $0x2  }
0xb7: {  	s31 =	sshll.u32 s1, $0xD;
	s1 =	sshrl.u32 s1, $0x2  }
0xb8: {  	s3 =	sand.u32 $0x4000, s31;
	s1 =	sadd.s32 s1, s30  }
0xb9: {  	s0 =	sor.u32 s3, s0;
	s1 =	sshll.u32 s1, $0x11  }
0xba: {  	s0 =	sor.u32 s1, s0  }
0xbb: {  	s0 =	sadd.s32 $0x8F2B, s0  }
0xbc: {  	[sflag:s0] =	ssyncadd.remote.s32 $0x1  }
0xbd: {  	_ =	sfence.sel $0xFFFF  }
0xbe: {  	[dreg:$0x0] =	wrdreg $0xFFFFFFFF;
	(pc) =	sbr.abs _section_cstart, $3  }
0xbf: {  	[dreg:$0x1] =	wrdreg $0xFFFFFFFF  }
0xc0: {  	_ =	task.clear_ibuf [dreg:s6], $0x2FFFF;
	_ =	strace $0x9FFFFFFF  }
0xc1: {  	(tm) =	ssettm $0x7FFFFFFF  }
tec
execute0_lowered:
.L_overlay_start_1:
0x0: {  	(tag) =	ssettag $0x1  }
0x1: {  	s3 =	rddreg [dreg:$0x0]  }
0x2: {  	s0 =	rddreg [dreg:$0x1]  }
0x3: {  	s1 =	stileid.u32;
	s4 =	srdreg.scid  }
0x4: {  	s2 =	simm.s32 $0x0;
	s9 =	simm.s32 $0x800;
	s10 =	simm.s32 $0x2000  }
0x5: {  	s11 =	simm.s32 $0x14000;
	s12 =	simm.s32 $0x0;
	s5 =	sshrl.u32 s1, $0x1  }
0x6: {  	s4 =	sand.u32 $0x1, s4;
	s7 =	sshll.u32 s1, $0x9;
	[smem:$0x7FF] =	sst s2  }
0x7: {  	s6 =	smul.u32 $0x1800, s5;
	s8 =	sshll.u32 s4, $0x8;
	s5 =	sshll.u32 s5, $0xA  }
0x8: {  	_ =	strace $0x80000047;
	s4 =	ssub.s32 $0x2, s4;
	s7 =	sor.u32 s8, s7  }
0x9: {  	s31 =	sshrl.u32 s4, $0x1;
	s8 =	simm.s32 $0xC000;
	s5 =	ssub.s32 s7, s5  }
0xa: {  	s29 =	sadd.s32 s6, s3;
	s7 =	sshll.u32 s5, $0x4;
	s5 =	sadd.s32 s6, s5  }
0xb: {  	s30 =	sadd.s32 s7, s3;
	s5 =	sand.u32 $0x1FFFFF00, s5;
	s7 =	ssub.s32 s4, s31  }
0xc: {  	v0 =	vlaneseq.u32;
	s5 =	sadd.s32 s5, s3;
	s3 =	sadd.s32 $0x4A00, s29;
	s4 =	sadd.s32 $0x10A00, s30  }
0xd: {  	v0 =	vmul.u32 $0x80, v0;
	s6 =	smax.u32 s7, $0x1;
	s7 =	simm.s32 $0x1;
	s5 =	sadd.s32 $0x34A00, s5  }
.LBB2_1:
0xe: {  	[tilespmem:s2], [sflag:$0x1] =	stream.linear.gather [hbm4b:s3+s2], $0xC000, $0x38;
	[tilespmem:$0x17000] =	vst v63  }
0xf: {  	_ =	swait.ge [sflag:s7], $0xC000  }
0x10: {  	[sflag:s7] =	ssyncset.done $0x0  }
0x11: {  	[sflag:s7] =	ssyncadd.s32 $0xFFFF4000  }
0x12: {  	[tilespmem:s8], [sflag:$0x1] =	stream.linear.gather [hbm4b:s4+s2], $0x8000, $0x38;
	[tilespmem:$0x17000] =	vst v63  }
0x13: {  	_ =	swait.ge [sflag:s7], $0x8000  }
0x14: {  	[sflag:s7] =	ssyncset.done $0x0  }
0x15: {  	s13 =	simm.s32 $0x0;
	[sflag:s7] =	ssyncadd.s32 $0xFFFF8000  }
.LBB2_2:
0x16: {  	s15 =	sshll.u32 s13, $0x4  }
0x17: {  	v1 =	vmov s15  }
0x18: {  	v1 =	vshll.u32 v1, $0x7  }
0x19: {  	v1 =	vor.u32 v0, v1  }
0x1a: {  	v2 =	vor.u32 $0x1, v1;
	_ =	sdelay $0x1  }
0x1b: {  	v3 =	vor.u32 $0x2, v1  }
0x1c: {  	v7 =	vor.u32 $0x5, v1  }
0x1d: {  	v4 =	vor.u32 $0x3, v1;
	v5 =	vld.idx.msk [tilespmem:v1+s8+$0x0], $0xffff  }
0x1e: {  	v6 =	vor.u32 $0x4, v1;
	v8 =	vor.u32 $0x6, v1;
	v9 =	vor.u32 $0x7, v1;
	v2 =	vld.idx.msk [tilespmem:v2+s8+$0x0], $0xffff  }
0x1f: {  	v10 =	vor.u32 $0x8, v1;
	v11 =	vor.u32 $0x9, v1;
	v12 =	vor.u32 $0xA, v1  }
0x20: {  	v13 =	vor.u32 $0xB, v1;
	v14 =	vor.u32 $0xC, v1;
	v15 =	vor.u32 $0xD, v1;
	v3 =	vld.idx.msk [tilespmem:v3+s8+$0x0], $0xffff  }
0x21: {  	v17 =	vor.u32 $0xE, v1;
	v18 =	vor.u32 $0xF, v1;
	v19 =	vor.u32 $0x10, v1;
	v7 =	vld.idx.msk [tilespmem:v7+s8+$0x0], $0xffff  }
0x22: {  	v20 =	vor.u32 $0x11, v1;
	v21 =	vor.u32 $0x12, v1;
	v22 =	vor.u32 $0x13, v1;
	v16 =	vld.idx.msk [tilespmem:v4+s8+$0x0], $0xffff  }
0x23: {  	v6 =	vld.idx.msk [tilespmem:v6+s8+$0x0], $0xffff;
	v1 =	vand.u32 $0x7F, v5;
	v4 =	vshll.u32 v5, $0x3;
	v5 =	vshll.u32 v2, $0x3  }
0x24: {  	v4 =	vand.u32 $0xFFFFFC00, v4;
	v2 =	vand.u32 $0x7F, v2;
	v5 =	vand.u32 $0xFFFFFC00, v5  }
0x25: {  	v8 =	vld.idx.msk [tilespmem:v8+s8+$0x0], $0xffff;
	v1 =	vor.u32 v1, v4;
	v4 =	vor.u32 v2, v5;
	v2 =	vshll.u32 v3, $0x3  }
0x26: {  	v23 =	vld.idx.msk [tilespmem:v9+s8+$0x0], $0xffff;
	v9 =	vshll.u32 v7, $0x3;
	v3 =	vand.u32 $0x7F, v3;
	v2 =	vand.u32 $0xFFFFFC00, v2  }
0x27: {  	v7 =	vand.u32 $0x7F, v7;
	v5 =	vshll.u32 v16, $0x3;
	v2 =	vor.u32 v3, v2  }
0x28: {  	v10 =	vld.idx.msk [tilespmem:v10+s8+$0x0], $0xffff;
	v3 =	vand.u32 $0x7F, v16;
	v16 =	vand.u32 $0x7F, v6;
	v6 =	vshll.u32 v6, $0x3  }
0x29: {  	v13 =	vld.idx.msk [tilespmem:v13+s8+$0x0], $0xffff;
	v24 =	vand.u32 $0xFFFFFC00, v9;
	v5 =	vand.u32 $0xFFFFFC00, v5;
	v6 =	vand.u32 $0xFFFFFC00, v6  }
0x2a: {  	v11 =	vld.idx.msk [tilespmem:v11+s8+$0x0], $0xffff;
	v9 =	vor.u32 v3, v5;
	v3 =	vor.u32 v7, v24;
	v7 =	vshll.u32 v8, $0x3  }
0x2b: {  	v12 =	vld.idx.msk [tilespmem:v12+s8+$0x0], $0xffff;
	v5 =	vor.u32 v16, v6;
	v6 =	vand.u32 $0x7F, v8;
	v8 =	vshll.u32 v23, $0x3  }
0x2c: {  	v7 =	vand.u32 $0xFFFFFC00, v7;
	v16 =	vand.u32 $0x7F, v23;
	v8 =	vand.u32 $0xFFFFFC00, v8  }
0x2d: {  	v14 =	vld.idx.msk [tilespmem:v14+s8+$0x0], $0xffff;
	v7 =	vor.u32 v6, v7;
	v6 =	vor.u32 v16, v8;
	v8 =	vshll.u32 v10, $0x3  }
0x2e: {  	v15 =	vld.idx.msk [tilespmem:v15+s8+$0x0], $0xffff;
	v23 =	vshll.u32 v13, $0x3;
	v10 =	vand.u32 $0x7F, v10;
	v8 =	vand.u32 $0xFFFFFC00, v8  }
0x2f: {  	v16 =	vshll.u32 v11, $0x3;
	v8 =	vor.u32 v10, v8;
	v10 =	vand.u32 $0x7F, v11  }
0x30: {  	v17 =	vld.idx.msk [tilespmem:v17+s8+$0x0], $0xffff;
	v11 =	vand.u32 $0xFFFFFC00, v16;
	v16 =	vand.u32 $0x7F, v12;
	v12 =	vshll.u32 v12, $0x3  }
0x31: {  	v18 =	vld.idx.msk [tilespmem:v18+s8+$0x0], $0xffff;
	v24 =	vand.u32 $0x7F, v13;
	v23 =	vand.u32 $0xFFFFFC00, v23;
	v12 =	vand.u32 $0xFFFFFC00, v12  }
0x32: {  	v13 =	vor.u32 v10, v11;
	v10 =	vor.u32 v24, v23;
	v11 =	vor.u32 v16, v12  }
0x33: {  	v19 =	vld.idx.msk [tilespmem:v19+s8+$0x0], $0xffff;
	v12 =	vand.u32 $0x7F, v14;
	v14 =	vshll.u32 v14, $0x3;
	v16 =	vshll.u32 v15, $0x3  }
0x34: {  	v15 =	vand.u32 $0x7F, v15;
	v14 =	vand.u32 $0xFFFFFC00, v14;
	v23 =	vand.u32 $0xFFFFFC00, v16  }
0x35: {  	v16 =	vor.u32 v12, v14;
	v12 =	vor.u32 v15, v23;
	v14 =	vshll.u32 v17, $0x3  }
0x36: {  	v20 =	vld.idx.msk [tilespmem:v20+s8+$0x0], $0xffff;
	v15 =	vand.u32 $0x7F, v17;
	v17 =	vshll.u32 v18, $0x3;
	v14 =	vand.u32 $0xFFFFFC00, v14  }
0x37: {  	s14 =	simm.s32 $0x0;
	v17 =	vand.u32 $0xFFFFFC00, v17;
	v14 =	vor.u32 v15, v14;
	v15 =	vand.u32 $0x7F, v18  }
0x38: {  	v18 =	vmov s14;
	v15 =	vor.u32 v15, v17;
	v17 =	vshll.u32 v19, $0x3  }
0x39: {  	v19 =	vand.u32 $0x7F, v19;
	v23 =	vshll.u32 v18, $0xA;
	v18 =	vshll.u32 v18, $0x7  }
0x3a: {  	v21 =	vld.idx.msk [tilespmem:v21+s8+$0x0], $0xffff;
	v17 =	vand.u32 $0xFFFFFC00, v17;
	v23 =	vand.u32 $0xE000, v23;
	v24 =	vand.u32 $0x380, v18  }
0x3b: {  	v17 =	vor.u32 v19, v17;
	v19 =	vand.u32 $0x7F, v20;
	v18 =	vadd.s32 v4, v23  }
0x3c: {  	v20 =	vshll.u32 v20, $0x3;
	v25 =	vadd.s32 v1, v23;
	v26 =	vor.u32 v24, v18  }
0x3d: {  	v18 =	vand.u32 $0xFFFFFC00, v20;
	v20 =	vor.u32 v24, v25;
	v25 =	vadd.s32 v2, v23  }
0x3e: {  	v22 =	vld.idx.msk [tilespmem:v22+s8+$0x0], $0xffff;
	v18 =	vor.u32 v19, v18;
	v25 =	vor.u32 v24, v25;
	v19 =	vadd.s32 v9, v23  }
0x3f: {  	v27 =	vand.u32 $0x7F, v21;
	v28 =	vor.u32 v24, v19;
	v19 =	vadd.s32 v5, v23  }
0x40: {  	v21 =	vshll.u32 v21, $0x3;
	v29 =	vor.u32 v24, v19;
	v19 =	vadd.s32 v3, v23  }
0x41: {  	v21 =	vand.u32 $0xFFFFFC00, v21;
	v31 =	vadd.s32 v7, v23;
	v30 =	vor.u32 v24, v19;
	v26 =	vld.idx.msk [tilespmem:v26+s2+$0x0], $0xffff  }
0x42: {  	v19 =	vor.u32 v27, v21;
	v27 =	vor.u32 v24, v31;
	v21 =	vld.idx.msk [tilespmem:v20+s2+$0x0], $0xffff;
	v20 =	vadd.s32 v6, v23  }
0x43: {  	v31 =	vand.u32 $0x7F, v22;
	v25 =	vld.idx.msk [tilespmem:v25+s2+$0x0], $0xffff;
	v32 =	vor.u32 v24, v20;
	v20 =	vadd.s32 v8, v23  }
0x44: {  	v22 =	vshll.u32 v22, $0x3;
	v28 =	vld.idx.msk [tilespmem:v28+s2+$0x0], $0xffff;
	v33 =	vor.u32 v24, v20;
	v20 =	vadd.s32 v13, v23  }
0x45: {  	v35 =	vadd.s32 v11, v23;
	v22 =	vand.u32 $0xFFFFFC00, v22;
	v29 =	vld.idx.msk [tilespmem:v29+s2+$0x0], $0xffff;
	v34 =	vor.u32 v24, v20  }
0x46: {  	v20 =	vor.u32 v31, v22;
	v31 =	vadd.s32 v10, v23;
	v22 =	vld.idx.msk [tilespmem:v30+s2+$0x0], $0xffff;
	v30 =	vor.u32 v24, v35  }
0x47: {  	v40 =	vadd.s32 v16, v23;
	v27 =	vld.idx.msk [tilespmem:v27+s2+$0x0], $0xffff;
	v31 =	vor.u32 v24, v31;
	v21 =	vmax.f32 v21, v26  }
0x48: {  	v42 =	vadd.s32 v12, v23;
	v41 =	vor.u32 v24, v40;
	v26 =	vld.idx.msk [tilespmem:v32+s2+$0x0], $0xffff;
	v21 =	vmax.f32 v21, v25  }
0x49: {  	v44 =	vadd.s32 v14, v23;
	v43 =	vor.u32 v24, v42;
	v25 =	vld.idx.msk [tilespmem:v33+s2+$0x0], $0xffff;
	v21 =	vmax.f32 v21, v28  }
0x4a: {  	v46 =	vadd.s32 v15, v23;
	v45 =	vor.u32 v24, v44;
	v28 =	vld.idx.msk [tilespmem:v34+s2+$0x0], $0xffff;
	v21 =	vmax.f32 v21, v29  }
0x4b: {  	v47 =	vadd.s32 v17, v23;
	v29 =	vld.idx.msk [tilespmem:v30+s2+$0x0], $0xffff;
	v30 =	vor.u32 v24, v46;
	v21 =	vmax.f32 v21, v22  }
0x4c: {  	v48 =	vadd.s32 v18, v23;
	v22 =	vld.idx.msk [tilespmem:v31+s2+$0x0], $0xffff;
	v31 =	vor.u32 v24, v47;
	v21 =	vmax.f32 v21, v27  }
0x4d: {  	v49 =	vor.u32 v24, v48;
	v50 =	vadd.s32 v19, v23;
	v27 =	vld.idx.msk [tilespmem:v41+s2+$0x0], $0xffff;
	v21 =	vmax.f32 v21, v26  }
0x4e: {  	v51 =	vor.u32 v24, v50;
	v23 =	vadd.s32 v20, v23;
	v26 =	vld.idx.msk [tilespmem:v43+s2+$0x0], $0xffff;
	v21 =	vmax.f32 v21, v25  }
0x4f: {  	v23 =	vor.u32 v24, v23;
	v25 =	vld.idx.msk [tilespmem:v45+s2+$0x0], $0xffff;
	v21 =	vmax.f32 v21, v28  }
0x50: {  	v24 =	vld.idx.msk [tilespmem:v30+s2+$0x0], $0xffff;
	v21 =	vmax.f32 v21, v29  }
0x51: {  	s16 =	simm.s32 $0x1;
	v28 =	vld.idx.msk [tilespmem:v31+s2+$0x0], $0xffff;
	v21 =	vmax.f32 v21, v22  }
0x52: {  	v29 =	vmov s16;
	v22 =	vld.idx.msk [tilespmem:v49+s2+$0x0], $0xffff;
	v27 =	vmax.f32 v21, v27  }
0x53: {  	s15 =	sand.u32 $0x70, s15;
	v30 =	vld.idx.msk [tilespmem:v51+s2+$0x0], $0xffff;
	v31 =	vshll.u32 v29, $0xA;
	v29 =	vshll.u32 v29, $0x7;
	v26 =	vmax.f32 v27, v26  }
0x54: {  	v23 =	vld.idx.msk [tilespmem:v23+s2+$0x0], $0xffff;
	v21 =	vmov s15;
	v27 =	vand.u32 $0xE000, v31;
	v25 =	vmax.f32 v26, v25  }
0x55: {  	s29 =	sshll.u32 s13, $0x7;
	v29 =	vand.u32 $0x380, v29;
	v26 =	vadd.s32 v4, v27;
	v24 =	vmax.f32 v25, v24  }
0x56: {  	s15 =	sand.u32 $0x400, s29;
	v25 =	vadd.s32 v1, v27;
	v26 =	vor.u32 v29, v26;
	v24 =	vmax.f32 v24, v28  }
0x57: {  	s30 =	sand.u32 $0x3800, s14;
	s15 =	sor.u32 $0x14000, s15;
	v25 =	vor.u32 v29, v25;
	v28 =	vadd.s32 v2, v27;
	v22 =	vmax.f32 v24, v22  }
0x58: {  	s17 =	sand.u32 $0x380, s14;
	s16 =	sadd.s32 s30, s15;
	v24 =	vor.u32 v29, v28;
	v28 =	vadd.s32 v9, v27;
	v22 =	vmax.f32 v22, v30  }
0x59: {  	s16 =	sadd.s32 s17, s16;
	v28 =	vor.u32 v29, v28;
	v30 =	vadd.s32 v5, v27;
	v22 =	vmax.f32 v22, v23  }
0x5a: {  	v23 =	vor.u32 v29, v30;
	v30 =	vadd.s32 v3, v27;
	[tilespmem:v21+s16+$0x0 ss:$0x1] =	vst.idx.msk $0xffff, v22  }
0x5b: {  	v31 =	vadd.s32 v6, v27;
	v22 =	vld.idx.msk [tilespmem:v26+s2+$0x0], $0xffff;
	v26 =	vor.u32 v29, v30  }
0x5c: {  	v31 =	vor.u32 v29, v31;
	v30 =	vadd.s32 v7, v27;
	v25 =	vld.idx.msk [tilespmem:v25+s2+$0x0], $0xffff  }
0x5d: {  	v55 =	vadd.s32 v10, v27;
	v30 =	vor.u32 v29, v30;
	v24 =	vld.idx.msk [tilespmem:v24+s2+$0x0], $0xffff  }
0x5e: {  	v52 =	vadd.s32 v8, v27;
	v35 =	vor.u32 v29, v55;
	v28 =	vld.idx.msk [tilespmem:v28+s2+$0x0], $0xffff  }
0x5f: {  	v53 =	vadd.s32 v13, v27;
	v32 =	vor.u32 v29, v52;
	v23 =	vld.idx.msk [tilespmem:v23+s2+$0x0], $0xffff  }
0x60: {  	v54 =	vadd.s32 v11, v27;
	v33 =	vor.u32 v29, v53;
	v26 =	vld.idx.msk [tilespmem:v26+s2+$0x0], $0xffff  }
0x61: {  	v36 =	vadd.s32 v16, v27;
	v34 =	vor.u32 v29, v54;
	v22 =	vmax.f32 v25, v22;
	v25 =	vld.idx.msk [tilespmem:v31+s2+$0x0], $0xffff  }
0x62: {  	v56 =	vadd.s32 v12, v27;
	v31 =	vor.u32 v29, v36;
	v30 =	vld.idx.msk [tilespmem:v30+s2+$0x0], $0xffff  }
0x63: {  	v58 =	vadd.s32 v14, v27;
	v57 =	vor.u32 v29, v56;
	v35 =	vld.idx.msk [tilespmem:v35+s2+$0x0], $0xffff;
	v22 =	vmax.f32 v22, v24  }
0x64: {  	v60 =	vadd.s32 v15, v27;
	v59 =	vor.u32 v29, v58;
	v24 =	vld.idx.msk [tilespmem:v32+s2+$0x0], $0xffff;
	v22 =	vmax.f32 v22, v28  }
0x65: {  	v62 =	vadd.s32 v17, v27;
	v61 =	vor.u32 v29, v60;
	v28 =	vld.idx.msk [tilespmem:v33+s2+$0x0], $0xffff;
	v22 =	vmax.f32 v22, v23  }
0x66: {  	v36 =	vor.u32 v29, v62;
	v23 =	vld.idx.msk [tilespmem:v34+s2+$0x0], $0xffff;
	v22 =	vmax.f32 v22, v26;
	v26 =	vadd.s32 v18, v27  }
0x67: {  	v22 =	vmax.f32 v22, v30;
	v30 =	vld.idx.msk [tilespmem:v31+s2+$0x0], $0xffff;
	v31 =	vor.u32 v29, v26;
	v26 =	vadd.s32 v19, v27  }
0x68: {  	v32 =	vld.idx.msk [tilespmem:v57+s2+$0x0], $0xffff;
	v22 =	vmax.f32 v22, v25;
	v37 =	vor.u32 v29, v26;
	v25 =	vadd.s32 v20, v27  }
0x69: {  	v26 =	vld.idx.msk [tilespmem:v59+s2+$0x0], $0xffff;
	v22 =	vmax.f32 v22, v24;
	v63 =	vor.u32 v29, v25  }
0x6a: {  	v27 =	vld.idx.msk [tilespmem:v61+s2+$0x0], $0xffff;
	v22 =	vmax.f32 v22, v28  }
0x6b: {  	v25 =	vld.idx.msk [tilespmem:v36+s2+$0x0], $0xffff;
	v22 =	vmax.f32 v22, v23  }
0x6c: {  	s31 =	simm.s32 $0x2;
	v22 =	vmax.f32 v22, v35;
	v24 =	vld.idx.msk [tilespmem:v31+s2+$0x0], $0xffff  }
0x6d: {  	v28 =	vmov s31;
	v22 =	vmax.f32 v22, v30;
	v23 =	vld.idx.msk [tilespmem:v37+s2+$0x0], $0xffff  }
0x6e: {  	s17 =	simm.s32 $0x3;
	s16 =	simm.s32 $0x0;
	v29 =	vshll.u32 v28, $0xA;
	v30 =	vmax.f32 v22, v32;
	v22 =	vld.idx.msk [tilespmem:v63+s2+$0x0], $0xffff  }
.LBB2_3:
0x6f: {  	p0 =	sne.s32 s17, $0x2F;
	v29 =	vand.u32 $0xE000, v29;
	v28 =	vshll.u32 v28, $0x7;
	v26 =	vmax.f32 v30, v26  }
0x70: {  	v28 =	vand.u32 $0x380, v28;
	v30 =	vadd.s32 v4, v29;
	v26 =	vmax.f32 v26, v27  }
0x71: {  	s14 =	sadd.s32 $0x100, s14;
	v27 =	vadd.s32 v1, v29;
	v30 =	vor.u32 v28, v30;
	v25 =	vmax.f32 v26, v25  }
0x72: {  	s16 =	sadd.s32 $0x80, s16;
	s18 =	sand.u32 $0x3800, s14;
	v26 =	vor.u32 v28, v27;
	v27 =	vadd.s32 v2, v29;
	v24 =	vmax.f32 v25, v24  }
0x73: {  	s19 =	sand.u32 $0x380, s16;
	s18 =	sadd.s32 s18, s15;
	v25 =	vor.u32 v28, v27;
	v27 =	vadd.s32 v9, v29;
	v23 =	vmax.f32 v24, v23  }
0x74: {  	s18 =	sadd.s32 s19, s18;
	v24 =	vor.u32 v28, v27;
	v27 =	vadd.s32 v5, v29;
	v22 =	vmax.f32 v23, v22  }
0x75: {  	v23 =	vor.u32 v28, v27;
	v27 =	vadd.s32 v3, v29;
	[tilespmem:v21+s18+$0x0 ss:$0x1] =	vst.idx.msk $0xffff, v22  }
0x76: {  	v27 =	vor.u32 v28, v27;
	v22 =	vld.idx.msk [tilespmem:v30+s2+$0x0], $0xffff;
	v30 =	vadd.s32 v7, v29  }
0x77: {  	v31 =	vadd.s32 v6, v29;
	v26 =	vld.idx.msk [tilespmem:v26+s2+$0x0], $0xffff;
	v30 =	vor.u32 v28, v30  }
0x78: {  	v32 =	vadd.s32 v8, v29;
	v31 =	vor.u32 v28, v31;
	v25 =	vld.idx.msk [tilespmem:v25+s2+$0x0], $0xffff  }
0x79: {  	v33 =	vadd.s32 v13, v29;
	v32 =	vor.u32 v28, v32;
	v24 =	vld.idx.msk [tilespmem:v24+s2+$0x0], $0xffff  }
0x7a: {  	v34 =	vadd.s32 v11, v29;
	v33 =	vor.u32 v28, v33;
	v23 =	vld.idx.msk [tilespmem:v23+s2+$0x0], $0xffff  }
0x7b: {  	v35 =	vadd.s32 v10, v29;
	v34 =	vor.u32 v28, v34;
	v27 =	vld.idx.msk [tilespmem:v27+s2+$0x0], $0xffff  }
0x7c: {  	v36 =	vadd.s32 v16, v29;
	v35 =	vor.u32 v28, v35;
	v30 =	vld.idx.msk [tilespmem:v30+s2+$0x0], $0xffff  }
0x7d: {  	v22 =	vmax.f32 v26, v22;
	v26 =	vld.idx.msk [tilespmem:v31+s2+$0x0], $0xffff;
	v31 =	vor.u32 v28, v36;
	v36 =	vadd.s32 v12, v29  }
0x7e: {  	v22 =	vmax.f32 v22, v25;
	v25 =	vld.idx.msk [tilespmem:v32+s2+$0x0], $0xffff;
	v32 =	vor.u32 v28, v36;
	v36 =	vadd.s32 v14, v29  }
0x7f: {  	v22 =	vmax.f32 v22, v24;
	v24 =	vld.idx.msk [tilespmem:v33+s2+$0x0], $0xffff;
	v33 =	vor.u32 v28, v36;
	v36 =	vadd.s32 v15, v29  }
0x80: {  	v22 =	vmax.f32 v22, v23;
	v23 =	vld.idx.msk [tilespmem:v34+s2+$0x0], $0xffff;
	v34 =	vor.u32 v28, v36;
	v36 =	vadd.s32 v17, v29  }
0x81: {  	v22 =	vmax.f32 v22, v27;
	v27 =	vadd.s32 v18, v29;
	v35 =	vld.idx.msk [tilespmem:v35+s2+$0x0], $0xffff;
	v36 =	vor.u32 v28, v36  }
0x82: {  	v22 =	vmax.f32 v22, v30;
	v30 =	vld.idx.msk [tilespmem:v31+s2+$0x0], $0xffff;
	v31 =	vor.u32 v28, v27;
	v27 =	vadd.s32 v19, v29  }
0x83: {  	v22 =	vmax.f32 v22, v26;
	v32 =	vld.idx.msk [tilespmem:v32+s2+$0x0], $0xffff;
	v37 =	vor.u32 v28, v27;
	v27 =	vadd.s32 v20, v29  }
0x84: {  	v22 =	vmax.f32 v22, v25;
	v26 =	vld.idx.msk [tilespmem:v33+s2+$0x0], $0xffff;
	v33 =	vor.u32 v28, v27  }
.Ltmp0:
0x85: {  	v22 =	vmax.f32 v22, v24;
	v27 =	vld.idx.msk [tilespmem:v34+s2+$0x0], $0xffff;
	(pc) =	sbr.rel @p0 .LBB2_3-.Ltmp0, $4  }
0x86: {  	v22 =	vmax.f32 v22, v23;
	v25 =	vld.idx.msk [tilespmem:v36+s2+$0x0], $0xffff  }
0x87: {  	v22 =	vmax.f32 v22, v35;
	v24 =	vld.idx.msk [tilespmem:v31+s2+$0x0], $0xffff  }
0x88: {  	v28 =	vmov s17;
	v22 =	vmax.f32 v22, v30;
	v23 =	vld.idx.msk [tilespmem:v37+s2+$0x0], $0xffff  }
0x89: {  	s17 =	sadd.s32 $0x1, s17;
	v29 =	vshll.u32 v28, $0xA;
	v30 =	vmax.f32 v22, v32;
	v22 =	vld.idx.msk [tilespmem:v33+s2+$0x0], $0xffff  }
0x8a: {  	v29 =	vand.u32 $0xE000, v29;
	v28 =	vshll.u32 v28, $0x7;
	v26 =	vmax.f32 v30, v26  }
0x8b: {  	v28 =	vand.u32 $0x380, v28;
	v4 =	vadd.s32 v4, v29;
	v26 =	vmax.f32 v26, v27  }
0x8c: {  	s14 =	sadd.s32 $0x100, s14;
	v1 =	vadd.s32 v1, v29;
	v4 =	vor.u32 v28, v4;
	v25 =	vmax.f32 v26, v25  }
0x8d: {  	s16 =	sadd.s32 $0x80, s16;
	v2 =	vadd.s32 v2, v29;
	s17 =	sand.u32 $0x3800, s14;
	v1 =	vor.u32 v28, v1;
	v24 =	vmax.f32 v25, v24  }
0x8e: {  	v9 =	vadd.s32 v9, v29;
	s18 =	sand.u32 $0x380, s16;
	v2 =	vor.u32 v28, v2;
	s17 =	sadd.s32 s17, s15;
	v23 =	vmax.f32 v24, v23  }
0x8f: {  	v5 =	vadd.s32 v5, v29;
	v9 =	vor.u32 v28, v9;
	s17 =	sadd.s32 s18, s17;
	v22 =	vmax.f32 v23, v22  }
0x90: {  	v3 =	vadd.s32 v3, v29;
	v5 =	vor.u32 v28, v5;
	[tilespmem:v21+s17+$0x0 ss:$0x1] =	vst.idx.msk $0xffff, v22  }
0x91: {  	v7 =	vadd.s32 v7, v29;
	v3 =	vor.u32 v28, v3;
	v4 =	vld.idx.msk [tilespmem:v4+s2+$0x0], $0xffff  }
0x92: {  	v6 =	vadd.s32 v6, v29;
	v7 =	vor.u32 v28, v7;
	v1 =	vld.idx.msk [tilespmem:v1+s2+$0x0], $0xffff  }
0x93: {  	v8 =	vadd.s32 v8, v29;
	v6 =	vor.u32 v28, v6;
	v2 =	vld.idx.msk [tilespmem:v2+s2+$0x0], $0xffff  }
0x94: {  	v13 =	vadd.s32 v13, v29;
	v8 =	vor.u32 v28, v8;
	v9 =	vld.idx.msk [tilespmem:v9+s2+$0x0], $0xffff  }
0x95: {  	v11 =	vadd.s32 v11, v29;
	v13 =	vor.u32 v28, v13;
	v5 =	vld.idx.msk [tilespmem:v5+s2+$0x0], $0xffff  }
0x96: {  	v10 =	vadd.s32 v10, v29;
	v11 =	vor.u32 v28, v11;
	v3 =	vld.idx.msk [tilespmem:v3+s2+$0x0], $0xffff  }
0x97: {  	v16 =	vadd.s32 v16, v29;
	v10 =	vor.u32 v28, v10;
	v7 =	vld.idx.msk [tilespmem:v7+s2+$0x0], $0xffff;
	v1 =	vmax.f32 v1, v4  }
0x98: {  	v12 =	vadd.s32 v12, v29;
	v44 =	vor.u32 v28, v16;
	v43 =	vld.idx.msk [tilespmem:v6+s2+$0x0], $0xffff;
	v1 =	vmax.f32 v1, v2  }
0x99: {  	v46 =	vadd.s32 v14, v29;
	v45 =	vor.u32 v28, v12;
	v2 =	vld.idx.msk [tilespmem:v8+s2+$0x0], $0xffff;
	v1 =	vmax.f32 v1, v9  }
0x9a: {  	v48 =	vadd.s32 v15, v29;
	v12 =	vor.u32 v28, v46;
	v47 =	vld.idx.msk [tilespmem:v13+s2+$0x0], $0xffff;
	v1 =	vmax.f32 v1, v5  }
0x9b: {  	v51 =	vadd.s32 v17, v29;
	v50 =	vor.u32 v28, v48;
	v49 =	vld.idx.msk [tilespmem:v11+s2+$0x0], $0xffff;
	v1 =	vmax.f32 v1, v3  }
0x9c: {  	v53 =	vadd.s32 v18, v29;
	v52 =	vor.u32 v28, v51;
	v3 =	vld.idx.msk [tilespmem:v10+s2+$0x0], $0xffff;
	v1 =	vmax.f32 v1, v7  }
0x9d: {  	v55 =	vadd.s32 v19, v29;
	v54 =	vor.u32 v28, v53;
	v6 =	vld.idx.msk [tilespmem:v44+s2+$0x0], $0xffff;
	v1 =	vmax.f32 v1, v43  }
0x9e: {  	v58 =	vadd.s32 v20, v29;
	v57 =	vor.u32 v28, v55;
	v56 =	vld.idx.msk [tilespmem:v45+s2+$0x0], $0xffff;
	v1 =	vmax.f32 v1, v2  }
0x9f: {  	v59 =	vor.u32 v28, v58;
	v2 =	vld.idx.msk [tilespmem:v12+s2+$0x0], $0xffff;
	v1 =	vmax.f32 v1, v47  }
0xa0: {  	v60 =	vld.idx.msk [tilespmem:v50+s2+$0x0], $0xffff;
	v1 =	vmax.f32 v1, v49  }
0xa1: {  	v61 =	vld.idx.msk [tilespmem:v52+s2+$0x0], $0xffff;
	v1 =	vmax.f32 v1, v3  }
0xa2: {  	v3 =	vld.idx.msk [tilespmem:v54+s2+$0x0], $0xffff;
	v1 =	vmax.f32 v1, v6  }
0xa3: {  	v62 =	vld.idx.msk [tilespmem:v57+s2+$0x0], $0xffff;
	v1 =	vmax.f32 v1, v56  }
0xa4: {  	s13 =	sadd.s32 $0x1, s13;
	v63 =	vld.idx.msk [tilespmem:v59+s2+$0x0], $0xffff;
	v1 =	vmax.f32 v1, v2  }
0xa5: {  	p0 =	sne.s32 s13, $0x10;
	v1 =	vmax.f32 v1, v60  }
.Ltmp1:
0xa6: {  	s14 =	sadd.s32 $0x100, s14;
	v1 =	vmax.f32 v1, v61;
	(pc) =	sbr.rel @p0 .LBB2_2-.Ltmp1, $4  }
0xa7: {  	s16 =	sadd.s32 $0x80, s16;
	s14 =	sand.u32 $0x3800, s14;
	v1 =	vmax.f32 v1, v3  }
0xa8: {  	s16 =	sand.u32 $0x380, s16;
	s14 =	sadd.s32 s14, s15;
	v1 =	vmax.f32 v1, v62  }
0xa9: {  	s14 =	sadd.s32 s16, s14;
	v1 =	vmax.f32 v1, v63  }
0xaa: {  	[tilespmem:v21+s14+$0x0 ss:$0x1] =	vst.idx.msk $0xffff, v1  }
0xab: {  	s12 =	sadd.s32 $0x1, s12  }
0xac: {  	p0 =	sne.s32 s12, s6  }
.Ltmp2:
0xad: {  	_ = 	snop;
	(pc) =	sbr.rel @p0 .LBB2_1-.Ltmp2, $4  }
0xae: {  	[hbm4b:s5+s9] =	stream.strided.scatter [tilespmem:s11], [sflag:$0x1], $0x3000, s10, s9, $0x38;
	[tilespmem:$0x17000] =	vst v63  }
0xaf: {  	_ =	swait.ge [sflag:s7], $0x3000  }
0xb0: {  	[sflag:s7] =	ssyncset.done $0x0  }
0xb1: {  	[sflag:s7] =	ssyncadd.s32 $0xFFFFD000  }
0xb2: {  	_ =	sfence.sel $0x180000  }
0xb3: {  	[bflag:$0x0] =	sbarrier.arrive $0xFFFF  }
0xb4: {  	p0 =	sne.s32 s1, $0x0;
	_ =	strace $0x90000047  }
0xb5: {  	s0 =	sadd.s32 @!p0 $0x100000, s0;
	[bflag:$0x2] =	sbarrier.arrive $0xFFFF  }
0xb6: {  	[sflag:s0] =	ssyncadd.tile.s32 @!p0 $0x1;
	_ =	shalt  }
.Lfunc_end2:
_tile_overlayer_lowered:
.L_overlay_start_2:
0xb7: {  	(tag) =	ssettag $0x2  }
0xb8: {  	s0 =	rddreg [dreg:$0x0];
	s2 =	stileid.u32  }
0xb9: {  	s1 =	rddreg [dreg:$0x1];
	p0 =	sne.s32 s2, $0x0  }
0xba: {  	s3 =	rddreg [dreg:$0x2];
	[bflag:$0x3] =	sbarrier.arrive $0xFFFF;
	s2 =	simm.s32 @!p0 $0x1C01  }
0xbb: {  	[timem:s3], [sflag:s2] =	dma.local @!p0 [hbm:s0], s1  }
0xbc: {  	s0 =	simm.s32 @!p0 $0x1  }
0xbd: {  	_ =	swait.ge @!p0 [sflag:s0], s1  }
0xbe: {  	s1 =	ssub.s32 @!p0 $0x0, s1;
	[sflag:s0] =	ssyncset.done @!p0 $0x0  }
0xbf: {  	[sflag:s0] =	ssyncadd.s32 @!p0 s1  }
0xc0: {  	[bflag:$0x3] =	sbarrier.arrive $0xFFFF  }
0xc1: {  	_ =	shalt  }

// kernel: kernel.18.cloned.1.call-start
scs
__scs_entry_jumppad:
0x0: {  	(pc) =	sbr.rel $0x88, $3  }
0x1: {  	(tag) =	ssettag $0x0;
	lr =	simm.s32 $0x1  }
0x2: {  	[smem:$0x3F9A] =	sst lr;
	_ =	strace $0xD0000000  }
0x3: {  	_ = 	snop  }
0x4: {  	_ = 	snop  }
0x5: {  	_ = 	snop  }
0x6: {  	_ = 	snop  }
0x7: {  	_ = 	snop  }
__scs_overlays_trampoline_lowered:
0x8: {  	[smem:$0x3FA9] =	sst s0  }
0x9: {  	[smem:$0x3FAA] =	sst s1  }
0xa: {  	[smem:$0x3FAB] =	sst s2  }
0xb: {  	[smem:$0x3FAC] =	sst s3  }
0xc: {  	[smem:$0x3FAD] =	sst s4  }
0xd: {  	[smem:$0x3FAE] =	sst s5  }
0xe: {  	[smem:$0x3FAF] =	sst s6  }
0xf: {  	[smem:$0x3FB0] =	sst s7  }
0x10: {  	[smem:$0x3FB1] =	sst s8  }
0x11: {  	[smem:$0x3FB2] =	sst s9;
	s0 =	simm.s32 @!p0 $0x0  }
0x12: {  	s1 =	sld [smem:$0x3F98];
	s0 =	simm.s32 @p0 $0x1  }
0x13: {  	[smem:$0x3FB3] =	sst s0;
	s0 =	simm.s32 @!p1 $0x0  }
0x14: {  	s2 =	sld [smem:$0x3F97];
	s0 =	simm.s32 @p1 $0x1  }
0x15: {  	[smem:$0x3FB4] =	sst s0;
	s0 =	simm.s32 @!p2 $0x0  }
0x16: {  	s3 =	sld [smem:$0x3FDB];
	s0 =	simm.s32 @p2 $0x1  }
0x17: {  	s4 =	simm.s32 $0x1BF5;
	[smem:$0x3FB6] =	sst s0  }
0x18: {  	s0 =	sld [smem:$0x3F99];
	_ =	swait.ge [sflag:s4], $0x0  }
0x19: {  	s7 =	sld [smem:$0x3F9A]  }
0x1a: {  	s8 =	sadd.s32 $0xFFFFE003, lr  }
0x1b: {  	s9 =	sadd.s32 $0xFFFFFEF7, lr;
	s5 =	simm.s32 $0xFFFFFFFF;
	p2 =	slt.u32 s8, $0xFFFFF086  }
0x1c: {  	p1 =	slt.u32 s9, $0xF7A;
	s5 =	simm.s32 @!p2 $0x0  }
0x1d: {  	s5 =	simm.s32 @p1 $0x1;
	p0 =	seq.s32 s7, s2  }
0x1e: {  	s7 =	smul.u32 @!p0 $0xF7A, s2;
	p2 =	seq.s32 @!p0 s5, $0x0  }
0x1f: {  	s9 =	smul.u32 $0xF7A, s1;
	s8 =	simm.s32 @!p0 $0x1BF5;
	p2 =	por !p2, p0  }
0x20: {  	[sflag:s8] =	ssyncset.s32 @!p0 $0xFFFFF086;
	s6 =	sadd.s32 @!p0 s3, s7;
	s7 =	simm.s32 @!p0 $0x108  }
0x21: {  	s3 =	sadd.s32 s3, s9;
	s6 =	sadd.s32 @!p0 $0x88, s6;
	s7 =	simm.s32 @p2 $0x1082  }
0x22: {  	[simem:s7], [sflag:s8] =	dma.local @!p0 [hbm:s6], $0xF7A  }
0x23: {  	s9 =	sor.u32 $0xD0000000, s2;
	s6 =	simm.s32 $0x108;
	_ =	swait.ge @!p0 [sflag:s8], $0x0  }
0x24: {  	s3 =	sadd.s32 $0x88, s3;
	s6 =	simm.s32 @!p1 $0x1082;
	[sflag:s4] =	ssyncset.s32 $0xFFFFF086  }
0x25: {  	[simem:s6], [sflag:s4] =	dma.local [hbm:s3], $0xF7A  }
0x26: {  	[smem:$0x3F9A] =	sst s1;
	(tag) =	ssettag s2;
	_ =	strace s9  }
0x27: {  	s1 =	sld [smem:$0x3FAA]  }
0x28: {  	s2 =	sld [smem:$0x3FAB]  }
0x29: {  	s4 =	sld [smem:$0x3FAD]  }
0x2a: {  	p0 =	seq.s32 s5, $0x0;
	s5 =	sld [smem:$0x3FAE]  }
0x2b: {  	s6 =	sld [smem:$0x3FAF]  }
0x2c: {  	s7 =	sld [smem:$0x3FB0]  }
0x2d: {  	s3 =	simm.s32 $0x108;
	s8 =	sld [smem:$0x3FB1]  }
0x2e: {  	s3 =	simm.s32 @!p0 $0x1082;
	s9 =	sld [smem:$0x3FB2]  }
0x2f: {  	lr =	sadd.s32 s0, s3;
	s0 =	sld [smem:$0x3FA9]  }
0x30: {  	s3 =	sld [smem:$0x3FAC]  }
0x31: {  	[smem:$0x3FB5] =	sst s10  }
0x32: {  	s10 =	sld [smem:$0x3FB3];
	_ =	sdelay $0x3  }
0x33: {  	p0 =	seq.s32 s10, $0x1;
	s10 =	sld [smem:$0x3FB5];
	_ =	sdelay $0x3  }
0x34: {  	[smem:$0x3FB5] =	sst s10  }
0x35: {  	s10 =	sld [smem:$0x3FB4];
	_ =	sdelay $0x3  }
0x36: {  	p1 =	seq.s32 s10, $0x1;
	s10 =	sld [smem:$0x3FB5];
	_ =	sdelay $0x3  }
0x37: {  	[smem:$0x3FB5] =	sst s10  }
0x38: {  	s10 =	sld [smem:$0x3FB6]  }
0x39: {  	_ = 	snop;
	(pc) =	sbr.ind lr, $3  }
0x3a: {  	_ = 	snop  }
0x3b: {  	_ = 	snop  }
0x3c: {  	p2 =	seq.s32 s10, $0x1;
	s10 =	sld [smem:$0x3FB5]  }
0x3d: {  	_ =	shalt  }
0x3e: {  	_ =	shalt  }
0x3f: {  	_ =	shalt  }
0x40: {  	_ =	shalt  }
0x41: {  	_ =	shalt  }
0x42: {  	_ =	shalt  }
0x43: {  	_ =	shalt  }
0x44: {  	_ =	shalt  }
0x45: {  	_ =	shalt  }
0x46: {  	_ =	shalt  }
0x47: {  	_ =	shalt  }
0x48: {  	_ =	shalt  }
0x49: {  	_ =	shalt  }
0x4a: {  	_ =	shalt  }
0x4b: {  	_ =	shalt  }
0x4c: {  	_ =	shalt  }
0x4d: {  	_ =	shalt  }
0x4e: {  	_ =	shalt  }
0x4f: {  	_ =	shalt  }
0x50: {  	_ =	shalt  }
0x51: {  	_ =	shalt  }
0x52: {  	_ =	shalt  }
0x53: {  	_ =	shalt  }
0x54: {  	_ =	shalt  }
0x55: {  	_ =	shalt  }
0x56: {  	_ =	shalt  }
0x57: {  	_ =	shalt  }
0x58: {  	_ =	shalt  }
0x59: {  	_ =	shalt  }
0x5a: {  	_ =	shalt  }
0x5b: {  	_ =	shalt  }
0x5c: {  	_ =	shalt  }
0x5d: {  	_ =	shalt  }
0x5e: {  	_ =	shalt  }
0x5f: {  	_ =	shalt  }
0x60: {  	_ =	shalt  }
0x61: {  	_ =	shalt  }
0x62: {  	_ =	shalt  }
0x63: {  	_ =	shalt  }
0x64: {  	_ =	shalt  }
0x65: {  	_ =	shalt  }
0x66: {  	_ =	shalt  }
0x67: {  	_ =	shalt  }
0x68: {  	_ =	shalt  }
0x69: {  	_ =	shalt  }
0x6a: {  	_ =	shalt  }
0x6b: {  	_ =	shalt  }
0x6c: {  	_ =	shalt  }
0x6d: {  	_ =	shalt  }
0x6e: {  	_ =	shalt  }
0x6f: {  	_ =	shalt  }
0x70: {  	_ =	shalt  }
0x71: {  	_ =	shalt  }
0x72: {  	_ =	shalt  }
0x73: {  	_ =	shalt  }
0x74: {  	_ =	shalt  }
0x75: {  	_ =	shalt  }
0x76: {  	_ =	shalt  }
0x77: {  	_ =	shalt  }
0x78: {  	_ =	shalt  }
0x79: {  	_ =	shalt  }
0x7a: {  	_ =	shalt  }
0x7b: {  	_ =	shalt  }
0x7c: {  	_ =	shalt  }
0x7d: {  	_ =	shalt  }
0x7e: {  	_ =	shalt  }
0x7f: {  	_ =	shalt  }
0x80: {  	_ =	shalt  }
0x81: {  	_ =	shalt  }
0x82: {  	_ =	shalt  }
0x83: {  	_ =	shalt  }
0x84: {  	_ =	shalt  }
0x85: {  	_ =	shalt  }
0x86: {  	_ =	shalt  }
0x87: {  	_ =	shalt  }
.Lfunc_end0:
.L_simem_size_0:
called_computation.2_lowered:
.L_overlay_start_0:
0x88: {  	s2 =	sld [smem:$0x3FD9]  }
0x89: {  	s3 =	sld [smem:$0x3FFE];
	_ =	sdelay $0x1  }
0x8a: {  	s1 =	srdreg.scid  }
0x8b: {  	s0 =	sand.u32 $0x1, s1  }
0x8c: {  	s17 =	sshll.u32 s0, $0xA;
	s2 =	sadd.s32 s3, s2  }
0x8d: {  	s2 =	sadd.s32 s2, s17  }
0x8e: {  	[smem:$0x3FC1] =	sst s2  }
0x8f: {  	_ = 	snop  }
0x90: {  	(tm) =	ssettm $0x1  }
0x91: {  	s18 =	sld [smem:$0x3FFB];
	_ =	sdelay $0x3  }
0x92: {  	_ =	strace s18  }
0x93: {  	s2 =	sld [smem:$0x3FFC];
	_ =	sdelay $0x3  }
0x94: {  	_ =	strace s2  }
0x95: {  	s2 =	sld [smem:$0x3FFD];
	_ =	sdelay $0x3  }
0x96: {  	_ =	strace s2  }
0x97: {  	_ =	strace $0x8FFFFFFF  }
0x98: {  	s19 =	sld [smem:$0x3FDB];
	_ =	sdelay $0x1  }
0x99: {  	s20 =	simm.s32 $_scs_section_size  }
0x9a: {  	s4 =	simm.s32 $_size__tile_overlayer_lowered;
	s5 =	simm.s32 $_tile_overlayer_lowered  }
0x9b: {  	s6 =	simm.s32 $0x1BFF;
	s21 =	sshll.u32 s5, $0x1;
	s3 =	sadd.s32 s20, s19  }
0x9c: {  	s22 =	simm.s32 $0x0;
	s4 =	sshll.u32 s4, $0x1;
	s5 =	sadd.s32 s21, s3  }
0x9d: {  	[timem:s22], [sflag:s6] =	dma.local [hbm:s5], s4  }
0x9e: {  	_ =	swait.ge [sflag:s6], s4  }
0x9f: {  	s4 =	ssub.s32 $0x0, s4;
	[sflag:s6] =	ssyncset.done $0x0  }
0xa0: {  	[sflag:s6] =	ssyncadd.s32 s4;
	_ =	sdelay $0x1  }
0xa1: {  	s23 =	simm.s32 $0x1B8B  }
0xa2: {  	_ =	swait.ge [sflag:s23], $0x1  }
0xa3: {  	[sflag:s23] =	ssyncset.done $0x0  }
0xa4: {  	[sflag:s23] =	ssyncadd.s32 $0xFFFFFFFF  }
0xa5: {  	s4 =	sld [smem:$0x0]  }
0xa6: {  	s5 =	sand.u32 $0xFFFFFFFE, s1  }
0xa7: {  	p0 =	sne.s32 s1, s5  }
0xa8: {  	s5 =	sshll.u32 @p0 s5, $0xE  }
0xa9: {  	s5 =	sadd.s32 @p0 $0x11B8D, s5;
	s6 =	sshll.u32 @p0 s4, $0x11  }
0xaa: {  	s5 =	sor.u32 @p0 s6, s5  }
0xab: {  	[sflag:s5] =	ssyncadd.remote.s32 @p0 $0x1;
	_ =	sdelay $0x1  }
0xac: {  	s5 =	simm.s32 @p0 $0x1B8D  }
0xad: {  	_ =	swait.eq @p0 [sflag:s5], $0x1  }
0xae: {  	[sflag:s5] =	ssyncadd.s32 @p0 $0xFFFFFFFF  }
0xaf: {  	s6 =	sshll.u32 @!p0 s1, $0xE  }
0xb0: {  	s6 =	sor.u32 @!p0 $0x4000, s6;
	s5 =	simm.s32 @!p0 $0x1B8D  }
0xb1: {  	s4 =	sshll.u32 @!p0 s4, $0x11;
	s6 =	sadd.s32 @!p0 $0x11B8D, s6;
	_ =	swait.eq @!p0 [sflag:s5], $0x1  }
0xb2: {  	s4 =	sor.u32 @!p0 s4, s6;
	[sflag:s5] =	ssyncadd.s32 @!p0 $0xFFFFFFFF  }
0xb3: {  	s25 =	simm.s32 $0x1B8E;
	s24 =	sld [smem:$0x3FFE];
	[sflag:s4] =	ssyncadd.remote.s32 @!p0 $0x1  }
0xb4: {  	s26 =	simm.s32 $execute0_lowered;
	[smem:$0x3FD2] =	sst s25  }
0xb5: {  	s5 =	sshll.u32 s26, $0x1;
	_ =	strace $0x80000049;
	[dreg:$0x1] =	wrdreg $0xFFFFFFFF  }
0xb6: {  	s28 =	simm.s32 $_size_execute0_lowered;
	s3 =	sadd.s32 s3, s5;
	[dreg:$0x0] =	wrdreg $0x0  }
0xb7: {  	s5 =	sshll.u32 s28, $0x1;
	[dreg:$0x2] =	wrdreg s3  }
0xb8: {  	[dreg:$0x3] =	wrdreg s5  }
0xb9: {  	[dreg:$0x4] =	wrdreg $0xC0  }
0xba: {  	_ =	task [dreg:s22], $0x5FFFF  }
0xbb: {  	[dreg:$0x1] =	wrdreg $0xFFFFFFFF  }
0xbc: {  	[dreg:$0x0] =	wrdreg $0x60  }
0xbd: {  	[dreg:$0x2] =	wrdreg s24  }
0xbe: {  	[dreg:$0x3] =	wrdreg $0xB  }
0xbf: {  	_ =	task.clear_ibuf [dreg:s22], $0x4FFFF;
	_ =	strace $0x90000049  }
0xc0: {  	s29 =	simm.s32 $0xB;
	_ =	strace $0x8000004B  }
0xc1: {  	_ =	swait.ge [sflag:s29], $0x1  }
0xc2: {  	[sflag:s29] =	ssyncadd.s32 $0xFFFFFFFF  }
0xc3: {  	_ =	strace $0x9000004B  }
0xc4: {  	_ =	sfence  }
0xc5: {  	s30 =	sld [smem:$0x0];
	_ =	sdelay $0x2  }
0xc6: {  	s31 =	sshll.u32 s1, $0xD;
	s1 =	sshrl.u32 s1, $0x2  }
0xc7: {  	s4 =	sand.u32 $0x4000, s31;
	s1 =	sadd.s32 s1, s30  }
0xc8: {  	s0 =	sor.u32 s4, s0;
	s1 =	sshll.u32 s1, $0x11  }
0xc9: {  	s0 =	sor.u32 s1, s0  }
0xca: {  	s0 =	sadd.s32 $0x8F2B, s0  }
0xcb: {  	[sflag:s0] =	ssyncadd.remote.s32 $0x1  }
0xcc: {  	_ =	sfence.sel $0xFFFF  }
0xcd: {  	[dreg:$0x0] =	wrdreg $0xFFFFFFFF;
	(pc) =	sbr.abs _section_cstart, $3  }
0xce: {  	[dreg:$0x1] =	wrdreg $0xFFFFFFFF  }
0xcf: {  	_ =	task.clear_ibuf [dreg:s22], $0x2FFFF;
	_ =	strace $0x9FFFFFFF  }
0xd0: {  	(tm) =	ssettm $0x7FFFFFFF  }
0xd1: {  	_ =	shalt  }
tec
execute0_lowered:
.L_overlay_start_1:
0x0: {  	(tag) =	ssettag $0x1  }
0x1: {  	s3 =	rddreg [dreg:$0x0]  }
0x2: {  	s0 =	rddreg [dreg:$0x1]  }
0x3: {  	s1 =	stileid.u32;
	s4 =	srdreg.scid  }
0x4: {  	s2 =	simm.s32 $0x0;
	s9 =	simm.s32 $0x800;
	s10 =	simm.s32 $0x2000  }
0x5: {  	s11 =	simm.s32 $0x14000;
	s12 =	simm.s32 $0x0;
	s5 =	sshrl.u32 s1, $0x1  }
0x6: {  	s4 =	sand.u32 $0x1, s4;
	s7 =	sshll.u32 s1, $0x9;
	[smem:$0x7FF] =	sst s2  }
0x7: {  	s6 =	smul.u32 $0x1800, s5;
	s8 =	sshll.u32 s4, $0x8;
	s5 =	sshll.u32 s5, $0xA  }
0x8: {  	_ =	strace $0x8000004A;
	s4 =	ssub.s32 $0x2, s4;
	s7 =	sor.u32 s8, s7  }
0x9: {  	s31 =	sshrl.u32 s4, $0x1;
	s8 =	simm.s32 $0xC000;
	s5 =	ssub.s32 s7, s5  }
0xa: {  	s29 =	sadd.s32 s6, s3;
	s7 =	sshll.u32 s5, $0x4;
	s5 =	sadd.s32 s6, s5  }
0xb: {  	s30 =	sadd.s32 s7, s3;
	s5 =	sand.u32 $0x1FFFFF00, s5;
	s7 =	ssub.s32 s4, s31  }
0xc: {  	v0 =	vlaneseq.u32;
	s5 =	sadd.s32 s5, s3;
	s3 =	sadd.s32 $0x40A00, s29;
	s4 =	sadd.s32 $0x4CA00, s30  }
0xd: {  	v0 =	vmul.u32 $0x80, v0;
	s6 =	smax.u32 s7, $0x1;
	s7 =	simm.s32 $0x1;
	s5 =	sadd.s32 $0x70A00, s5  }
.LBB2_1:
0xe: {  	[tilespmem:s2], [sflag:$0x1] =	stream.linear.gather [hbm4b:s3+s2], $0xC000, $0x38;
	[tilespmem:$0x17000] =	vst v63  }
0xf: {  	_ =	swait.ge [sflag:s7], $0xC000  }
0x10: {  	[sflag:s7] =	ssyncset.done $0x0  }
0x11: {  	[sflag:s7] =	ssyncadd.s32 $0xFFFF4000  }
0x12: {  	[tilespmem:s8], [sflag:$0x1] =	stream.linear.gather [hbm4b:s4+s2], $0x8000, $0x38;
	[tilespmem:$0x17000] =	vst v63  }
0x13: {  	_ =	swait.ge [sflag:s7], $0x8000  }
0x14: {  	[sflag:s7] =	ssyncset.done $0x0  }
0x15: {  	s13 =	simm.s32 $0x0;
	[sflag:s7] =	ssyncadd.s32 $0xFFFF8000  }
.LBB2_2:
0x16: {  	s15 =	sshll.u32 s13, $0x4  }
0x17: {  	v1 =	vmov s15  }
0x18: {  	v1 =	vshll.u32 v1, $0x7  }
0x19: {  	v1 =	vor.u32 v0, v1  }
0x1a: {  	v2 =	vor.u32 $0x1, v1;
	_ =	sdelay $0x1  }
0x1b: {  	v3 =	vor.u32 $0x2, v1  }
0x1c: {  	v7 =	vor.u32 $0x5, v1  }
0x1d: {  	v4 =	vor.u32 $0x3, v1;
	v5 =	vld.idx.msk [tilespmem:v1+s8+$0x0], $0xffff  }
0x1e: {  	v6 =	vor.u32 $0x4, v1;
	v8 =	vor.u32 $0x6, v1;
	v9 =	vor.u32 $0x7, v1;
	v2 =	vld.idx.msk [tilespmem:v2+s8+$0x0], $0xffff  }
0x1f: {  	v10 =	vor.u32 $0x8, v1;
	v11 =	vor.u32 $0x9, v1;
	v12 =	vor.u32 $0xA, v1  }
0x20: {  	v13 =	vor.u32 $0xB, v1;
	v14 =	vor.u32 $0xC, v1;
	v15 =	vor.u32 $0xD, v1;
	v3 =	vld.idx.msk [tilespmem:v3+s8+$0x0], $0xffff  }
0x21: {  	v17 =	vor.u32 $0xE, v1;
	v18 =	vor.u32 $0xF, v1;
	v19 =	vor.u32 $0x10, v1;
	v7 =	vld.idx.msk [tilespmem:v7+s8+$0x0], $0xffff  }
0x22: {  	v20 =	vor.u32 $0x11, v1;
	v21 =	vor.u32 $0x12, v1;
	v22 =	vor.u32 $0x13, v1;
	v16 =	vld.idx.msk [tilespmem:v4+s8+$0x0], $0xffff  }
0x23: {  	v6 =	vld.idx.msk [tilespmem:v6+s8+$0x0], $0xffff;
	v1 =	vand.u32 $0x7F, v5;
	v4 =	vshll.u32 v5, $0x3;
	v5 =	vshll.u32 v2, $0x3  }
0x24: {  	v4 =	vand.u32 $0xFFFFFC00, v4;
	v2 =	vand.u32 $0x7F, v2;
	v5 =	vand.u32 $0xFFFFFC00, v5  }
0x25: {  	v8 =	vld.idx.msk [tilespmem:v8+s8+$0x0], $0xffff;
	v1 =	vor.u32 v1, v4;
	v4 =	vor.u32 v2, v5;
	v2 =	vshll.u32 v3, $0x3  }
0x26: {  	v23 =	vld.idx.msk [tilespmem:v9+s8+$0x0], $0xffff;
	v9 =	vshll.u32 v7, $0x3;
	v3 =	vand.u32 $0x7F, v3;
	v2 =	vand.u32 $0xFFFFFC00, v2  }
0x27: {  	v7 =	vand.u32 $0x7F, v7;
	v5 =	vshll.u32 v16, $0x3;
	v2 =	vor.u32 v3, v2  }
0x28: {  	v10 =	vld.idx.msk [tilespmem:v10+s8+$0x0], $0xffff;
	v3 =	vand.u32 $0x7F, v16;
	v16 =	vand.u32 $0x7F, v6;
	v6 =	vshll.u32 v6, $0x3  }
0x29: {  	v13 =	vld.idx.msk [tilespmem:v13+s8+$0x0], $0xffff;
	v24 =	vand.u32 $0xFFFFFC00, v9;
	v5 =	vand.u32 $0xFFFFFC00, v5;
	v6 =	vand.u32 $0xFFFFFC00, v6  }
0x2a: {  	v11 =	vld.idx.msk [tilespmem:v11+s8+$0x0], $0xffff;
	v9 =	vor.u32 v3, v5;
	v3 =	vor.u32 v7, v24;
	v7 =	vshll.u32 v8, $0x3  }
0x2b: {  	v12 =	vld.idx.msk [tilespmem:v12+s8+$0x0], $0xffff;
	v5 =	vor.u32 v16, v6;
	v6 =	vand.u32 $0x7F, v8;
	v8 =	vshll.u32 v23, $0x3  }
0x2c: {  	v7 =	vand.u32 $0xFFFFFC00, v7;
	v16 =	vand.u32 $0x7F, v23;
	v8 =	vand.u32 $0xFFFFFC00, v8  }
0x2d: {  	v14 =	vld.idx.msk [tilespmem:v14+s8+$0x0], $0xffff;
	v7 =	vor.u32 v6, v7;
	v6 =	vor.u32 v16, v8;
	v8 =	vshll.u32 v10, $0x3  }
0x2e: {  	v15 =	vld.idx.msk [tilespmem:v15+s8+$0x0], $0xffff;
	v23 =	vshll.u32 v13, $0x3;
	v10 =	vand.u32 $0x7F, v10;
	v8 =	vand.u32 $0xFFFFFC00, v8  }
0x2f: {  	v16 =	vshll.u32 v11, $0x3;
	v8 =	vor.u32 v10, v8;
	v10 =	vand.u32 $0x7F, v11  }
0x30: {  	v17 =	vld.idx.msk [tilespmem:v17+s8+$0x0], $0xffff;
	v11 =	vand.u32 $0xFFFFFC00, v16;
	v16 =	vand.u32 $0x7F, v12;
	v12 =	vshll.u32 v12, $0x3  }
0x31: {  	v18 =	vld.idx.msk [tilespmem:v18+s8+$0x0], $0xffff;
	v24 =	vand.u32 $0x7F, v13;
	v23 =	vand.u32 $0xFFFFFC00, v23;
	v12 =	vand.u32 $0xFFFFFC00, v12  }
0x32: {  	v13 =	vor.u32 v10, v11;
	v10 =	vor.u32 v24, v23;
	v11 =	vor.u32 v16, v12  }
0x33: {  	v19 =	vld.idx.msk [tilespmem:v19+s8+$0x0], $0xffff;
	v12 =	vand.u32 $0x7F, v14;
	v14 =	vshll.u32 v14, $0x3;
	v16 =	vshll.u32 v15, $0x3  }
0x34: {  	v15 =	vand.u32 $0x7F, v15;
	v14 =	vand.u32 $0xFFFFFC00, v14;
	v23 =	vand.u32 $0xFFFFFC00, v16  }
0x35: {  	v16 =	vor.u32 v12, v14;
	v12 =	vor.u32 v15, v23;
	v14 =	vshll.u32 v17, $0x3  }
0x36: {  	v20 =	vld.idx.msk [tilespmem:v20+s8+$0x0], $0xffff;
	v15 =	vand.u32 $0x7F, v17;
	v17 =	vshll.u32 v18, $0x3;
	v14 =	vand.u32 $0xFFFFFC00, v14  }
0x37: {  	s14 =	simm.s32 $0x0;
	v17 =	vand.u32 $0xFFFFFC00, v17;
	v14 =	vor.u32 v15, v14;
	v15 =	vand.u32 $0x7F, v18  }
0x38: {  	v18 =	vmov s14;
	v15 =	vor.u32 v15, v17;
	v17 =	vshll.u32 v19, $0x3  }
0x39: {  	v19 =	vand.u32 $0x7F, v19;
	v23 =	vshll.u32 v18, $0xA;
	v18 =	vshll.u32 v18, $0x7  }
0x3a: {  	v21 =	vld.idx.msk [tilespmem:v21+s8+$0x0], $0xffff;
	v17 =	vand.u32 $0xFFFFFC00, v17;
	v23 =	vand.u32 $0xE000, v23;
	v24 =	vand.u32 $0x380, v18  }
0x3b: {  	v17 =	vor.u32 v19, v17;
	v19 =	vand.u32 $0x7F, v20;
	v18 =	vadd.s32 v4, v23  }
0x3c: {  	v20 =	vshll.u32 v20, $0x3;
	v25 =	vadd.s32 v1, v23;
	v26 =	vor.u32 v24, v18  }
0x3d: {  	v18 =	vand.u32 $0xFFFFFC00, v20;
	v20 =	vor.u32 v24, v25;
	v25 =	vadd.s32 v2, v23  }
0x3e: {  	v22 =	vld.idx.msk [tilespmem:v22+s8+$0x0], $0xffff;
	v18 =	vor.u32 v19, v18;
	v25 =	vor.u32 v24, v25;
	v19 =	vadd.s32 v9, v23  }
0x3f: {  	v27 =	vand.u32 $0x7F, v21;
	v28 =	vor.u32 v24, v19;
	v19 =	vadd.s32 v5, v23  }
0x40: {  	v21 =	vshll.u32 v21, $0x3;
	v29 =	vor.u32 v24, v19;
	v19 =	vadd.s32 v3, v23  }
0x41: {  	v21 =	vand.u32 $0xFFFFFC00, v21;
	v31 =	vadd.s32 v7, v23;
	v30 =	vor.u32 v24, v19;
	v26 =	vld.idx.msk [tilespmem:v26+s2+$0x0], $0xffff  }
0x42: {  	v19 =	vor.u32 v27, v21;
	v27 =	vor.u32 v24, v31;
	v21 =	vld.idx.msk [tilespmem:v20+s2+$0x0], $0xffff;
	v20 =	vadd.s32 v6, v23  }
0x43: {  	v31 =	vand.u32 $0x7F, v22;
	v25 =	vld.idx.msk [tilespmem:v25+s2+$0x0], $0xffff;
	v32 =	vor.u32 v24, v20;
	v20 =	vadd.s32 v8, v23  }
0x44: {  	v22 =	vshll.u32 v22, $0x3;
	v28 =	vld.idx.msk [tilespmem:v28+s2+$0x0], $0xffff;
	v33 =	vor.u32 v24, v20;
	v20 =	vadd.s32 v13, v23  }
0x45: {  	v35 =	vadd.s32 v11, v23;
	v22 =	vand.u32 $0xFFFFFC00, v22;
	v29 =	vld.idx.msk [tilespmem:v29+s2+$0x0], $0xffff;
	v34 =	vor.u32 v24, v20  }
0x46: {  	v20 =	vor.u32 v31, v22;
	v31 =	vadd.s32 v10, v23;
	v22 =	vld.idx.msk [tilespmem:v30+s2+$0x0], $0xffff;
	v30 =	vor.u32 v24, v35  }
0x47: {  	v40 =	vadd.s32 v16, v23;
	v27 =	vld.idx.msk [tilespmem:v27+s2+$0x0], $0xffff;
	v31 =	vor.u32 v24, v31;
	v21 =	vmax.f32 v21, v26  }
0x48: {  	v42 =	vadd.s32 v12, v23;
	v41 =	vor.u32 v24, v40;
	v26 =	vld.idx.msk [tilespmem:v32+s2+$0x0], $0xffff;
	v21 =	vmax.f32 v21, v25  }
0x49: {  	v44 =	vadd.s32 v14, v23;
	v43 =	vor.u32 v24, v42;
	v25 =	vld.idx.msk [tilespmem:v33+s2+$0x0], $0xffff;
	v21 =	vmax.f32 v21, v28  }
0x4a: {  	v46 =	vadd.s32 v15, v23;
	v45 =	vor.u32 v24, v44;
	v28 =	vld.idx.msk [tilespmem:v34+s2+$0x0], $0xffff;
	v21 =	vmax.f32 v21, v29  }
0x4b: {  	v47 =	vadd.s32 v17, v23;
	v29 =	vld.idx.msk [tilespmem:v30+s2+$0x0], $0xffff;
	v30 =	vor.u32 v24, v46;
	v21 =	vmax.f32 v21, v22  }
0x4c: {  	v48 =	vadd.s32 v18, v23;
	v22 =	vld.idx.msk [tilespmem:v31+s2+$0x0], $0xffff;
	v31 =	vor.u32 v24, v47;
	v21 =	vmax.f32 v21, v27  }
0x4d: {  	v49 =	vor.u32 v24, v48;
	v50 =	vadd.s32 v19, v23;
	v27 =	vld.idx.msk [tilespmem:v41+s2+$0x0], $0xffff;
	v21 =	vmax.f32 v21, v26  }
0x4e: {  	v51 =	vor.u32 v24, v50;
	v23 =	vadd.s32 v20, v23;
	v26 =	vld.idx.msk [tilespmem:v43+s2+$0x0], $0xffff;
	v21 =	vmax.f32 v21, v25  }
0x4f: {  	v23 =	vor.u32 v24, v23;
	v25 =	vld.idx.msk [tilespmem:v45+s2+$0x0], $0xffff;
	v21 =	vmax.f32 v21, v28  }
0x50: {  	v24 =	vld.idx.msk [tilespmem:v30+s2+$0x0], $0xffff;
	v21 =	vmax.f32 v21, v29  }
0x51: {  	s16 =	simm.s32 $0x1;
	v28 =	vld.idx.msk [tilespmem:v31+s2+$0x0], $0xffff;
	v21 =	vmax.f32 v21, v22  }
0x52: {  	v29 =	vmov s16;
	v22 =	vld.idx.msk [tilespmem:v49+s2+$0x0], $0xffff;
	v27 =	vmax.f32 v21, v27  }
0x53: {  	s15 =	sand.u32 $0x70, s15;
	v30 =	vld.idx.msk [tilespmem:v51+s2+$0x0], $0xffff;
	v31 =	vshll.u32 v29, $0xA;
	v29 =	vshll.u32 v29, $0x7;
	v26 =	vmax.f32 v27, v26  }
0x54: {  	v23 =	vld.idx.msk [tilespmem:v23+s2+$0x0], $0xffff;
	v21 =	vmov s15;
	v27 =	vand.u32 $0xE000, v31;
	v25 =	vmax.f32 v26, v25  }
0x55: {  	s29 =	sshll.u32 s13, $0x7;
	v29 =	vand.u32 $0x380, v29;
	v26 =	vadd.s32 v4, v27;
	v24 =	vmax.f32 v25, v24  }
0x56: {  	s15 =	sand.u32 $0x400, s29;
	v25 =	vadd.s32 v1, v27;
	v26 =	vor.u32 v29, v26;
	v24 =	vmax.f32 v24, v28  }
0x57: {  	s30 =	sand.u32 $0x3800, s14;
	s15 =	sor.u32 $0x14000, s15;
	v25 =	vor.u32 v29, v25;
	v28 =	vadd.s32 v2, v27;
	v22 =	vmax.f32 v24, v22  }
0x58: {  	s17 =	sand.u32 $0x380, s14;
	s16 =	sadd.s32 s30, s15;
	v24 =	vor.u32 v29, v28;
	v28 =	vadd.s32 v9, v27;
	v22 =	vmax.f32 v22, v30  }
0x59: {  	s16 =	sadd.s32 s17, s16;
	v28 =	vor.u32 v29, v28;
	v30 =	vadd.s32 v5, v27;
	v22 =	vmax.f32 v22, v23  }
0x5a: {  	v23 =	vor.u32 v29, v30;
	v30 =	vadd.s32 v3, v27;
	[tilespmem:v21+s16+$0x0 ss:$0x1] =	vst.idx.msk $0xffff, v22  }
0x5b: {  	v31 =	vadd.s32 v6, v27;
	v22 =	vld.idx.msk [tilespmem:v26+s2+$0x0], $0xffff;
	v26 =	vor.u32 v29, v30  }
0x5c: {  	v31 =	vor.u32 v29, v31;
	v30 =	vadd.s32 v7, v27;
	v25 =	vld.idx.msk [tilespmem:v25+s2+$0x0], $0xffff  }
0x5d: {  	v55 =	vadd.s32 v10, v27;
	v30 =	vor.u32 v29, v30;
	v24 =	vld.idx.msk [tilespmem:v24+s2+$0x0], $0xffff  }
0x5e: {  	v52 =	vadd.s32 v8, v27;
	v35 =	vor.u32 v29, v55;
	v28 =	vld.idx.msk [tilespmem:v28+s2+$0x0], $0xffff  }
0x5f: {  	v53 =	vadd.s32 v13, v27;
	v32 =	vor.u32 v29, v52;
	v23 =	vld.idx.msk [tilespmem:v23+s2+$0x0], $0xffff  }
0x60: {  	v54 =	vadd.s32 v11, v27;
	v33 =	vor.u32 v29, v53;
	v26 =	vld.idx.msk [tilespmem:v26+s2+$0x0], $0xffff  }
0x61: {  	v36 =	vadd.s32 v16, v27;
	v34 =	vor.u32 v29, v54;
	v22 =	vmax.f32 v25, v22;
	v25 =	vld.idx.msk [tilespmem:v31+s2+$0x0], $0xffff  }
0x62: {  	v56 =	vadd.s32 v12, v27;
	v31 =	vor.u32 v29, v36;
	v30 =	vld.idx.msk [tilespmem:v30+s2+$0x0], $0xffff  }
0x63: {  	v58 =	vadd.s32 v14, v27;
	v57 =	vor.u32 v29, v56;
	v35 =	vld.idx.msk [tilespmem:v35+s2+$0x0], $0xffff;
	v22 =	vmax.f32 v22, v24  }
0x64: {  	v60 =	vadd.s32 v15, v27;
	v59 =	vor.u32 v29, v58;
	v24 =	vld.idx.msk [tilespmem:v32+s2+$0x0], $0xffff;
	v22 =	vmax.f32 v22, v28  }
0x65: {  	v62 =	vadd.s32 v17, v27;
	v61 =	vor.u32 v29, v60;
	v28 =	vld.idx.msk [tilespmem:v33+s2+$0x0], $0xffff;
	v22 =	vmax.f32 v22, v23  }
0x66: {  	v36 =	vor.u32 v29, v62;
	v23 =	vld.idx.msk [tilespmem:v34+s2+$0x0], $0xffff;
	v22 =	vmax.f32 v22, v26;
	v26 =	vadd.s32 v18, v27  }
0x67: {  	v22 =	vmax.f32 v22, v30;
	v30 =	vld.idx.msk [tilespmem:v31+s2+$0x0], $0xffff;
	v31 =	vor.u32 v29, v26;
	v26 =	vadd.s32 v19, v27  }
0x68: {  	v32 =	vld.idx.msk [tilespmem:v57+s2+$0x0], $0xffff;
	v22 =	vmax.f32 v22, v25;
	v37 =	vor.u32 v29, v26;
	v25 =	vadd.s32 v20, v27  }
0x69: {  	v26 =	vld.idx.msk [tilespmem:v59+s2+$0x0], $0xffff;
	v22 =	vmax.f32 v22, v24;
	v63 =	vor.u32 v29, v25  }
0x6a: {  	v27 =	vld.idx.msk [tilespmem:v61+s2+$0x0], $0xffff;
	v22 =	vmax.f32 v22, v28  }
0x6b: {  	v25 =	vld.idx.msk [tilespmem:v36+s2+$0x0], $0xffff;
	v22 =	vmax.f32 v22, v23  }
0x6c: {  	s31 =	simm.s32 $0x2;
	v22 =	vmax.f32 v22, v35;
	v24 =	vld.idx.msk [tilespmem:v31+s2+$0x0], $0xffff  }
0x6d: {  	v28 =	vmov s31;
	v22 =	vmax.f32 v22, v30;
	v23 =	vld.idx.msk [tilespmem:v37+s2+$0x0], $0xffff  }
0x6e: {  	s17 =	simm.s32 $0x3;
	s16 =	simm.s32 $0x0;
	v29 =	vshll.u32 v28, $0xA;
	v30 =	vmax.f32 v22, v32;
	v22 =	vld.idx.msk [tilespmem:v63+s2+$0x0], $0xffff  }
.LBB2_3:
0x6f: {  	p0 =	sne.s32 s17, $0x2F;
	v29 =	vand.u32 $0xE000, v29;
	v28 =	vshll.u32 v28, $0x7;
	v26 =	vmax.f32 v30, v26  }
0x70: {  	v28 =	vand.u32 $0x380, v28;
	v30 =	vadd.s32 v4, v29;
	v26 =	vmax.f32 v26, v27  }
0x71: {  	s14 =	sadd.s32 $0x100, s14;
	v27 =	vadd.s32 v1, v29;
	v30 =	vor.u32 v28, v30;
	v25 =	vmax.f32 v26, v25  }
0x72: {  	s16 =	sadd.s32 $0x80, s16;
	s18 =	sand.u32 $0x3800, s14;
	v26 =	vor.u32 v28, v27;
	v27 =	vadd.s32 v2, v29;
	v24 =	vmax.f32 v25, v24  }
0x73: {  	s19 =	sand.u32 $0x380, s16;
	s18 =	sadd.s32 s18, s15;
	v25 =	vor.u32 v28, v27;
	v27 =	vadd.s32 v9, v29;
	v23 =	vmax.f32 v24, v23  }
0x74: {  	s18 =	sadd.s32 s19, s18;
	v24 =	vor.u32 v28, v27;
	v27 =	vadd.s32 v5, v29;
	v22 =	vmax.f32 v23, v22  }
0x75: {  	v23 =	vor.u32 v28, v27;
	v27 =	vadd.s32 v3, v29;
	[tilespmem:v21+s18+$0x0 ss:$0x1] =	vst.idx.msk $0xffff, v22  }
0x76: {  	v27 =	vor.u32 v28, v27;
	v22 =	vld.idx.msk [tilespmem:v30+s2+$0x0], $0xffff;
	v30 =	vadd.s32 v7, v29  }
0x77: {  	v31 =	vadd.s32 v6, v29;
	v26 =	vld.idx.msk [tilespmem:v26+s2+$0x0], $0xffff;
	v30 =	vor.u32 v28, v30  }
0x78: {  	v32 =	vadd.s32 v8, v29;
	v31 =	vor.u32 v28, v31;
	v25 =	vld.idx.msk [tilespmem:v25+s2+$0x0], $0xffff  }
0x79: {  	v33 =	vadd.s32 v13, v29;
	v32 =	vor.u32 v28, v32;
	v24 =	vld.idx.msk [tilespmem:v24+s2+$0x0], $0xffff  }
0x7a: {  	v34 =	vadd.s32 v11, v29;
	v33 =	vor.u32 v28, v33;
	v23 =	vld.idx.msk [tilespmem:v23+s2+$0x0], $0xffff  }
0x7b: {  	v35 =	vadd.s32 v10, v29;
	v34 =	vor.u32 v28, v34;
	v27 =	vld.idx.msk [tilespmem:v27+s2+$0x0], $0xffff  }
0x7c: {  	v36 =	vadd.s32 v16, v29;
	v35 =	vor.u32 v28, v35;
	v30 =	vld.idx.msk [tilespmem:v30+s2+$0x0], $0xffff  }
0x7d: {  	v22 =	vmax.f32 v26, v22;
	v26 =	vld.idx.msk [tilespmem:v31+s2+$0x0], $0xffff;
	v31 =	vor.u32 v28, v36;
	v36 =	vadd.s32 v12, v29  }
0x7e: {  	v22 =	vmax.f32 v22, v25;
	v25 =	vld.idx.msk [tilespmem:v32+s2+$0x0], $0xffff;
	v32 =	vor.u32 v28, v36;
	v36 =	vadd.s32 v14, v29  }
0x7f: {  	v22 =	vmax.f32 v22, v24;
	v24 =	vld.idx.msk [tilespmem:v33+s2+$0x0], $0xffff;
	v33 =	vor.u32 v28, v36;
	v36 =	vadd.s32 v15, v29  }
0x80: {  	v22 =	vmax.f32 v22, v23;
	v23 =	vld.idx.msk [tilespmem:v34+s2+$0x0], $0xffff;
	v34 =	vor.u32 v28, v36;
	v36 =	vadd.s32 v17, v29  }
0x81: {  	v22 =	vmax.f32 v22, v27;
	v27 =	vadd.s32 v18, v29;
	v35 =	vld.idx.msk [tilespmem:v35+s2+$0x0], $0xffff;
	v36 =	vor.u32 v28, v36  }
0x82: {  	v22 =	vmax.f32 v22, v30;
	v30 =	vld.idx.msk [tilespmem:v31+s2+$0x0], $0xffff;
	v31 =	vor.u32 v28, v27;
	v27 =	vadd.s32 v19, v29  }
0x83: {  	v22 =	vmax.f32 v22, v26;
	v32 =	vld.idx.msk [tilespmem:v32+s2+$0x0], $0xffff;
	v37 =	vor.u32 v28, v27;
	v27 =	vadd.s32 v20, v29  }
0x84: {  	v22 =	vmax.f32 v22, v25;
	v26 =	vld.idx.msk [tilespmem:v33+s2+$0x0], $0xffff;
	v33 =	vor.u32 v28, v27  }
.Ltmp0:
0x85: {  	v22 =	vmax.f32 v22, v24;
	v27 =	vld.idx.msk [tilespmem:v34+s2+$0x0], $0xffff;
	(pc) =	sbr.rel @p0 .LBB2_3-.Ltmp0, $4  }
0x86: {  	v22 =	vmax.f32 v22, v23;
	v25 =	vld.idx.msk [tilespmem:v36+s2+$0x0], $0xffff  }
0x87: {  	v22 =	vmax.f32 v22, v35;
	v24 =	vld.idx.msk [tilespmem:v31+s2+$0x0], $0xffff  }
0x88: {  	v28 =	vmov s17;
	v22 =	vmax.f32 v22, v30;
	v23 =	vld.idx.msk [tilespmem:v37+s2+$0x0], $0xffff  }
0x89: {  	s17 =	sadd.s32 $0x1, s17;
	v29 =	vshll.u32 v28, $0xA;
	v30 =	vmax.f32 v22, v32;
	v22 =	vld.idx.msk [tilespmem:v33+s2+$0x0], $0xffff  }
0x8a: {  	v29 =	vand.u32 $0xE000, v29;
	v28 =	vshll.u32 v28, $0x7;
	v26 =	vmax.f32 v30, v26  }
0x8b: {  	v28 =	vand.u32 $0x380, v28;
	v4 =	vadd.s32 v4, v29;
	v26 =	vmax.f32 v26, v27  }
0x8c: {  	s14 =	sadd.s32 $0x100, s14;
	v1 =	vadd.s32 v1, v29;
	v4 =	vor.u32 v28, v4;
	v25 =	vmax.f32 v26, v25  }
0x8d: {  	s16 =	sadd.s32 $0x80, s16;
	v2 =	vadd.s32 v2, v29;
	s17 =	sand.u32 $0x3800, s14;
	v1 =	vor.u32 v28, v1;
	v24 =	vmax.f32 v25, v24  }
0x8e: {  	v9 =	vadd.s32 v9, v29;
	s18 =	sand.u32 $0x380, s16;
	v2 =	vor.u32 v28, v2;
	s17 =	sadd.s32 s17, s15;
	v23 =	vmax.f32 v24, v23  }
0x8f: {  	v5 =	vadd.s32 v5, v29;
	v9 =	vor.u32 v28, v9;
	s17 =	sadd.s32 s18, s17;
	v22 =	vmax.f32 v23, v22  }
0x90: {  	v3 =	vadd.s32 v3, v29;
	v5 =	vor.u32 v28, v5;
	[tilespmem:v21+s17+$0x0 ss:$0x1] =	vst.idx.msk $0xffff, v22  }
0x91: {  	v7 =	vadd.s32 v7, v29;
	v3 =	vor.u32 v28, v3;
	v4 =	vld.idx.msk [tilespmem:v4+s2+$0x0], $0xffff  }
0x92: {  	v6 =	vadd.s32 v6, v29;
	v7 =	vor.u32 v28, v7;
	v1 =	vld.idx.msk [tilespmem:v1+s2+$0x0], $0xffff  }
0x93: {  	v8 =	vadd.s32 v8, v29;
	v6 =	vor.u32 v28, v6;
	v2 =	vld.idx.msk [tilespmem:v2+s2+$0x0], $0xffff  }
0x94: {  	v13 =	vadd.s32 v13, v29;
	v8 =	vor.u32 v28, v8;
	v9 =	vld.idx.msk [tilespmem:v9+s2+$0x0], $0xffff  }
0x95: {  	v11 =	vadd.s32 v11, v29;
	v13 =	vor.u32 v28, v13;
	v5 =	vld.idx.msk [tilespmem:v5+s2+$0x0], $0xffff  }
0x96: {  	v10 =	vadd.s32 v10, v29;
	v11 =	vor.u32 v28, v11;
	v3 =	vld.idx.msk [tilespmem:v3+s2+$0x0], $0xffff  }
0x97: {  	v16 =	vadd.s32 v16, v29;
	v10 =	vor.u32 v28, v10;
	v7 =	vld.idx.msk [tilespmem:v7+s2+$0x0], $0xffff;
	v1 =	vmax.f32 v1, v4  }
0x98: {  	v12 =	vadd.s32 v12, v29;
	v44 =	vor.u32 v28, v16;
	v43 =	vld.idx.msk [tilespmem:v6+s2+$0x0], $0xffff;
	v1 =	vmax.f32 v1, v2  }
0x99: {  	v46 =	vadd.s32 v14, v29;
	v45 =	vor.u32 v28, v12;
	v2 =	vld.idx.msk [tilespmem:v8+s2+$0x0], $0xffff;
	v1 =	vmax.f32 v1, v9  }
0x9a: {  	v48 =	vadd.s32 v15, v29;
	v12 =	vor.u32 v28, v46;
	v47 =	vld.idx.msk [tilespmem:v13+s2+$0x0], $0xffff;
	v1 =	vmax.f32 v1, v5  }
0x9b: {  	v51 =	vadd.s32 v17, v29;
	v50 =	vor.u32 v28, v48;
	v49 =	vld.idx.msk [tilespmem:v11+s2+$0x0], $0xffff;
	v1 =	vmax.f32 v1, v3  }
0x9c: {  	v53 =	vadd.s32 v18, v29;
	v52 =	vor.u32 v28, v51;
	v3 =	vld.idx.msk [tilespmem:v10+s2+$0x0], $0xffff;
	v1 =	vmax.f32 v1, v7  }
0x9d: {  	v55 =	vadd.s32 v19, v29;
	v54 =	vor.u32 v28, v53;
	v6 =	vld.idx.msk [tilespmem:v44+s2+$0x0], $0xffff;
	v1 =	vmax.f32 v1, v43  }
0x9e: {  	v58 =	vadd.s32 v20, v29;
	v57 =	vor.u32 v28, v55;
	v56 =	vld.idx.msk [tilespmem:v45+s2+$0x0], $0xffff;
	v1 =	vmax.f32 v1, v2  }
0x9f: {  	v59 =	vor.u32 v28, v58;
	v2 =	vld.idx.msk [tilespmem:v12+s2+$0x0], $0xffff;
	v1 =	vmax.f32 v1, v47  }
0xa0: {  	v60 =	vld.idx.msk [tilespmem:v50+s2+$0x0], $0xffff;
	v1 =	vmax.f32 v1, v49  }
0xa1: {  	v61 =	vld.idx.msk [tilespmem:v52+s2+$0x0], $0xffff;
	v1 =	vmax.f32 v1, v3  }
0xa2: {  	v3 =	vld.idx.msk [tilespmem:v54+s2+$0x0], $0xffff;
	v1 =	vmax.f32 v1, v6  }
0xa3: {  	v62 =	vld.idx.msk [tilespmem:v57+s2+$0x0], $0xffff;
	v1 =	vmax.f32 v1, v56  }
0xa4: {  	s13 =	sadd.s32 $0x1, s13;
	v63 =	vld.idx.msk [tilespmem:v59+s2+$0x0], $0xffff;
	v1 =	vmax.f32 v1, v2  }
0xa5: {  	p0 =	sne.s32 s13, $0x10;
	v1 =	vmax.f32 v1, v60  }
.Ltmp1:
0xa6: {  	s14 =	sadd.s32 $0x100, s14;
	v1 =	vmax.f32 v1, v61;
	(pc) =	sbr.rel @p0 .LBB2_2-.Ltmp1, $4  }
0xa7: {  	s16 =	sadd.s32 $0x80, s16;
	s14 =	sand.u32 $0x3800, s14;
	v1 =	vmax.f32 v1, v3  }
0xa8: {  	s16 =	sand.u32 $0x380, s16;
	s14 =	sadd.s32 s14, s15;
	v1 =	vmax.f32 v1, v62  }
0xa9: {  	s14 =	sadd.s32 s16, s14;
	v1 =	vmax.f32 v1, v63  }
0xaa: {  	[tilespmem:v21+s14+$0x0 ss:$0x1] =	vst.idx.msk $0xffff, v1  }
0xab: {  	s12 =	sadd.s32 $0x1, s12  }
0xac: {  	p0 =	sne.s32 s12, s6  }
.Ltmp2:
0xad: {  	_ = 	snop;
	(pc) =	sbr.rel @p0 .LBB2_1-.Ltmp2, $4  }
0xae: {  	[hbm4b:s5+s9] =	stream.strided.scatter [tilespmem:s11], [sflag:$0x1], $0x3000, s10, s9, $0x38;
	[tilespmem:$0x17000] =	vst v63  }
0xaf: {  	_ =	swait.ge [sflag:s7], $0x3000  }
0xb0: {  	[sflag:s7] =	ssyncset.done $0x0  }
0xb1: {  	[sflag:s7] =	ssyncadd.s32 $0xFFFFD000  }
0xb2: {  	_ =	sfence.sel $0x180000  }
0xb3: {  	[bflag:$0x0] =	sbarrier.arrive $0xFFFF  }
0xb4: {  	p0 =	sne.s32 s1, $0x0;
	_ =	strace $0x9000004A  }
0xb5: {  	s0 =	sadd.s32 @!p0 $0x100000, s0;
	[bflag:$0x2] =	sbarrier.arrive $0xFFFF  }
0xb6: {  	[sflag:s0] =	ssyncadd.tile.s32 @!p0 $0x1;
	_ =	shalt  }
.Lfunc_end2:
_tile_overlayer_lowered:
.L_overlay_start_2:
0xb7: {  	(tag) =	ssettag $0x2  }
0xb8: {  	s0 =	rddreg [dreg:$0x0];
	s2 =	stileid.u32  }
0xb9: {  	s1 =	rddreg [dreg:$0x1];
	p0 =	sne.s32 s2, $0x0  }
0xba: {  	s3 =	rddreg [dreg:$0x2];
	[bflag:$0x3] =	sbarrier.arrive $0xFFFF;
	s2 =	simm.s32 @!p0 $0x1C01  }
0xbb: {  	[timem:s3], [sflag:s2] =	dma.local @!p0 [hbm:s0], s1  }
0xbc: {  	s0 =	simm.s32 @!p0 $0x1  }
0xbd: {  	_ =	swait.ge @!p0 [sflag:s0], s1  }
0xbe: {  	s1 =	ssub.s32 @!p0 $0x0, s1;
	[sflag:s0] =	ssyncset.done @!p0 $0x0  }
0xbf: {  	[sflag:s0] =	ssyncadd.s32 @!p0 s1  }
0xc0: {  	[bflag:$0x3] =	sbarrier.arrive $0xFFFF  }
0xc1: {  	_ =	shalt  }

// kernel: kernel.21.cloned.1.call-start
scs
__scs_entry_jumppad:
0x0: {  	(pc) =	sbr.rel $0x88, $3  }
0x1: {  	(tag) =	ssettag $0x0;
	lr =	simm.s32 $0x1  }
0x2: {  	[smem:$0x3F9A] =	sst lr;
	_ =	strace $0xD0000000  }
0x3: {  	_ = 	snop  }
0x4: {  	_ = 	snop  }
0x5: {  	_ = 	snop  }
0x6: {  	_ = 	snop  }
0x7: {  	_ = 	snop  }
__scs_overlays_trampoline_lowered:
0x8: {  	[smem:$0x3FA9] =	sst s0  }
0x9: {  	[smem:$0x3FAA] =	sst s1  }
0xa: {  	[smem:$0x3FAB] =	sst s2  }
0xb: {  	[smem:$0x3FAC] =	sst s3  }
0xc: {  	[smem:$0x3FAD] =	sst s4  }
0xd: {  	[smem:$0x3FAE] =	sst s5  }
0xe: {  	[smem:$0x3FAF] =	sst s6  }
0xf: {  	[smem:$0x3FB0] =	sst s7  }
0x10: {  	[smem:$0x3FB1] =	sst s8  }
0x11: {  	[smem:$0x3FB2] =	sst s9;
	s0 =	simm.s32 @!p0 $0x0  }
0x12: {  	s1 =	sld [smem:$0x3F98];
	s0 =	simm.s32 @p0 $0x1  }
0x13: {  	[smem:$0x3FB3] =	sst s0;
	s0 =	simm.s32 @!p1 $0x0  }
0x14: {  	s2 =	sld [smem:$0x3F97];
	s0 =	simm.s32 @p1 $0x1  }
0x15: {  	[smem:$0x3FB4] =	sst s0;
	s0 =	simm.s32 @!p2 $0x0  }
0x16: {  	s3 =	sld [smem:$0x3FDB];
	s0 =	simm.s32 @p2 $0x1  }
0x17: {  	s4 =	simm.s32 $0x1BF5;
	[smem:$0x3FB6] =	sst s0  }
0x18: {  	s0 =	sld [smem:$0x3F99];
	_ =	swait.ge [sflag:s4], $0x0  }
0x19: {  	s7 =	sld [smem:$0x3F9A]  }
0x1a: {  	s8 =	sadd.s32 $0xFFFFE003, lr  }
0x1b: {  	s9 =	sadd.s32 $0xFFFFFEF7, lr;
	s5 =	simm.s32 $0xFFFFFFFF;
	p2 =	slt.u32 s8, $0xFFFFF086  }
0x1c: {  	p1 =	slt.u32 s9, $0xF7A;
	s5 =	simm.s32 @!p2 $0x0  }
0x1d: {  	s5 =	simm.s32 @p1 $0x1;
	p0 =	seq.s32 s7, s2  }
0x1e: {  	s7 =	smul.u32 @!p0 $0xF7A, s2;
	p2 =	seq.s32 @!p0 s5, $0x0  }
0x1f: {  	s9 =	smul.u32 $0xF7A, s1;
	s8 =	simm.s32 @!p0 $0x1BF5;
	p2 =	por !p2, p0  }
0x20: {  	[sflag:s8] =	ssyncset.s32 @!p0 $0xFFFFF086;
	s6 =	sadd.s32 @!p0 s3, s7;
	s7 =	simm.s32 @!p0 $0x108  }
0x21: {  	s3 =	sadd.s32 s3, s9;
	s6 =	sadd.s32 @!p0 $0x88, s6;
	s7 =	simm.s32 @p2 $0x1082  }
0x22: {  	[simem:s7], [sflag:s8] =	dma.local @!p0 [hbm:s6], $0xF7A  }
0x23: {  	s9 =	sor.u32 $0xD0000000, s2;
	s6 =	simm.s32 $0x108;
	_ =	swait.ge @!p0 [sflag:s8], $0x0  }
0x24: {  	s3 =	sadd.s32 $0x88, s3;
	s6 =	simm.s32 @!p1 $0x1082;
	[sflag:s4] =	ssyncset.s32 $0xFFFFF086  }
0x25: {  	[simem:s6], [sflag:s4] =	dma.local [hbm:s3], $0xF7A  }
0x26: {  	[smem:$0x3F9A] =	sst s1;
	(tag) =	ssettag s2;
	_ =	strace s9  }
0x27: {  	s1 =	sld [smem:$0x3FAA]  }
0x28: {  	s2 =	sld [smem:$0x3FAB]  }
0x29: {  	s4 =	sld [smem:$0x3FAD]  }
0x2a: {  	p0 =	seq.s32 s5, $0x0;
	s5 =	sld [smem:$0x3FAE]  }
0x2b: {  	s6 =	sld [smem:$0x3FAF]  }
0x2c: {  	s7 =	sld [smem:$0x3FB0]  }
0x2d: {  	s3 =	simm.s32 $0x108;
	s8 =	sld [smem:$0x3FB1]  }
0x2e: {  	s3 =	simm.s32 @!p0 $0x1082;
	s9 =	sld [smem:$0x3FB2]  }
0x2f: {  	lr =	sadd.s32 s0, s3;
	s0 =	sld [smem:$0x3FA9]  }
0x30: {  	s3 =	sld [smem:$0x3FAC]  }
0x31: {  	[smem:$0x3FB5] =	sst s10  }
0x32: {  	s10 =	sld [smem:$0x3FB3];
	_ =	sdelay $0x3  }
0x33: {  	p0 =	seq.s32 s10, $0x1;
	s10 =	sld [smem:$0x3FB5];
	_ =	sdelay $0x3  }
0x34: {  	[smem:$0x3FB5] =	sst s10  }
0x35: {  	s10 =	sld [smem:$0x3FB4];
	_ =	sdelay $0x3  }
0x36: {  	p1 =	seq.s32 s10, $0x1;
	s10 =	sld [smem:$0x3FB5];
	_ =	sdelay $0x3  }
0x37: {  	[smem:$0x3FB5] =	sst s10  }
0x38: {  	s10 =	sld [smem:$0x3FB6]  }
0x39: {  	_ = 	snop;
	(pc) =	sbr.ind lr, $3  }
0x3a: {  	_ = 	snop  }
0x3b: {  	_ = 	snop  }
0x3c: {  	p2 =	seq.s32 s10, $0x1;
	s10 =	sld [smem:$0x3FB5]  }
0x3d: {  	_ =	shalt  }
0x3e: {  	_ =	shalt  }
0x3f: {  	_ =	shalt  }
0x40: {  	_ =	shalt  }
0x41: {  	_ =	shalt  }
0x42: {  	_ =	shalt  }
0x43: {  	_ =	shalt  }
0x44: {  	_ =	shalt  }
0x45: {  	_ =	shalt  }
0x46: {  	_ =	shalt  }
0x47: {  	_ =	shalt  }
0x48: {  	_ =	shalt  }
0x49: {  	_ =	shalt  }
0x4a: {  	_ =	shalt  }
0x4b: {  	_ =	shalt  }
0x4c: {  	_ =	shalt  }
0x4d: {  	_ =	shalt  }
0x4e: {  	_ =	shalt  }
0x4f: {  	_ =	shalt  }
0x50: {  	_ =	shalt  }
0x51: {  	_ =	shalt  }
0x52: {  	_ =	shalt  }
0x53: {  	_ =	shalt  }
0x54: {  	_ =	shalt  }
0x55: {  	_ =	shalt  }
0x56: {  	_ =	shalt  }
0x57: {  	_ =	shalt  }
0x58: {  	_ =	shalt  }
0x59: {  	_ =	shalt  }
0x5a: {  	_ =	shalt  }
0x5b: {  	_ =	shalt  }
0x5c: {  	_ =	shalt  }
0x5d: {  	_ =	shalt  }
0x5e: {  	_ =	shalt  }
0x5f: {  	_ =	shalt  }
0x60: {  	_ =	shalt  }
0x61: {  	_ =	shalt  }
0x62: {  	_ =	shalt  }
0x63: {  	_ =	shalt  }
0x64: {  	_ =	shalt  }
0x65: {  	_ =	shalt  }
0x66: {  	_ =	shalt  }
0x67: {  	_ =	shalt  }
0x68: {  	_ =	shalt  }
0x69: {  	_ =	shalt  }
0x6a: {  	_ =	shalt  }
0x6b: {  	_ =	shalt  }
0x6c: {  	_ =	shalt  }
0x6d: {  	_ =	shalt  }
0x6e: {  	_ =	shalt  }
0x6f: {  	_ =	shalt  }
0x70: {  	_ =	shalt  }
0x71: {  	_ =	shalt  }
0x72: {  	_ =	shalt  }
0x73: {  	_ =	shalt  }
0x74: {  	_ =	shalt  }
0x75: {  	_ =	shalt  }
0x76: {  	_ =	shalt  }
0x77: {  	_ =	shalt  }
0x78: {  	_ =	shalt  }
0x79: {  	_ =	shalt  }
0x7a: {  	_ =	shalt  }
0x7b: {  	_ =	shalt  }
0x7c: {  	_ =	shalt  }
0x7d: {  	_ =	shalt  }
0x7e: {  	_ =	shalt  }
0x7f: {  	_ =	shalt  }
0x80: {  	_ =	shalt  }
0x81: {  	_ =	shalt  }
0x82: {  	_ =	shalt  }
0x83: {  	_ =	shalt  }
0x84: {  	_ =	shalt  }
0x85: {  	_ =	shalt  }
0x86: {  	_ =	shalt  }
0x87: {  	_ =	shalt  }
.Lfunc_end0:
.L_simem_size_0:
called_computation.3_lowered:
.L_overlay_start_0:
0x88: {  	s2 =	sld [smem:$0x3FD9]  }
0x89: {  	s3 =	sld [smem:$0x3FFE];
	_ =	sdelay $0x1  }
0x8a: {  	s1 =	srdreg.scid  }
0x8b: {  	s0 =	sand.u32 $0x1, s1  }
0x8c: {  	s17 =	sshll.u32 s0, $0xA;
	s2 =	sadd.s32 s3, s2  }
0x8d: {  	s2 =	sadd.s32 s2, s17  }
0x8e: {  	[smem:$0x3FC1] =	sst s2  }
0x8f: {  	_ = 	snop  }
0x90: {  	(tm) =	ssettm $0x1  }
0x91: {  	s18 =	sld [smem:$0x3FFB];
	_ =	sdelay $0x3  }
0x92: {  	_ =	strace s18  }
0x93: {  	s2 =	sld [smem:$0x3FFC];
	_ =	sdelay $0x3  }
0x94: {  	_ =	strace s2  }
0x95: {  	s2 =	sld [smem:$0x3FFD];
	_ =	sdelay $0x3  }
0x96: {  	_ =	strace s2  }
0x97: {  	_ =	strace $0x8FFFFFFF  }
0x98: {  	s19 =	sld [smem:$0x3FDB];
	_ =	sdelay $0x1  }
0x99: {  	s20 =	simm.s32 $_scs_section_size  }
0x9a: {  	s4 =	simm.s32 $_size__tile_overlayer_lowered;
	s5 =	simm.s32 $_tile_overlayer_lowered  }
0x9b: {  	s6 =	simm.s32 $0x1BFF;
	s21 =	sshll.u32 s5, $0x1;
	s3 =	sadd.s32 s20, s19  }
0x9c: {  	s22 =	simm.s32 $0x0;
	s4 =	sshll.u32 s4, $0x1;
	s5 =	sadd.s32 s21, s3  }
0x9d: {  	[timem:s22], [sflag:s6] =	dma.local [hbm:s5], s4  }
0x9e: {  	_ =	swait.ge [sflag:s6], s4  }
0x9f: {  	s4 =	ssub.s32 $0x0, s4;
	[sflag:s6] =	ssyncset.done $0x0  }
0xa0: {  	[sflag:s6] =	ssyncadd.s32 s4;
	_ =	sdelay $0x1  }
0xa1: {  	s23 =	simm.s32 $0x1B8B  }
0xa2: {  	_ =	swait.ge [sflag:s23], $0x1  }
0xa3: {  	[sflag:s23] =	ssyncset.done $0x0  }
0xa4: {  	[sflag:s23] =	ssyncadd.s32 $0xFFFFFFFF  }
0xa5: {  	s4 =	sld [smem:$0x0]  }
0xa6: {  	s5 =	sand.u32 $0xFFFFFFFE, s1  }
0xa7: {  	p0 =	sne.s32 s1, s5  }
0xa8: {  	s5 =	sshll.u32 @p0 s5, $0xE  }
0xa9: {  	s5 =	sadd.s32 @p0 $0x11B8D, s5;
	s6 =	sshll.u32 @p0 s4, $0x11  }
0xaa: {  	s5 =	sor.u32 @p0 s6, s5  }
0xab: {  	[sflag:s5] =	ssyncadd.remote.s32 @p0 $0x1;
	_ =	sdelay $0x1  }
0xac: {  	s5 =	simm.s32 @p0 $0x1B8D  }
0xad: {  	_ =	swait.eq @p0 [sflag:s5], $0x1  }
0xae: {  	[sflag:s5] =	ssyncadd.s32 @p0 $0xFFFFFFFF  }
0xaf: {  	s6 =	sshll.u32 @!p0 s1, $0xE  }
0xb0: {  	s6 =	sor.u32 @!p0 $0x4000, s6;
	s5 =	simm.s32 @!p0 $0x1B8D  }
0xb1: {  	s4 =	sshll.u32 @!p0 s4, $0x11;
	s6 =	sadd.s32 @!p0 $0x11B8D, s6;
	_ =	swait.eq @!p0 [sflag:s5], $0x1  }
0xb2: {  	s4 =	sor.u32 @!p0 s4, s6;
	[sflag:s5] =	ssyncadd.s32 @!p0 $0xFFFFFFFF  }
0xb3: {  	s25 =	simm.s32 $0x1B8E;
	s24 =	sld [smem:$0x3FFE];
	[sflag:s4] =	ssyncadd.remote.s32 @!p0 $0x1  }
0xb4: {  	s26 =	simm.s32 $execute0_lowered;
	[smem:$0x3FD2] =	sst s25  }
0xb5: {  	s5 =	sshll.u32 s26, $0x1;
	_ =	strace $0x8000004C;
	[dreg:$0x1] =	wrdreg $0xFFFFFFFF  }
0xb6: {  	s28 =	simm.s32 $_size_execute0_lowered;
	s3 =	sadd.s32 s3, s5;
	[dreg:$0x0] =	wrdreg $0x0  }
0xb7: {  	s5 =	sshll.u32 s28, $0x1;
	[dreg:$0x2] =	wrdreg s3  }
0xb8: {  	[dreg:$0x3] =	wrdreg s5  }
0xb9: {  	[dreg:$0x4] =	wrdreg $0xC0  }
0xba: {  	_ =	task [dreg:s22], $0x5FFFF  }
0xbb: {  	[dreg:$0x1] =	wrdreg $0xFFFFFFFF  }
0xbc: {  	[dreg:$0x0] =	wrdreg $0x60  }
0xbd: {  	[dreg:$0x2] =	wrdreg s24  }
0xbe: {  	[dreg:$0x3] =	wrdreg $0xC  }
0xbf: {  	_ =	task.clear_ibuf [dreg:s22], $0x4FFFF;
	_ =	strace $0x9000004C  }
0xc0: {  	s29 =	simm.s32 $0xC;
	_ =	strace $0x8000004E  }
0xc1: {  	_ =	swait.ge [sflag:s29], $0x1  }
0xc2: {  	[sflag:s29] =	ssyncadd.s32 $0xFFFFFFFF  }
0xc3: {  	_ =	strace $0x9000004E  }
0xc4: {  	_ =	sfence  }
0xc5: {  	s30 =	sld [smem:$0x0];
	_ =	sdelay $0x2  }
0xc6: {  	s31 =	sshll.u32 s1, $0xD;
	s1 =	sshrl.u32 s1, $0x2  }
0xc7: {  	s4 =	sand.u32 $0x4000, s31;
	s1 =	sadd.s32 s1, s30  }
0xc8: {  	s0 =	sor.u32 s4, s0;
	s1 =	sshll.u32 s1, $0x11  }
0xc9: {  	s0 =	sor.u32 s1, s0  }
0xca: {  	s0 =	sadd.s32 $0x8F2B, s0  }
0xcb: {  	[sflag:s0] =	ssyncadd.remote.s32 $0x1  }
0xcc: {  	_ =	sfence.sel $0xFFFF  }
0xcd: {  	[dreg:$0x0] =	wrdreg $0xFFFFFFFF;
	(pc) =	sbr.abs _section_cstart, $3  }
0xce: {  	[dreg:$0x1] =	wrdreg $0xFFFFFFFF  }
0xcf: {  	_ =	task.clear_ibuf [dreg:s22], $0x2FFFF;
	_ =	strace $0x9FFFFFFF  }
0xd0: {  	(tm) =	ssettm $0x7FFFFFFF  }
0xd1: {  	_ =	shalt  }
tec
execute0_lowered:
.L_overlay_start_1:
0x0: {  	(tag) =	ssettag $0x1  }
0x1: {  	s3 =	rddreg [dreg:$0x0]  }
0x2: {  	s0 =	rddreg [dreg:$0x1]  }
0x3: {  	s1 =	stileid.u32;
	s4 =	srdreg.scid  }
0x4: {  	s2 =	simm.s32 $0x0;
	s9 =	simm.s32 $0x800;
	s10 =	simm.s32 $0x2000  }
0x5: {  	s11 =	simm.s32 $0x14000;
	s12 =	simm.s32 $0x0;
	s5 =	sshrl.u32 s1, $0x1  }
0x6: {  	s4 =	sand.u32 $0x1, s4;
	s7 =	sshll.u32 s1, $0x9;
	[smem:$0x7FF] =	sst s2  }
0x7: {  	s6 =	smul.u32 $0x1800, s5;
	s8 =	sshll.u32 s4, $0x8;
	s5 =	sshll.u32 s5, $0xA  }
0x8: {  	_ =	strace $0x8000004D;
	s4 =	ssub.s32 $0x2, s4;
	s7 =	sor.u32 s8, s7  }
0x9: {  	s31 =	sshrl.u32 s4, $0x1;
	s8 =	simm.s32 $0xC000;
	s5 =	ssub.s32 s7, s5  }
0xa: {  	s29 =	sadd.s32 s6, s3;
	s7 =	sshll.u32 s5, $0x4;
	s5 =	sadd.s32 s6, s5  }
0xb: {  	s30 =	sadd.s32 s7, s3;
	s5 =	sand.u32 $0x1FFFFF00, s5;
	s7 =	ssub.s32 s4, s31  }
0xc: {  	v0 =	vlaneseq.u32;
	s5 =	sadd.s32 s5, s3;
	s3 =	sadd.s32 $0x7CA00, s29;
	s4 =	sadd.s32 $0x88A00, s30  }
0xd: {  	v0 =	vmul.u32 $0x80, v0;
	s6 =	smax.u32 s7, $0x1;
	s7 =	simm.s32 $0x1;
	s5 =	sadd.s32 $0xACA00, s5  }
.LBB2_1:
0xe: {  	[tilespmem:s2], [sflag:$0x1] =	stream.linear.gather [hbm4b:s3+s2], $0xC000, $0x38;
	[tilespmem:$0x17000] =	vst v63  }
0xf: {  	_ =	swait.ge [sflag:s7], $0xC000  }
0x10: {  	[sflag:s7] =	ssyncset.done $0x0  }
0x11: {  	[sflag:s7] =	ssyncadd.s32 $0xFFFF4000  }
0x12: {  	[tilespmem:s8], [sflag:$0x1] =	stream.linear.gather [hbm4b:s4+s2], $0x8000, $0x38;
	[tilespmem:$0x17000] =	vst v63  }
0x13: {  	_ =	swait.ge [sflag:s7], $0x8000  }
0x14: {  	[sflag:s7] =	ssyncset.done $0x0  }
0x15: {  	s13 =	simm.s32 $0x0;
	[sflag:s7] =	ssyncadd.s32 $0xFFFF8000  }
.LBB2_2:
0x16: {  	s15 =	sshll.u32 s13, $0x4  }
0x17: {  	v1 =	vmov s15  }
0x18: {  	v1 =	vshll.u32 v1, $0x7  }
0x19: {  	v1 =	vor.u32 v0, v1  }
0x1a: {  	v2 =	vor.u32 $0x1, v1;
	_ =	sdelay $0x1  }
0x1b: {  	v3 =	vor.u32 $0x2, v1  }
0x1c: {  	v7 =	vor.u32 $0x5, v1  }
0x1d: {  	v4 =	vor.u32 $0x3, v1;
	v5 =	vld.idx.msk [tilespmem:v1+s8+$0x0], $0xffff  }
0x1e: {  	v6 =	vor.u32 $0x4, v1;
	v8 =	vor.u32 $0x6, v1;
	v9 =	vor.u32 $0x7, v1;
	v2 =	vld.idx.msk [tilespmem:v2+s8+$0x0], $0xffff  }
0x1f: {  	v10 =	vor.u32 $0x8, v1;
	v11 =	vor.u32 $0x9, v1;
	v12 =	vor.u32 $0xA, v1  }
0x20: {  	v13 =	vor.u32 $0xB, v1;
	v14 =	vor.u32 $0xC, v1;
	v15 =	vor.u32 $0xD, v1;
	v3 =	vld.idx.msk [tilespmem:v3+s8+$0x0], $0xffff  }
0x21: {  	v17 =	vor.u32 $0xE, v1;
	v18 =	vor.u32 $0xF, v1;
	v19 =	vor.u32 $0x10, v1;
	v7 =	vld.idx.msk [tilespmem:v7+s8+$0x0], $0xffff  }
0x22: {  	v20 =	vor.u32 $0x11, v1;
	v21 =	vor.u32 $0x12, v1;
	v22 =	vor.u32 $0x13, v1;
	v16 =	vld.idx.msk [tilespmem:v4+s8+$0x0], $0xffff  }
0x23: {  	v6 =	vld.idx.msk [tilespmem:v6+s8+$0x0], $0xffff;
	v1 =	vand.u32 $0x7F, v5;
	v4 =	vshll.u32 v5, $0x3;
	v5 =	vshll.u32 v2, $0x3  }
0x24: {  	v4 =	vand.u32 $0xFFFFFC00, v4;
	v2 =	vand.u32 $0x7F, v2;
	v5 =	vand.u32 $0xFFFFFC00, v5  }
0x25: {  	v8 =	vld.idx.msk [tilespmem:v8+s8+$0x0], $0xffff;
	v1 =	vor.u32 v1, v4;
	v4 =	vor.u32 v2, v5;
	v2 =	vshll.u32 v3, $0x3  }
0x26: {  	v23 =	vld.idx.msk [tilespmem:v9+s8+$0x0], $0xffff;
	v9 =	vshll.u32 v7, $0x3;
	v3 =	vand.u32 $0x7F, v3;
	v2 =	vand.u32 $0xFFFFFC00, v2  }
0x27: {  	v7 =	vand.u32 $0x7F, v7;
	v5 =	vshll.u32 v16, $0x3;
	v2 =	vor.u32 v3, v2  }
0x28: {  	v10 =	vld.idx.msk [tilespmem:v10+s8+$0x0], $0xffff;
	v3 =	vand.u32 $0x7F, v16;
	v16 =	vand.u32 $0x7F, v6;
	v6 =	vshll.u32 v6, $0x3  }
0x29: {  	v13 =	vld.idx.msk [tilespmem:v13+s8+$0x0], $0xffff;
	v24 =	vand.u32 $0xFFFFFC00, v9;
	v5 =	vand.u32 $0xFFFFFC00, v5;
	v6 =	vand.u32 $0xFFFFFC00, v6  }
0x2a: {  	v11 =	vld.idx.msk [tilespmem:v11+s8+$0x0], $0xffff;
	v9 =	vor.u32 v3, v5;
	v3 =	vor.u32 v7, v24;
	v7 =	vshll.u32 v8, $0x3  }
0x2b: {  	v12 =	vld.idx.msk [tilespmem:v12+s8+$0x0], $0xffff;
	v5 =	vor.u32 v16, v6;
	v6 =	vand.u32 $0x7F, v8;
	v8 =	vshll.u32 v23, $0x3  }
0x2c: {  	v7 =	vand.u32 $0xFFFFFC00, v7;
	v16 =	vand.u32 $0x7F, v23;
	v8 =	vand.u32 $0xFFFFFC00, v8  }
0x2d: {  	v14 =	vld.idx.msk [tilespmem:v14+s8+$0x0], $0xffff;
	v7 =	vor.u32 v6, v7;
	v6 =	vor.u32 v16, v8;
	v8 =	vshll.u32 v10, $0x3  }
0x2e: {  	v15 =	vld.idx.msk [tilespmem:v15+s8+$0x0], $0xffff;
	v23 =	vshll.u32 v13, $0x3;
	v10 =	vand.u32 $0x7F, v10;
	v8 =	vand.u32 $0xFFFFFC00, v8  }
0x2f: {  	v16 =	vshll.u32 v11, $0x3;
	v8 =	vor.u32 v10, v8;
	v10 =	vand.u32 $0x7F, v11  }
0x30: {  	v17 =	vld.idx.msk [tilespmem:v17+s8+$0x0], $0xffff;
	v11 =	vand.u32 $0xFFFFFC00, v16;
	v16 =	vand.u32 $0x7F, v12;
	v12 =	vshll.u32 v12, $0x3  }
0x31: {  	v18 =	vld.idx.msk [tilespmem:v18+s8+$0x0], $0xffff;
	v24 =	vand.u32 $0x7F, v13;
	v23 =	vand.u32 $0xFFFFFC00, v23;
	v12 =	vand.u32 $0xFFFFFC00, v12  }
0x32: {  	v13 =	vor.u32 v10, v11;
	v10 =	vor.u32 v24, v23;
	v11 =	vor.u32 v16, v12  }
0x33: {  	v19 =	vld.idx.msk [tilespmem:v19+s8+$0x0], $0xffff;
	v12 =	vand.u32 $0x7F, v14;
	v14 =	vshll.u32 v14, $0x3;
	v16 =	vshll.u32 v15, $0x3  }
0x34: {  	v15 =	vand.u32 $0x7F, v15;
	v14 =	vand.u32 $0xFFFFFC00, v14;
	v23 =	vand.u32 $0xFFFFFC00, v16  }
0x35: {  	v16 =	vor.u32 v12, v14;
	v12 =	vor.u32 v15, v23;
	v14 =	vshll.u32 v17, $0x3  }
0x36: {  	v20 =	vld.idx.msk [tilespmem:v20+s8+$0x0], $0xffff;
	v15 =	vand.u32 $0x7F, v17;
	v17 =	vshll.u32 v18, $0x3;
	v14 =	vand.u32 $0xFFFFFC00, v14  }
0x37: {  	s14 =	simm.s32 $0x0;
	v17 =	vand.u32 $0xFFFFFC00, v17;
	v14 =	vor.u32 v15, v14;
	v15 =	vand.u32 $0x7F, v18  }
0x38: {  	v18 =	vmov s14;
	v15 =	vor.u32 v15, v17;
	v17 =	vshll.u32 v19, $0x3  }
0x39: {  	v19 =	vand.u32 $0x7F, v19;
	v23 =	vshll.u32 v18, $0xA;
	v18 =	vshll.u32 v18, $0x7  }
0x3a: {  	v21 =	vld.idx.msk [tilespmem:v21+s8+$0x0], $0xffff;
	v17 =	vand.u32 $0xFFFFFC00, v17;
	v23 =	vand.u32 $0xE000, v23;
	v24 =	vand.u32 $0x380, v18  }
0x3b: {  	v17 =	vor.u32 v19, v17;
	v19 =	vand.u32 $0x7F, v20;
	v18 =	vadd.s32 v4, v23  }
0x3c: {  	v20 =	vshll.u32 v20, $0x3;
	v25 =	vadd.s32 v1, v23;
	v26 =	vor.u32 v24, v18  }
0x3d: {  	v18 =	vand.u32 $0xFFFFFC00, v20;
	v20 =	vor.u32 v24, v25;
	v25 =	vadd.s32 v2, v23  }
0x3e: {  	v22 =	vld.idx.msk [tilespmem:v22+s8+$0x0], $0xffff;
	v18 =	vor.u32 v19, v18;
	v25 =	vor.u32 v24, v25;
	v19 =	vadd.s32 v9, v23  }
0x3f: {  	v27 =	vand.u32 $0x7F, v21;
	v28 =	vor.u32 v24, v19;
	v19 =	vadd.s32 v5, v23  }
0x40: {  	v21 =	vshll.u32 v21, $0x3;
	v29 =	vor.u32 v24, v19;
	v19 =	vadd.s32 v3, v23  }
0x41: {  	v21 =	vand.u32 $0xFFFFFC00, v21;
	v31 =	vadd.s32 v7, v23;
	v30 =	vor.u32 v24, v19;
	v26 =	vld.idx.msk [tilespmem:v26+s2+$0x0], $0xffff  }
0x42: {  	v19 =	vor.u32 v27, v21;
	v27 =	vor.u32 v24, v31;
	v21 =	vld.idx.msk [tilespmem:v20+s2+$0x0], $0xffff;
	v20 =	vadd.s32 v6, v23  }
0x43: {  	v31 =	vand.u32 $0x7F, v22;
	v25 =	vld.idx.msk [tilespmem:v25+s2+$0x0], $0xffff;
	v32 =	vor.u32 v24, v20;
	v20 =	vadd.s32 v8, v23  }
0x44: {  	v22 =	vshll.u32 v22, $0x3;
	v28 =	vld.idx.msk [tilespmem:v28+s2+$0x0], $0xffff;
	v33 =	vor.u32 v24, v20;
	v20 =	vadd.s32 v13, v23  }
0x45: {  	v35 =	vadd.s32 v11, v23;
	v22 =	vand.u32 $0xFFFFFC00, v22;
	v29 =	vld.idx.msk [tilespmem:v29+s2+$0x0], $0xffff;
	v34 =	vor.u32 v24, v20  }
0x46: {  	v20 =	vor.u32 v31, v22;
	v31 =	vadd.s32 v10, v23;
	v22 =	vld.idx.msk [tilespmem:v30+s2+$0x0], $0xffff;
	v30 =	vor.u32 v24, v35  }
0x47: {  	v40 =	vadd.s32 v16, v23;
	v27 =	vld.idx.msk [tilespmem:v27+s2+$0x0], $0xffff;
	v31 =	vor.u32 v24, v31;
	v21 =	vmax.f32 v21, v26  }
0x48: {  	v42 =	vadd.s32 v12, v23;
	v41 =	vor.u32 v24, v40;
	v26 =	vld.idx.msk [tilespmem:v32+s2+$0x0], $0xffff;
	v21 =	vmax.f32 v21, v25  }
0x49: {  	v44 =	vadd.s32 v14, v23;
	v43 =	vor.u32 v24, v42;
	v25 =	vld.idx.msk [tilespmem:v33+s2+$0x0], $0xffff;
	v21 =	vmax.f32 v21, v28  }
0x4a: {  	v46 =	vadd.s32 v15, v23;
	v45 =	vor.u32 v24, v44;
	v28 =	vld.idx.msk [tilespmem:v34+s2+$0x0], $0xffff;
	v21 =	vmax.f32 v21, v29  }
0x4b: {  	v47 =	vadd.s32 v17, v23;
	v29 =	vld.idx.msk [tilespmem:v30+s2+$0x0], $0xffff;
	v30 =	vor.u32 v24, v46;
	v21 =	vmax.f32 v21, v22  }
0x4c: {  	v48 =	vadd.s32 v18, v23;
	v22 =	vld.idx.msk [tilespmem:v31+s2+$0x0], $0xffff;
	v31 =	vor.u32 v24, v47;
	v21 =	vmax.f32 v21, v27  }
0x4d: {  	v49 =	vor.u32 v24, v48;
	v50 =	vadd.s32 v19, v23;
	v27 =	vld.idx.msk [tilespmem:v41+s2+$0x0], $0xffff;
	v21 =	vmax.f32 v21, v26  }
0x4e: {  	v51 =	vor.u32 v24, v50;
	v23 =	vadd.s32 v20, v23;
	v26 =	vld.idx.msk [tilespmem:v43+s2+$0x0], $0xffff;
	v21 =	vmax.f32 v21, v25  }
0x4f: {  	v23 =	vor.u32 v24, v23;
	v25 =	vld.idx.msk [tilespmem:v45+s2+$0x0], $0xffff;
	v21 =	vmax.f32 v21, v28  }
0x50: {  	v24 =	vld.idx.msk [tilespmem:v30+s2+$0x0], $0xffff;
	v21 =	vmax.f32 v21, v29  }
0x51: {  	s16 =	simm.s32 $0x1;
	v28 =	vld.idx.msk [tilespmem:v31+s2+$0x0], $0xffff;
	v21 =	vmax.f32 v21, v22  }
0x52: {  	v29 =	vmov s16;
	v22 =	vld.idx.msk [tilespmem:v49+s2+$0x0], $0xffff;
	v27 =	vmax.f32 v21, v27  }
0x53: {  	s15 =	sand.u32 $0x70, s15;
	v30 =	vld.idx.msk [tilespmem:v51+s2+$0x0], $0xffff;
	v31 =	vshll.u32 v29, $0xA;
	v29 =	vshll.u32 v29, $0x7;
	v26 =	vmax.f32 v27, v26  }
0x54: {  	v23 =	vld.idx.msk [tilespmem:v23+s2+$0x0], $0xffff;
	v21 =	vmov s15;
	v27 =	vand.u32 $0xE000, v31;
	v25 =	vmax.f32 v26, v25  }
0x55: {  	s29 =	sshll.u32 s13, $0x7;
	v29 =	vand.u32 $0x380, v29;
	v26 =	vadd.s32 v4, v27;
	v24 =	vmax.f32 v25, v24  }
0x56: {  	s15 =	sand.u32 $0x400, s29;
	v25 =	vadd.s32 v1, v27;
	v26 =	vor.u32 v29, v26;
	v24 =	vmax.f32 v24, v28  }
0x57: {  	s30 =	sand.u32 $0x3800, s14;
	s15 =	sor.u32 $0x14000, s15;
	v25 =	vor.u32 v29, v25;
	v28 =	vadd.s32 v2, v27;
	v22 =	vmax.f32 v24, v22  }
0x58: {  	s17 =	sand.u32 $0x380, s14;
	s16 =	sadd.s32 s30, s15;
	v24 =	vor.u32 v29, v28;
	v28 =	vadd.s32 v9, v27;
	v22 =	vmax.f32 v22, v30  }
0x59: {  	s16 =	sadd.s32 s17, s16;
	v28 =	vor.u32 v29, v28;
	v30 =	vadd.s32 v5, v27;
	v22 =	vmax.f32 v22, v23  }
0x5a: {  	v23 =	vor.u32 v29, v30;
	v30 =	vadd.s32 v3, v27;
	[tilespmem:v21+s16+$0x0 ss:$0x1] =	vst.idx.msk $0xffff, v22  }
0x5b: {  	v31 =	vadd.s32 v6, v27;
	v22 =	vld.idx.msk [tilespmem:v26+s2+$0x0], $0xffff;
	v26 =	vor.u32 v29, v30  }
0x5c: {  	v31 =	vor.u32 v29, v31;
	v30 =	vadd.s32 v7, v27;
	v25 =	vld.idx.msk [tilespmem:v25+s2+$0x0], $0xffff  }
0x5d: {  	v55 =	vadd.s32 v10, v27;
	v30 =	vor.u32 v29, v30;
	v24 =	vld.idx.msk [tilespmem:v24+s2+$0x0], $0xffff  }
0x5e: {  	v52 =	vadd.s32 v8, v27;
	v35 =	vor.u32 v29, v55;
	v28 =	vld.idx.msk [tilespmem:v28+s2+$0x0], $0xffff  }
0x5f: {  	v53 =	vadd.s32 v13, v27;
	v32 =	vor.u32 v29, v52;
	v23 =	vld.idx.msk [tilespmem:v23+s2+$0x0], $0xffff  }
0x60: {  	v54 =	vadd.s32 v11, v27;
	v33 =	vor.u32 v29, v53;
	v26 =	vld.idx.msk [tilespmem:v26+s2+$0x0], $0xffff  }
0x61: {  	v36 =	vadd.s32 v16, v27;
	v34 =	vor.u32 v29, v54;
	v22 =	vmax.f32 v25, v22;
	v25 =	vld.idx.msk [tilespmem:v31+s2+$0x0], $0xffff  }
0x62: {  	v56 =	vadd.s32 v12, v27;
	v31 =	vor.u32 v29, v36;
	v30 =	vld.idx.msk [tilespmem:v30+s2+$0x0], $0xffff  }
0x63: {  	v58 =	vadd.s32 v14, v27;
	v57 =	vor.u32 v29, v56;
	v35 =	vld.idx.msk [tilespmem:v35+s2+$0x0], $0xffff;
	v22 =	vmax.f32 v22, v24  }
0x64: {  	v60 =	vadd.s32 v15, v27;
	v59 =	vor.u32 v29, v58;
	v24 =	vld.idx.msk [tilespmem:v32+s2+$0x0], $0xffff;
	v22 =	vmax.f32 v22, v28  }
0x65: {  	v62 =	vadd.s32 v17, v27;
	v61 =	vor.u32 v29, v60;
	v28 =	vld.idx.msk [tilespmem:v33+s2+$0x0], $0xffff;
	v22 =	vmax.f32 v22, v23  }
0x66: {  	v36 =	vor.u32 v29, v62;
	v23 =	vld.idx.msk [tilespmem:v34+s2+$0x0], $0xffff;
	v22 =	vmax.f32 v22, v26;
	v26 =	vadd.s32 v18, v27  }
0x67: {  	v22 =	vmax.f32 v22, v30;
	v30 =	vld.idx.msk [tilespmem:v31+s2+$0x0], $0xffff;
	v31 =	vor.u32 v29, v26;
	v26 =	vadd.s32 v19, v27  }
0x68: {  	v32 =	vld.idx.msk [tilespmem:v57+s2+$0x0], $0xffff;
	v22 =	vmax.f32 v22, v25;
	v37 =	vor.u32 v29, v26;
	v25 =	vadd.s32 v20, v27  }
0x69: {  	v26 =	vld.idx.msk [tilespmem:v59+s2+$0x0], $0xffff;
	v22 =	vmax.f32 v22, v24;
	v63 =	vor.u32 v29, v25  }
0x6a: {  	v27 =	vld.idx.msk [tilespmem:v61+s2+$0x0], $0xffff;
	v22 =	vmax.f32 v22, v28  }
0x6b: {  	v25 =	vld.idx.msk [tilespmem:v36+s2+$0x0], $0xffff;
	v22 =	vmax.f32 v22, v23  }
0x6c: {  	s31 =	simm.s32 $0x2;
	v22 =	vmax.f32 v22, v35;
	v24 =	vld.idx.msk [tilespmem:v31+s2+$0x0], $0xffff  }
0x6d: {  	v28 =	vmov s31;
	v22 =	vmax.f32 v22, v30;
	v23 =	vld.idx.msk [tilespmem:v37+s2+$0x0], $0xffff  }
0x6e: {  	s17 =	simm.s32 $0x3;
	s16 =	simm.s32 $0x0;
	v29 =	vshll.u32 v28, $0xA;
	v30 =	vmax.f32 v22, v32;
	v22 =	vld.idx.msk [tilespmem:v63+s2+$0x0], $0xffff  }
.LBB2_3:
0x6f: {  	p0 =	sne.s32 s17, $0x2F;
	v29 =	vand.u32 $0xE000, v29;
	v28 =	vshll.u32 v28, $0x7;
	v26 =	vmax.f32 v30, v26  }
0x70: {  	v28 =	vand.u32 $0x380, v28;
	v30 =	vadd.s32 v4, v29;
	v26 =	vmax.f32 v26, v27  }
0x71: {  	s14 =	sadd.s32 $0x100, s14;
	v27 =	vadd.s32 v1, v29;
	v30 =	vor.u32 v28, v30;
	v25 =	vmax.f32 v26, v25  }
0x72: {  	s16 =	sadd.s32 $0x80, s16;
	s18 =	sand.u32 $0x3800, s14;
	v26 =	vor.u32 v28, v27;
	v27 =	vadd.s32 v2, v29;
	v24 =	vmax.f32 v25, v24  }
0x73: {  	s19 =	sand.u32 $0x380, s16;
	s18 =	sadd.s32 s18, s15;
	v25 =	vor.u32 v28, v27;
	v27 =	vadd.s32 v9, v29;
	v23 =	vmax.f32 v24, v23  }
0x74: {  	s18 =	sadd.s32 s19, s18;
	v24 =	vor.u32 v28, v27;
	v27 =	vadd.s32 v5, v29;
	v22 =	vmax.f32 v23, v22  }
0x75: {  	v23 =	vor.u32 v28, v27;
	v27 =	vadd.s32 v3, v29;
	[tilespmem:v21+s18+$0x0 ss:$0x1] =	vst.idx.msk $0xffff, v22  }
0x76: {  	v27 =	vor.u32 v28, v27;
	v22 =	vld.idx.msk [tilespmem:v30+s2+$0x0], $0xffff;
	v30 =	vadd.s32 v7, v29  }
0x77: {  	v31 =	vadd.s32 v6, v29;
	v26 =	vld.idx.msk [tilespmem:v26+s2+$0x0], $0xffff;
	v30 =	vor.u32 v28, v30  }
0x78: {  	v32 =	vadd.s32 v8, v29;
	v31 =	vor.u32 v28, v31;
	v25 =	vld.idx.msk [tilespmem:v25+s2+$0x0], $0xffff  }
0x79: {  	v33 =	vadd.s32 v13, v29;
	v32 =	vor.u32 v28, v32;
	v24 =	vld.idx.msk [tilespmem:v24+s2+$0x0], $0xffff  }
0x7a: {  	v34 =	vadd.s32 v11, v29;
	v33 =	vor.u32 v28, v33;
	v23 =	vld.idx.msk [tilespmem:v23+s2+$0x0], $0xffff  }
0x7b: {  	v35 =	vadd.s32 v10, v29;
	v34 =	vor.u32 v28, v34;
	v27 =	vld.idx.msk [tilespmem:v27+s2+$0x0], $0xffff  }
0x7c: {  	v36 =	vadd.s32 v16, v29;
	v35 =	vor.u32 v28, v35;
	v30 =	vld.idx.msk [tilespmem:v30+s2+$0x0], $0xffff  }
0x7d: {  	v22 =	vmax.f32 v26, v22;
	v26 =	vld.idx.msk [tilespmem:v31+s2+$0x0], $0xffff;
	v31 =	vor.u32 v28, v36;
	v36 =	vadd.s32 v12, v29  }
0x7e: {  	v22 =	vmax.f32 v22, v25;
	v25 =	vld.idx.msk [tilespmem:v32+s2+$0x0], $0xffff;
	v32 =	vor.u32 v28, v36;
	v36 =	vadd.s32 v14, v29  }
0x7f: {  	v22 =	vmax.f32 v22, v24;
	v24 =	vld.idx.msk [tilespmem:v33+s2+$0x0], $0xffff;
	v33 =	vor.u32 v28, v36;
	v36 =	vadd.s32 v15, v29  }
0x80: {  	v22 =	vmax.f32 v22, v23;
	v23 =	vld.idx.msk [tilespmem:v34+s2+$0x0], $0xffff;
	v34 =	vor.u32 v28, v36;
	v36 =	vadd.s32 v17, v29  }
0x81: {  	v22 =	vmax.f32 v22, v27;
	v27 =	vadd.s32 v18, v29;
	v35 =	vld.idx.msk [tilespmem:v35+s2+$0x0], $0xffff;
	v36 =	vor.u32 v28, v36  }
0x82: {  	v22 =	vmax.f32 v22, v30;
	v30 =	vld.idx.msk [tilespmem:v31+s2+$0x0], $0xffff;
	v31 =	vor.u32 v28, v27;
	v27 =	vadd.s32 v19, v29  }
0x83: {  	v22 =	vmax.f32 v22, v26;
	v32 =	vld.idx.msk [tilespmem:v32+s2+$0x0], $0xffff;
	v37 =	vor.u32 v28, v27;
	v27 =	vadd.s32 v20, v29  }
0x84: {  	v22 =	vmax.f32 v22, v25;
	v26 =	vld.idx.msk [tilespmem:v33+s2+$0x0], $0xffff;
	v33 =	vor.u32 v28, v27  }
.Ltmp0:
0x85: {  	v22 =	vmax.f32 v22, v24;
	v27 =	vld.idx.msk [tilespmem:v34+s2+$0x0], $0xffff;
	(pc) =	sbr.rel @p0 .LBB2_3-.Ltmp0, $4  }
0x86: {  	v22 =	vmax.f32 v22, v23;
	v25 =	vld.idx.msk [tilespmem:v36+s2+$0x0], $0xffff  }
0x87: {  	v22 =	vmax.f32 v22, v35;
	v24 =	vld.idx.msk [tilespmem:v31+s2+$0x0], $0xffff  }
0x88: {  	v28 =	vmov s17;
	v22 =	vmax.f32 v22, v30;
	v23 =	vld.idx.msk [tilespmem:v37+s2+$0x0], $0xffff  }
0x89: {  	s17 =	sadd.s32 $0x1, s17;
	v29 =	vshll.u32 v28, $0xA;
	v30 =	vmax.f32 v22, v32;
	v22 =	vld.idx.msk [tilespmem:v33+s2+$0x0], $0xffff  }
0x8a: {  	v29 =	vand.u32 $0xE000, v29;
	v28 =	vshll.u32 v28, $0x7;
	v26 =	vmax.f32 v30, v26  }
0x8b: {  	v28 =	vand.u32 $0x380, v28;
	v4 =	vadd.s32 v4, v29;
	v26 =	vmax.f32 v26, v27  }
0x8c: {  	s14 =	sadd.s32 $0x100, s14;
	v1 =	vadd.s32 v1, v29;
	v4 =	vor.u32 v28, v4;
	v25 =	vmax.f32 v26, v25  }
0x8d: {  	s16 =	sadd.s32 $0x80, s16;
	v2 =	vadd.s32 v2, v29;
	s17 =	sand.u32 $0x3800, s14;
	v1 =	vor.u32 v28, v1;
	v24 =	vmax.f32 v25, v24  }
0x8e: {  	v9 =	vadd.s32 v9, v29;
	s18 =	sand.u32 $0x380, s16;
	v2 =	vor.u32 v28, v2;
	s17 =	sadd.s32 s17, s15;
	v23 =	vmax.f32 v24, v23  }
0x8f: {  	v5 =	vadd.s32 v5, v29;
	v9 =	vor.u32 v28, v9;
	s17 =	sadd.s32 s18, s17;
	v22 =	vmax.f32 v23, v22  }
0x90: {  	v3 =	vadd.s32 v3, v29;
	v5 =	vor.u32 v28, v5;
	[tilespmem:v21+s17+$0x0 ss:$0x1] =	vst.idx.msk $0xffff, v22  }
0x91: {  	v7 =	vadd.s32 v7, v29;
	v3 =	vor.u32 v28, v3;
	v4 =	vld.idx.msk [tilespmem:v4+s2+$0x0], $0xffff  }
0x92: {  	v6 =	vadd.s32 v6, v29;
	v7 =	vor.u32 v28, v7;
	v1 =	vld.idx.msk [tilespmem:v1+s2+$0x0], $0xffff  }
0x93: {  	v8 =	vadd.s32 v8, v29;
	v6 =	vor.u32 v28, v6;
	v2 =	vld.idx.msk [tilespmem:v2+s2+$0x0], $0xffff  }
0x94: {  	v13 =	vadd.s32 v13, v29;
	v8 =	vor.u32 v28, v8;
	v9 =	vld.idx.msk [tilespmem:v9+s2+$0x0], $0xffff  }
0x95: {  	v11 =	vadd.s32 v11, v29;
	v13 =	vor.u32 v28, v13;
	v5 =	vld.idx.msk [tilespmem:v5+s2+$0x0], $0xffff  }
0x96: {  	v10 =	vadd.s32 v10, v29;
	v11 =	vor.u32 v28, v11;
	v3 =	vld.idx.msk [tilespmem:v3+s2+$0x0], $0xffff  }
0x97: {  	v16 =	vadd.s32 v16, v29;
	v10 =	vor.u32 v28, v10;
	v7 =	vld.idx.msk [tilespmem:v7+s2+$0x0], $0xffff;
	v1 =	vmax.f32 v1, v4  }
0x98: {  	v12 =	vadd.s32 v12, v29;
	v44 =	vor.u32 v28, v16;
	v43 =	vld.idx.msk [tilespmem:v6+s2+$0x0], $0xffff;
	v1 =	vmax.f32 v1, v2  }
0x99: {  	v46 =	vadd.s32 v14, v29;
	v45 =	vor.u32 v28, v12;
	v2 =	vld.idx.msk [tilespmem:v8+s2+$0x0], $0xffff;
	v1 =	vmax.f32 v1, v9  }
0x9a: {  	v48 =	vadd.s32 v15, v29;
	v12 =	vor.u32 v28, v46;
	v47 =	vld.idx.msk [tilespmem:v13+s2+$0x0], $0xffff;
	v1 =	vmax.f32 v1, v5  }
0x9b: {  	v51 =	vadd.s32 v17, v29;
	v50 =	vor.u32 v28, v48;
	v49 =	vld.idx.msk [tilespmem:v11+s2+$0x0], $0xffff;
	v1 =	vmax.f32 v1, v3  }
0x9c: {  	v53 =	vadd.s32 v18, v29;
	v52 =	vor.u32 v28, v51;
	v3 =	vld.idx.msk [tilespmem:v10+s2+$0x0], $0xffff;
	v1 =	vmax.f32 v1, v7  }
0x9d: {  	v55 =	vadd.s32 v19, v29;
	v54 =	vor.u32 v28, v53;
	v6 =	vld.idx.msk [tilespmem:v44+s2+$0x0], $0xffff;
	v1 =	vmax.f32 v1, v43  }
0x9e: {  	v58 =	vadd.s32 v20, v29;
	v57 =	vor.u32 v28, v55;
	v56 =	vld.idx.msk [tilespmem:v45+s2+$0x0], $0xffff;
	v1 =	vmax.f32 v1, v2  }
0x9f: {  	v59 =	vor.u32 v28, v58;
	v2 =	vld.idx.msk [tilespmem:v12+s2+$0x0], $0xffff;
	v1 =	vmax.f32 v1, v47  }
0xa0: {  	v60 =	vld.idx.msk [tilespmem:v50+s2+$0x0], $0xffff;
	v1 =	vmax.f32 v1, v49  }
0xa1: {  	v61 =	vld.idx.msk [tilespmem:v52+s2+$0x0], $0xffff;
	v1 =	vmax.f32 v1, v3  }
0xa2: {  	v3 =	vld.idx.msk [tilespmem:v54+s2+$0x0], $0xffff;
	v1 =	vmax.f32 v1, v6  }
0xa3: {  	v62 =	vld.idx.msk [tilespmem:v57+s2+$0x0], $0xffff;
	v1 =	vmax.f32 v1, v56  }
0xa4: {  	s13 =	sadd.s32 $0x1, s13;
	v63 =	vld.idx.msk [tilespmem:v59+s2+$0x0], $0xffff;
	v1 =	vmax.f32 v1, v2  }
0xa5: {  	p0 =	sne.s32 s13, $0x10;
	v1 =	vmax.f32 v1, v60  }
.Ltmp1:
0xa6: {  	s14 =	sadd.s32 $0x100, s14;
	v1 =	vmax.f32 v1, v61;
	(pc) =	sbr.rel @p0 .LBB2_2-.Ltmp1, $4  }
0xa7: {  	s16 =	sadd.s32 $0x80, s16;
	s14 =	sand.u32 $0x3800, s14;
	v1 =	vmax.f32 v1, v3  }
0xa8: {  	s16 =	sand.u32 $0x380, s16;
	s14 =	sadd.s32 s14, s15;
	v1 =	vmax.f32 v1, v62  }
0xa9: {  	s14 =	sadd.s32 s16, s14;
	v1 =	vmax.f32 v1, v63  }
0xaa: {  	[tilespmem:v21+s14+$0x0 ss:$0x1] =	vst.idx.msk $0xffff, v1  }
0xab: {  	s12 =	sadd.s32 $0x1, s12  }
0xac: {  	p0 =	sne.s32 s12, s6  }
.Ltmp2:
0xad: {  	_ = 	snop;
	(pc) =	sbr.rel @p0 .LBB2_1-.Ltmp2, $4  }
0xae: {  	[hbm4b:s5+s9] =	stream.strided.scatter [tilespmem:s11], [sflag:$0x1], $0x3000, s10, s9, $0x38;
	[tilespmem:$0x17000] =	vst v63  }
0xaf: {  	_ =	swait.ge [sflag:s7], $0x3000  }
0xb0: {  	[sflag:s7] =	ssyncset.done $0x0  }
0xb1: {  	[sflag:s7] =	ssyncadd.s32 $0xFFFFD000  }
0xb2: {  	_ =	sfence.sel $0x180000  }
0xb3: {  	[bflag:$0x0] =	sbarrier.arrive $0xFFFF  }
0xb4: {  	p0 =	sne.s32 s1, $0x0;
	_ =	strace $0x9000004D  }
0xb5: {  	s0 =	sadd.s32 @!p0 $0x100000, s0;
	[bflag:$0x2] =	sbarrier.arrive $0xFFFF  }
0xb6: {  	[sflag:s0] =	ssyncadd.tile.s32 @!p0 $0x1;
	_ =	shalt  }
.Lfunc_end2:
_tile_overlayer_lowered:
.L_overlay_start_2:
0xb7: {  	(tag) =	ssettag $0x2  }
0xb8: {  	s0 =	rddreg [dreg:$0x0];
	s2 =	stileid.u32  }
0xb9: {  	s1 =	rddreg [dreg:$0x1];
	p0 =	sne.s32 s2, $0x0  }
0xba: {  	s3 =	rddreg [dreg:$0x2];
	[bflag:$0x3] =	sbarrier.arrive $0xFFFF;
	s2 =	simm.s32 @!p0 $0x1C01  }
0xbb: {  	[timem:s3], [sflag:s2] =	dma.local @!p0 [hbm:s0], s1  }
0xbc: {  	s0 =	simm.s32 @!p0 $0x1  }
0xbd: {  	_ =	swait.ge @!p0 [sflag:s0], s1  }
0xbe: {  	s1 =	ssub.s32 @!p0 $0x0, s1;
	[sflag:s0] =	ssyncset.done @!p0 $0x0  }
0xbf: {  	[sflag:s0] =	ssyncadd.s32 @!p0 s1  }
0xc0: {  	[bflag:$0x3] =	sbarrier.arrive $0xFFFF  }
0xc1: {  	_ =	shalt  }

</sc_bundles>
